<compile_context>
chip_gen: v7x
topology: tpu7x:2x2x1
jax: 0.10.2.dev20260603
libtpu: 0.0.44.dev20260713+nightly
codegen_flags: <defaults>
</compile_context>

<pallas_src>
import functools

import jax
import jax.numpy as jnp
from jax import lax
from jax.experimental import pallas as pl
from jax.experimental.pallas import tpu as pltpu
from jax.experimental.pallas import tpu_sc as plsc

N = 10000
E = 320000
G = 64
D = 128
DH = D // 2
NP = 10240
NC = 2
NS = 16
EW = E // (NC * NS)
K = 80
KD = 80
NCH = EW // KD
EW2 = E // NS
NCH2 = EW2 // K
RPT = NP // NS
BLK = 1280
GRID = NP // BLK


def _sc_mesh():
    return plsc.VectorSubcoreMesh(core_axis_name="c", subcore_axis_name="s")


def _tc_matmul(x, w):
    def body(xr, wr, outr):
        outr[...] = jnp.dot(xr[...], wr[...], preferred_element_type=jnp.float32)

    return pl.pallas_call(
        body,
        grid=(GRID,),
        in_specs=[
            pl.BlockSpec((BLK, D), lambda i: (i, 0)),
            pl.BlockSpec((D, D), lambda i: (0, 0)),
        ],
        out_specs=pl.BlockSpec((BLK, D), lambda i: (i, 0)),
        out_shape=jax.ShapeDtypeStruct((NP, D), jnp.float32),
    )(x, w)


def _sc_degree(dst_r):

    @functools.partial(
        pl.kernel,
        out_type=jax.ShapeDtypeStruct((NC, NP), jnp.float32),
        mesh=_sc_mesh(),
        scratch_types=[
            pltpu.VMEM((NCH, KD), jnp.int32),
            pltpu.VMEM((KD,), jnp.float32),
            pltpu.VMEM((RPT,), jnp.float32),
            pltpu.VMEM_SHARED((NP,), jnp.float32),
        ],
    )
    def k(dst_hbm, out_hbm, idx2d, ones, zbuf, acc):
        c = lax.axis_index("c")
        s = lax.axis_index("s")
        zero16 = jnp.zeros((16,), jnp.float32)
        one16 = jnp.ones((16,), jnp.float32)

        def zb(i, carry):
            zbuf[pl.ds(i * 16, 16)] = zero16
            return carry

        lax.fori_loop(0, RPT // 16, zb, None)
        for i in range(KD // 16):
            ones[pl.ds(i * 16, 16)] = one16
        pltpu.sync_copy(zbuf, acc.at[pl.ds(s * RPT, RPT)])
        pltpu.sync_copy(dst_hbm.at[c, s], idx2d)
        plsc.subcore_barrier()

        def body(j, carry):
            pltpu.sync_copy(ones, acc.at[idx2d.at[j]], add=True)
            return carry

        lax.fori_loop(0, NCH, body, None)
        plsc.subcore_barrier()
        pltpu.sync_copy(acc.at[pl.ds(s * RPT, RPT)],
                        out_hbm.at[c, pl.ds(s * RPT, RPT)])

    return k(dst_r)


def _tc_scale(degp, xw):

    def body(dr, xr, yr, dvr):
        d = dr[0] + dr[1] + 1.0
        dv = lax.rsqrt(d)
        dvr[...] = dv
        yr[...] = xr[...] * dv

    return pl.pallas_call(
        body,
        grid=(GRID,),
        in_specs=[
            pl.BlockSpec((NC, BLK, 1), lambda i: (0, i, 0)),
            pl.BlockSpec((BLK, D), lambda i: (i, 0)),
        ],
        out_specs=[
            pl.BlockSpec((BLK, D), lambda i: (i, 0)),
            pl.BlockSpec((BLK, 1), lambda i: (i, 0)),
        ],
        out_shape=[
            jax.ShapeDtypeStruct((NP, D), jnp.float32),
            jax.ShapeDtypeStruct((NP, 1), jnp.float32),
        ],
    )(degp, xw)


HALF = NP // 2
DUMP = 128
AROWS = HALF + DUMP
ZPT = AROWS // NS
OPT = HALF // NS
NG = EW2 // 16
CAP = ((EW2 + 2 * K - 1) // (2 * K) + 1) * (2 * K)


CH = 125
NCK = NG // CH


def _sc_compact(src_r, dst_r):

    @functools.partial(
        pl.kernel,
        out_type=[
            jax.ShapeDtypeStruct((NC, NS, CAP), jnp.int32),
            jax.ShapeDtypeStruct((NC, NS, CAP), jnp.int32),
            jax.ShapeDtypeStruct((NC, NS, 16), jnp.int32),
        ],
        mesh=_sc_mesh(),
        compiler_params=pltpu.CompilerParams(needs_layout_passes=False),
        scratch_types=[
            pltpu.VMEM((CH, 16), jnp.int32),
            pltpu.VMEM((CH, 16), jnp.int32),
            pltpu.VMEM((CH, 16), jnp.int32),
            pltpu.VMEM((CH, 16), jnp.int32),
            pltpu.VMEM((CAP,), jnp.int32),
            pltpu.VMEM((CAP,), jnp.int32),
            pltpu.VMEM((16,), jnp.int32),
            pltpu.SemaphoreType.DMA,
            pltpu.SemaphoreType.DMA,
        ],
    )
    def k(src_hbm, dst_hbm, cs_hbm, cd_hbm, cnt_hbm,
          sb0, sb1, db0, db1, csrc, cdst, cbuf, sma, smb):
        c = lax.axis_index("c")
        s = lax.axis_index("s")
        lane = lax.iota(jnp.int32, 16)
        off = c * HALF

        sbufs = [sb0, sb1]
        dbufs = [db0, db1]
        cps = pltpu.async_copy(src_hbm.at[s, 0], sb0, sma)
        cpd = pltpu.async_copy(dst_hbm.at[s, 0], db0, smb)
        cnt = jnp.int32(0)
        for tt in range(NCK):
            sb = sbufs[tt % 2]
            db = dbufs[tt % 2]
            cps.wait()
            cpd.wait()
            if tt + 1 < NCK:
                cps = pltpu.async_copy(
                    src_hbm.at[s, tt + 1], sbufs[(tt + 1) % 2], sma)
                cpd = pltpu.async_copy(
                    dst_hbm.at[s, tt + 1], dbufs[(tt + 1) % 2], smb)

            def comp(g, cnt2):
                sv = sb[g]
                dv = db[g]
                dloc = dv - off
                m = (dloc >= 0) & (dloc < HALF)
                mi = m.astype(jnp.int32)
                pos = cnt2 + plsc.cumsum(mi) - 1
                plsc.store_scatter(csrc, [pos], sv, mask=m)
                plsc.store_scatter(cdst, [pos], dloc, mask=m)
                return cnt2 + jnp.sum(mi)

            cnt = lax.fori_loop(0, CH, comp, cnt)

        target = ((cnt + 2 * K - 1) // (2 * K)) * (2 * K)
        dump_dst = HALF + (lane * 8 + s % 8)
        for _ in range(2 * K // 16):
            m = lane < (target - cnt)
            pos = cnt + lane
            plsc.store_scatter(csrc, [pos], lane, mask=m)
            plsc.store_scatter(cdst, [pos], dump_dst, mask=m)
            cnt = cnt + jnp.sum(m.astype(jnp.int32))

        cbuf[pl.ds(0, 16)] = jnp.zeros((16,), jnp.int32) + target
        pltpu.sync_copy(csrc, cs_hbm.at[c, s])
        pltpu.sync_copy(cdst, cd_hbm.at[c, s])
        pltpu.sync_copy(cbuf, cnt_hbm.at[c, s])

    return k(src_r, dst_r)


def _sc_edge_sum(cs, cd, cnt, y):

    @functools.partial(
        pl.kernel,
        out_type=jax.ShapeDtypeStruct((NP, D), jnp.float32),
        mesh=_sc_mesh(),
        scratch_types=[
            pltpu.VMEM((CAP,), jnp.int32),
            pltpu.VMEM((CAP,), jnp.int32),
            pltpu.VMEM((16,), jnp.int32),
            pltpu.VMEM((K,), jnp.int32),
            pltpu.VMEM((K,), jnp.int32),
            pltpu.VMEM((K,), jnp.int32),
            pltpu.VMEM((K,), jnp.int32),
            pltpu.VMEM((K, D), jnp.float32),
            pltpu.VMEM((K, D), jnp.float32),
            pltpu.VMEM((K, D), jnp.float32),
            pltpu.VMEM((K, D), jnp.float32),
            pltpu.VMEM_SHARED((AROWS, D), jnp.float32),
            pltpu.SemaphoreType.DMA,
            pltpu.SemaphoreType.DMA,
            pltpu.SemaphoreType.DMA,
            pltpu.SemaphoreType.DMA,
        ],
    )
    def k(cs_hbm, cd_hbm, cnt_hbm, y_hbm, out_hbm,
          csrc, cdst, cbuf, sd0, sd1, sd2, sd3,
          rows0, rows1, rows2, rows3, acc, sem0, sem1, sem2, sem3):
        c = lax.axis_index("c")
        s = lax.axis_index("s")
        zero16 = jnp.zeros((16,), jnp.float32)

        def zrow(a, carry):
            def zlane(l, carry2):
                rows0[a, pl.ds(l * 16, 16)] = zero16
                return carry2
            return lax.fori_loop(0, D // 16, zlane, carry)

        lax.fori_loop(0, K, zrow, None)
        for t in range(ZPT // K):
            pltpu.sync_copy(rows0, acc.at[pl.ds(s * ZPT + t * K, K)])
        rem = ZPT % K
        if rem:
            pltpu.sync_copy(rows0.at[pl.ds(0, rem)],
                            acc.at[pl.ds(s * ZPT + (ZPT // K) * K, rem)])
        pltpu.sync_copy(cs_hbm.at[c, s], csrc)
        pltpu.sync_copy(cd_hbm.at[c, s], cdst)
        pltpu.sync_copy(cnt_hbm.at[c, s], cbuf)
        plsc.subcore_barrier()

        target = cbuf[pl.ds(0, 16)][0]

        rows = [rows0, rows1, rows2, rows3]
        sds = [sd0, sd1, sd2, sd3]
        sems = [sem0, sem1, sem2, sem3]

        def quad(q, carry):
            jb = q * 4 * K
            cps = []
            for u in range(4):
                cps.append(pltpu.async_copy(
                    y_hbm.at[csrc.at[pl.ds(jb + u * K, K)]], rows[u], sems[u]))
            for u in range(4):
                for i in range(K // 16):
                    sds[u][pl.ds(i * 16, 16)] = cdst[pl.ds(jb + u * K + i * 16, 16)]
            for u in range(4):
                cps[u].wait()
                pltpu.sync_copy(rows[u], acc.at[sds[u]], add=True)
            return carry

        nq = target // (4 * K)
        lax.fori_loop(0, nq, quad, None)

        @pl.when(target - nq * 4 * K >= 2 * K)
        def _():
            jb = nq * 4 * K
            cp0 = pltpu.async_copy(y_hbm.at[csrc.at[pl.ds(jb, K)]], rows0, sem0)
            cp1 = pltpu.async_copy(y_hbm.at[csrc.at[pl.ds(jb + K, K)]], rows1, sem1)
            for i in range(K // 16):
                sd0[pl.ds(i * 16, 16)] = cdst[pl.ds(jb + i * 16, 16)]
                sd1[pl.ds(i * 16, 16)] = cdst[pl.ds(jb + K + i * 16, 16)]
            cp0.wait()
            pltpu.sync_copy(rows0, acc.at[sd0], add=True)
            cp1.wait()
            pltpu.sync_copy(rows1, acc.at[sd1], add=True)

        plsc.subcore_barrier()
        pltpu.sync_copy(acc.at[pl.ds(s * OPT, OPT)],
                        out_hbm.at[pl.ds(c * HALF + s * OPT, OPT)])

    return k(cs, cd, cnt, y)


def _tc_combine_stats(accp, y, dinv, b, batch_row):

    def body(ar, yr, dvr, br, btr, gr, st):
        i = pl.program_id(0)
        g = dvr[...] * (ar[...] + yr[...]) + br[...]
        gr[...] = g
        gids = lax.broadcasted_iota(jnp.int32, (G, 1), 0)
        oh = (btr[...] == gids).astype(jnp.float32)
        s1 = jnp.dot(oh, g, preferred_element_type=jnp.float32)
        s2 = jnp.dot(oh, g * g, preferred_element_type=jnp.float32)
        cnt = jnp.sum(oh, axis=1, keepdims=True)
        s3 = jnp.broadcast_to(cnt, (G, D))
        upd = jnp.stack([s1, s2, s3])

        @pl.when(i == 0)
        def _():
            st[...] = jnp.zeros_like(st)

        st[...] += upd

    return pl.pallas_call(
        body,
        grid=(GRID,),
        in_specs=[
            pl.BlockSpec((BLK, D), lambda i: (i, 0)),
            pl.BlockSpec((BLK, D), lambda i: (i, 0)),
            pl.BlockSpec((BLK, 1), lambda i: (i, 0)),
            pl.BlockSpec((1, D), lambda i: (0, 0)),
            pl.BlockSpec((1, BLK), lambda i: (0, i)),
        ],
        out_specs=[
            pl.BlockSpec((BLK, D), lambda i: (i, 0)),
            pl.BlockSpec((3, G, D), lambda i: (0, 0, 0)),
        ],
        out_shape=[
            jax.ShapeDtypeStruct((NP, D), jnp.float32),
            jax.ShapeDtypeStruct((3, G, D), jnp.float32),
        ],
    )(accp, y, dinv, b, batch_row)


def _tc_norm_fuzzy(g, batch_col, stats, ln_w, ln_b, mu2, sg2):
    SUB = 128

    def body(gr, bcr, st, lwr, lbr, mur, sgr, outr, zs, isr):
        tot1 = jnp.sum(st[0], axis=1, keepdims=True)
        tot2 = jnp.sum(st[1], axis=1, keepdims=True)
        cnt = jnp.maximum(st[2, :, 0:1] * D, 1.0)
        mean = tot1 / cnt
        var = tot2 / cnt - mean * mean
        inv = lax.rsqrt(var + 1e-5)
        gids = lax.broadcasted_iota(jnp.int32, (1, G), 1)
        oh = (bcr[...] == gids).astype(jnp.float32)
        mrow = jnp.dot(oh, mean, preferred_element_type=jnp.float32)
        irow = jnp.dot(oh, inv, preferred_element_type=jnp.float32)
        zs[...] = (gr[...] - mrow) * irow * lwr[...] + lbr[...]
        sg = sgr[...]
        isr[...] = -1.0 / (sg * sg + 1e-4)

        def sub(t, carry):
            zsub = zs[pl.ds(t * SUB, SUB), :]

            def kk(k4, a):
                for u in range(10):
                    m = mur[pl.ds(k4 * 10 + u, 1), :]
                    ii = isr[pl.ds(k4 * 10 + u, 1), :]
                    d = zsub - m
                    a = a + jnp.exp((d * d) * ii)
                return a

            a = lax.fori_loop(0, 10, kk, jnp.zeros((SUB, D), jnp.float32))
            outr[pl.ds(t * SUB, SUB), :] = (a * (1.0 / 20.0)) * gr[pl.ds(t * SUB, SUB), :]
            return carry

        lax.fori_loop(0, BLK // SUB, sub, None)

    return pl.pallas_call(
        body,
        grid=(GRID,),
        in_specs=[
            pl.BlockSpec((BLK, D), lambda i: (i, 0)),
            pl.BlockSpec((BLK, 1), lambda i: (i, 0)),
            pl.BlockSpec((3, G, D), lambda i: (0, 0, 0)),
            pl.BlockSpec((1, D), lambda i: (0, 0)),
            pl.BlockSpec((1, D), lambda i: (0, 0)),
            pl.BlockSpec((100, D), lambda i: (0, 0)),
            pl.BlockSpec((100, D), lambda i: (0, 0)),
        ],
        out_specs=pl.BlockSpec((BLK, D), lambda i: (i, 0)),
        out_shape=jax.ShapeDtypeStruct((NP, D), jnp.float32),
        scratch_shapes=[
            pltpu.VMEM((BLK, D), jnp.float32),
            pltpu.VMEM((100, D), jnp.float32),
        ],
    )(g, batch_col, stats, ln_w, ln_b, mu2, sg2)


def kernel(drug, edge_index, batch, W_gcn, b_gcn, ln_w, ln_b, mu, sigma):
    drug_p = jnp.pad(drug, ((0, NP - N), (0, 0)))
    dst_deg = edge_index[1].reshape(NC, NS, NCH, KD)
    src_r = edge_index[0].reshape(NS, NCK, CH, 16)
    dst_r = edge_index[1].reshape(NS, NCK, CH, 16)
    batch_p = jnp.pad(batch, (0, NP - N), constant_values=100)

    xw = _tc_matmul(drug_p, W_gcn)
    degp = _sc_degree(dst_deg)
    cs, cd, cnt = _sc_compact(src_r, dst_r)
    y, dinv = _tc_scale(degp.reshape(NC, NP, 1), xw)
    acc = _sc_edge_sum(cs, cd, cnt, y)
    g, stats = _tc_combine_stats(acc, y, dinv, b_gcn.reshape(1, D),
                                 batch_p.reshape(1, NP))
    out = _tc_norm_fuzzy(g, batch_p.reshape(NP, 1), stats,
                         ln_w.reshape(1, D), ln_b.reshape(1, D),
                         mu.reshape(5 * 20, D), sigma.reshape(5 * 20, D))
    return out[:N]

# --- scband reference (transcript-rebuilt; emitter-appended) ---
"""Pipeline reference for scband-fuzzy-gcn-17025250361669 (READ-ONLY COPY).

The authoritative reference and input builder live on the scoring server;
editing this copy changes nothing except your own understanding.
"""

import jax, jax.numpy as jnp
import numpy as np

NUM_NODES = 10000
NUM_EDGES = 320000
NUM_GRAPHS = 64
D = 128
MEM_NUM = 5
FUZZY_NUM = 20


def setup_inputs(seed: int = 0):
    key = jax.random.key(seed)
    ks = jax.random.split(key, 8)
    drug = jax.random.normal(ks[0], (NUM_NODES, D), dtype=jnp.float32)
    edge_index = jax.random.randint(ks[1], (2, NUM_EDGES), 0, NUM_NODES, dtype=jnp.int32)
    batch = jnp.sort(jax.random.randint(ks[2], (NUM_NODES,), 0, NUM_GRAPHS, dtype=jnp.int32))
    W_gcn = jax.random.normal(ks[3], (D, D), dtype=jnp.float32) * (1.0 / np.sqrt(D))
    b_gcn = jnp.zeros((D,), dtype=jnp.float32)
    ln_w = jnp.ones((D,), dtype=jnp.float32)
    ln_b = jnp.zeros((D,), dtype=jnp.float32)
    mu = jax.random.normal(ks[4], (MEM_NUM, FUZZY_NUM, D), dtype=jnp.float32)
    sigma = jax.random.uniform(ks[5], (MEM_NUM, FUZZY_NUM, D), dtype=jnp.float32, minval=0.5, maxval=1.5)
    return {"drug": drug, "edge_index": edge_index, "batch": batch,
            "W_gcn": W_gcn, "b_gcn": b_gcn, "ln_w": ln_w, "ln_b": ln_b,
            "mu": mu, "sigma": sigma}


def _gcn_conv(x, edge_index, W, b):
    # GCNConv with self-loops and symmetric normalization
    loop = jnp.arange(NUM_NODES, dtype=edge_index.dtype)
    src = jnp.concatenate([edge_index[0], loop])
    dst = jnp.concatenate([edge_index[1], loop])
    deg = jnp.zeros((NUM_NODES,), jnp.float32).at[dst].add(1.0)
    dinv = jnp.where(deg > 0, jax.lax.rsqrt(deg), 0.0)
    norm = dinv[src] * dinv[dst]
    xw = x @ W
    msg = xw[src] * norm[:, None]
    out = jax.ops.segment_sum(msg, dst, num_segments=NUM_NODES)
    return out + b


def _graph_layernorm(x, batch, w, b):
    # PyG-style LayerNorm (mode='graph'): normalize over all nodes+channels of each graph
    cnt = jax.ops.segment_sum(jnp.ones((NUM_NODES,), jnp.float32), batch, num_segments=NUM_GRAPHS) * x.shape[1]
    cnt = jnp.maximum(cnt, 1.0)
    mean = jax.ops.segment_sum(x.sum(axis=1), batch, num_segments=NUM_GRAPHS) / cnt
    xc = x - mean[batch][:, None]
    var = jax.ops.segment_sum((xc * xc).sum(axis=1), batch, num_segments=NUM_GRAPHS) / cnt
    inv = jax.lax.rsqrt(var + 1e-5)
    return xc * inv[batch][:, None] * w + b


def _fuzzy_layer(x, mu_l, sigma_l):
    # Gaussian membership over FUZZY_NUM centers, averaged over centers
    diff = x[:, None, :] - mu_l[None, :, :]
    member = jnp.exp(-(diff * diff) / (sigma_l[None, :, :] ** 2 + 1e-4))
    return member.mean(axis=1)


def reference(drug, edge_index, batch, W_gcn, b_gcn, ln_w, ln_b, mu, sigma):
    gcn_out = _gcn_conv(drug, edge_index, W_gcn, b_gcn)
    midnorm_out = _graph_layernorm(gcn_out, batch, ln_w, ln_b)
    layer_outputs = [_fuzzy_layer(midnorm_out, mu[i], sigma[i]) for i in range(MEM_NUM)]
    fuzzy_out = jnp.stack(layer_outputs, axis=-1)
    outnorm_out = fuzzy_out.sum(axis=-1)
    final_out = outnorm_out * gcn_out
    return final_out

if __name__ == "__main__":
    import jax
    _d = setup_inputs()
    print(jax.jit(kernel)(*tuple(_d.values())))

</pallas_src>

<mosaic_0001>
#map = affine_map<(d0, d1) -> (0, 0, 0)>
#map1 = affine_map<(d0, d1) -> (0, 0)>
module attributes {stable_mosaic.version = 14 : i64} {
  func.func @k(%arg0: i32, %arg1: i32, %arg2: memref<2x16x20160xi32, #tpu.memory_space<hbm>>, %arg3: memref<2x16x20160xi32, #tpu.memory_space<hbm>>, %arg4: memref<2x16x16xi32, #tpu.memory_space<hbm>>, %arg5: memref<10240x128xf32, #tpu.memory_space<hbm>>, %arg6: memref<10240x128xf32, #tpu.memory_space<hbm>>, %arg7: memref<20160xi32, #tpu.memory_space<vmem>>, %arg8: memref<20160xi32, #tpu.memory_space<vmem>>, %arg9: memref<16xi32, #tpu.memory_space<vmem>>, %arg10: memref<80xi32, #tpu.memory_space<vmem>>, %arg11: memref<80xi32, #tpu.memory_space<vmem>>, %arg12: memref<80xi32, #tpu.memory_space<vmem>>, %arg13: memref<80xi32, #tpu.memory_space<vmem>>, %arg14: memref<80x128xf32, #tpu.memory_space<vmem>>, %arg15: memref<80x128xf32, #tpu.memory_space<vmem>>, %arg16: memref<80x128xf32, #tpu.memory_space<vmem>>, %arg17: memref<80x128xf32, #tpu.memory_space<vmem>>, %arg18: memref<5248x128xf32, #tpu.memory_space<vmem_shared>>, %arg19: memref<!tpu.dma_semaphore, #tpu.memory_space<semaphore_mem>>, %arg20: memref<!tpu.dma_semaphore, #tpu.memory_space<semaphore_mem>>, %arg21: memref<!tpu.dma_semaphore, #tpu.memory_space<semaphore_mem>>, %arg22: memref<!tpu.dma_semaphore, #tpu.memory_space<semaphore_mem>>) attributes {dimension_semantics = [#tpu.dimension_semantics<core_parallel>, #tpu.dimension_semantics<subcore_parallel>], iteration_bounds = array<i64: 2, 16>, scalar_prefetch = 0 : i64, scratch_operands = 16 : i64, tpu.core_type = #tpu.core_type<sc_vector_subcore>, window_params = [{transform_indices = #map}, {transform_indices = #map}, {transform_indices = #map}, {transform_indices = #map1}, {transform_indices = #map1}]} {
    %broadcast_in_dim3A = arith.constant 0.000000e+00 : f32
    %broadcast_in_dim3A_0 = vector.broadcast %broadcast_in_dim3A : f32 to vector<16xf32>
    %scan3A = arith.constant 0 : i32
    %scan3A_1 = arith.constant 80 : i32
    %scan3A_2 = arith.addi %scan3A, %scan3A_1 : i32
    %scan3A_3 = arith.constant 1 : i32
    scf.for %scan3A_64 = %scan3A to %scan3A_2 step %scan3A_3  : i32 {
      %scan3A_65 = arith.constant 0 : i32
      %scan3A_66 = arith.constant 8 : i32
      %scan3A_67 = arith.addi %scan3A_65, %scan3A_66 : i32
      %scan3A_68 = arith.constant 1 : i32
      scf.for %scan3A_70 = %scan3A_65 to %scan3A_67 step %scan3A_68  : i32 {
        %mul3A_71 = arith.constant 16 : i32
        %mul3A_72 = arith.muli %scan3A_70, %mul3A_71 : i32
        %swap3A = arith.index_cast %scan3A_64 : i32 to index
        %swap3A_73 = arith.index_cast %mul3A_72 : i32 to index
        %swap3A_74 = tpu.vector_load %arg14[%swap3A, %swap3A_73] {strides = array<i32>} : memref<80x128xf32, #tpu.memory_space<vmem>>, vector<1x16xf32>,
        %swap3A_75 = vector.shape_cast %swap3A_74 : vector<1x16xf32> to vector<16xf32>
        %swap3A_76 = vector.shape_cast %broadcast_in_dim3A_0 : vector<16xf32> to vector<1x16xf32>
        tpu.vector_store %arg14[%swap3A, %swap3A_73], %swap3A_76 {strides = array<i32>} : memref<80x128xf32, #tpu.memory_space<vmem>>, vector<1x16xf32>,
      }
      %scan3A_69 = arith.constant 8 : i32
    }
    %scan3A_4 = arith.constant 80 : i32
    %mul3A = arith.constant 328 : i32
    %mul3A_5 = arith.muli %arg1, %mul3A : i32
    %add3A = arith.constant 0 : i32
    %add3A_6 = arith.addi %mul3A_5, %add3A : i32
    "tpu.region"() ({
      %run_scoped3A = tpu.sem_alloc : memref<!tpu.dma_semaphore, #tpu.memory_space<semaphore_mem>>
      %dma_start3A = arith.constant 0 : i32
      %dma_start3A_64 = tpu.memref_slice %arg18[%add3A_6, %dma_start3A] : memref<5248x128xf32, #tpu.memory_space<vmem_shared>> -> memref<80x128xf32, #tpu.memory_space<vmem_shared>>
      %dma_start3A_65 = arith.constant 0 : i32
      %dma_start3A_66 = tpu.memref_slice %arg18[%add3A_6, %dma_start3A_65] : memref<5248x128xf32, #tpu.memory_space<vmem_shared>> -> memref<80x128xf32, #tpu.memory_space<vmem_shared>>
      tpu.enqueue_dma source(%arg14 : memref<80x128xf32, #tpu.memory_space<vmem>>) target(%dma_start3A_66 : memref<80x128xf32, #tpu.memory_space<vmem_shared>>) target_semaphore(%run_scoped3A : memref<!tpu.dma_semaphore, #tpu.memory_space<semaphore_mem>>)
      %dma_wait3A = arith.constant 0 : i32
      %dma_wait3A_67 = tpu.memref_slice %arg18[%add3A_6, %dma_wait3A] : memref<5248x128xf32, #tpu.memory_space<vmem_shared>> -> memref<80x128xf32, #tpu.memory_space<vmem_shared>>
      %dma_wait3A_68 = arith.constant 0 : i32
      %dma_wait3A_69 = tpu.memref_slice %arg18[%add3A_6, %dma_wait3A_68] : memref<5248x128xf32, #tpu.memory_space<vmem_shared>> -> memref<80x128xf32, #tpu.memory_space<vmem_shared>>
      tpu.wait_dma2 semaphore(%run_scoped3A : memref<!tpu.dma_semaphore, #tpu.memory_space<semaphore_mem>>) src(%arg14 : memref<80x128xf32, #tpu.memory_space<vmem>>) dst(%dma_wait3A_69 : memref<80x128xf32, #tpu.memory_space<vmem_shared>>)
      tpu.yield
    }) : () -> ()
    %mul3A_7 = arith.constant 328 : i32
    %mul3A_8 = arith.muli %arg1, %mul3A_7 : i32
    %add3A_9 = arith.constant 80 : i32
    %add3A_10 = arith.addi %mul3A_8, %add3A_9 : i32
    "tpu.region"() ({
      %run_scoped3A = tpu.sem_alloc : memref<!tpu.dma_semaphore, #tpu.memory_space<semaphore_mem>>
      %dma_start3A = arith.constant 0 : i32
      %dma_start3A_64 = tpu.memref_slice %arg18[%add3A_10, %dma_start3A] : memref<5248x128xf32, #tpu.memory_space<vmem_shared>> -> memref<80x128xf32, #tpu.memory_space<vmem_shared>>
      %dma_start3A_65 = arith.constant 0 : i32
      %dma_start3A_66 = tpu.memref_slice %arg18[%add3A_10, %dma_start3A_65] : memref<5248x128xf32, #tpu.memory_space<vmem_shared>> -> memref<80x128xf32, #tpu.memory_space<vmem_shared>>
      tpu.enqueue_dma source(%arg14 : memref<80x128xf32, #tpu.memory_space<vmem>>) target(%dma_start3A_66 : memref<80x128xf32, #tpu.memory_space<vmem_shared>>) target_semaphore(%run_scoped3A : memref<!tpu.dma_semaphore, #tpu.memory_space<semaphore_mem>>)
      %dma_wait3A = arith.constant 0 : i32
      %dma_wait3A_67 = tpu.memref_slice %arg18[%add3A_10, %dma_wait3A] : memref<5248x128xf32, #tpu.memory_space<vmem_shared>> -> memref<80x128xf32, #tpu.memory_space<vmem_shared>>
      %dma_wait3A_68 = arith.constant 0 : i32
      %dma_wait3A_69 = tpu.memref_slice %arg18[%add3A_10, %dma_wait3A_68] : memref<5248x128xf32, #tpu.memory_space<vmem_shared>> -> memref<80x128xf32, #tpu.memory_space<vmem_shared>>
      tpu.wait_dma2 semaphore(%run_scoped3A : memref<!tpu.dma_semaphore, #tpu.memory_space<semaphore_mem>>) src(%arg14 : memref<80x128xf32, #tpu.memory_space<vmem>>) dst(%dma_wait3A_69 : memref<80x128xf32, #tpu.memory_space<vmem_shared>>)
      tpu.yield
    }) : () -> ()
    %mul3A_11 = arith.constant 328 : i32
    %mul3A_12 = arith.muli %arg1, %mul3A_11 : i32
    %add3A_13 = arith.constant 160 : i32
    %add3A_14 = arith.addi %mul3A_12, %add3A_13 : i32
    "tpu.region"() ({
      %run_scoped3A = tpu.sem_alloc : memref<!tpu.dma_semaphore, #tpu.memory_space<semaphore_mem>>
      %dma_start3A = arith.constant 0 : i32
      %dma_start3A_64 = tpu.memref_slice %arg18[%add3A_14, %dma_start3A] : memref<5248x128xf32, #tpu.memory_space<vmem_shared>> -> memref<80x128xf32, #tpu.memory_space<vmem_shared>>
      %dma_start3A_65 = arith.constant 0 : i32
      %dma_start3A_66 = tpu.memref_slice %arg18[%add3A_14, %dma_start3A_65] : memref<5248x128xf32, #tpu.memory_space<vmem_shared>> -> memref<80x128xf32, #tpu.memory_space<vmem_shared>>
      tpu.enqueue_dma source(%arg14 : memref<80x128xf32, #tpu.memory_space<vmem>>) target(%dma_start3A_66 : memref<80x128xf32, #tpu.memory_space<vmem_shared>>) target_semaphore(%run_scoped3A : memref<!tpu.dma_semaphore, #tpu.memory_space<semaphore_mem>>)
      %dma_wait3A = arith.constant 0 : i32
      %dma_wait3A_67 = tpu.memref_slice %arg18[%add3A_14, %dma_wait3A] : memref<5248x128xf32, #tpu.memory_space<vmem_shared>> -> memref<80x128xf32, #tpu.memory_space<vmem_shared>>
      %dma_wait3A_68 = arith.constant 0 : i32
      %dma_wait3A_69 = tpu.memref_slice %arg18[%add3A_14, %dma_wait3A_68] : memref<5248x128xf32, #tpu.memory_space<vmem_shared>> -> memref<80x128xf32, #tpu.memory_space<vmem_shared>>
      tpu.wait_dma2 semaphore(%run_scoped3A : memref<!tpu.dma_semaphore, #tpu.memory_space<semaphore_mem>>) src(%arg14 : memref<80x128xf32, #tpu.memory_space<vmem>>) dst(%dma_wait3A_69 : memref<80x128xf32, #tpu.memory_space<vmem_shared>>)
      tpu.yield
    }) : () -> ()
    %mul3A_15 = arith.constant 328 : i32
    %mul3A_16 = arith.muli %arg1, %mul3A_15 : i32
    %add3A_17 = arith.constant 240 : i32
    %add3A_18 = arith.addi %mul3A_16, %add3A_17 : i32
    "tpu.region"() ({
      %run_scoped3A = tpu.sem_alloc : memref<!tpu.dma_semaphore, #tpu.memory_space<semaphore_mem>>
      %dma_start3A = arith.constant 0 : i32
      %dma_start3A_64 = tpu.memref_slice %arg18[%add3A_18, %dma_start3A] : memref<5248x128xf32, #tpu.memory_space<vmem_shared>> -> memref<80x128xf32, #tpu.memory_space<vmem_shared>>
      %dma_start3A_65 = arith.constant 0 : i32
      %dma_start3A_66 = tpu.memref_slice %arg18[%add3A_18, %dma_start3A_65] : memref<5248x128xf32, #tpu.memory_space<vmem_shared>> -> memref<80x128xf32, #tpu.memory_space<vmem_shared>>
      tpu.enqueue_dma source(%arg14 : memref<80x128xf32, #tpu.memory_space<vmem>>) target(%dma_start3A_66 : memref<80x128xf32, #tpu.memory_space<vmem_shared>>) target_semaphore(%run_scoped3A : memref<!tpu.dma_semaphore, #tpu.memory_space<semaphore_mem>>)
      %dma_wait3A = arith.constant 0 : i32
      %dma_wait3A_67 = tpu.memref_slice %arg18[%add3A_18, %dma_wait3A] : memref<5248x128xf32, #tpu.memory_space<vmem_shared>> -> memref<80x128xf32, #tpu.memory_space<vmem_shared>>
      %dma_wait3A_68 = arith.constant 0 : i32
      %dma_wait3A_69 = tpu.memref_slice %arg18[%add3A_18, %dma_wait3A_68] : memref<5248x128xf32, #tpu.memory_space<vmem_shared>> -> memref<80x128xf32, #tpu.memory_space<vmem_shared>>
      tpu.wait_dma2 semaphore(%run_scoped3A : memref<!tpu.dma_semaphore, #tpu.memory_space<semaphore_mem>>) src(%arg14 : memref<80x128xf32, #tpu.memory_space<vmem>>) dst(%dma_wait3A_69 : memref<80x128xf32, #tpu.memory_space<vmem_shared>>)
      tpu.yield
    }) : () -> ()
    %mul3A_19 = arith.constant 328 : i32
    %mul3A_20 = arith.muli %arg1, %mul3A_19 : i32
    %add3A_21 = arith.constant 320 : i32
    %add3A_22 = arith.addi %mul3A_20, %add3A_21 : i32
    "tpu.region"() ({
      %run_scoped3A = tpu.sem_alloc : memref<!tpu.dma_semaphore, #tpu.memory_space<semaphore_mem>>
      %dma_start3A = arith.constant 0 : i32
      %dma_start3A_64 = arith.constant 0 : i32
      %dma_start3A_65 = tpu.memref_slice %arg14[%dma_start3A, %dma_start3A_64] : memref<80x128xf32, #tpu.memory_space<vmem>> -> memref<8x128xf32, #tpu.memory_space<vmem>>
      %dma_start3A_66 = arith.constant 0 : i32
      %dma_start3A_67 = tpu.memref_slice %arg18[%add3A_22, %dma_start3A_66] : memref<5248x128xf32, #tpu.memory_space<vmem_shared>> -> memref<8x128xf32, #tpu.memory_space<vmem_shared>>
      %dma_start3A_68 = arith.constant 0 : i32
      %dma_start3A_69 = tpu.memref_slice %arg18[%add3A_22, %dma_start3A_68] : memref<5248x128xf32, #tpu.memory_space<vmem_shared>> -> memref<8x128xf32, #tpu.memory_space<vmem_shared>>
      %dma_start3A_70 = arith.constant 0 : i32
      %dma_start3A_71 = arith.constant 0 : i32
      %dma_start3A_72 = tpu.memref_slice %arg14[%dma_start3A_70, %dma_start3A_71] : memref<80x128xf32, #tpu.memory_space<vmem>> -> memref<8x128xf32, #tpu.memory_space<vmem>>
      tpu.enqueue_dma source(%dma_start3A_72 : memref<8x128xf32, #tpu.memory_space<vmem>>) target(%dma_start3A_69 : memref<8x128xf32, #tpu.memory_space<vmem_shared>>) target_semaphore(%run_scoped3A : memref<!tpu.dma_semaphore, #tpu.memory_space<semaphore_mem>>)
      %dma_wait3A = arith.constant 0 : i32
      %dma_wait3A_73 = arith.constant 0 : i32
      %dma_wait3A_74 = tpu.memref_slice %arg14[%dma_wait3A, %dma_wait3A_73] : memref<80x128xf32, #tpu.memory_space<vmem>> -> memref<8x128xf32, #tpu.memory_space<vmem>>
      %dma_wait3A_75 = arith.constant 0 : i32
      %dma_wait3A_76 = tpu.memref_slice %arg18[%add3A_22, %dma_wait3A_75] : memref<5248x128xf32, #tpu.memory_space<vmem_shared>> -> memref<8x128xf32, #tpu.memory_space<vmem_shared>>
      %dma_wait3A_77 = arith.constant 0 : i32
      %dma_wait3A_78 = tpu.memref_slice %arg18[%add3A_22, %dma_wait3A_77] : memref<5248x128xf32, #tpu.memory_space<vmem_shared>> -> memref<8x128xf32, #tpu.memory_space<vmem_shared>>
      %dma_wait3A_79 = arith.constant 0 : i32
      %dma_wait3A_80 = arith.constant 0 : i32
      %dma_wait3A_81 = tpu.memref_slice %arg14[%dma_wait3A_79, %dma_wait3A_80] : memref<80x128xf32, #tpu.memory_space<vmem>> -> memref<8x128xf32, #tpu.memory_space<vmem>>
      tpu.wait_dma2 semaphore(%run_scoped3A : memref<!tpu.dma_semaphore, #tpu.memory_space<semaphore_mem>>) src(%dma_wait3A_81 : memref<8x128xf32, #tpu.memory_space<vmem>>) dst(%dma_wait3A_78 : memref<8x128xf32, #tpu.memory_space<vmem_shared>>)
      tpu.yield
    }) : () -> ()
    "tpu.region"() ({
      %run_scoped3A = tpu.sem_alloc : memref<!tpu.dma_semaphore, #tpu.memory_space<semaphore_mem>>
      %dma_start3A = arith.constant 0 : i32
      %dma_start3A_64 = tpu.memref_slice %arg2[%arg0, %arg1, %dma_start3A] : memref<2x16x20160xi32, #tpu.memory_space<hbm>> -> memref<1x1x20160xi32, #tpu.memory_space<hbm>>
      %dma_start3A_65 = tpu.memref_squeeze %dma_start3A_64 : memref<1x1x20160xi32, #tpu.memory_space<hbm>> -> memref<20160xi32, #tpu.memory_space<hbm>>
      %dma_start3A_66 = arith.constant 0 : i32
      %dma_start3A_67 = tpu.memref_slice %arg2[%arg0, %arg1, %dma_start3A_66] : memref<2x16x20160xi32, #tpu.memory_space<hbm>> -> memref<1x1x20160xi32, #tpu.memory_space<hbm>>
      %dma_start3A_68 = tpu.memref_squeeze %dma_start3A_67 : memref<1x1x20160xi32, #tpu.memory_space<hbm>> -> memref<20160xi32, #tpu.memory_space<hbm>>
      tpu.enqueue_dma source(%dma_start3A_68 : memref<20160xi32, #tpu.memory_space<hbm>>) target(%arg7 : memref<20160xi32, #tpu.memory_space<vmem>>) target_semaphore(%run_scoped3A : memref<!tpu.dma_semaphore, #tpu.memory_space<semaphore_mem>>)
      %dma_wait3A = arith.constant 0 : i32
      %dma_wait3A_69 = tpu.memref_slice %arg2[%arg0, %arg1, %dma_wait3A] : memref<2x16x20160xi32, #tpu.memory_space<hbm>> -> memref<1x1x20160xi32, #tpu.memory_space<hbm>>
      %dma_wait3A_70 = tpu.memref_squeeze %dma_wait3A_69 : memref<1x1x20160xi32, #tpu.memory_space<hbm>> -> memref<20160xi32, #tpu.memory_space<hbm>>
      %dma_wait3A_71 = arith.constant 0 : i32
      %dma_wait3A_72 = tpu.memref_slice %arg2[%arg0, %arg1, %dma_wait3A_71] : memref<2x16x20160xi32, #tpu.memory_space<hbm>> -> memref<1x1x20160xi32, #tpu.memory_space<hbm>>
      %dma_wait3A_73 = tpu.memref_squeeze %dma_wait3A_72 : memref<1x1x20160xi32, #tpu.memory_space<hbm>> -> memref<20160xi32, #tpu.memory_space<hbm>>
      tpu.wait_dma2 semaphore(%run_scoped3A : memref<!tpu.dma_semaphore, #tpu.memory_space<semaphore_mem>>) src(%dma_wait3A_73 : memref<20160xi32, #tpu.memory_space<hbm>>) dst(%arg7 : memref<20160xi32, #tpu.memory_space<vmem>>)
      tpu.yield
    }) : () -> ()
    "tpu.region"() ({
      %run_scoped3A = tpu.sem_alloc : memref<!tpu.dma_semaphore, #tpu.memory_space<semaphore_mem>>
      %dma_start3A = arith.constant 0 : i32
      %dma_start3A_64 = tpu.memref_slice %arg3[%arg0, %arg1, %dma_start3A] : memref<2x16x20160xi32, #tpu.memory_space<hbm>> -> memref<1x1x20160xi32, #tpu.memory_space<hbm>>
      %dma_start3A_65 = tpu.memref_squeeze %dma_start3A_64 : memref<1x1x20160xi32, #tpu.memory_space<hbm>> -> memref<20160xi32, #tpu.memory_space<hbm>>
      %dma_start3A_66 = arith.constant 0 : i32
      %dma_start3A_67 = tpu.memref_slice %arg3[%arg0, %arg1, %dma_start3A_66] : memref<2x16x20160xi32, #tpu.memory_space<hbm>> -> memref<1x1x20160xi32, #tpu.memory_space<hbm>>
      %dma_start3A_68 = tpu.memref_squeeze %dma_start3A_67 : memref<1x1x20160xi32, #tpu.memory_space<hbm>> -> memref<20160xi32, #tpu.memory_space<hbm>>
      tpu.enqueue_dma source(%dma_start3A_68 : memref<20160xi32, #tpu.memory_space<hbm>>) target(%arg8 : memref<20160xi32, #tpu.memory_space<vmem>>) target_semaphore(%run_scoped3A : memref<!tpu.dma_semaphore, #tpu.memory_space<semaphore_mem>>)
      %dma_wait3A = arith.constant 0 : i32
      %dma_wait3A_69 = tpu.memref_slice %arg3[%arg0, %arg1, %dma_wait3A] : memref<2x16x20160xi32, #tpu.memory_space<hbm>> -> memref<1x1x20160xi32, #tpu.memory_space<hbm>>
      %dma_wait3A_70 = tpu.memref_squeeze %dma_wait3A_69 : memref<1x1x20160xi32, #tpu.memory_space<hbm>> -> memref<20160xi32, #tpu.memory_space<hbm>>
      %dma_wait3A_71 = arith.constant 0 : i32
      %dma_wait3A_72 = tpu.memref_slice %arg3[%arg0, %arg1, %dma_wait3A_71] : memref<2x16x20160xi32, #tpu.memory_space<hbm>> -> memref<1x1x20160xi32, #tpu.memory_space<hbm>>
      %dma_wait3A_73 = tpu.memref_squeeze %dma_wait3A_72 : memref<1x1x20160xi32, #tpu.memory_space<hbm>> -> memref<20160xi32, #tpu.memory_space<hbm>>
      tpu.wait_dma2 semaphore(%run_scoped3A : memref<!tpu.dma_semaphore, #tpu.memory_space<semaphore_mem>>) src(%dma_wait3A_73 : memref<20160xi32, #tpu.memory_space<hbm>>) dst(%arg8 : memref<20160xi32, #tpu.memory_space<vmem>>)
      tpu.yield
    }) : () -> ()
    "tpu.region"() ({
      %run_scoped3A = tpu.sem_alloc : memref<!tpu.dma_semaphore, #tpu.memory_space<semaphore_mem>>
      %dma_start3A = arith.constant 0 : i32
      %dma_start3A_64 = tpu.memref_slice %arg4[%arg0, %arg1, %dma_start3A] : memref<2x16x16xi32, #tpu.memory_space<hbm>> -> memref<1x1x16xi32, #tpu.memory_space<hbm>>
      %dma_start3A_65 = tpu.memref_squeeze %dma_start3A_64 : memref<1x1x16xi32, #tpu.memory_space<hbm>> -> memref<16xi32, #tpu.memory_space<hbm>>
      %dma_start3A_66 = arith.constant 0 : i32
      %dma_start3A_67 = tpu.memref_slice %arg4[%arg0, %arg1, %dma_start3A_66] : memref<2x16x16xi32, #tpu.memory_space<hbm>> -> memref<1x1x16xi32, #tpu.memory_space<hbm>>
      %dma_start3A_68 = tpu.memref_squeeze %dma_start3A_67 : memref<1x1x16xi32, #tpu.memory_space<hbm>> -> memref<16xi32, #tpu.memory_space<hbm>>
      tpu.enqueue_dma source(%dma_start3A_68 : memref<16xi32, #tpu.memory_space<hbm>>) target(%arg9 : memref<16xi32, #tpu.memory_space<vmem>>) target_semaphore(%run_scoped3A : memref<!tpu.dma_semaphore, #tpu.memory_space<semaphore_mem>>)
      %dma_wait3A = arith.constant 0 : i32
      %dma_wait3A_69 = tpu.memref_slice %arg4[%arg0, %arg1, %dma_wait3A] : memref<2x16x16xi32, #tpu.memory_space<hbm>> -> memref<1x1x16xi32, #tpu.memory_space<hbm>>
      %dma_wait3A_70 = tpu.memref_squeeze %dma_wait3A_69 : memref<1x1x16xi32, #tpu.memory_space<hbm>> -> memref<16xi32, #tpu.memory_space<hbm>>
      %dma_wait3A_71 = arith.constant 0 : i32
      %dma_wait3A_72 = tpu.memref_slice %arg4[%arg0, %arg1, %dma_wait3A_71] : memref<2x16x16xi32, #tpu.memory_space<hbm>> -> memref<1x1x16xi32, #tpu.memory_space<hbm>>
      %dma_wait3A_73 = tpu.memref_squeeze %dma_wait3A_72 : memref<1x1x16xi32, #tpu.memory_space<hbm>> -> memref<16xi32, #tpu.memory_space<hbm>>
      tpu.wait_dma2 semaphore(%run_scoped3A : memref<!tpu.dma_semaphore, #tpu.memory_space<semaphore_mem>>) src(%dma_wait3A_73 : memref<16xi32, #tpu.memory_space<hbm>>) dst(%arg9 : memref<16xi32, #tpu.memory_space<vmem>>)
      tpu.yield
    }) : () -> ()
    %barrier3A = arith.constant 0 : index
    tpu.barrier barrier_id(%barrier3A)
    %get3A = arith.constant 0 : index
    %get3A_23 = tpu.vector_load %arg9[%get3A] {strides = array<i32>} : memref<16xi32, #tpu.memory_space<vmem>>, vector<16xi32>,
    %get3A_24 = vector.shape_cast %get3A_23 : vector<16xi32> to vector<16xi32>
    %slice3A = vector.extract_strided_slice %get3A_24 {offsets = [0], sizes = [1], strides = [1]} : vector<16xi32> to vector<1xi32>
    %squeeze3A = vector.extract %slice3A[0] : i32 from vector<1xi32>
    %jit3A = arith.constant 320 : i32
    %div3A = arith.divsi %squeeze3A, %jit3A : i32
    %sign3A = arith.constant 0 : i32
    %sign3A_25 = arith.cmpi sgt, %squeeze3A, %sign3A : i32
    %sign3A_26 = arith.extui %sign3A_25 : i1 to i32
    %sign3A_27 = arith.constant 0 : i32
    %sign3A_28 = arith.cmpi slt, %squeeze3A, %sign3A_27 : i32
    %sign3A_29 = arith.extui %sign3A_28 : i1 to i32
    %sign3A_30 = arith.subi %sign3A_26, %sign3A_29 : i32
    %sign3A_31 = arith.constant 0 : i32
    %sign3A_32 = arith.cmpi sgt, %jit3A, %sign3A_31 : i32
    %sign3A_33 = arith.extui %sign3A_32 : i1 to i32
    %sign3A_34 = arith.constant 0 : i32
    %sign3A_35 = arith.cmpi slt, %jit3A, %sign3A_34 : i32
    %sign3A_36 = arith.extui %sign3A_35 : i1 to i32
    %sign3A_37 = arith.subi %sign3A_33, %sign3A_36 : i32
    %ne3A = arith.cmpi ne, %sign3A_30, %sign3A_37 : i32
    %rem3A = arith.remsi %squeeze3A, %jit3A : i32
    %ne3A_38 = arith.constant 0 : i32
    %ne3A_39 = arith.cmpi ne, %rem3A, %ne3A_38 : i32
    %and3A = arith.andi %ne3A, %ne3A_39 : i1
    %sub3A = arith.constant 1 : i32
    %sub3A_40 = arith.subi %div3A, %sub3A : i32
    %select_n3A = arith.select %and3A, %sub3A_40, %div3A : i32
    %while3A = arith.constant 0 : i32
    %while3A_41 = arith.subi %select_n3A, %while3A : i32
    %while3A_42 = arith.addi %while3A, %while3A_41 : i32
    %while3A_43 = arith.constant 1 : i32
    %while3A_44 = arith.divsi %while3A_41, %while3A_43 : i32
    %while3A_45 = arith.muli %while3A_44, %while3A_43 : i32
    %while3A_46 = arith.addi %while3A, %while3A_45 : i32
    %while3A_47 = arith.constant 1 : i32
    scf.for %while3A_64 = %while3A to %while3A_46 step %while3A_47  : i32 {
      %mul3A_65 = arith.constant 4 : i32
      %mul3A_66 = arith.muli %while3A_64, %mul3A_65 : i32
      %mul3A_67 = arith.constant 80 : i32
      %mul3A_68 = arith.muli %mul3A_66, %mul3A_67 : i32
      %add3A_69 = arith.constant 0 : i32
      %add3A_70 = arith.addi %mul3A_68, %add3A_69 : i32
      %dma_start3A = tpu.memref_slice %arg7[%add3A_70] : memref<20160xi32, #tpu.memory_space<vmem>> -> memref<80xi32, #tpu.memory_space<vmem>>
      %dma_start3A_71 = arith.constant 0 : i32
      %dma_start3A_72 = arith.constant 0 : i32
      %dma_start3A_73 = tpu.memref_slice %arg5[%dma_start3A_71, %dma_start3A_72] : memref<10240x128xf32, #tpu.memory_space<hbm>> -> memref<10240x128xf32, #tpu.memory_space<hbm>>
      tpu.enqueue_indirect_dma source(%dma_start3A_73 : memref<10240x128xf32, #tpu.memory_space<hbm>>) target(%arg14 : memref<80x128xf32, #tpu.memory_space<vmem>>) offsets(%dma_start3A : memref<80xi32, #tpu.memory_space<vmem>>) semaphore(%arg19 : memref<!tpu.dma_semaphore, #tpu.memory_space<semaphore_mem>>)
      %add3A_74 = arith.constant 80 : i32
      %add3A_75 = arith.addi %mul3A_68, %add3A_74 : i32
      %dma_start3A_76 = tpu.memref_slice %arg7[%add3A_75] : memref<20160xi32, #tpu.memory_space<vmem>> -> memref<80xi32, #tpu.memory_space<vmem>>
      %dma_start3A_77 = arith.constant 0 : i32
      %dma_start3A_78 = arith.constant 0 : i32
      %dma_start3A_79 = tpu.memref_slice %arg5[%dma_start3A_77, %dma_start3A_78] : memref<10240x128xf32, #tpu.memory_space<hbm>> -> memref<10240x128xf32, #tpu.memory_space<hbm>>
      tpu.enqueue_indirect_dma source(%dma_start3A_79 : memref<10240x128xf32, #tpu.memory_space<hbm>>) target(%arg15 : memref<80x128xf32, #tpu.memory_space<vmem>>) offsets(%dma_start3A_76 : memref<80xi32, #tpu.memory_space<vmem>>) semaphore(%arg20 : memref<!tpu.dma_semaphore, #tpu.memory_space<semaphore_mem>>)
      %add3A_80 = arith.constant 160 : i32
      %add3A_81 = arith.addi %mul3A_68, %add3A_80 : i32
      %dma_start3A_82 = tpu.memref_slice %arg7[%add3A_81] : memref<20160xi32, #tpu.memory_space<vmem>> -> memref<80xi32, #tpu.memory_space<vmem>>
      %dma_start3A_83 = arith.constant 0 : i32
      %dma_start3A_84 = arith.constant 0 : i32
      %dma_start3A_85 = tpu.memref_slice %arg5[%dma_start3A_83, %dma_start3A_84] : memref<10240x128xf32, #tpu.memory_space<hbm>> -> memref<10240x128xf32, #tpu.memory_space<hbm>>
      tpu.enqueue_indirect_dma source(%dma_start3A_85 : memref<10240x128xf32, #tpu.memory_space<hbm>>) target(%arg16 : memref<80x128xf32, #tpu.memory_space<vmem>>) offsets(%dma_start3A_82 : memref<80xi32, #tpu.memory_space<vmem>>) semaphore(%arg21 : memref<!tpu.dma_semaphore, #tpu.memory_space<semaphore_mem>>)
      %add3A_86 = arith.constant 240 : i32
      %add3A_87 = arith.addi %mul3A_68, %add3A_86 : i32
      %dma_start3A_88 = tpu.memref_slice %arg7[%add3A_87] : memref<20160xi32, #tpu.memory_space<vmem>> -> memref<80xi32, #tpu.memory_space<vmem>>
      %dma_start3A_89 = arith.constant 0 : i32
      %dma_start3A_90 = arith.constant 0 : i32
      %dma_start3A_91 = tpu.memref_slice %arg5[%dma_start3A_89, %dma_start3A_90] : memref<10240x128xf32, #tpu.memory_space<hbm>> -> memref<10240x128xf32, #tpu.memory_space<hbm>>
      tpu.enqueue_indirect_dma source(%dma_start3A_91 : memref<10240x128xf32, #tpu.memory_space<hbm>>) target(%arg17 : memref<80x128xf32, #tpu.memory_space<vmem>>) offsets(%dma_start3A_88 : memref<80xi32, #tpu.memory_space<vmem>>) semaphore(%arg22 : memref<!tpu.dma_semaphore, #tpu.memory_space<semaphore_mem>>)
      %add3A_92 = arith.constant 0 : i32
      %add3A_93 = arith.addi %mul3A_68, %add3A_92 : i32
      %add3A_94 = arith.constant 0 : i32
      %add3A_95 = arith.addi %add3A_93, %add3A_94 : i32
      %get3A_96 = arith.index_cast %add3A_95 : i32 to index
      %get3A_97 = tpu.vector_load %arg8[%get3A_96] {strides = array<i32>} : memref<20160xi32, #tpu.memory_space<vmem>>, vector<16xi32>,
      %get3A_98 = vector.shape_cast %get3A_97 : vector<16xi32> to vector<16xi32>
      %swap3A = arith.constant 0 : index
      %swap3A_99 = tpu.vector_load %arg10[%swap3A] {strides = array<i32>} : memref<80xi32, #tpu.memory_space<vmem>>, vector<16xi32>,
      %swap3A_100 = vector.shape_cast %swap3A_99 : vector<16xi32> to vector<16xi32>
      %swap3A_101 = vector.shape_cast %get3A_98 : vector<16xi32> to vector<16xi32>
      tpu.vector_store %arg10[%swap3A], %swap3A_101 {strides = array<i32>} : memref<80xi32, #tpu.memory_space<vmem>>, vector<16xi32>,
      %add3A_102 = arith.constant 0 : i32
      %add3A_103 = arith.addi %mul3A_68, %add3A_102 : i32
      %add3A_104 = arith.constant 16 : i32
      %add3A_105 = arith.addi %add3A_103, %add3A_104 : i32
      %get3A_106 = arith.index_cast %add3A_105 : i32 to index
      %get3A_107 = tpu.vector_load %arg8[%get3A_106] {strides = array<i32>} : memref<20160xi32, #tpu.memory_space<vmem>>, vector<16xi32>,
      %get3A_108 = vector.shape_cast %get3A_107 : vector<16xi32> to vector<16xi32>
      %swap3A_109 = arith.constant 16 : index
      %swap3A_110 = tpu.vector_load %arg10[%swap3A_109] {strides = array<i32>} : memref<80xi32, #tpu.memory_space<vmem>>, vector<16xi32>,
      %swap3A_111 = vector.shape_cast %swap3A_110 : vector<16xi32> to vector<16xi32>
      %swap3A_112 = vector.shape_cast %get3A_108 : vector<16xi32> to vector<16xi32>
      tpu.vector_store %arg10[%swap3A_109], %swap3A_112 {strides = array<i32>} : memref<80xi32, #tpu.memory_space<vmem>>, vector<16xi32>,
      %add3A_113 = arith.constant 0 : i32
      %add3A_114 = arith.addi %mul3A_68, %add3A_113 : i32
      %add3A_115 = arith.constant 32 : i32
      %add3A_116 = arith.addi %add3A_114, %add3A_115 : i32
      %get3A_117 = arith.index_cast %add3A_116 : i32 to index
      %get3A_118 = tpu.vector_load %arg8[%get3A_117] {strides = array<i32>} : memref<20160xi32, #tpu.memory_space<vmem>>, vector<16xi32>,
      %get3A_119 = vector.shape_cast %get3A_118 : vector<16xi32> to vector<16xi32>
      %swap3A_120 = arith.constant 32 : index
      %swap3A_121 = tpu.vector_load %arg10[%swap3A_120] {strides = array<i32>} : memref<80xi32, #tpu.memory_space<vmem>>, vector<16xi32>,
      %swap3A_122 = vector.shape_cast %swap3A_121 : vector<16xi32> to vector<16xi32>
      %swap3A_123 = vector.shape_cast %get3A_119 : vector<16xi32> to vector<16xi32>
      tpu.vector_store %arg10[%swap3A_120], %swap3A_123 {strides = array<i32>} : memref<80xi32, #tpu.memory_space<vmem>>, vector<16xi32>,
      %add3A_124 = arith.constant 0 : i32
      %add3A_125 = arith.addi %mul3A_68, %add3A_124 : i32
      %add3A_126 = arith.constant 48 : i32
      %add3A_127 = arith.addi %add3A_125, %add3A_126 : i32
      %get3A_128 = arith.index_cast %add3A_127 : i32 to index
      %get3A_129 = tpu.vector_load %arg8[%get3A_128] {strides = array<i32>} : memref<20160xi32, #tpu.memory_space<vmem>>, vector<16xi32>,
      %get3A_130 = vector.shape_cast %get3A_129 : vector<16xi32> to vector<16xi32>
      %swap3A_131 = arith.constant 48 : index
      %swap3A_132 = tpu.vector_load %arg10[%swap3A_131] {strides = array<i32>} : memref<80xi32, #tpu.memory_space<vmem>>, vector<16xi32>,
      %swap3A_133 = vector.shape_cast %swap3A_132 : vector<16xi32> to vector<16xi32>
      %swap3A_134 = vector.shape_cast %get3A_130 : vector<16xi32> to vector<16xi32>
      tpu.vector_store %arg10[%swap3A_131], %swap3A_134 {strides = array<i32>} : memref<80xi32, #tpu.memory_space<vmem>>, vector<16xi32>,
      %add3A_135 = arith.constant 0 : i32
      %add3A_136 = arith.addi %mul3A_68, %add3A_135 : i32
      %add3A_137 = arith.constant 64 : i32
      %add3A_138 = arith.addi %add3A_136, %add3A_137 : i32
      %get3A_139 = arith.index_cast %add3A_138 : i32 to index
      %get3A_140 = tpu.vector_load %arg8[%get3A_139] {strides = array<i32>} : memref<20160xi32, #tpu.memory_space<vmem>>, vector<16xi32>,
      %get3A_141 = vector.shape_cast %get3A_140 : vector<16xi32> to vector<16xi32>
      %swap3A_142 = arith.constant 64 : index
      %swap3A_143 = tpu.vector_load %arg10[%swap3A_142] {strides = array<i32>} : memref<80xi32, #tpu.memory_space<vmem>>, vector<16xi32>,
      %swap3A_144 = vector.shape_cast %swap3A_143 : vector<16xi32> to vector<16xi32>
      %swap3A_145 = vector.shape_cast %get3A_141 : vector<16xi32> to vector<16xi32>
      tpu.vector_store %arg10[%swap3A_142], %swap3A_145 {strides = array<i32>} : memref<80xi32, #tpu.memory_space<vmem>>, vector<16xi32>,
      %add3A_146 = arith.constant 80 : i32
      %add3A_147 = arith.addi %mul3A_68, %add3A_146 : i32
      %add3A_148 = arith.constant 0 : i32
      %add3A_149 = arith.addi %add3A_147, %add3A_148 : i32
      %get3A_150 = arith.index_cast %add3A_149 : i32 to index
      %get3A_151 = tpu.vector_load %arg8[%get3A_150] {strides = array<i32>} : memref<20160xi32, #tpu.memory_space<vmem>>, vector<16xi32>,
      %get3A_152 = vector.shape_cast %get3A_151 : vector<16xi32> to vector<16xi32>
      %swap3A_153 = arith.constant 0 : index
      %swap3A_154 = tpu.vector_load %arg11[%swap3A_153] {strides = array<i32>} : memref<80xi32, #tpu.memory_space<vmem>>, vector<16xi32>,
      %swap3A_155 = vector.shape_cast %swap3A_154 : vector<16xi32> to vector<16xi32>
      %swap3A_156 = vector.shape_cast %get3A_152 : vector<16xi32> to vector<16xi32>
      tpu.vector_store %arg11[%swap3A_153], %swap3A_156 {strides = array<i32>} : memref<80xi32, #tpu.memory_space<vmem>>, vector<16xi32>,
      %add3A_157 = arith.constant 80 : i32
      %add3A_158 = arith.addi %mul3A_68, %add3A_157 : i32
      %add3A_159 = arith.constant 16 : i32
      %add3A_160 = arith.addi %add3A_158, %add3A_159 : i32
      %get3A_161 = arith.index_cast %add3A_160 : i32 to index
      %get3A_162 = tpu.vector_load %arg8[%get3A_161] {strides = array<i32>} : memref<20160xi32, #tpu.memory_space<vmem>>, vector<16xi32>,
      %get3A_163 = vector.shape_cast %get3A_162 : vector<16xi32> to vector<16xi32>
      %swap3A_164 = arith.constant 16 : index
      %swap3A_165 = tpu.vector_load %arg11[%swap3A_164] {strides = array<i32>} : memref<80xi32, #tpu.memory_space<vmem>>, vector<16xi32>,
      %swap3A_166 = vector.shape_cast %swap3A_165 : vector<16xi32> to vector<16xi32>
      %swap3A_167 = vector.shape_cast %get3A_163 : vector<16xi32> to vector<16xi32>
      tpu.vector_store %arg11[%swap3A_164], %swap3A_167 {strides = array<i32>} : memref<80xi32, #tpu.memory_space<vmem>>, vector<16xi32>,
      %add3A_168 = arith.constant 80 : i32
      %add3A_169 = arith.addi %mul3A_68, %add3A_168 : i32
      %add3A_170 = arith.constant 32 : i32
      %add3A_171 = arith.addi %add3A_169, %add3A_170 : i32
      %get3A_172 = arith.index_cast %add3A_171 : i32 to index
      %get3A_173 = tpu.vector_load %arg8[%get3A_172] {strides = array<i32>} : memref<20160xi32, #tpu.memory_space<vmem>>, vector<16xi32>,
      %get3A_174 = vector.shape_cast %get3A_173 : vector<16xi32> to vector<16xi32>
      %swap3A_175 = arith.constant 32 : index
      %swap3A_176 = tpu.vector_load %arg11[%swap3A_175] {strides = array<i32>} : memref<80xi32, #tpu.memory_space<vmem>>, vector<16xi32>,
      %swap3A_177 = vector.shape_cast %swap3A_176 : vector<16xi32> to vector<16xi32>
      %swap3A_178 = vector.shape_cast %get3A_174 : vector<16xi32> to vector<16xi32>
      tpu.vector_store %arg11[%swap3A_175], %swap3A_178 {strides = array<i32>} : memref<80xi32, #tpu.memory_space<vmem>>, vector<16xi32>,
      %add3A_179 = arith.constant 80 : i32
      %add3A_180 = arith.addi %mul3A_68, %add3A_179 : i32
      %add3A_181 = arith.constant 48 : i32
      %add3A_182 = arith.addi %add3A_180, %add3A_181 : i32
      %get3A_183 = arith.index_cast %add3A_182 : i32 to index
      %get3A_184 = tpu.vector_load %arg8[%get3A_183] {strides = array<i32>} : memref<20160xi32, #tpu.memory_space<vmem>>, vector<16xi32>,
      %get3A_185 = vector.shape_cast %get3A_184 : vector<16xi32> to vector<16xi32>
      %swap3A_186 = arith.constant 48 : index
      %swap3A_187 = tpu.vector_load %arg11[%swap3A_186] {strides = array<i32>} : memref<80xi32, #tpu.memory_space<vmem>>, vector<16xi32>,
      %swap3A_188 = vector.shape_cast %swap3A_187 : vector<16xi32> to vector<16xi32>
      %swap3A_189 = vector.shape_cast %get3A_185 : vector<16xi32> to vector<16xi32>
      tpu.vector_store %arg11[%swap3A_186], %swap3A_189 {strides = array<i32>} : memref<80xi32, #tpu.memory_space<vmem>>, vector<16xi32>,
      %add3A_190 = arith.constant 80 : i32
      %add3A_191 = arith.addi %mul3A_68, %add3A_190 : i32
      %add3A_192 = arith.constant 64 : i32
      %add3A_193 = arith.addi %add3A_191, %add3A_192 : i32
      %get3A_194 = arith.index_cast %add3A_193 : i32 to index
      %get3A_195 = tpu.vector_load %arg8[%get3A_194] {strides = array<i32>} : memref<20160xi32, #tpu.memory_space<vmem>>, vector<16xi32>,
      %get3A_196 = vector.shape_cast %get3A_195 : vector<16xi32> to vector<16xi32>
      %swap3A_197 = arith.constant 64 : index
      %swap3A_198 = tpu.vector_load %arg11[%swap3A_197] {strides = array<i32>} : memref<80xi32, #tpu.memory_space<vmem>>, vector<16xi32>,
      %swap3A_199 = vector.shape_cast %swap3A_198 : vector<16xi32> to vector<16xi32>
      %swap3A_200 = vector.shape_cast %get3A_196 : vector<16xi32> to vector<16xi32>
      tpu.vector_store %arg11[%swap3A_197], %swap3A_200 {strides = array<i32>} : memref<80xi32, #tpu.memory_space<vmem>>, vector<16xi32>,
      %add3A_201 = arith.constant 160 : i32
      %add3A_202 = arith.addi %mul3A_68, %add3A_201 : i32
      %add3A_203 = arith.constant 0 : i32
      %add3A_204 = arith.addi %add3A_202, %add3A_203 : i32
      %get3A_205 = arith.index_cast %add3A_204 : i32 to index
      %get3A_206 = tpu.vector_load %arg8[%get3A_205] {strides = array<i32>} : memref<20160xi32, #tpu.memory_space<vmem>>, vector<16xi32>,
      %get3A_207 = vector.shape_cast %get3A_206 : vector<16xi32> to vector<16xi32>
      %swap3A_208 = arith.constant 0 : index
      %swap3A_209 = tpu.vector_load %arg12[%swap3A_208] {strides = array<i32>} : memref<80xi32, #tpu.memory_space<vmem>>, vector<16xi32>,
      %swap3A_210 = vector.shape_cast %swap3A_209 : vector<16xi32> to vector<16xi32>
      %swap3A_211 = vector.shape_cast %get3A_207 : vector<16xi32> to vector<16xi32>
      tpu.vector_store %arg12[%swap3A_208], %swap3A_211 {strides = array<i32>} : memref<80xi32, #tpu.memory_space<vmem>>, vector<16xi32>,
      %add3A_212 = arith.constant 160 : i32
      %add3A_213 = arith.addi %mul3A_68, %add3A_212 : i32
      %add3A_214 = arith.constant 16 : i32
      %add3A_215 = arith.addi %add3A_213, %add3A_214 : i32
      %get3A_216 = arith.index_cast %add3A_215 : i32 to index
      %get3A_217 = tpu.vector_load %arg8[%get3A_216] {strides = array<i32>} : memref<20160xi32, #tpu.memory_space<vmem>>, vector<16xi32>,
      %get3A_218 = vector.shape_cast %get3A_217 : vector<16xi32> to vector<16xi32>
      %swap3A_219 = arith.constant 16 : index
      %swap3A_220 = tpu.vector_load %arg12[%swap3A_219] {strides = array<i32>} : memref<80xi32, #tpu.memory_space<vmem>>, vector<16xi32>,
      %swap3A_221 = vector.shape_cast %swap3A_220 : vector<16xi32> to vector<16xi32>
      %swap3A_222 = vector.shape_cast %get3A_218 : vector<16xi32> to vector<16xi32>
      tpu.vector_store %arg12[%swap3A_219], %swap3A_222 {strides = array<i32>} : memref<80xi32, #tpu.memory_space<vmem>>, vector<16xi32>,
      %add3A_223 = arith.constant 160 : i32
      %add3A_224 = arith.addi %mul3A_68, %add3A_223 : i32
      %add3A_225 = arith.constant 32 : i32
      %add3A_226 = arith.addi %add3A_224, %add3A_225 : i32
      %get3A_227 = arith.index_cast %add3A_226 : i32 to index
      %get3A_228 = tpu.vector_load %arg8[%get3A_227] {strides = array<i32>} : memref<20160xi32, #tpu.memory_space<vmem>>, vector<16xi32>,
      %get3A_229 = vector.shape_cast %get3A_228 : vector<16xi32> to vector<16xi32>
      %swap3A_230 = arith.constant 32 : index
      %swap3A_231 = tpu.vector_load %arg12[%swap3A_230] {strides = array<i32>} : memref<80xi32, #tpu.memory_space<vmem>>, vector<16xi32>,
      %swap3A_232 = vector.shape_cast %swap3A_231 : vector<16xi32> to vector<16xi32>
      %swap3A_233 = vector.shape_cast %get3A_229 : vector<16xi32> to vector<16xi32>
      tpu.vector_store %arg12[%swap3A_230], %swap3A_233 {strides = array<i32>} : memref<80xi32, #tpu.memory_space<vmem>>, vector<16xi32>,
      %add3A_234 = arith.constant 160 : i32
      %add3A_235 = arith.addi %mul3A_68, %add3A_234 : i32
      %add3A_236 = arith.constant 48 : i32
      %add3A_237 = arith.addi %add3A_235, %add3A_236 : i32
      %get3A_238 = arith.index_cast %add3A_237 : i32 to index
      %get3A_239 = tpu.vector_load %arg8[%get3A_238] {strides = array<i32>} : memref<20160xi32, #tpu.memory_space<vmem>>, vector<16xi32>,
      %get3A_240 = vector.shape_cast %get3A_239 : vector<16xi32> to vector<16xi32>
      %swap3A_241 = arith.constant 48 : index
      %swap3A_242 = tpu.vector_load %arg12[%swap3A_241] {strides = array<i32>} : memref<80xi32, #tpu.memory_space<vmem>>, vector<16xi32>,
      %swap3A_243 = vector.shape_cast %swap3A_242 : vector<16xi32> to vector<16xi32>
      %swap3A_244 = vector.shape_cast %get3A_240 : vector<16xi32> to vector<16xi32>
      tpu.vector_store %arg12[%swap3A_241], %swap3A_244 {strides = array<i32>} : memref<80xi32, #tpu.memory_space<vmem>>, vector<16xi32>,
      %add3A_245 = arith.constant 160 : i32
      %add3A_246 = arith.addi %mul3A_68, %add3A_245 : i32
      %add3A_247 = arith.constant 64 : i32
      %add3A_248 = arith.addi %add3A_246, %add3A_247 : i32
      %get3A_249 = arith.index_cast %add3A_248 : i32 to index
      %get3A_250 = tpu.vector_load %arg8[%get3A_249] {strides = array<i32>} : memref<20160xi32, #tpu.memory_space<vmem>>, vector<16xi32>,
      %get3A_251 = vector.shape_cast %get3A_250 : vector<16xi32> to vector<16xi32>
      %swap3A_252 = arith.constant 64 : index
      %swap3A_253 = tpu.vector_load %arg12[%swap3A_252] {strides = array<i32>} : memref<80xi32, #tpu.memory_space<vmem>>, vector<16xi32>,
      %swap3A_254 = vector.shape_cast %swap3A_253 : vector<16xi32> to vector<16xi32>
      %swap3A_255 = vector.shape_cast %get3A_251 : vector<16xi32> to vector<16xi32>
      tpu.vector_store %arg12[%swap3A_252], %swap3A_255 {strides = array<i32>} : memref<80xi32, #tpu.memory_space<vmem>>, vector<16xi32>,
      %add3A_256 = arith.constant 240 : i32
      %add3A_257 = arith.addi %mul3A_68, %add3A_256 : i32
      %add3A_258 = arith.constant 0 : i32
      %add3A_259 = arith.addi %add3A_257, %add3A_258 : i32
      %get3A_260 = arith.index_cast %add3A_259 : i32 to index
      %get3A_261 = tpu.vector_load %arg8[%get3A_260] {strides = array<i32>} : memref<20160xi32, #tpu.memory_space<vmem>>, vector<16xi32>,
      %get3A_262 = vector.shape_cast %get3A_261 : vector<16xi32> to vector<16xi32>
      %swap3A_263 = arith.constant 0 : index
      %swap3A_264 = tpu.vector_load %arg13[%swap3A_263] {strides = array<i32>} : memref<80xi32, #tpu.memory_space<vmem>>, vector<16xi32>,
      %swap3A_265 = vector.shape_cast %swap3A_264 : vector<16xi32> to vector<16xi32>
      %swap3A_266 = vector.shape_cast %get3A_262 : vector<16xi32> to vector<16xi32>
      tpu.vector_store %arg13[%swap3A_263], %swap3A_266 {strides = array<i32>} : memref<80xi32, #tpu.memory_space<vmem>>, vector<16xi32>,
      %add3A_267 = arith.constant 240 : i32
      %add3A_268 = arith.addi %mul3A_68, %add3A_267 : i32
      %add3A_269 = arith.constant 16 : i32
      %add3A_270 = arith.addi %add3A_268, %add3A_269 : i32
      %get3A_271 = arith.index_cast %add3A_270 : i32 to index
      %get3A_272 = tpu.vector_load %arg8[%get3A_271] {strides = array<i32>} : memref<20160xi32, #tpu.memory_space<vmem>>, vector<16xi32>,
      %get3A_273 = vector.shape_cast %get3A_272 : vector<16xi32> to vector<16xi32>
      %swap3A_274 = arith.constant 16 : index
      %swap3A_275 = tpu.vector_load %arg13[%swap3A_274] {strides = array<i32>} : memref<80xi32, #tpu.memory_space<vmem>>, vector<16xi32>,
      %swap3A_276 = vector.shape_cast %swap3A_275 : vector<16xi32> to vector<16xi32>
      %swap3A_277 = vector.shape_cast %get3A_273 : vector<16xi32> to vector<16xi32>
      tpu.vector_store %arg13[%swap3A_274], %swap3A_277 {strides = array<i32>} : memref<80xi32, #tpu.memory_space<vmem>>, vector<16xi32>,
      %add3A_278 = arith.constant 240 : i32
      %add3A_279 = arith.addi %mul3A_68, %add3A_278 : i32
      %add3A_280 = arith.constant 32 : i32
      %add3A_281 = arith.addi %add3A_279, %add3A_280 : i32
      %get3A_282 = arith.index_cast %add3A_281 : i32 to index
      %get3A_283 = tpu.vector_load %arg8[%get3A_282] {strides = array<i32>} : memref<20160xi32, #tpu.memory_space<vmem>>, vector<16xi32>,
      %get3A_284 = vector.shape_cast %get3A_283 : vector<16xi32> to vector<16xi32>
      %swap3A_285 = arith.constant 32 : index
      %swap3A_286 = tpu.vector_load %arg13[%swap3A_285] {strides = array<i32>} : memref<80xi32, #tpu.memory_space<vmem>>, vector<16xi32>,
      %swap3A_287 = vector.shape_cast %swap3A_286 : vector<16xi32> to vector<16xi32>
      %swap3A_288 = vector.shape_cast %get3A_284 : vector<16xi32> to vector<16xi32>
      tpu.vector_store %arg13[%swap3A_285], %swap3A_288 {strides = array<i32>} : memref<80xi32, #tpu.memory_space<vmem>>, vector<16xi32>,
      %add3A_289 = arith.constant 240 : i32
      %add3A_290 = arith.addi %mul3A_68, %add3A_289 : i32
      %add3A_291 = arith.constant 48 : i32
      %add3A_292 = arith.addi %add3A_290, %add3A_291 : i32
      %get3A_293 = arith.index_cast %add3A_292 : i32 to index
      %get3A_294 = tpu.vector_load %arg8[%get3A_293] {strides = array<i32>} : memref<20160xi32, #tpu.memory_space<vmem>>, vector<16xi32>,
      %get3A_295 = vector.shape_cast %get3A_294 : vector<16xi32> to vector<16xi32>
      %swap3A_296 = arith.constant 48 : index
      %swap3A_297 = tpu.vector_load %arg13[%swap3A_296] {strides = array<i32>} : memref<80xi32, #tpu.memory_space<vmem>>, vector<16xi32>,
      %swap3A_298 = vector.shape_cast %swap3A_297 : vector<16xi32> to vector<16xi32>
      %swap3A_299 = vector.shape_cast %get3A_295 : vector<16xi32> to vector<16xi32>
      tpu.vector_store %arg13[%swap3A_296], %swap3A_299 {strides = array<i32>} : memref<80xi32, #tpu.memory_space<vmem>>, vector<16xi32>,
      %add3A_300 = arith.constant 240 : i32
      %add3A_301 = arith.addi %mul3A_68, %add3A_300 : i32
      %add3A_302 = arith.constant 64 : i32
      %add3A_303 = arith.addi %add3A_301, %add3A_302 : i32
      %get3A_304 = arith.index_cast %add3A_303 : i32 to index
      %get3A_305 = tpu.vector_load %arg8[%get3A_304] {strides = array<i32>} : memref<20160xi32, #tpu.memory_space<vmem>>, vector<16xi32>,
      %get3A_306 = vector.shape_cast %get3A_305 : vector<16xi32> to vector<16xi32>
      %swap3A_307 = arith.constant 64 : index
      %swap3A_308 = tpu.vector_load %arg13[%swap3A_307] {strides = array<i32>} : memref<80xi32, #tpu.memory_space<vmem>>, vector<16xi32>,
      %swap3A_309 = vector.shape_cast %swap3A_308 : vector<16xi32> to vector<16xi32>
      %swap3A_310 = vector.shape_cast %get3A_306 : vector<16xi32> to vector<16xi32>
      tpu.vector_store %arg13[%swap3A_307], %swap3A_310 {strides = array<i32>} : memref<80xi32, #tpu.memory_space<vmem>>, vector<16xi32>,
      %dma_wait3A = tpu.memref_slice %arg7[%add3A_70] : memref<20160xi32, #tpu.memory_space<vmem>> -> memref<80xi32, #tpu.memory_space<vmem>>
      %dma_wait3A_311 = arith.constant 0 : i32
      %dma_wait3A_312 = arith.constant 0 : i32
      %dma_wait3A_313 = tpu.memref_slice %arg5[%dma_wait3A_311, %dma_wait3A_312] : memref<10240x128xf32, #tpu.memory_space<hbm>> -> memref<10240x128xf32, #tpu.memory_space<hbm>>
      tpu.wait_indirect_dma semaphore(%arg19 : memref<!tpu.dma_semaphore, #tpu.memory_space<semaphore_mem>>) src(%dma_wait3A_313 : memref<10240x128xf32, #tpu.memory_space<hbm>>) dst(%arg14 : memref<80x128xf32, #tpu.memory_space<vmem>>)
      "tpu.region"() ({
        %run_scoped3A = tpu.sem_alloc : memref<!tpu.dma_semaphore, #tpu.memory_space<semaphore_mem>>
        %dma_start3A_326 = arith.constant 0 : i32
        %dma_start3A_327 = arith.constant 0 : i32
        %dma_start3A_328 = tpu.memref_slice %arg18[%dma_start3A_326, %dma_start3A_327] : memref<5248x128xf32, #tpu.memory_space<vmem_shared>> -> memref<5248x128xf32, #tpu.memory_space<vmem_shared>>
        tpu.enqueue_indirect_dma source(%arg14 : memref<80x128xf32, #tpu.memory_space<vmem>>) target(%dma_start3A_328 : memref<5248x128xf32, #tpu.memory_space<vmem_shared>>) offsets(%arg10 : memref<80xi32, #tpu.memory_space<vmem>>) semaphore(%run_scoped3A : memref<!tpu.dma_semaphore, #tpu.memory_space<semaphore_mem>>) {add = true}
        %dma_wait3A_329 = arith.constant 0 : i32
        %dma_wait3A_330 = arith.constant 0 : i32
        %dma_wait3A_331 = tpu.memref_slice %arg18[%dma_wait3A_329, %dma_wait3A_330] : memref<5248x128xf32, #tpu.memory_space<vmem_shared>> -> memref<5248x128xf32, #tpu.memory_space<vmem_shared>>
        tpu.wait_indirect_dma semaphore(%run_scoped3A : memref<!tpu.dma_semaphore, #tpu.memory_space<semaphore_mem>>) src(%arg14 : memref<80x128xf32, #tpu.memory_space<vmem>>) dst(%dma_wait3A_331 : memref<5248x128xf32, #tpu.memory_space<vmem_shared>>)
        tpu.yield
      }) : () -> ()
      %dma_wait3A_314 = tpu.memref_slice %arg7[%add3A_75] : memref<20160xi32, #tpu.memory_space<vmem>> -> memref<80xi32, #tpu.memory_space<vmem>>
      %dma_wait3A_315 = arith.constant 0 : i32
      %dma_wait3A_316 = arith.constant 0 : i32
      %dma_wait3A_317 = tpu.memref_slice %arg5[%dma_wait3A_315, %dma_wait3A_316] : memref<10240x128xf32, #tpu.memory_space<hbm>> -> memref<10240x128xf32, #tpu.memory_space<hbm>>
      tpu.wait_indirect_dma semaphore(%arg20 : memref<!tpu.dma_semaphore, #tpu.memory_space<semaphore_mem>>) src(%dma_wait3A_317 : memref<10240x128xf32, #tpu.memory_space<hbm>>) dst(%arg15 : memref<80x128xf32, #tpu.memory_space<vmem>>)
      "tpu.region"() ({
        %run_scoped3A = tpu.sem_alloc : memref<!tpu.dma_semaphore, #tpu.memory_space<semaphore_mem>>
        %dma_start3A_326 = arith.constant 0 : i32
        %dma_start3A_327 = arith.constant 0 : i32
        %dma_start3A_328 = tpu.memref_slice %arg18[%dma_start3A_326, %dma_start3A_327] : memref<5248x128xf32, #tpu.memory_space<vmem_shared>> -> memref<5248x128xf32, #tpu.memory_space<vmem_shared>>
        tpu.enqueue_indirect_dma source(%arg15 : memref<80x128xf32, #tpu.memory_space<vmem>>) target(%dma_start3A_328 : memref<5248x128xf32, #tpu.memory_space<vmem_shared>>) offsets(%arg11 : memref<80xi32, #tpu.memory_space<vmem>>) semaphore(%run_scoped3A : memref<!tpu.dma_semaphore, #tpu.memory_space<semaphore_mem>>) {add = true}
        %dma_wait3A_329 = arith.constant 0 : i32
        %dma_wait3A_330 = arith.constant 0 : i32
        %dma_wait3A_331 = tpu.memref_slice %arg18[%dma_wait3A_329, %dma_wait3A_330] : memref<5248x128xf32, #tpu.memory_space<vmem_shared>> -> memref<5248x128xf32, #tpu.memory_space<vmem_shared>>
        tpu.wait_indirect_dma semaphore(%run_scoped3A : memref<!tpu.dma_semaphore, #tpu.memory_space<semaphore_mem>>) src(%arg15 : memref<80x128xf32, #tpu.memory_space<vmem>>) dst(%dma_wait3A_331 : memref<5248x128xf32, #tpu.memory_space<vmem_shared>>)
        tpu.yield
      }) : () -> ()
      %dma_wait3A_318 = tpu.memref_slice %arg7[%add3A_81] : memref<20160xi32, #tpu.memory_space<vmem>> -> memref<80xi32, #tpu.memory_space<vmem>>
      %dma_wait3A_319 = arith.constant 0 : i32
      %dma_wait3A_320 = arith.constant 0 : i32
      %dma_wait3A_321 = tpu.memref_slice %arg5[%dma_wait3A_319, %dma_wait3A_320] : memref<10240x128xf32, #tpu.memory_space<hbm>> -> memref<10240x128xf32, #tpu.memory_space<hbm>>
      tpu.wait_indirect_dma semaphore(%arg21 : memref<!tpu.dma_semaphore, #tpu.memory_space<semaphore_mem>>) src(%dma_wait3A_321 : memref<10240x128xf32, #tpu.memory_space<hbm>>) dst(%arg16 : memref<80x128xf32, #tpu.memory_space<vmem>>)
      "tpu.region"() ({
        %run_scoped3A = tpu.sem_alloc : memref<!tpu.dma_semaphore, #tpu.memory_space<semaphore_mem>>
        %dma_start3A_326 = arith.constant 0 : i32
        %dma_start3A_327 = arith.constant 0 : i32
        %dma_start3A_328 = tpu.memref_slice %arg18[%dma_start3A_326, %dma_start3A_327] : memref<5248x128xf32, #tpu.memory_space<vmem_shared>> -> memref<5248x128xf32, #tpu.memory_space<vmem_shared>>
        tpu.enqueue_indirect_dma source(%arg16 : memref<80x128xf32, #tpu.memory_space<vmem>>) target(%dma_start3A_328 : memref<5248x128xf32, #tpu.memory_space<vmem_shared>>) offsets(%arg12 : memref<80xi32, #tpu.memory_space<vmem>>) semaphore(%run_scoped3A : memref<!tpu.dma_semaphore, #tpu.memory_space<semaphore_mem>>) {add = true}
        %dma_wait3A_329 = arith.constant 0 : i32
        %dma_wait3A_330 = arith.constant 0 : i32
        %dma_wait3A_331 = tpu.memref_slice %arg18[%dma_wait3A_329, %dma_wait3A_330] : memref<5248x128xf32, #tpu.memory_space<vmem_shared>> -> memref<5248x128xf32, #tpu.memory_space<vmem_shared>>
        tpu.wait_indirect_dma semaphore(%run_scoped3A : memref<!tpu.dma_semaphore, #tpu.memory_space<semaphore_mem>>) src(%arg16 : memref<80x128xf32, #tpu.memory_space<vmem>>) dst(%dma_wait3A_331 : memref<5248x128xf32, #tpu.memory_space<vmem_shared>>)
        tpu.yield
      }) : () -> ()
      %dma_wait3A_322 = tpu.memref_slice %arg7[%add3A_87] : memref<20160xi32, #tpu.memory_space<vmem>> -> memref<80xi32, #tpu.memory_space<vmem>>
      %dma_wait3A_323 = arith.constant 0 : i32
      %dma_wait3A_324 = arith.constant 0 : i32
      %dma_wait3A_325 = tpu.memref_slice %arg5[%dma_wait3A_323, %dma_wait3A_324] : memref<10240x128xf32, #tpu.memory_space<hbm>> -> memref<10240x128xf32, #tpu.memory_space<hbm>>
      tpu.wait_indirect_dma semaphore(%arg22 : memref<!tpu.dma_semaphore, #tpu.memory_space<semaphore_mem>>) src(%dma_wait3A_325 : memref<10240x128xf32, #tpu.memory_space<hbm>>) dst(%arg17 : memref<80x128xf32, #tpu.memory_space<vmem>>)
      "tpu.region"() ({
        %run_scoped3A = tpu.sem_alloc : memref<!tpu.dma_semaphore, #tpu.memory_space<semaphore_mem>>
        %dma_start3A_326 = arith.constant 0 : i32
        %dma_start3A_327 = arith.constant 0 : i32
        %dma_start3A_328 = tpu.memref_slice %arg18[%dma_start3A_326, %dma_start3A_327] : memref<5248x128xf32, #tpu.memory_space<vmem_shared>> -> memref<5248x128xf32, #tpu.memory_space<vmem_shared>>
        tpu.enqueue_indirect_dma source(%arg17 : memref<80x128xf32, #tpu.memory_space<vmem>>) target(%dma_start3A_328 : memref<5248x128xf32, #tpu.memory_space<vmem_shared>>) offsets(%arg13 : memref<80xi32, #tpu.memory_space<vmem>>) semaphore(%run_scoped3A : memref<!tpu.dma_semaphore, #tpu.memory_space<semaphore_mem>>) {add = true}
        %dma_wait3A_329 = arith.constant 0 : i32
        %dma_wait3A_330 = arith.constant 0 : i32
        %dma_wait3A_331 = tpu.memref_slice %arg18[%dma_wait3A_329, %dma_wait3A_330] : memref<5248x128xf32, #tpu.memory_space<vmem_shared>> -> memref<5248x128xf32, #tpu.memory_space<vmem_shared>>
        tpu.wait_indirect_dma semaphore(%run_scoped3A : memref<!tpu.dma_semaphore, #tpu.memory_space<semaphore_mem>>) src(%arg17 : memref<80x128xf32, #tpu.memory_space<vmem>>) dst(%dma_wait3A_331 : memref<5248x128xf32, #tpu.memory_space<vmem_shared>>)
        tpu.yield
      }) : () -> ()
    }
    %while3A_48 = arith.constant 1 : i32
    scf.for %while3A_64 = %while3A_46 to %while3A_42 step %while3A_48  : i32 {
      %mul3A_65 = arith.constant 4 : i32
      %mul3A_66 = arith.muli %while3A_64, %mul3A_65 : i32
      %mul3A_67 = arith.constant 80 : i32
      %mul3A_68 = arith.muli %mul3A_66, %mul3A_67 : i32
      %add3A_69 = arith.constant 0 : i32
      %add3A_70 = arith.addi %mul3A_68, %add3A_69 : i32
      %dma_start3A = tpu.memref_slice %arg7[%add3A_70] : memref<20160xi32, #tpu.memory_space<vmem>> -> memref<80xi32, #tpu.memory_space<vmem>>
      %dma_start3A_71 = arith.constant 0 : i32
      %dma_start3A_72 = arith.constant 0 : i32
      %dma_start3A_73 = tpu.memref_slice %arg5[%dma_start3A_71, %dma_start3A_72] : memref<10240x128xf32, #tpu.memory_space<hbm>> -> memref<10240x128xf32, #tpu.memory_space<hbm>>
      tpu.enqueue_indirect_dma source(%dma_start3A_73 : memref<10240x128xf32, #tpu.memory_space<hbm>>) target(%arg14 : memref<80x128xf32, #tpu.memory_space<vmem>>) offsets(%dma_start3A : memref<80xi32, #tpu.memory_space<vmem>>) semaphore(%arg19 : memref<!tpu.dma_semaphore, #tpu.memory_space<semaphore_mem>>)
      %add3A_74 = arith.constant 80 : i32
      %add3A_75 = arith.addi %mul3A_68, %add3A_74 : i32
      %dma_start3A_76 = tpu.memref_slice %arg7[%add3A_75] : memref<20160xi32, #tpu.memory_space<vmem>> -> memref<80xi32, #tpu.memory_space<vmem>>
      %dma_start3A_77 = arith.constant 0 : i32
      %dma_start3A_78 = arith.constant 0 : i32
      %dma_start3A_79 = tpu.memref_slice %arg5[%dma_start3A_77, %dma_start3A_78] : memref<10240x128xf32, #tpu.memory_space<hbm>> -> memref<10240x128xf32, #tpu.memory_space<hbm>>
      tpu.enqueue_indirect_dma source(%dma_start3A_79 : memref<10240x128xf32, #tpu.memory_space<hbm>>) target(%arg15 : memref<80x128xf32, #tpu.memory_space<vmem>>) offsets(%dma_start3A_76 : memref<80xi32, #tpu.memory_space<vmem>>) semaphore(%arg20 : memref<!tpu.dma_semaphore, #tpu.memory_space<semaphore_mem>>)
      %add3A_80 = arith.constant 160 : i32
      %add3A_81 = arith.addi %mul3A_68, %add3A_80 : i32
      %dma_start3A_82 = tpu.memref_slice %arg7[%add3A_81] : memref<20160xi32, #tpu.memory_space<vmem>> -> memref<80xi32, #tpu.memory_space<vmem>>
      %dma_start3A_83 = arith.constant 0 : i32
      %dma_start3A_84 = arith.constant 0 : i32
      %dma_start3A_85 = tpu.memref_slice %arg5[%dma_start3A_83, %dma_start3A_84] : memref<10240x128xf32, #tpu.memory_space<hbm>> -> memref<10240x128xf32, #tpu.memory_space<hbm>>
      tpu.enqueue_indirect_dma source(%dma_start3A_85 : memref<10240x128xf32, #tpu.memory_space<hbm>>) target(%arg16 : memref<80x128xf32, #tpu.memory_space<vmem>>) offsets(%dma_start3A_82 : memref<80xi32, #tpu.memory_space<vmem>>) semaphore(%arg21 : memref<!tpu.dma_semaphore, #tpu.memory_space<semaphore_mem>>)
      %add3A_86 = arith.constant 240 : i32
      %add3A_87 = arith.addi %mul3A_68, %add3A_86 : i32
      %dma_start3A_88 = tpu.memref_slice %arg7[%add3A_87] : memref<20160xi32, #tpu.memory_space<vmem>> -> memref<80xi32, #tpu.memory_space<vmem>>
      %dma_start3A_89 = arith.constant 0 : i32
      %dma_start3A_90 = arith.constant 0 : i32
      %dma_start3A_91 = tpu.memref_slice %arg5[%dma_start3A_89, %dma_start3A_90] : memref<10240x128xf32, #tpu.memory_space<hbm>> -> memref<10240x128xf32, #tpu.memory_space<hbm>>
      tpu.enqueue_indirect_dma source(%dma_start3A_91 : memref<10240x128xf32, #tpu.memory_space<hbm>>) target(%arg17 : memref<80x128xf32, #tpu.memory_space<vmem>>) offsets(%dma_start3A_88 : memref<80xi32, #tpu.memory_space<vmem>>) semaphore(%arg22 : memref<!tpu.dma_semaphore, #tpu.memory_space<semaphore_mem>>)
      %add3A_92 = arith.constant 0 : i32
      %add3A_93 = arith.addi %mul3A_68, %add3A_92 : i32
      %add3A_94 = arith.constant 0 : i32
      %add3A_95 = arith.addi %add3A_93, %add3A_94 : i32
      %get3A_96 = arith.index_cast %add3A_95 : i32 to index
      %get3A_97 = tpu.vector_load %arg8[%get3A_96] {strides = array<i32>} : memref<20160xi32, #tpu.memory_space<vmem>>, vector<16xi32>,
      %get3A_98 = vector.shape_cast %get3A_97 : vector<16xi32> to vector<16xi32>
      %swap3A = arith.constant 0 : index
      %swap3A_99 = tpu.vector_load %arg10[%swap3A] {strides = array<i32>} : memref<80xi32, #tpu.memory_space<vmem>>, vector<16xi32>,
      %swap3A_100 = vector.shape_cast %swap3A_99 : vector<16xi32> to vector<16xi32>
      %swap3A_101 = vector.shape_cast %get3A_98 : vector<16xi32> to vector<16xi32>
      tpu.vector_store %arg10[%swap3A], %swap3A_101 {strides = array<i32>} : memref<80xi32, #tpu.memory_space<vmem>>, vector<16xi32>,
      %add3A_102 = arith.constant 0 : i32
      %add3A_103 = arith.addi %mul3A_68, %add3A_102 : i32
      %add3A_104 = arith.constant 16 : i32
      %add3A_105 = arith.addi %add3A_103, %add3A_104 : i32
      %get3A_106 = arith.index_cast %add3A_105 : i32 to index
      %get3A_107 = tpu.vector_load %arg8[%get3A_106] {strides = array<i32>} : memref<20160xi32, #tpu.memory_space<vmem>>, vector<16xi32>,
      %get3A_108 = vector.shape_cast %get3A_107 : vector<16xi32> to vector<16xi32>
      %swap3A_109 = arith.constant 16 : index
      %swap3A_110 = tpu.vector_load %arg10[%swap3A_109] {strides = array<i32>} : memref<80xi32, #tpu.memory_space<vmem>>, vector<16xi32>,
      %swap3A_111 = vector.shape_cast %swap3A_110 : vector<16xi32> to vector<16xi32>
      %swap3A_112 = vector.shape_cast %get3A_108 : vector<16xi32> to vector<16xi32>
      tpu.vector_store %arg10[%swap3A_109], %swap3A_112 {strides = array<i32>} : memref<80xi32, #tpu.memory_space<vmem>>, vector<16xi32>,
      %add3A_113 = arith.constant 0 : i32
      %add3A_114 = arith.addi %mul3A_68, %add3A_113 : i32
      %add3A_115 = arith.constant 32 : i32
      %add3A_116 = arith.addi %add3A_114, %add3A_115 : i32
      %get3A_117 = arith.index_cast %add3A_116 : i32 to index
      %get3A_118 = tpu.vector_load %arg8[%get3A_117] {strides = array<i32>} : memref<20160xi32, #tpu.memory_space<vmem>>, vector<16xi32>,
      %get3A_119 = vector.shape_cast %get3A_118 : vector<16xi32> to vector<16xi32>
      %swap3A_120 = arith.constant 32 : index
      %swap3A_121 = tpu.vector_load %arg10[%swap3A_120] {strides = array<i32>} : memref<80xi32, #tpu.memory_space<vmem>>, vector<16xi32>,
      %swap3A_122 = vector.shape_cast %swap3A_121 : vector<16xi32> to vector<16xi32>
      %swap3A_123 = vector.shape_cast %get3A_119 : vector<16xi32> to vector<16xi32>
      tpu.vector_store %arg10[%swap3A_120], %swap3A_123 {strides = array<i32>} : memref<80xi32, #tpu.memory_space<vmem>>, vector<16xi32>,
      %add3A_124 = arith.constant 0 : i32
      %add3A_125 = arith.addi %mul3A_68, %add3A_124 : i32
      %add3A_126 = arith.constant 48 : i32
      %add3A_127 = arith.addi %add3A_125, %add3A_126 : i32
      %get3A_128 = arith.index_cast %add3A_127 : i32 to index
      %get3A_129 = tpu.vector_load %arg8[%get3A_128] {strides = array<i32>} : memref<20160xi32, #tpu.memory_space<vmem>>, vector<16xi32>,
      %get3A_130 = vector.shape_cast %get3A_129 : vector<16xi32> to vector<16xi32>
      %swap3A_131 = arith.constant 48 : index
      %swap3A_132 = tpu.vector_load %arg10[%swap3A_131] {strides = array<i32>} : memref<80xi32, #tpu.memory_space<vmem>>, vector<16xi32>,
      %swap3A_133 = vector.shape_cast %swap3A_132 : vector<16xi32> to vector<16xi32>
      %swap3A_134 = vector.shape_cast %get3A_130 : vector<16xi32> to vector<16xi32>
      tpu.vector_store %arg10[%swap3A_131], %swap3A_134 {strides = array<i32>} : memref<80xi32, #tpu.memory_space<vmem>>, vector<16xi32>,
      %add3A_135 = arith.constant 0 : i32
      %add3A_136 = arith.addi %mul3A_68, %add3A_135 : i32
      %add3A_137 = arith.constant 64 : i32
      %add3A_138 = arith.addi %add3A_136, %add3A_137 : i32
      %get3A_139 = arith.index_cast %add3A_138 : i32 to index
      %get3A_140 = tpu.vector_load %arg8[%get3A_139] {strides = array<i32>} : memref<20160xi32, #tpu.memory_space<vmem>>, vector<16xi32>,
      %get3A_141 = vector.shape_cast %get3A_140 : vector<16xi32> to vector<16xi32>
      %swap3A_142 = arith.constant 64 : index
      %swap3A_143 = tpu.vector_load %arg10[%swap3A_142] {strides = array<i32>} : memref<80xi32, #tpu.memory_space<vmem>>, vector<16xi32>,
      %swap3A_144 = vector.shape_cast %swap3A_143 : vector<16xi32> to vector<16xi32>
      %swap3A_145 = vector.shape_cast %get3A_141 : vector<16xi32> to vector<16xi32>
      tpu.vector_store %arg10[%swap3A_142], %swap3A_145 {strides = array<i32>} : memref<80xi32, #tpu.memory_space<vmem>>, vector<16xi32>,
      %add3A_146 = arith.constant 80 : i32
      %add3A_147 = arith.addi %mul3A_68, %add3A_146 : i32
      %add3A_148 = arith.constant 0 : i32
      %add3A_149 = arith.addi %add3A_147, %add3A_148 : i32
      %get3A_150 = arith.index_cast %add3A_149 : i32 to index
      %get3A_151 = tpu.vector_load %arg8[%get3A_150] {strides = array<i32>} : memref<20160xi32, #tpu.memory_space<vmem>>, vector<16xi32>,
      %get3A_152 = vector.shape_cast %get3A_151 : vector<16xi32> to vector<16xi32>
      %swap3A_153 = arith.constant 0 : index
      %swap3A_154 = tpu.vector_load %arg11[%swap3A_153] {strides = array<i32>} : memref<80xi32, #tpu.memory_space<vmem>>, vector<16xi32>,
      %swap3A_155 = vector.shape_cast %swap3A_154 : vector<16xi32> to vector<16xi32>
      %swap3A_156 = vector.shape_cast %get3A_152 : vector<16xi32> to vector<16xi32>
      tpu.vector_store %arg11[%swap3A_153], %swap3A_156 {strides = array<i32>} : memref<80xi32, #tpu.memory_space<vmem>>, vector<16xi32>,
      %add3A_157 = arith.constant 80 : i32
      %add3A_158 = arith.addi %mul3A_68, %add3A_157 : i32
      %add3A_159 = arith.constant 16 : i32
      %add3A_160 = arith.addi %add3A_158, %add3A_159 : i32
      %get3A_161 = arith.index_cast %add3A_160 : i32 to index
      %get3A_162 = tpu.vector_load %arg8[%get3A_161] {strides = array<i32>} : memref<20160xi32, #tpu.memory_space<vmem>>, vector<16xi32>,
      %get3A_163 = vector.shape_cast %get3A_162 : vector<16xi32> to vector<16xi32>
      %swap3A_164 = arith.constant 16 : index
      %swap3A_165 = tpu.vector_load %arg11[%swap3A_164] {strides = array<i32>} : memref<80xi32, #tpu.memory_space<vmem>>, vector<16xi32>,
      %swap3A_166 = vector.shape_cast %swap3A_165 : vector<16xi32> to vector<16xi32>
      %swap3A_167 = vector.shape_cast %get3A_163 : vector<16xi32> to vector<16xi32>
      tpu.vector_store %arg11[%swap3A_164], %swap3A_167 {strides = array<i32>} : memref<80xi32, #tpu.memory_space<vmem>>, vector<16xi32>,
      %add3A_168 = arith.constant 80 : i32
      %add3A_169 = arith.addi %mul3A_68, %add3A_168 : i32
      %add3A_170 = arith.constant 32 : i32
      %add3A_171 = arith.addi %add3A_169, %add3A_170 : i32
      %get3A_172 = arith.index_cast %add3A_171 : i32 to index
      %get3A_173 = tpu.vector_load %arg8[%get3A_172] {strides = array<i32>} : memref<20160xi32, #tpu.memory_space<vmem>>, vector<16xi32>,
      %get3A_174 = vector.shape_cast %get3A_173 : vector<16xi32> to vector<16xi32>
      %swap3A_175 = arith.constant 32 : index
      %swap3A_176 = tpu.vector_load %arg11[%swap3A_175] {strides = array<i32>} : memref<80xi32, #tpu.memory_space<vmem>>, vector<16xi32>,
      %swap3A_177 = vector.shape_cast %swap3A_176 : vector<16xi32> to vector<16xi32>
      %swap3A_178 = vector.shape_cast %get3A_174 : vector<16xi32> to vector<16xi32>
      tpu.vector_store %arg11[%swap3A_175], %swap3A_178 {strides = array<i32>} : memref<80xi32, #tpu.memory_space<vmem>>, vector<16xi32>,
      %add3A_179 = arith.constant 80 : i32
      %add3A_180 = arith.addi %mul3A_68, %add3A_179 : i32
      %add3A_181 = arith.constant 48 : i32
      %add3A_182 = arith.addi %add3A_180, %add3A_181 : i32
      %get3A_183 = arith.index_cast %add3A_182 : i32 to index
      %get3A_184 = tpu.vector_load %arg8[%get3A_183] {strides = array<i32>} : memref<20160xi32, #tpu.memory_space<vmem>>, vector<16xi32>,
      %get3A_185 = vector.shape_cast %get3A_184 : vector<16xi32> to vector<16xi32>
      %swap3A_186 = arith.constant 48 : index
      %swap3A_187 = tpu.vector_load %arg11[%swap3A_186] {strides = array<i32>} : memref<80xi32, #tpu.memory_space<vmem>>, vector<16xi32>,
      %swap3A_188 = vector.shape_cast %swap3A_187 : vector<16xi32> to vector<16xi32>
      %swap3A_189 = vector.shape_cast %get3A_185 : vector<16xi32> to vector<16xi32>
      tpu.vector_store %arg11[%swap3A_186], %swap3A_189 {strides = array<i32>} : memref<80xi32, #tpu.memory_space<vmem>>, vector<16xi32>,
      %add3A_190 = arith.constant 80 : i32
      %add3A_191 = arith.addi %mul3A_68, %add3A_190 : i32
      %add3A_192 = arith.constant 64 : i32
      %add3A_193 = arith.addi %add3A_191, %add3A_192 : i32
      %get3A_194 = arith.index_cast %add3A_193 : i32 to index
      %get3A_195 = tpu.vector_load %arg8[%get3A_194] {strides = array<i32>} : memref<20160xi32, #tpu.memory_space<vmem>>, vector<16xi32>,
      %get3A_196 = vector.shape_cast %get3A_195 : vector<16xi32> to vector<16xi32>
      %swap3A_197 = arith.constant 64 : index
      %swap3A_198 = tpu.vector_load %arg11[%swap3A_197] {strides = array<i32>} : memref<80xi32, #tpu.memory_space<vmem>>, vector<16xi32>,
      %swap3A_199 = vector.shape_cast %swap3A_198 : vector<16xi32> to vector<16xi32>
      %swap3A_200 = vector.shape_cast %get3A_196 : vector<16xi32> to vector<16xi32>
      tpu.vector_store %arg11[%swap3A_197], %swap3A_200 {strides = array<i32>} : memref<80xi32, #tpu.memory_space<vmem>>, vector<16xi32>,
      %add3A_201 = arith.constant 160 : i32
      %add3A_202 = arith.addi %mul3A_68, %add3A_201 : i32
      %add3A_203 = arith.constant 0 : i32
      %add3A_204 = arith.addi %add3A_202, %add3A_203 : i32
      %get3A_205 = arith.index_cast %add3A_204 : i32 to index
      %get3A_206 = tpu.vector_load %arg8[%get3A_205] {strides = array<i32>} : memref<20160xi32, #tpu.memory_space<vmem>>, vector<16xi32>,
      %get3A_207 = vector.shape_cast %get3A_206 : vector<16xi32> to vector<16xi32>
      %swap3A_208 = arith.constant 0 : index
      %swap3A_209 = tpu.vector_load %arg12[%swap3A_208] {strides = array<i32>} : memref<80xi32, #tpu.memory_space<vmem>>, vector<16xi32>,
      %swap3A_210 = vector.shape_cast %swap3A_209 : vector<16xi32> to vector<16xi32>
      %swap3A_211 = vector.shape_cast %get3A_207 : vector<16xi32> to vector<16xi32>
      tpu.vector_store %arg12[%swap3A_208], %swap3A_211 {strides = array<i32>} : memref<80xi32, #tpu.memory_space<vmem>>, vector<16xi32>,
      %add3A_212 = arith.constant 160 : i32
      %add3A_213 = arith.addi %mul3A_68, %add3A_212 : i32
      %add3A_214 = arith.constant 16 : i32
      %add3A_215 = arith.addi %add3A_213, %add3A_214 : i32
      %get3A_216 = arith.index_cast %add3A_215 : i32 to index
      %get3A_217 = tpu.vector_load %arg8[%get3A_216] {strides = array<i32>} : memref<20160xi32, #tpu.memory_space<vmem>>, vector<16xi32>,
      %get3A_218 = vector.shape_cast %get3A_217 : vector<16xi32> to vector<16xi32>
      %swap3A_219 = arith.constant 16 : index
      %swap3A_220 = tpu.vector_load %arg12[%swap3A_219] {strides = array<i32>} : memref<80xi32, #tpu.memory_space<vmem>>, vector<16xi32>,
      %swap3A_221 = vector.shape_cast %swap3A_220 : vector<16xi32> to vector<16xi32>
      %swap3A_222 = vector.shape_cast %get3A_218 : vector<16xi32> to vector<16xi32>
      tpu.vector_store %arg12[%swap3A_219], %swap3A_222 {strides = array<i32>} : memref<80xi32, #tpu.memory_space<vmem>>, vector<16xi32>,
      %add3A_223 = arith.constant 160 : i32
      %add3A_224 = arith.addi %mul3A_68, %add3A_223 : i32
      %add3A_225 = arith.constant 32 : i32
      %add3A_226 = arith.addi %add3A_224, %add3A_225 : i32
      %get3A_227 = arith.index_cast %add3A_226 : i32 to index
      %get3A_228 = tpu.vector_load %arg8[%get3A_227] {strides = array<i32>} : memref<20160xi32, #tpu.memory_space<vmem>>, vector<16xi32>,
      %get3A_229 = vector.shape_cast %get3A_228 : vector<16xi32> to vector<16xi32>
      %swap3A_230 = arith.constant 32 : index
      %swap3A_231 = tpu.vector_load %arg12[%swap3A_230] {strides = array<i32>} : memref<80xi32, #tpu.memory_space<vmem>>, vector<16xi32>,
      %swap3A_232 = vector.shape_cast %swap3A_231 : vector<16xi32> to vector<16xi32>
      %swap3A_233 = vector.shape_cast %get3A_229 : vector<16xi32> to vector<16xi32>
      tpu.vector_store %arg12[%swap3A_230], %swap3A_233 {strides = array<i32>} : memref<80xi32, #tpu.memory_space<vmem>>, vector<16xi32>,
      %add3A_234 = arith.constant 160 : i32
      %add3A_235 = arith.addi %mul3A_68, %add3A_234 : i32
      %add3A_236 = arith.constant 48 : i32
      %add3A_237 = arith.addi %add3A_235, %add3A_236 : i32
      %get3A_238 = arith.index_cast %add3A_237 : i32 to index
      %get3A_239 = tpu.vector_load %arg8[%get3A_238] {strides = array<i32>} : memref<20160xi32, #tpu.memory_space<vmem>>, vector<16xi32>,
      %get3A_240 = vector.shape_cast %get3A_239 : vector<16xi32> to vector<16xi32>
      %swap3A_241 = arith.constant 48 : index
      %swap3A_242 = tpu.vector_load %arg12[%swap3A_241] {strides = array<i32>} : memref<80xi32, #tpu.memory_space<vmem>>, vector<16xi32>,
      %swap3A_243 = vector.shape_cast %swap3A_242 : vector<16xi32> to vector<16xi32>
      %swap3A_244 = vector.shape_cast %get3A_240 : vector<16xi32> to vector<16xi32>
      tpu.vector_store %arg12[%swap3A_241], %swap3A_244 {strides = array<i32>} : memref<80xi32, #tpu.memory_space<vmem>>, vector<16xi32>,
      %add3A_245 = arith.constant 160 : i32
      %add3A_246 = arith.addi %mul3A_68, %add3A_245 : i32
      %add3A_247 = arith.constant 64 : i32
      %add3A_248 = arith.addi %add3A_246, %add3A_247 : i32
      %get3A_249 = arith.index_cast %add3A_248 : i32 to index
      %get3A_250 = tpu.vector_load %arg8[%get3A_249] {strides = array<i32>} : memref<20160xi32, #tpu.memory_space<vmem>>, vector<16xi32>,
      %get3A_251 = vector.shape_cast %get3A_250 : vector<16xi32> to vector<16xi32>
      %swap3A_252 = arith.constant 64 : index
      %swap3A_253 = tpu.vector_load %arg12[%swap3A_252] {strides = array<i32>} : memref<80xi32, #tpu.memory_space<vmem>>, vector<16xi32>,
      %swap3A_254 = vector.shape_cast %swap3A_253 : vector<16xi32> to vector<16xi32>
      %swap3A_255 = vector.shape_cast %get3A_251 : vector<16xi32> to vector<16xi32>
      tpu.vector_store %arg12[%swap3A_252], %swap3A_255 {strides = array<i32>} : memref<80xi32, #tpu.memory_space<vmem>>, vector<16xi32>,
      %add3A_256 = arith.constant 240 : i32
      %add3A_257 = arith.addi %mul3A_68, %add3A_256 : i32
      %add3A_258 = arith.constant 0 : i32
      %add3A_259 = arith.addi %add3A_257, %add3A_258 : i32
      %get3A_260 = arith.index_cast %add3A_259 : i32 to index
      %get3A_261 = tpu.vector_load %arg8[%get3A_260] {strides = array<i32>} : memref<20160xi32, #tpu.memory_space<vmem>>, vector<16xi32>,
      %get3A_262 = vector.shape_cast %get3A_261 : vector<16xi32> to vector<16xi32>
      %swap3A_263 = arith.constant 0 : index
      %swap3A_264 = tpu.vector_load %arg13[%swap3A_263] {strides = array<i32>} : memref<80xi32, #tpu.memory_space<vmem>>, vector<16xi32>,
      %swap3A_265 = vector.shape_cast %swap3A_264 : vector<16xi32> to vector<16xi32>
      %swap3A_266 = vector.shape_cast %get3A_262 : vector<16xi32> to vector<16xi32>
      tpu.vector_store %arg13[%swap3A_263], %swap3A_266 {strides = array<i32>} : memref<80xi32, #tpu.memory_space<vmem>>, vector<16xi32>,
      %add3A_267 = arith.constant 240 : i32
      %add3A_268 = arith.addi %mul3A_68, %add3A_267 : i32
      %add3A_269 = arith.constant 16 : i32
      %add3A_270 = arith.addi %add3A_268, %add3A_269 : i32
      %get3A_271 = arith.index_cast %add3A_270 : i32 to index
      %get3A_272 = tpu.vector_load %arg8[%get3A_271] {strides = array<i32>} : memref<20160xi32, #tpu.memory_space<vmem>>, vector<16xi32>,
      %get3A_273 = vector.shape_cast %get3A_272 : vector<16xi32> to vector<16xi32>
      %swap3A_274 = arith.constant 16 : index
      %swap3A_275 = tpu.vector_load %arg13[%swap3A_274] {strides = array<i32>} : memref<80xi32, #tpu.memory_space<vmem>>, vector<16xi32>,
      %swap3A_276 = vector.shape_cast %swap3A_275 : vector<16xi32> to vector<16xi32>
      %swap3A_277 = vector.shape_cast %get3A_273 : vector<16xi32> to vector<16xi32>
      tpu.vector_store %arg13[%swap3A_274], %swap3A_277 {strides = array<i32>} : memref<80xi32, #tpu.memory_space<vmem>>, vector<16xi32>,
      %add3A_278 = arith.constant 240 : i32
      %add3A_279 = arith.addi %mul3A_68, %add3A_278 : i32
      %add3A_280 = arith.constant 32 : i32
      %add3A_281 = arith.addi %add3A_279, %add3A_280 : i32
      %get3A_282 = arith.index_cast %add3A_281 : i32 to index
      %get3A_283 = tpu.vector_load %arg8[%get3A_282] {strides = array<i32>} : memref<20160xi32, #tpu.memory_space<vmem>>, vector<16xi32>,
      %get3A_284 = vector.shape_cast %get3A_283 : vector<16xi32> to vector<16xi32>
      %swap3A_285 = arith.constant 32 : index
      %swap3A_286 = tpu.vector_load %arg13[%swap3A_285] {strides = array<i32>} : memref<80xi32, #tpu.memory_space<vmem>>, vector<16xi32>,
      %swap3A_287 = vector.shape_cast %swap3A_286 : vector<16xi32> to vector<16xi32>
      %swap3A_288 = vector.shape_cast %get3A_284 : vector<16xi32> to vector<16xi32>
      tpu.vector_store %arg13[%swap3A_285], %swap3A_288 {strides = array<i32>} : memref<80xi32, #tpu.memory_space<vmem>>, vector<16xi32>,
      %add3A_289 = arith.constant 240 : i32
      %add3A_290 = arith.addi %mul3A_68, %add3A_289 : i32
      %add3A_291 = arith.constant 48 : i32
      %add3A_292 = arith.addi %add3A_290, %add3A_291 : i32
      %get3A_293 = arith.index_cast %add3A_292 : i32 to index
      %get3A_294 = tpu.vector_load %arg8[%get3A_293] {strides = array<i32>} : memref<20160xi32, #tpu.memory_space<vmem>>, vector<16xi32>,
      %get3A_295 = vector.shape_cast %get3A_294 : vector<16xi32> to vector<16xi32>
      %swap3A_296 = arith.constant 48 : index
      %swap3A_297 = tpu.vector_load %arg13[%swap3A_296] {strides = array<i32>} : memref<80xi32, #tpu.memory_space<vmem>>, vector<16xi32>,
      %swap3A_298 = vector.shape_cast %swap3A_297 : vector<16xi32> to vector<16xi32>
      %swap3A_299 = vector.shape_cast %get3A_295 : vector<16xi32> to vector<16xi32>
      tpu.vector_store %arg13[%swap3A_296], %swap3A_299 {strides = array<i32>} : memref<80xi32, #tpu.memory_space<vmem>>, vector<16xi32>,
      %add3A_300 = arith.constant 240 : i32
      %add3A_301 = arith.addi %mul3A_68, %add3A_300 : i32
      %add3A_302 = arith.constant 64 : i32
      %add3A_303 = arith.addi %add3A_301, %add3A_302 : i32
      %get3A_304 = arith.index_cast %add3A_303 : i32 to index
      %get3A_305 = tpu.vector_load %arg8[%get3A_304] {strides = array<i32>} : memref<20160xi32, #tpu.memory_space<vmem>>, vector<16xi32>,
      %get3A_306 = vector.shape_cast %get3A_305 : vector<16xi32> to vector<16xi32>
      %swap3A_307 = arith.constant 64 : index
      %swap3A_308 = tpu.vector_load %arg13[%swap3A_307] {strides = array<i32>} : memref<80xi32, #tpu.memory_space<vmem>>, vector<16xi32>,
      %swap3A_309 = vector.shape_cast %swap3A_308 : vector<16xi32> to vector<16xi32>
      %swap3A_310 = vector.shape_cast %get3A_306 : vector<16xi32> to vector<16xi32>
      tpu.vector_store %arg13[%swap3A_307], %swap3A_310 {strides = array<i32>} : memref<80xi32, #tpu.memory_space<vmem>>, vector<16xi32>,
      %dma_wait3A = tpu.memref_slice %arg7[%add3A_70] : memref<20160xi32, #tpu.memory_space<vmem>> -> memref<80xi32, #tpu.memory_space<vmem>>
      %dma_wait3A_311 = arith.constant 0 : i32
      %dma_wait3A_312 = arith.constant 0 : i32
      %dma_wait3A_313 = tpu.memref_slice %arg5[%dma_wait3A_311, %dma_wait3A_312] : memref<10240x128xf32, #tpu.memory_space<hbm>> -> memref<10240x128xf32, #tpu.memory_space<hbm>>
      tpu.wait_indirect_dma semaphore(%arg19 : memref<!tpu.dma_semaphore, #tpu.memory_space<semaphore_mem>>) src(%dma_wait3A_313 : memref<10240x128xf32, #tpu.memory_space<hbm>>) dst(%arg14 : memref<80x128xf32, #tpu.memory_space<vmem>>)
      "tpu.region"() ({
        %run_scoped3A = tpu.sem_alloc : memref<!tpu.dma_semaphore, #tpu.memory_space<semaphore_mem>>
        %dma_start3A_326 = arith.constant 0 : i32
        %dma_start3A_327 = arith.constant 0 : i32
        %dma_start3A_328 = tpu.memref_slice %arg18[%dma_start3A_326, %dma_start3A_327] : memref<5248x128xf32, #tpu.memory_space<vmem_shared>> -> memref<5248x128xf32, #tpu.memory_space<vmem_shared>>
        tpu.enqueue_indirect_dma source(%arg14 : memref<80x128xf32, #tpu.memory_space<vmem>>) target(%dma_start3A_328 : memref<5248x128xf32, #tpu.memory_space<vmem_shared>>) offsets(%arg10 : memref<80xi32, #tpu.memory_space<vmem>>) semaphore(%run_scoped3A : memref<!tpu.dma_semaphore, #tpu.memory_space<semaphore_mem>>) {add = true}
        %dma_wait3A_329 = arith.constant 0 : i32
        %dma_wait3A_330 = arith.constant 0 : i32
        %dma_wait3A_331 = tpu.memref_slice %arg18[%dma_wait3A_329, %dma_wait3A_330] : memref<5248x128xf32, #tpu.memory_space<vmem_shared>> -> memref<5248x128xf32, #tpu.memory_space<vmem_shared>>
        tpu.wait_indirect_dma semaphore(%run_scoped3A : memref<!tpu.dma_semaphore, #tpu.memory_space<semaphore_mem>>) src(%arg14 : memref<80x128xf32, #tpu.memory_space<vmem>>) dst(%dma_wait3A_331 : memref<5248x128xf32, #tpu.memory_space<vmem_shared>>)
        tpu.yield
      }) : () -> ()
      %dma_wait3A_314 = tpu.memref_slice %arg7[%add3A_75] : memref<20160xi32, #tpu.memory_space<vmem>> -> memref<80xi32, #tpu.memory_space<vmem>>
      %dma_wait3A_315 = arith.constant 0 : i32
      %dma_wait3A_316 = arith.constant 0 : i32
      %dma_wait3A_317 = tpu.memref_slice %arg5[%dma_wait3A_315, %dma_wait3A_316] : memref<10240x128xf32, #tpu.memory_space<hbm>> -> memref<10240x128xf32, #tpu.memory_space<hbm>>
      tpu.wait_indirect_dma semaphore(%arg20 : memref<!tpu.dma_semaphore, #tpu.memory_space<semaphore_mem>>) src(%dma_wait3A_317 : memref<10240x128xf32, #tpu.memory_space<hbm>>) dst(%arg15 : memref<80x128xf32, #tpu.memory_space<vmem>>)
      "tpu.region"() ({
        %run_scoped3A = tpu.sem_alloc : memref<!tpu.dma_semaphore, #tpu.memory_space<semaphore_mem>>
        %dma_start3A_326 = arith.constant 0 : i32
        %dma_start3A_327 = arith.constant 0 : i32
        %dma_start3A_328 = tpu.memref_slice %arg18[%dma_start3A_326, %dma_start3A_327] : memref<5248x128xf32, #tpu.memory_space<vmem_shared>> -> memref<5248x128xf32, #tpu.memory_space<vmem_shared>>
        tpu.enqueue_indirect_dma source(%arg15 : memref<80x128xf32, #tpu.memory_space<vmem>>) target(%dma_start3A_328 : memref<5248x128xf32, #tpu.memory_space<vmem_shared>>) offsets(%arg11 : memref<80xi32, #tpu.memory_space<vmem>>) semaphore(%run_scoped3A : memref<!tpu.dma_semaphore, #tpu.memory_space<semaphore_mem>>) {add = true}
        %dma_wait3A_329 = arith.constant 0 : i32
        %dma_wait3A_330 = arith.constant 0 : i32
        %dma_wait3A_331 = tpu.memref_slice %arg18[%dma_wait3A_329, %dma_wait3A_330] : memref<5248x128xf32, #tpu.memory_space<vmem_shared>> -> memref<5248x128xf32, #tpu.memory_space<vmem_shared>>
        tpu.wait_indirect_dma semaphore(%run_scoped3A : memref<!tpu.dma_semaphore, #tpu.memory_space<semaphore_mem>>) src(%arg15 : memref<80x128xf32, #tpu.memory_space<vmem>>) dst(%dma_wait3A_331 : memref<5248x128xf32, #tpu.memory_space<vmem_shared>>)
        tpu.yield
      }) : () -> ()
      %dma_wait3A_318 = tpu.memref_slice %arg7[%add3A_81] : memref<20160xi32, #tpu.memory_space<vmem>> -> memref<80xi32, #tpu.memory_space<vmem>>
      %dma_wait3A_319 = arith.constant 0 : i32
      %dma_wait3A_320 = arith.constant 0 : i32
      %dma_wait3A_321 = tpu.memref_slice %arg5[%dma_wait3A_319, %dma_wait3A_320] : memref<10240x128xf32, #tpu.memory_space<hbm>> -> memref<10240x128xf32, #tpu.memory_space<hbm>>
      tpu.wait_indirect_dma semaphore(%arg21 : memref<!tpu.dma_semaphore, #tpu.memory_space<semaphore_mem>>) src(%dma_wait3A_321 : memref<10240x128xf32, #tpu.memory_space<hbm>>) dst(%arg16 : memref<80x128xf32, #tpu.memory_space<vmem>>)
      "tpu.region"() ({
        %run_scoped3A = tpu.sem_alloc : memref<!tpu.dma_semaphore, #tpu.memory_space<semaphore_mem>>
        %dma_start3A_326 = arith.constant 0 : i32
        %dma_start3A_327 = arith.constant 0 : i32
        %dma_start3A_328 = tpu.memref_slice %arg18[%dma_start3A_326, %dma_start3A_327] : memref<5248x128xf32, #tpu.memory_space<vmem_shared>> -> memref<5248x128xf32, #tpu.memory_space<vmem_shared>>
        tpu.enqueue_indirect_dma source(%arg16 : memref<80x128xf32, #tpu.memory_space<vmem>>) target(%dma_start3A_328 : memref<5248x128xf32, #tpu.memory_space<vmem_shared>>) offsets(%arg12 : memref<80xi32, #tpu.memory_space<vmem>>) semaphore(%run_scoped3A : memref<!tpu.dma_semaphore, #tpu.memory_space<semaphore_mem>>) {add = true}
        %dma_wait3A_329 = arith.constant 0 : i32
        %dma_wait3A_330 = arith.constant 0 : i32
        %dma_wait3A_331 = tpu.memref_slice %arg18[%dma_wait3A_329, %dma_wait3A_330] : memref<5248x128xf32, #tpu.memory_space<vmem_shared>> -> memref<5248x128xf32, #tpu.memory_space<vmem_shared>>
        tpu.wait_indirect_dma semaphore(%run_scoped3A : memref<!tpu.dma_semaphore, #tpu.memory_space<semaphore_mem>>) src(%arg16 : memref<80x128xf32, #tpu.memory_space<vmem>>) dst(%dma_wait3A_331 : memref<5248x128xf32, #tpu.memory_space<vmem_shared>>)
        tpu.yield
      }) : () -> ()
      %dma_wait3A_322 = tpu.memref_slice %arg7[%add3A_87] : memref<20160xi32, #tpu.memory_space<vmem>> -> memref<80xi32, #tpu.memory_space<vmem>>
      %dma_wait3A_323 = arith.constant 0 : i32
      %dma_wait3A_324 = arith.constant 0 : i32
      %dma_wait3A_325 = tpu.memref_slice %arg5[%dma_wait3A_323, %dma_wait3A_324] : memref<10240x128xf32, #tpu.memory_space<hbm>> -> memref<10240x128xf32, #tpu.memory_space<hbm>>
      tpu.wait_indirect_dma semaphore(%arg22 : memref<!tpu.dma_semaphore, #tpu.memory_space<semaphore_mem>>) src(%dma_wait3A_325 : memref<10240x128xf32, #tpu.memory_space<hbm>>) dst(%arg17 : memref<80x128xf32, #tpu.memory_space<vmem>>)
      "tpu.region"() ({
        %run_scoped3A = tpu.sem_alloc : memref<!tpu.dma_semaphore, #tpu.memory_space<semaphore_mem>>
        %dma_start3A_326 = arith.constant 0 : i32
        %dma_start3A_327 = arith.constant 0 : i32
        %dma_start3A_328 = tpu.memref_slice %arg18[%dma_start3A_326, %dma_start3A_327] : memref<5248x128xf32, #tpu.memory_space<vmem_shared>> -> memref<5248x128xf32, #tpu.memory_space<vmem_shared>>
        tpu.enqueue_indirect_dma source(%arg17 : memref<80x128xf32, #tpu.memory_space<vmem>>) target(%dma_start3A_328 : memref<5248x128xf32, #tpu.memory_space<vmem_shared>>) offsets(%arg13 : memref<80xi32, #tpu.memory_space<vmem>>) semaphore(%run_scoped3A : memref<!tpu.dma_semaphore, #tpu.memory_space<semaphore_mem>>) {add = true}
        %dma_wait3A_329 = arith.constant 0 : i32
        %dma_wait3A_330 = arith.constant 0 : i32
        %dma_wait3A_331 = tpu.memref_slice %arg18[%dma_wait3A_329, %dma_wait3A_330] : memref<5248x128xf32, #tpu.memory_space<vmem_shared>> -> memref<5248x128xf32, #tpu.memory_space<vmem_shared>>
        tpu.wait_indirect_dma semaphore(%run_scoped3A : memref<!tpu.dma_semaphore, #tpu.memory_space<semaphore_mem>>) src(%arg17 : memref<80x128xf32, #tpu.memory_space<vmem>>) dst(%dma_wait3A_331 : memref<5248x128xf32, #tpu.memory_space<vmem_shared>>)
        tpu.yield
      }) : () -> ()
    }
    %mul3A_49 = arith.constant 4 : i32
    %mul3A_50 = arith.muli %select_n3A, %mul3A_49 : i32
    %mul3A_51 = arith.constant 80 : i32
    %mul3A_52 = arith.muli %mul3A_50, %mul3A_51 : i32
    %sub3A_53 = arith.subi %squeeze3A, %mul3A_52 : i32
    %ge3A = arith.constant 160 : i32
    %ge3A_54 = arith.cmpi sge, %sub3A_53, %ge3A : i32
    %convert_element_type3A = arith.extui %ge3A_54 : i1 to i32
    %cond3A = arith.constant 0 : i32
    %cond3A_55 = arith.cmpi ne, %convert_element_type3A, %cond3A : i32
    scf.if %cond3A_55 {
      %mul3A_64 = arith.constant 4 : i32
      %mul3A_65 = arith.muli %select_n3A, %mul3A_64 : i32
      %mul3A_66 = arith.constant 80 : i32
      %mul3A_67 = arith.muli %mul3A_65, %mul3A_66 : i32
      %dma_start3A = tpu.memref_slice %arg7[%mul3A_67] : memref<20160xi32, #tpu.memory_space<vmem>> -> memref<80xi32, #tpu.memory_space<vmem>>
      %dma_start3A_68 = arith.constant 0 : i32
      %dma_start3A_69 = arith.constant 0 : i32
      %dma_start3A_70 = tpu.memref_slice %arg5[%dma_start3A_68, %dma_start3A_69] : memref<10240x128xf32, #tpu.memory_space<hbm>> -> memref<10240x128xf32, #tpu.memory_space<hbm>>
      tpu.enqueue_indirect_dma source(%dma_start3A_70 : memref<10240x128xf32, #tpu.memory_space<hbm>>) target(%arg14 : memref<80x128xf32, #tpu.memory_space<vmem>>) offsets(%dma_start3A : memref<80xi32, #tpu.memory_space<vmem>>) semaphore(%arg19 : memref<!tpu.dma_semaphore, #tpu.memory_space<semaphore_mem>>)
      %add3A_71 = arith.constant 80 : i32
      %add3A_72 = arith.addi %mul3A_67, %add3A_71 : i32
      %dma_start3A_73 = tpu.memref_slice %arg7[%add3A_72] : memref<20160xi32, #tpu.memory_space<vmem>> -> memref<80xi32, #tpu.memory_space<vmem>>
      %dma_start3A_74 = arith.constant 0 : i32
      %dma_start3A_75 = arith.constant 0 : i32
      %dma_start3A_76 = tpu.memref_slice %arg5[%dma_start3A_74, %dma_start3A_75] : memref<10240x128xf32, #tpu.memory_space<hbm>> -> memref<10240x128xf32, #tpu.memory_space<hbm>>
      tpu.enqueue_indirect_dma source(%dma_start3A_76 : memref<10240x128xf32, #tpu.memory_space<hbm>>) target(%arg15 : memref<80x128xf32, #tpu.memory_space<vmem>>) offsets(%dma_start3A_73 : memref<80xi32, #tpu.memory_space<vmem>>) semaphore(%arg20 : memref<!tpu.dma_semaphore, #tpu.memory_space<semaphore_mem>>)
      %add3A_77 = arith.constant 0 : i32
      %add3A_78 = arith.addi %mul3A_67, %add3A_77 : i32
      %get3A_79 = arith.index_cast %add3A_78 : i32 to index
      %get3A_80 = tpu.vector_load %arg8[%get3A_79] {strides = array<i32>} : memref<20160xi32, #tpu.memory_space<vmem>>, vector<16xi32>,
      %get3A_81 = vector.shape_cast %get3A_80 : vector<16xi32> to vector<16xi32>
      %swap3A = arith.constant 0 : index
      %swap3A_82 = tpu.vector_load %arg10[%swap3A] {strides = array<i32>} : memref<80xi32, #tpu.memory_space<vmem>>, vector<16xi32>,
      %swap3A_83 = vector.shape_cast %swap3A_82 : vector<16xi32> to vector<16xi32>
      %swap3A_84 = vector.shape_cast %get3A_81 : vector<16xi32> to vector<16xi32>
      tpu.vector_store %arg10[%swap3A], %swap3A_84 {strides = array<i32>} : memref<80xi32, #tpu.memory_space<vmem>>, vector<16xi32>,
      %add3A_85 = arith.constant 80 : i32
      %add3A_86 = arith.addi %mul3A_67, %add3A_85 : i32
      %add3A_87 = arith.constant 0 : i32
      %add3A_88 = arith.addi %add3A_86, %add3A_87 : i32
      %get3A_89 = arith.index_cast %add3A_88 : i32 to index
      %get3A_90 = tpu.vector_load %arg8[%get3A_89] {strides = array<i32>} : memref<20160xi32, #tpu.memory_space<vmem>>, vector<16xi32>,
      %get3A_91 = vector.shape_cast %get3A_90 : vector<16xi32> to vector<16xi32>
      %swap3A_92 = arith.constant 0 : index
      %swap3A_93 = tpu.vector_load %arg11[%swap3A_92] {strides = array<i32>} : memref<80xi32, #tpu.memory_space<vmem>>, vector<16xi32>,
      %swap3A_94 = vector.shape_cast %swap3A_93 : vector<16xi32> to vector<16xi32>
      %swap3A_95 = vector.shape_cast %get3A_91 : vector<16xi32> to vector<16xi32>
      tpu.vector_store %arg11[%swap3A_92], %swap3A_95 {strides = array<i32>} : memref<80xi32, #tpu.memory_space<vmem>>, vector<16xi32>,
      %add3A_96 = arith.constant 16 : i32
      %add3A_97 = arith.addi %mul3A_67, %add3A_96 : i32
      %get3A_98 = arith.index_cast %add3A_97 : i32 to index
      %get3A_99 = tpu.vector_load %arg8[%get3A_98] {strides = array<i32>} : memref<20160xi32, #tpu.memory_space<vmem>>, vector<16xi32>,
      %get3A_100 = vector.shape_cast %get3A_99 : vector<16xi32> to vector<16xi32>
      %swap3A_101 = arith.constant 16 : index
      %swap3A_102 = tpu.vector_load %arg10[%swap3A_101] {strides = array<i32>} : memref<80xi32, #tpu.memory_space<vmem>>, vector<16xi32>,
      %swap3A_103 = vector.shape_cast %swap3A_102 : vector<16xi32> to vector<16xi32>
      %swap3A_104 = vector.shape_cast %get3A_100 : vector<16xi32> to vector<16xi32>
      tpu.vector_store %arg10[%swap3A_101], %swap3A_104 {strides = array<i32>} : memref<80xi32, #tpu.memory_space<vmem>>, vector<16xi32>,
      %add3A_105 = arith.constant 80 : i32
      %add3A_106 = arith.addi %mul3A_67, %add3A_105 : i32
      %add3A_107 = arith.constant 16 : i32
      %add3A_108 = arith.addi %add3A_106, %add3A_107 : i32
      %get3A_109 = arith.index_cast %add3A_108 : i32 to index
      %get3A_110 = tpu.vector_load %arg8[%get3A_109] {strides = array<i32>} : memref<20160xi32, #tpu.memory_space<vmem>>, vector<16xi32>,
      %get3A_111 = vector.shape_cast %get3A_110 : vector<16xi32> to vector<16xi32>
      %swap3A_112 = arith.constant 16 : index
      %swap3A_113 = tpu.vector_load %arg11[%swap3A_112] {strides = array<i32>} : memref<80xi32, #tpu.memory_space<vmem>>, vector<16xi32>,
      %swap3A_114 = vector.shape_cast %swap3A_113 : vector<16xi32> to vector<16xi32>
      %swap3A_115 = vector.shape_cast %get3A_111 : vector<16xi32> to vector<16xi32>
      tpu.vector_store %arg11[%swap3A_112], %swap3A_115 {strides = array<i32>} : memref<80xi32, #tpu.memory_space<vmem>>, vector<16xi32>,
      %add3A_116 = arith.constant 32 : i32
      %add3A_117 = arith.addi %mul3A_67, %add3A_116 : i32
      %get3A_118 = arith.index_cast %add3A_117 : i32 to index
      %get3A_119 = tpu.vector_load %arg8[%get3A_118] {strides = array<i32>} : memref<20160xi32, #tpu.memory_space<vmem>>, vector<16xi32>,
      %get3A_120 = vector.shape_cast %get3A_119 : vector<16xi32> to vector<16xi32>
      %swap3A_121 = arith.constant 32 : index
      %swap3A_122 = tpu.vector_load %arg10[%swap3A_121] {strides = array<i32>} : memref<80xi32, #tpu.memory_space<vmem>>, vector<16xi32>,
      %swap3A_123 = vector.shape_cast %swap3A_122 : vector<16xi32> to vector<16xi32>
      %swap3A_124 = vector.shape_cast %get3A_120 : vector<16xi32> to vector<16xi32>
      tpu.vector_store %arg10[%swap3A_121], %swap3A_124 {strides = array<i32>} : memref<80xi32, #tpu.memory_space<vmem>>, vector<16xi32>,
      %add3A_125 = arith.constant 80 : i32
      %add3A_126 = arith.addi %mul3A_67, %add3A_125 : i32
      %add3A_127 = arith.constant 32 : i32
      %add3A_128 = arith.addi %add3A_126, %add3A_127 : i32
      %get3A_129 = arith.index_cast %add3A_128 : i32 to index
      %get3A_130 = tpu.vector_load %arg8[%get3A_129] {strides = array<i32>} : memref<20160xi32, #tpu.memory_space<vmem>>, vector<16xi32>,
      %get3A_131 = vector.shape_cast %get3A_130 : vector<16xi32> to vector<16xi32>
      %swap3A_132 = arith.constant 32 : index
      %swap3A_133 = tpu.vector_load %arg11[%swap3A_132] {strides = array<i32>} : memref<80xi32, #tpu.memory_space<vmem>>, vector<16xi32>,
      %swap3A_134 = vector.shape_cast %swap3A_133 : vector<16xi32> to vector<16xi32>
      %swap3A_135 = vector.shape_cast %get3A_131 : vector<16xi32> to vector<16xi32>
      tpu.vector_store %arg11[%swap3A_132], %swap3A_135 {strides = array<i32>} : memref<80xi32, #tpu.memory_space<vmem>>, vector<16xi32>,
      %add3A_136 = arith.constant 48 : i32
      %add3A_137 = arith.addi %mul3A_67, %add3A_136 : i32
      %get3A_138 = arith.index_cast %add3A_137 : i32 to index
      %get3A_139 = tpu.vector_load %arg8[%get3A_138] {strides = array<i32>} : memref<20160xi32, #tpu.memory_space<vmem>>, vector<16xi32>,
      %get3A_140 = vector.shape_cast %get3A_139 : vector<16xi32> to vector<16xi32>
      %swap3A_141 = arith.constant 48 : index
      %swap3A_142 = tpu.vector_load %arg10[%swap3A_141] {strides = array<i32>} : memref<80xi32, #tpu.memory_space<vmem>>, vector<16xi32>,
      %swap3A_143 = vector.shape_cast %swap3A_142 : vector<16xi32> to vector<16xi32>
      %swap3A_144 = vector.shape_cast %get3A_140 : vector<16xi32> to vector<16xi32>
      tpu.vector_store %arg10[%swap3A_141], %swap3A_144 {strides = array<i32>} : memref<80xi32, #tpu.memory_space<vmem>>, vector<16xi32>,
      %add3A_145 = arith.constant 80 : i32
      %add3A_146 = arith.addi %mul3A_67, %add3A_145 : i32
      %add3A_147 = arith.constant 48 : i32
      %add3A_148 = arith.addi %add3A_146, %add3A_147 : i32
      %get3A_149 = arith.index_cast %add3A_148 : i32 to index
      %get3A_150 = tpu.vector_load %arg8[%get3A_149] {strides = array<i32>} : memref<20160xi32, #tpu.memory_space<vmem>>, vector<16xi32>,
      %get3A_151 = vector.shape_cast %get3A_150 : vector<16xi32> to vector<16xi32>
      %swap3A_152 = arith.constant 48 : index
      %swap3A_153 = tpu.vector_load %arg11[%swap3A_152] {strides = array<i32>} : memref<80xi32, #tpu.memory_space<vmem>>, vector<16xi32>,
      %swap3A_154 = vector.shape_cast %swap3A_153 : vector<16xi32> to vector<16xi32>
      %swap3A_155 = vector.shape_cast %get3A_151 : vector<16xi32> to vector<16xi32>
      tpu.vector_store %arg11[%swap3A_152], %swap3A_155 {strides = array<i32>} : memref<80xi32, #tpu.memory_space<vmem>>, vector<16xi32>,
      %add3A_156 = arith.constant 64 : i32
      %add3A_157 = arith.addi %mul3A_67, %add3A_156 : i32
      %get3A_158 = arith.index_cast %add3A_157 : i32 to index
      %get3A_159 = tpu.vector_load %arg8[%get3A_158] {strides = array<i32>} : memref<20160xi32, #tpu.memory_space<vmem>>, vector<16xi32>,
      %get3A_160 = vector.shape_cast %get3A_159 : vector<16xi32> to vector<16xi32>
      %swap3A_161 = arith.constant 64 : index
      %swap3A_162 = tpu.vector_load %arg10[%swap3A_161] {strides = array<i32>} : memref<80xi32, #tpu.memory_space<vmem>>, vector<16xi32>,
      %swap3A_163 = vector.shape_cast %swap3A_162 : vector<16xi32> to vector<16xi32>
      %swap3A_164 = vector.shape_cast %get3A_160 : vector<16xi32> to vector<16xi32>
      tpu.vector_store %arg10[%swap3A_161], %swap3A_164 {strides = array<i32>} : memref<80xi32, #tpu.memory_space<vmem>>, vector<16xi32>,
      %add3A_165 = arith.constant 80 : i32
      %add3A_166 = arith.addi %mul3A_67, %add3A_165 : i32
      %add3A_167 = arith.constant 64 : i32
      %add3A_168 = arith.addi %add3A_166, %add3A_167 : i32
      %get3A_169 = arith.index_cast %add3A_168 : i32 to index
      %get3A_170 = tpu.vector_load %arg8[%get3A_169] {strides = array<i32>} : memref<20160xi32, #tpu.memory_space<vmem>>, vector<16xi32>,
      %get3A_171 = vector.shape_cast %get3A_170 : vector<16xi32> to vector<16xi32>
      %swap3A_172 = arith.constant 64 : index
      %swap3A_173 = tpu.vector_load %arg11[%swap3A_172] {strides = array<i32>} : memref<80xi32, #tpu.memory_space<vmem>>, vector<16xi32>,
      %swap3A_174 = vector.shape_cast %swap3A_173 : vector<16xi32> to vector<16xi32>
      %swap3A_175 = vector.shape_cast %get3A_171 : vector<16xi32> to vector<16xi32>
      tpu.vector_store %arg11[%swap3A_172], %swap3A_175 {strides = array<i32>} : memref<80xi32, #tpu.memory_space<vmem>>, vector<16xi32>,
      %dma_wait3A = tpu.memref_slice %arg7[%mul3A_67] : memref<20160xi32, #tpu.memory_space<vmem>> -> memref<80xi32, #tpu.memory_space<vmem>>
      %dma_wait3A_176 = arith.constant 0 : i32
      %dma_wait3A_177 = arith.constant 0 : i32
      %dma_wait3A_178 = tpu.memref_slice %arg5[%dma_wait3A_176, %dma_wait3A_177] : memref<10240x128xf32, #tpu.memory_space<hbm>> -> memref<10240x128xf32, #tpu.memory_space<hbm>>
      tpu.wait_indirect_dma semaphore(%arg19 : memref<!tpu.dma_semaphore, #tpu.memory_space<semaphore_mem>>) src(%dma_wait3A_178 : memref<10240x128xf32, #tpu.memory_space<hbm>>) dst(%arg14 : memref<80x128xf32, #tpu.memory_space<vmem>>)
      "tpu.region"() ({
        %run_scoped3A = tpu.sem_alloc : memref<!tpu.dma_semaphore, #tpu.memory_space<semaphore_mem>>
        %dma_start3A_183 = arith.constant 0 : i32
        %dma_start3A_184 = arith.constant 0 : i32
        %dma_start3A_185 = tpu.memref_slice %arg18[%dma_start3A_183, %dma_start3A_184] : memref<5248x128xf32, #tpu.memory_space<vmem_shared>> -> memref<5248x128xf32, #tpu.memory_space<vmem_shared>>
        tpu.enqueue_indirect_dma source(%arg14 : memref<80x128xf32, #tpu.memory_space<vmem>>) target(%dma_start3A_185 : memref<5248x128xf32, #tpu.memory_space<vmem_shared>>) offsets(%arg10 : memref<80xi32, #tpu.memory_space<vmem>>) semaphore(%run_scoped3A : memref<!tpu.dma_semaphore, #tpu.memory_space<semaphore_mem>>) {add = true}
        %dma_wait3A_186 = arith.constant 0 : i32
        %dma_wait3A_187 = arith.constant 0 : i32
        %dma_wait3A_188 = tpu.memref_slice %arg18[%dma_wait3A_186, %dma_wait3A_187] : memref<5248x128xf32, #tpu.memory_space<vmem_shared>> -> memref<5248x128xf32, #tpu.memory_space<vmem_shared>>
        tpu.wait_indirect_dma semaphore(%run_scoped3A : memref<!tpu.dma_semaphore, #tpu.memory_space<semaphore_mem>>) src(%arg14 : memref<80x128xf32, #tpu.memory_space<vmem>>) dst(%dma_wait3A_188 : memref<5248x128xf32, #tpu.memory_space<vmem_shared>>)
        tpu.yield
      }) : () -> ()
      %dma_wait3A_179 = tpu.memref_slice %arg7[%add3A_72] : memref<20160xi32, #tpu.memory_space<vmem>> -> memref<80xi32, #tpu.memory_space<vmem>>
      %dma_wait3A_180 = arith.constant 0 : i32
      %dma_wait3A_181 = arith.constant 0 : i32
      %dma_wait3A_182 = tpu.memref_slice %arg5[%dma_wait3A_180, %dma_wait3A_181] : memref<10240x128xf32, #tpu.memory_space<hbm>> -> memref<10240x128xf32, #tpu.memory_space<hbm>>
      tpu.wait_indirect_dma semaphore(%arg20 : memref<!tpu.dma_semaphore, #tpu.memory_space<semaphore_mem>>) src(%dma_wait3A_182 : memref<10240x128xf32, #tpu.memory_space<hbm>>) dst(%arg15 : memref<80x128xf32, #tpu.memory_space<vmem>>)
      "tpu.region"() ({
        %run_scoped3A = tpu.sem_alloc : memref<!tpu.dma_semaphore, #tpu.memory_space<semaphore_mem>>
        %dma_start3A_183 = arith.constant 0 : i32
        %dma_start3A_184 = arith.constant 0 : i32
        %dma_start3A_185 = tpu.memref_slice %arg18[%dma_start3A_183, %dma_start3A_184] : memref<5248x128xf32, #tpu.memory_space<vmem_shared>> -> memref<5248x128xf32, #tpu.memory_space<vmem_shared>>
        tpu.enqueue_indirect_dma source(%arg15 : memref<80x128xf32, #tpu.memory_space<vmem>>) target(%dma_start3A_185 : memref<5248x128xf32, #tpu.memory_space<vmem_shared>>) offsets(%arg11 : memref<80xi32, #tpu.memory_space<vmem>>) semaphore(%run_scoped3A : memref<!tpu.dma_semaphore, #tpu.memory_space<semaphore_mem>>) {add = true}
        %dma_wait3A_186 = arith.constant 0 : i32
        %dma_wait3A_187 = arith.constant 0 : i32
        %dma_wait3A_188 = tpu.memref_slice %arg18[%dma_wait3A_186, %dma_wait3A_187] : memref<5248x128xf32, #tpu.memory_space<vmem_shared>> -> memref<5248x128xf32, #tpu.memory_space<vmem_shared>>
        tpu.wait_indirect_dma semaphore(%run_scoped3A : memref<!tpu.dma_semaphore, #tpu.memory_space<semaphore_mem>>) src(%arg15 : memref<80x128xf32, #tpu.memory_space<vmem>>) dst(%dma_wait3A_188 : memref<5248x128xf32, #tpu.memory_space<vmem_shared>>)
        tpu.yield
      }) : () -> ()
    } else {
    }
    %barrier3A_56 = arith.constant 0 : index
    tpu.barrier barrier_id(%barrier3A_56)
    %mul3A_57 = arith.constant 320 : i32
    %mul3A_58 = arith.muli %arg1, %mul3A_57 : i32
    %mul3A_59 = arith.constant 5120 : i32
    %mul3A_60 = arith.muli %arg0, %mul3A_59 : i32
    %mul3A_61 = arith.constant 320 : i32
    %mul3A_62 = arith.muli %arg1, %mul3A_61 : i32
    %add3A_63 = arith.addi %mul3A_60, %mul3A_62 : i32
    "tpu.region"() ({
      %run_scoped3A = tpu.sem_alloc : memref<!tpu.dma_semaphore, #tpu.memory_space<semaphore_mem>>
      %dma_start3A = arith.constant 0 : i32
      %dma_start3A_64 = tpu.memref_slice %arg6[%add3A_63, %dma_start3A] : memref<10240x128xf32, #tpu.memory_space<hbm>> -> memref<320x128xf32, #tpu.memory_space<hbm>>
      %dma_start3A_65 = arith.constant 0 : i32
      %dma_start3A_66 = tpu.memref_slice %arg18[%mul3A_58, %dma_start3A_65] : memref<5248x128xf32, #tpu.memory_space<vmem_shared>> -> memref<320x128xf32, #tpu.memory_space<vmem_shared>>
      tpu.enqueue_dma source(%dma_start3A_66 : memref<320x128xf32, #tpu.memory_space<vmem_shared>>) target(%dma_start3A_64 : memref<320x128xf32, #tpu.memory_space<hbm>>) target_semaphore(%run_scoped3A : memref<!tpu.dma_semaphore, #tpu.memory_space<semaphore_mem>>)
      %dma_wait3A = arith.constant 0 : i32
      %dma_wait3A_67 = tpu.memref_slice %arg6[%add3A_63, %dma_wait3A] : memref<10240x128xf32, #tpu.memory_space<hbm>> -> memref<320x128xf32, #tpu.memory_space<hbm>>
      %dma_wait3A_68 = arith.constant 0 : i32
      %dma_wait3A_69 = tpu.memref_slice %arg18[%mul3A_58, %dma_wait3A_68] : memref<5248x128xf32, #tpu.memory_space<vmem_shared>> -> memref<320x128xf32, #tpu.memory_space<vmem_shared>>
      tpu.wait_dma2 semaphore(%run_scoped3A : memref<!tpu.dma_semaphore, #tpu.memory_space<semaphore_mem>>) src(%dma_wait3A_69 : memref<320x128xf32, #tpu.memory_space<vmem_shared>>) dst(%dma_wait3A_67 : memref<320x128xf32, #tpu.memory_space<hbm>>)
      tpu.yield
    }) : () -> ()
    return
  }
}

#map = affine_map<(d0, d1) -> (0, 0, 0, 0)>
#map1 = affine_map<(d0, d1) -> (0, 0)>
module attributes {stable_mosaic.version = 14 : i64} {
  func.func @k(%arg0: i32, %arg1: i32, %arg2: memref<2x16x125x80xi32, #tpu.memory_space<hbm>>, %arg3: memref<2x10240xf32, #tpu.memory_space<hbm>>, %arg4: memref<125x80xi32, #tpu.memory_space<vmem>>, %arg5: memref<80xf32, #tpu.memory_space<vmem>>, %arg6: memref<640xf32, #tpu.memory_space<vmem>>, %arg7: memref<10240xf32, #tpu.memory_space<vmem_shared>>) attributes {dimension_semantics = [#tpu.dimension_semantics<core_parallel>, #tpu.dimension_semantics<subcore_parallel>], iteration_bounds = array<i64: 2, 16>, scalar_prefetch = 0 : i64, scratch_operands = 4 : i64, tpu.core_type = #tpu.core_type<sc_vector_subcore>, window_params = [{transform_indices = #map}, {transform_indices = #map1}]} {
    %broadcast_in_dim3A = arith.constant 0.000000e+00 : f32
    %broadcast_in_dim3A_0 = vector.broadcast %broadcast_in_dim3A : f32 to vector<16xf32>
    %broadcast_in_dim3A_1 = arith.constant 1.000000e+00 : f32
    %broadcast_in_dim3A_2 = vector.broadcast %broadcast_in_dim3A_1 : f32 to vector<16xf32>
    %scan3A = arith.constant 0 : i32
    %scan3A_3 = arith.constant 40 : i32
    %scan3A_4 = arith.addi %scan3A, %scan3A_3 : i32
    %scan3A_5 = arith.constant 1 : i32
    scf.for %scan3A_37 = %scan3A to %scan3A_4 step %scan3A_5  : i32 {
      %mul3A_38 = arith.constant 16 : i32
      %mul3A_39 = arith.muli %scan3A_37, %mul3A_38 : i32
      %swap3A_40 = arith.index_cast %mul3A_39 : i32 to index
      %swap3A_41 = tpu.vector_load %arg6[%swap3A_40] {strides = array<i32>} : memref<640xf32, #tpu.memory_space<vmem>>, vector<16xf32>,
      %swap3A_42 = vector.shape_cast %swap3A_41 : vector<16xf32> to vector<16xf32>
      %swap3A_43 = vector.shape_cast %broadcast_in_dim3A_0 : vector<16xf32> to vector<16xf32>
      tpu.vector_store %arg6[%swap3A_40], %swap3A_43 {strides = array<i32>} : memref<640xf32, #tpu.memory_space<vmem>>, vector<16xf32>,
    }
    %scan3A_6 = arith.constant 40 : i32
    %swap3A = arith.constant 0 : index
    %swap3A_7 = tpu.vector_load %arg5[%swap3A] {strides = array<i32>} : memref<80xf32, #tpu.memory_space<vmem>>, vector<16xf32>,
    %swap3A_8 = vector.shape_cast %swap3A_7 : vector<16xf32> to vector<16xf32>
    %swap3A_9 = vector.shape_cast %broadcast_in_dim3A_2 : vector<16xf32> to vector<16xf32>
    tpu.vector_store %arg5[%swap3A], %swap3A_9 {strides = array<i32>} : memref<80xf32, #tpu.memory_space<vmem>>, vector<16xf32>,
    %swap3A_10 = arith.constant 16 : index
    %swap3A_11 = tpu.vector_load %arg5[%swap3A_10] {strides = array<i32>} : memref<80xf32, #tpu.memory_space<vmem>>, vector<16xf32>,
    %swap3A_12 = vector.shape_cast %swap3A_11 : vector<16xf32> to vector<16xf32>
    %swap3A_13 = vector.shape_cast %broadcast_in_dim3A_2 : vector<16xf32> to vector<16xf32>
    tpu.vector_store %arg5[%swap3A_10], %swap3A_13 {strides = array<i32>} : memref<80xf32, #tpu.memory_space<vmem>>, vector<16xf32>,
    %swap3A_14 = arith.constant 32 : index
    %swap3A_15 = tpu.vector_load %arg5[%swap3A_14] {strides = array<i32>} : memref<80xf32, #tpu.memory_space<vmem>>, vector<16xf32>,
    %swap3A_16 = vector.shape_cast %swap3A_15 : vector<16xf32> to vector<16xf32>
    %swap3A_17 = vector.shape_cast %broadcast_in_dim3A_2 : vector<16xf32> to vector<16xf32>
    tpu.vector_store %arg5[%swap3A_14], %swap3A_17 {strides = array<i32>} : memref<80xf32, #tpu.memory_space<vmem>>, vector<16xf32>,
    %swap3A_18 = arith.constant 48 : index
    %swap3A_19 = tpu.vector_load %arg5[%swap3A_18] {strides = array<i32>} : memref<80xf32, #tpu.memory_space<vmem>>, vector<16xf32>,
    %swap3A_20 = vector.shape_cast %swap3A_19 : vector<16xf32> to vector<16xf32>
    %swap3A_21 = vector.shape_cast %broadcast_in_dim3A_2 : vector<16xf32> to vector<16xf32>
    tpu.vector_store %arg5[%swap3A_18], %swap3A_21 {strides = array<i32>} : memref<80xf32, #tpu.memory_space<vmem>>, vector<16xf32>,
    %swap3A_22 = arith.constant 64 : index
    %swap3A_23 = tpu.vector_load %arg5[%swap3A_22] {strides = array<i32>} : memref<80xf32, #tpu.memory_space<vmem>>, vector<16xf32>,
    %swap3A_24 = vector.shape_cast %swap3A_23 : vector<16xf32> to vector<16xf32>
    %swap3A_25 = vector.shape_cast %broadcast_in_dim3A_2 : vector<16xf32> to vector<16xf32>
    tpu.vector_store %arg5[%swap3A_22], %swap3A_25 {strides = array<i32>} : memref<80xf32, #tpu.memory_space<vmem>>, vector<16xf32>,
    %mul3A = arith.constant 640 : i32
    %mul3A_26 = arith.muli %arg1, %mul3A : i32
    "tpu.region"() ({
      %run_scoped3A = tpu.sem_alloc : memref<!tpu.dma_semaphore, #tpu.memory_space<semaphore_mem>>
      %dma_start3A = tpu.memref_slice %arg7[%mul3A_26] : memref<10240xf32, #tpu.memory_space<vmem_shared>> -> memref<640xf32, #tpu.memory_space<vmem_shared>>
      %dma_start3A_37 = tpu.memref_slice %arg7[%mul3A_26] : memref<10240xf32, #tpu.memory_space<vmem_shared>> -> memref<640xf32, #tpu.memory_space<vmem_shared>>
      tpu.enqueue_dma source(%arg6 : memref<640xf32, #tpu.memory_space<vmem>>) target(%dma_start3A_37 : memref<640xf32, #tpu.memory_space<vmem_shared>>) target_semaphore(%run_scoped3A : memref<!tpu.dma_semaphore, #tpu.memory_space<semaphore_mem>>)
      %dma_wait3A = tpu.memref_slice %arg7[%mul3A_26] : memref<10240xf32, #tpu.memory_space<vmem_shared>> -> memref<640xf32, #tpu.memory_space<vmem_shared>>
      %dma_wait3A_38 = tpu.memref_slice %arg7[%mul3A_26] : memref<10240xf32, #tpu.memory_space<vmem_shared>> -> memref<640xf32, #tpu.memory_space<vmem_shared>>
      tpu.wait_dma2 semaphore(%run_scoped3A : memref<!tpu.dma_semaphore, #tpu.memory_space<semaphore_mem>>) src(%arg6 : memref<640xf32, #tpu.memory_space<vmem>>) dst(%dma_wait3A_38 : memref<640xf32, #tpu.memory_space<vmem_shared>>)
      tpu.yield
    }) : () -> ()
    "tpu.region"() ({
      %run_scoped3A = tpu.sem_alloc : memref<!tpu.dma_semaphore, #tpu.memory_space<semaphore_mem>>
      %dma_start3A = arith.constant 0 : i32
      %dma_start3A_37 = arith.constant 0 : i32
      %dma_start3A_38 = tpu.memref_slice %arg2[%arg0, %arg1, %dma_start3A, %dma_start3A_37] : memref<2x16x125x80xi32, #tpu.memory_space<hbm>> -> memref<1x1x125x80xi32, #tpu.memory_space<hbm>>
      %dma_start3A_39 = tpu.memref_squeeze %dma_start3A_38 : memref<1x1x125x80xi32, #tpu.memory_space<hbm>> -> memref<125x80xi32, #tpu.memory_space<hbm>>
      %dma_start3A_40 = arith.constant 0 : i32
      %dma_start3A_41 = arith.constant 0 : i32
      %dma_start3A_42 = tpu.memref_slice %arg2[%arg0, %arg1, %dma_start3A_40, %dma_start3A_41] : memref<2x16x125x80xi32, #tpu.memory_space<hbm>> -> memref<1x1x125x80xi32, #tpu.memory_space<hbm>>
      %dma_start3A_43 = tpu.memref_squeeze %dma_start3A_42 : memref<1x1x125x80xi32, #tpu.memory_space<hbm>> -> memref<125x80xi32, #tpu.memory_space<hbm>>
      tpu.enqueue_dma source(%dma_start3A_43 : memref<125x80xi32, #tpu.memory_space<hbm>>) target(%arg4 : memref<125x80xi32, #tpu.memory_space<vmem>>) target_semaphore(%run_scoped3A : memref<!tpu.dma_semaphore, #tpu.memory_space<semaphore_mem>>)
      %dma_wait3A = arith.constant 0 : i32
      %dma_wait3A_44 = arith.constant 0 : i32
      %dma_wait3A_45 = tpu.memref_slice %arg2[%arg0, %arg1, %dma_wait3A, %dma_wait3A_44] : memref<2x16x125x80xi32, #tpu.memory_space<hbm>> -> memref<1x1x125x80xi32, #tpu.memory_space<hbm>>
      %dma_wait3A_46 = tpu.memref_squeeze %dma_wait3A_45 : memref<1x1x125x80xi32, #tpu.memory_space<hbm>> -> memref<125x80xi32, #tpu.memory_space<hbm>>
      %dma_wait3A_47 = arith.constant 0 : i32
      %dma_wait3A_48 = arith.constant 0 : i32
      %dma_wait3A_49 = tpu.memref_slice %arg2[%arg0, %arg1, %dma_wait3A_47, %dma_wait3A_48] : memref<2x16x125x80xi32, #tpu.memory_space<hbm>> -> memref<1x1x125x80xi32, #tpu.memory_space<hbm>>
      %dma_wait3A_50 = tpu.memref_squeeze %dma_wait3A_49 : memref<1x1x125x80xi32, #tpu.memory_space<hbm>> -> memref<125x80xi32, #tpu.memory_space<hbm>>
      tpu.wait_dma2 semaphore(%run_scoped3A : memref<!tpu.dma_semaphore, #tpu.memory_space<semaphore_mem>>) src(%dma_wait3A_50 : memref<125x80xi32, #tpu.memory_space<hbm>>) dst(%arg4 : memref<125x80xi32, #tpu.memory_space<vmem>>)
      tpu.yield
    }) : () -> ()
    %barrier3A = arith.constant 0 : index
    tpu.barrier barrier_id(%barrier3A)
    %scan3A_27 = arith.constant 0 : i32
    %scan3A_28 = arith.constant 125 : i32
    %scan3A_29 = arith.addi %scan3A_27, %scan3A_28 : i32
    %scan3A_30 = arith.constant 1 : i32
    scf.for %scan3A_37 = %scan3A_27 to %scan3A_29 step %scan3A_30  : i32 {
      "tpu.region"() ({
        %run_scoped3A = tpu.sem_alloc : memref<!tpu.dma_semaphore, #tpu.memory_space<semaphore_mem>>
        %dma_start3A = arith.constant 0 : i32
        %dma_start3A_38 = tpu.memref_slice %arg4[%scan3A_37, %dma_start3A] : memref<125x80xi32, #tpu.memory_space<vmem>> -> memref<1x80xi32, #tpu.memory_space<vmem>>
        %dma_start3A_39 = tpu.memref_squeeze %dma_start3A_38 : memref<1x80xi32, #tpu.memory_space<vmem>> -> memref<80xi32, #tpu.memory_space<vmem>>
        %dma_start3A_40 = arith.constant 0 : i32
        %dma_start3A_41 = tpu.memref_slice %arg7[%dma_start3A_40] : memref<10240xf32, #tpu.memory_space<vmem_shared>> -> memref<10240xf32, #tpu.memory_space<vmem_shared>>
        tpu.enqueue_indirect_dma source(%arg5 : memref<80xf32, #tpu.memory_space<vmem>>) target(%dma_start3A_41 : memref<10240xf32, #tpu.memory_space<vmem_shared>>) offsets(%dma_start3A_39 : memref<80xi32, #tpu.memory_space<vmem>>) semaphore(%run_scoped3A : memref<!tpu.dma_semaphore, #tpu.memory_space<semaphore_mem>>) {add = true}
        %dma_wait3A = arith.constant 0 : i32
        %dma_wait3A_42 = tpu.memref_slice %arg4[%scan3A_37, %dma_wait3A] : memref<125x80xi32, #tpu.memory_space<vmem>> -> memref<1x80xi32, #tpu.memory_space<vmem>>
        %dma_wait3A_43 = tpu.memref_squeeze %dma_wait3A_42 : memref<1x80xi32, #tpu.memory_space<vmem>> -> memref<80xi32, #tpu.memory_space<vmem>>
        %dma_wait3A_44 = arith.constant 0 : i32
        %dma_wait3A_45 = tpu.memref_slice %arg7[%dma_wait3A_44] : memref<10240xf32, #tpu.memory_space<vmem_shared>> -> memref<10240xf32, #tpu.memory_space<vmem_shared>>
        tpu.wait_indirect_dma semaphore(%run_scoped3A : memref<!tpu.dma_semaphore, #tpu.memory_space<semaphore_mem>>) src(%arg5 : memref<80xf32, #tpu.memory_space<vmem>>) dst(%dma_wait3A_45 : memref<10240xf32, #tpu.memory_space<vmem_shared>>)
        tpu.yield
      }) : () -> ()
    }
    %scan3A_31 = arith.constant 125 : i32
    %barrier3A_32 = arith.constant 0 : index
    tpu.barrier barrier_id(%barrier3A_32)
    %mul3A_33 = arith.constant 640 : i32
    %mul3A_34 = arith.muli %arg1, %mul3A_33 : i32
    %mul3A_35 = arith.constant 640 : i32
    %mul3A_36 = arith.muli %arg1, %mul3A_35 : i32
    "tpu.region"() ({
      %run_scoped3A = tpu.sem_alloc : memref<!tpu.dma_semaphore, #tpu.memory_space<semaphore_mem>>
      %dma_start3A = tpu.memref_slice %arg3[%arg0, %mul3A_36] : memref<2x10240xf32, #tpu.memory_space<hbm>> -> memref<1x640xf32, #tpu.memory_space<hbm>>
      %dma_start3A_37 = tpu.memref_squeeze %dma_start3A : memref<1x640xf32, #tpu.memory_space<hbm>> -> memref<640xf32, #tpu.memory_space<hbm>>
      %dma_start3A_38 = tpu.memref_slice %arg7[%mul3A_34] : memref<10240xf32, #tpu.memory_space<vmem_shared>> -> memref<640xf32, #tpu.memory_space<vmem_shared>>
      tpu.enqueue_dma source(%dma_start3A_38 : memref<640xf32, #tpu.memory_space<vmem_shared>>) target(%dma_start3A_37 : memref<640xf32, #tpu.memory_space<hbm>>) target_semaphore(%run_scoped3A : memref<!tpu.dma_semaphore, #tpu.memory_space<semaphore_mem>>)
      %dma_wait3A = tpu.memref_slice %arg3[%arg0, %mul3A_36] : memref<2x10240xf32, #tpu.memory_space<hbm>> -> memref<1x640xf32, #tpu.memory_space<hbm>>
      %dma_wait3A_39 = tpu.memref_squeeze %dma_wait3A : memref<1x640xf32, #tpu.memory_space<hbm>> -> memref<640xf32, #tpu.memory_space<hbm>>
      %dma_wait3A_40 = tpu.memref_slice %arg7[%mul3A_34] : memref<10240xf32, #tpu.memory_space<vmem_shared>> -> memref<640xf32, #tpu.memory_space<vmem_shared>>
      tpu.wait_dma2 semaphore(%run_scoped3A : memref<!tpu.dma_semaphore, #tpu.memory_space<semaphore_mem>>) src(%dma_wait3A_40 : memref<640xf32, #tpu.memory_space<vmem_shared>>) dst(%dma_wait3A_39 : memref<640xf32, #tpu.memory_space<hbm>>)
      tpu.yield
    }) : () -> ()
    return
  }
}

#map = affine_map<(d0, d1) -> (0, 0, 0, 0)>
#map1 = affine_map<(d0, d1) -> (0, 0, 0)>
module attributes {stable_mosaic.version = 14 : i64} {
  func.func @k(%arg0: i32, %arg1: i32, %arg2: memref<16x10x125x16xi32, #tpu.memory_space<hbm>>, %arg3: memref<16x10x125x16xi32, #tpu.memory_space<hbm>>, %arg4: memref<2x16x20160xi32, #tpu.memory_space<hbm>>, %arg5: memref<2x16x20160xi32, #tpu.memory_space<hbm>>, %arg6: memref<2x16x16xi32, #tpu.memory_space<hbm>>, %arg7: memref<125x16xi32, #tpu.memory_space<vmem>>, %arg8: memref<125x16xi32, #tpu.memory_space<vmem>>, %arg9: memref<125x16xi32, #tpu.memory_space<vmem>>, %arg10: memref<125x16xi32, #tpu.memory_space<vmem>>, %arg11: memref<20160xi32, #tpu.memory_space<vmem>>, %arg12: memref<20160xi32, #tpu.memory_space<vmem>>, %arg13: memref<16xi32, #tpu.memory_space<vmem>>, %arg14: memref<!tpu.dma_semaphore, #tpu.memory_space<semaphore_mem>>, %arg15: memref<!tpu.dma_semaphore, #tpu.memory_space<semaphore_mem>>) attributes {dimension_semantics = [#tpu.dimension_semantics<core_parallel>, #tpu.dimension_semantics<subcore_parallel>], iteration_bounds = array<i64: 2, 16>, scalar_prefetch = 0 : i64, scratch_operands = 9 : i64, tpu.core_type = #tpu.core_type<sc_vector_subcore>, window_params = [{transform_indices = #map}, {transform_indices = #map}, {transform_indices = #map1}, {transform_indices = #map1}, {transform_indices = #map1}]} {
    %iota3A = tpu.iota {dimensions = array<i32: 0>} : vector<16xi32>
    %mul3A = arith.constant 5120 : i32
    %mul3A_0 = arith.muli %arg0, %mul3A : i32
    %dma_start3A = arith.constant 0 : i32
    %dma_start3A_1 = arith.constant 0 : i32
    %dma_start3A_2 = arith.constant 0 : i32
    %dma_start3A_3 = tpu.memref_slice %arg2[%arg1, %dma_start3A, %dma_start3A_1, %dma_start3A_2] : memref<16x10x125x16xi32, #tpu.memory_space<hbm>> -> memref<1x1x125x16xi32, #tpu.memory_space<hbm>>
    %dma_start3A_4 = tpu.memref_squeeze %dma_start3A_3 : memref<1x1x125x16xi32, #tpu.memory_space<hbm>> -> memref<125x16xi32, #tpu.memory_space<hbm>>
    %dma_start3A_5 = arith.constant 0 : i32
    %dma_start3A_6 = arith.constant 0 : i32
    %dma_start3A_7 = tpu.memref_slice %arg2[%arg1, %dma_start3A, %dma_start3A_5, %dma_start3A_6] : memref<16x10x125x16xi32, #tpu.memory_space<hbm>> -> memref<1x1x125x16xi32, #tpu.memory_space<hbm>>
    %dma_start3A_8 = tpu.memref_squeeze %dma_start3A_7 : memref<1x1x125x16xi32, #tpu.memory_space<hbm>> -> memref<125x16xi32, #tpu.memory_space<hbm>>
    tpu.enqueue_dma source(%dma_start3A_8 : memref<125x16xi32, #tpu.memory_space<hbm>>) target(%arg7 : memref<125x16xi32, #tpu.memory_space<vmem>>) target_semaphore(%arg14 : memref<!tpu.dma_semaphore, #tpu.memory_space<semaphore_mem>>)
    %dma_start3A_9 = arith.constant 0 : i32
    %dma_start3A_10 = arith.constant 0 : i32
    %dma_start3A_11 = arith.constant 0 : i32
    %dma_start3A_12 = tpu.memref_slice %arg3[%arg1, %dma_start3A_9, %dma_start3A_10, %dma_start3A_11] : memref<16x10x125x16xi32, #tpu.memory_space<hbm>> -> memref<1x1x125x16xi32, #tpu.memory_space<hbm>>
    %dma_start3A_13 = tpu.memref_squeeze %dma_start3A_12 : memref<1x1x125x16xi32, #tpu.memory_space<hbm>> -> memref<125x16xi32, #tpu.memory_space<hbm>>
    %dma_start3A_14 = arith.constant 0 : i32
    %dma_start3A_15 = arith.constant 0 : i32
    %dma_start3A_16 = tpu.memref_slice %arg3[%arg1, %dma_start3A_9, %dma_start3A_14, %dma_start3A_15] : memref<16x10x125x16xi32, #tpu.memory_space<hbm>> -> memref<1x1x125x16xi32, #tpu.memory_space<hbm>>
    %dma_start3A_17 = tpu.memref_squeeze %dma_start3A_16 : memref<1x1x125x16xi32, #tpu.memory_space<hbm>> -> memref<125x16xi32, #tpu.memory_space<hbm>>
    tpu.enqueue_dma source(%dma_start3A_17 : memref<125x16xi32, #tpu.memory_space<hbm>>) target(%arg9 : memref<125x16xi32, #tpu.memory_space<vmem>>) target_semaphore(%arg15 : memref<!tpu.dma_semaphore, #tpu.memory_space<semaphore_mem>>)
    %dma_wait3A = arith.constant 0 : i32
    %dma_wait3A_18 = arith.constant 0 : i32
    %dma_wait3A_19 = arith.constant 0 : i32
    %dma_wait3A_20 = tpu.memref_slice %arg2[%arg1, %dma_wait3A, %dma_wait3A_18, %dma_wait3A_19] : memref<16x10x125x16xi32, #tpu.memory_space<hbm>> -> memref<1x1x125x16xi32, #tpu.memory_space<hbm>>
    %dma_wait3A_21 = tpu.memref_squeeze %dma_wait3A_20 : memref<1x1x125x16xi32, #tpu.memory_space<hbm>> -> memref<125x16xi32, #tpu.memory_space<hbm>>
    %dma_wait3A_22 = arith.constant 0 : i32
    %dma_wait3A_23 = arith.constant 0 : i32
    %dma_wait3A_24 = tpu.memref_slice %arg2[%arg1, %dma_wait3A, %dma_wait3A_22, %dma_wait3A_23] : memref<16x10x125x16xi32, #tpu.memory_space<hbm>> -> memref<1x1x125x16xi32, #tpu.memory_space<hbm>>
    %dma_wait3A_25 = tpu.memref_squeeze %dma_wait3A_24 : memref<1x1x125x16xi32, #tpu.memory_space<hbm>> -> memref<125x16xi32, #tpu.memory_space<hbm>>
    tpu.wait_dma2 semaphore(%arg14 : memref<!tpu.dma_semaphore, #tpu.memory_space<semaphore_mem>>) src(%dma_wait3A_25 : memref<125x16xi32, #tpu.memory_space<hbm>>) dst(%arg7 : memref<125x16xi32, #tpu.memory_space<vmem>>)
    %dma_wait3A_26 = arith.constant 0 : i32
    %dma_wait3A_27 = arith.constant 0 : i32
    %dma_wait3A_28 = arith.constant 0 : i32
    %dma_wait3A_29 = tpu.memref_slice %arg3[%arg1, %dma_wait3A_26, %dma_wait3A_27, %dma_wait3A_28] : memref<16x10x125x16xi32, #tpu.memory_space<hbm>> -> memref<1x1x125x16xi32, #tpu.memory_space<hbm>>
    %dma_wait3A_30 = tpu.memref_squeeze %dma_wait3A_29 : memref<1x1x125x16xi32, #tpu.memory_space<hbm>> -> memref<125x16xi32, #tpu.memory_space<hbm>>
    %dma_wait3A_31 = arith.constant 0 : i32
    %dma_wait3A_32 = arith.constant 0 : i32
    %dma_wait3A_33 = tpu.memref_slice %arg3[%arg1, %dma_wait3A_26, %dma_wait3A_31, %dma_wait3A_32] : memref<16x10x125x16xi32, #tpu.memory_space<hbm>> -> memref<1x1x125x16xi32, #tpu.memory_space<hbm>>
    %dma_wait3A_34 = tpu.memref_squeeze %dma_wait3A_33 : memref<1x1x125x16xi32, #tpu.memory_space<hbm>> -> memref<125x16xi32, #tpu.memory_space<hbm>>
    tpu.wait_dma2 semaphore(%arg15 : memref<!tpu.dma_semaphore, #tpu.memory_space<semaphore_mem>>) src(%dma_wait3A_34 : memref<125x16xi32, #tpu.memory_space<hbm>>) dst(%arg9 : memref<125x16xi32, #tpu.memory_space<vmem>>)
    %dma_start3A_35 = arith.constant 1 : i32
    %dma_start3A_36 = arith.constant 0 : i32
    %dma_start3A_37 = arith.constant 0 : i32
    %dma_start3A_38 = tpu.memref_slice %arg2[%arg1, %dma_start3A_35, %dma_start3A_36, %dma_start3A_37] : memref<16x10x125x16xi32, #tpu.memory_space<hbm>> -> memref<1x1x125x16xi32, #tpu.memory_space<hbm>>
    %dma_start3A_39 = tpu.memref_squeeze %dma_start3A_38 : memref<1x1x125x16xi32, #tpu.memory_space<hbm>> -> memref<125x16xi32, #tpu.memory_space<hbm>>
    %dma_start3A_40 = arith.constant 0 : i32
    %dma_start3A_41 = arith.constant 0 : i32
    %dma_start3A_42 = tpu.memref_slice %arg2[%arg1, %dma_start3A_35, %dma_start3A_40, %dma_start3A_41] : memref<16x10x125x16xi32, #tpu.memory_space<hbm>> -> memref<1x1x125x16xi32, #tpu.memory_space<hbm>>
    %dma_start3A_43 = tpu.memref_squeeze %dma_start3A_42 : memref<1x1x125x16xi32, #tpu.memory_space<hbm>> -> memref<125x16xi32, #tpu.memory_space<hbm>>
    tpu.enqueue_dma source(%dma_start3A_43 : memref<125x16xi32, #tpu.memory_space<hbm>>) target(%arg8 : memref<125x16xi32, #tpu.memory_space<vmem>>) target_semaphore(%arg14 : memref<!tpu.dma_semaphore, #tpu.memory_space<semaphore_mem>>)
    %dma_start3A_44 = arith.constant 1 : i32
    %dma_start3A_45 = arith.constant 0 : i32
    %dma_start3A_46 = arith.constant 0 : i32
    %dma_start3A_47 = tpu.memref_slice %arg3[%arg1, %dma_start3A_44, %dma_start3A_45, %dma_start3A_46] : memref<16x10x125x16xi32, #tpu.memory_space<hbm>> -> memref<1x1x125x16xi32, #tpu.memory_space<hbm>>
    %dma_start3A_48 = tpu.memref_squeeze %dma_start3A_47 : memref<1x1x125x16xi32, #tpu.memory_space<hbm>> -> memref<125x16xi32, #tpu.memory_space<hbm>>
    %dma_start3A_49 = arith.constant 0 : i32
    %dma_start3A_50 = arith.constant 0 : i32
    %dma_start3A_51 = tpu.memref_slice %arg3[%arg1, %dma_start3A_44, %dma_start3A_49, %dma_start3A_50] : memref<16x10x125x16xi32, #tpu.memory_space<hbm>> -> memref<1x1x125x16xi32, #tpu.memory_space<hbm>>
    %dma_start3A_52 = tpu.memref_squeeze %dma_start3A_51 : memref<1x1x125x16xi32, #tpu.memory_space<hbm>> -> memref<125x16xi32, #tpu.memory_space<hbm>>
    tpu.enqueue_dma source(%dma_start3A_52 : memref<125x16xi32, #tpu.memory_space<hbm>>) target(%arg10 : memref<125x16xi32, #tpu.memory_space<vmem>>) target_semaphore(%arg15 : memref<!tpu.dma_semaphore, #tpu.memory_space<semaphore_mem>>)
    %scan3A = arith.constant 0 : i32
    %scan3A_53 = arith.constant 0 : i32
    %scan3A_54 = arith.constant 125 : i32
    %scan3A_55 = arith.addi %scan3A_53, %scan3A_54 : i32
    %scan3A_56 = arith.constant 1 : i32
    %scan3A_57 = scf.for %scan3A_574 = %scan3A_53 to %scan3A_55 step %scan3A_56 iter_args(%scan3A_575 = %scan3A) -> (i32)  : i32 {
      %get3A = arith.index_cast %scan3A_574 : i32 to index
      %get3A_576 = arith.constant 0 : index
      %get3A_577 = tpu.vector_load %arg7[%get3A, %get3A_576] {strides = array<i32>} : memref<125x16xi32, #tpu.memory_space<vmem>>, vector<16xi32>,
      %get3A_578 = arith.index_cast %scan3A_574 : i32 to index
      %get3A_579 = arith.constant 0 : index
      %get3A_580 = tpu.vector_load %arg9[%get3A_578, %get3A_579] {strides = array<i32>} : memref<125x16xi32, #tpu.memory_space<vmem>>, vector<16xi32>,
      %sub3A_581 = vector.broadcast %mul3A_0 : i32 to vector<16xi32>
      %sub3A_582 = arith.subi %get3A_580, %sub3A_581 : vector<16xi32>
      %ge3A = arith.constant 0 : i32
      %ge3A_583 = vector.broadcast %ge3A : i32 to vector<16xi32>
      %ge3A_584 = arith.cmpi sge, %sub3A_582, %ge3A_583 : vector<16xi32>
      %lt3A_585 = arith.constant 5120 : i32
      %lt3A_586 = vector.broadcast %lt3A_585 : i32 to vector<16xi32>
      %lt3A_587 = arith.cmpi slt, %sub3A_582, %lt3A_586 : vector<16xi32>
      %and3A_588 = arith.andi %ge3A_584, %lt3A_587 : vector<16xi1>
      %convert_element_type3A_589 = arith.extui %and3A_588 : vector<16xi1> to vector<16xi32>
      %broadcast_in_dim3A_590 = arith.constant true
      %broadcast_in_dim3A_591 = vector.broadcast %broadcast_in_dim3A_590 : i1 to vector<16xi1>
      %masked_cumsum3A = tpu.scan <sum>, %convert_element_type3A_589 masked %broadcast_in_dim3A_591 : vector<16xi32>, vector<16xi1> -> vector<16xi32>
      %add3A_592 = vector.broadcast %scan3A_575 : i32 to vector<16xi32>
      %add3A_593 = arith.addi %add3A_592, %masked_cumsum3A : vector<16xi32>
      %sub3A_594 = arith.constant 1 : i32
      %sub3A_595 = vector.broadcast %sub3A_594 : i32 to vector<16xi32>
      %sub3A_596 = arith.subi %add3A_593, %sub3A_595 : vector<16xi32>
      tpu.vector_store_idx %arg11[%sub3A_596], %get3A_577 masked %and3A_588 : memref<20160xi32, #tpu.memory_space<vmem>>[vector<16xi32>], vector<16xi32>, vector<16xi1>
      tpu.vector_store_idx %arg12[%sub3A_596], %sub3A_582 masked %and3A_588 : memref<20160xi32, #tpu.memory_space<vmem>>[vector<16xi32>], vector<16xi32>, vector<16xi1>
      %reduce_sum3A_597 = arith.constant true
      %reduce_sum3A_598 = vector.broadcast %reduce_sum3A_597 : i1 to vector<16xi1>
      %reduce_sum3A_599 = tpu.scan <sum>, %convert_element_type3A_589 masked %reduce_sum3A_598 : vector<16xi32>, vector<16xi1> -> vector<16xi32>
      %reduce_sum3A_600 = vector.extract %reduce_sum3A_599[15] : i32 from vector<16xi32>
      %add3A_601 = arith.addi %scan3A_575, %reduce_sum3A_600 : i32
      scf.yield %add3A_601 : i32
    }
    %scan3A_58 = arith.constant 125 : i32
    %dma_wait3A_59 = arith.constant 1 : i32
    %dma_wait3A_60 = arith.constant 0 : i32
    %dma_wait3A_61 = arith.constant 0 : i32
    %dma_wait3A_62 = tpu.memref_slice %arg2[%arg1, %dma_wait3A_59, %dma_wait3A_60, %dma_wait3A_61] : memref<16x10x125x16xi32, #tpu.memory_space<hbm>> -> memref<1x1x125x16xi32, #tpu.memory_space<hbm>>
    %dma_wait3A_63 = tpu.memref_squeeze %dma_wait3A_62 : memref<1x1x125x16xi32, #tpu.memory_space<hbm>> -> memref<125x16xi32, #tpu.memory_space<hbm>>
    %dma_wait3A_64 = arith.constant 0 : i32
    %dma_wait3A_65 = arith.constant 0 : i32
    %dma_wait3A_66 = tpu.memref_slice %arg2[%arg1, %dma_wait3A_59, %dma_wait3A_64, %dma_wait3A_65] : memref<16x10x125x16xi32, #tpu.memory_space<hbm>> -> memref<1x1x125x16xi32, #tpu.memory_space<hbm>>
    %dma_wait3A_67 = tpu.memref_squeeze %dma_wait3A_66 : memref<1x1x125x16xi32, #tpu.memory_space<hbm>> -> memref<125x16xi32, #tpu.memory_space<hbm>>
    tpu.wait_dma2 semaphore(%arg14 : memref<!tpu.dma_semaphore, #tpu.memory_space<semaphore_mem>>) src(%dma_wait3A_67 : memref<125x16xi32, #tpu.memory_space<hbm>>) dst(%arg8 : memref<125x16xi32, #tpu.memory_space<vmem>>)
    %dma_wait3A_68 = arith.constant 1 : i32
    %dma_wait3A_69 = arith.constant 0 : i32
    %dma_wait3A_70 = arith.constant 0 : i32
    %dma_wait3A_71 = tpu.memref_slice %arg3[%arg1, %dma_wait3A_68, %dma_wait3A_69, %dma_wait3A_70] : memref<16x10x125x16xi32, #tpu.memory_space<hbm>> -> memref<1x1x125x16xi32, #tpu.memory_space<hbm>>
    %dma_wait3A_72 = tpu.memref_squeeze %dma_wait3A_71 : memref<1x1x125x16xi32, #tpu.memory_space<hbm>> -> memref<125x16xi32, #tpu.memory_space<hbm>>
    %dma_wait3A_73 = arith.constant 0 : i32
    %dma_wait3A_74 = arith.constant 0 : i32
    %dma_wait3A_75 = tpu.memref_slice %arg3[%arg1, %dma_wait3A_68, %dma_wait3A_73, %dma_wait3A_74] : memref<16x10x125x16xi32, #tpu.memory_space<hbm>> -> memref<1x1x125x16xi32, #tpu.memory_space<hbm>>
    %dma_wait3A_76 = tpu.memref_squeeze %dma_wait3A_75 : memref<1x1x125x16xi32, #tpu.memory_space<hbm>> -> memref<125x16xi32, #tpu.memory_space<hbm>>
    tpu.wait_dma2 semaphore(%arg15 : memref<!tpu.dma_semaphore, #tpu.memory_space<semaphore_mem>>) src(%dma_wait3A_76 : memref<125x16xi32, #tpu.memory_space<hbm>>) dst(%arg10 : memref<125x16xi32, #tpu.memory_space<vmem>>)
    %dma_start3A_77 = arith.constant 2 : i32
    %dma_start3A_78 = arith.constant 0 : i32
    %dma_start3A_79 = arith.constant 0 : i32
    %dma_start3A_80 = tpu.memref_slice %arg2[%arg1, %dma_start3A_77, %dma_start3A_78, %dma_start3A_79] : memref<16x10x125x16xi32, #tpu.memory_space<hbm>> -> memref<1x1x125x16xi32, #tpu.memory_space<hbm>>
    %dma_start3A_81 = tpu.memref_squeeze %dma_start3A_80 : memref<1x1x125x16xi32, #tpu.memory_space<hbm>> -> memref<125x16xi32, #tpu.memory_space<hbm>>
    %dma_start3A_82 = arith.constant 0 : i32
    %dma_start3A_83 = arith.constant 0 : i32
    %dma_start3A_84 = tpu.memref_slice %arg2[%arg1, %dma_start3A_77, %dma_start3A_82, %dma_start3A_83] : memref<16x10x125x16xi32, #tpu.memory_space<hbm>> -> memref<1x1x125x16xi32, #tpu.memory_space<hbm>>
    %dma_start3A_85 = tpu.memref_squeeze %dma_start3A_84 : memref<1x1x125x16xi32, #tpu.memory_space<hbm>> -> memref<125x16xi32, #tpu.memory_space<hbm>>
    tpu.enqueue_dma source(%dma_start3A_85 : memref<125x16xi32, #tpu.memory_space<hbm>>) target(%arg7 : memref<125x16xi32, #tpu.memory_space<vmem>>) target_semaphore(%arg14 : memref<!tpu.dma_semaphore, #tpu.memory_space<semaphore_mem>>)
    %dma_start3A_86 = arith.constant 2 : i32
    %dma_start3A_87 = arith.constant 0 : i32
    %dma_start3A_88 = arith.constant 0 : i32
    %dma_start3A_89 = tpu.memref_slice %arg3[%arg1, %dma_start3A_86, %dma_start3A_87, %dma_start3A_88] : memref<16x10x125x16xi32, #tpu.memory_space<hbm>> -> memref<1x1x125x16xi32, #tpu.memory_space<hbm>>
    %dma_start3A_90 = tpu.memref_squeeze %dma_start3A_89 : memref<1x1x125x16xi32, #tpu.memory_space<hbm>> -> memref<125x16xi32, #tpu.memory_space<hbm>>
    %dma_start3A_91 = arith.constant 0 : i32
    %dma_start3A_92 = arith.constant 0 : i32
    %dma_start3A_93 = tpu.memref_slice %arg3[%arg1, %dma_start3A_86, %dma_start3A_91, %dma_start3A_92] : memref<16x10x125x16xi32, #tpu.memory_space<hbm>> -> memref<1x1x125x16xi32, #tpu.memory_space<hbm>>
    %dma_start3A_94 = tpu.memref_squeeze %dma_start3A_93 : memref<1x1x125x16xi32, #tpu.memory_space<hbm>> -> memref<125x16xi32, #tpu.memory_space<hbm>>
    tpu.enqueue_dma source(%dma_start3A_94 : memref<125x16xi32, #tpu.memory_space<hbm>>) target(%arg9 : memref<125x16xi32, #tpu.memory_space<vmem>>) target_semaphore(%arg15 : memref<!tpu.dma_semaphore, #tpu.memory_space<semaphore_mem>>)
    %scan3A_95 = arith.constant 0 : i32
    %scan3A_96 = arith.constant 125 : i32
    %scan3A_97 = arith.addi %scan3A_95, %scan3A_96 : i32
    %scan3A_98 = arith.constant 1 : i32
    %scan3A_99 = scf.for %scan3A_574 = %scan3A_95 to %scan3A_97 step %scan3A_98 iter_args(%scan3A_575 = %scan3A_57) -> (i32)  : i32 {
      %get3A = arith.index_cast %scan3A_574 : i32 to index
      %get3A_576 = arith.constant 0 : index
      %get3A_577 = tpu.vector_load %arg8[%get3A, %get3A_576] {strides = array<i32>} : memref<125x16xi32, #tpu.memory_space<vmem>>, vector<16xi32>,
      %get3A_578 = arith.index_cast %scan3A_574 : i32 to index
      %get3A_579 = arith.constant 0 : index
      %get3A_580 = tpu.vector_load %arg10[%get3A_578, %get3A_579] {strides = array<i32>} : memref<125x16xi32, #tpu.memory_space<vmem>>, vector<16xi32>,
      %sub3A_581 = vector.broadcast %mul3A_0 : i32 to vector<16xi32>
      %sub3A_582 = arith.subi %get3A_580, %sub3A_581 : vector<16xi32>
      %ge3A = arith.constant 0 : i32
      %ge3A_583 = vector.broadcast %ge3A : i32 to vector<16xi32>
      %ge3A_584 = arith.cmpi sge, %sub3A_582, %ge3A_583 : vector<16xi32>
      %lt3A_585 = arith.constant 5120 : i32
      %lt3A_586 = vector.broadcast %lt3A_585 : i32 to vector<16xi32>
      %lt3A_587 = arith.cmpi slt, %sub3A_582, %lt3A_586 : vector<16xi32>
      %and3A_588 = arith.andi %ge3A_584, %lt3A_587 : vector<16xi1>
      %convert_element_type3A_589 = arith.extui %and3A_588 : vector<16xi1> to vector<16xi32>
      %broadcast_in_dim3A_590 = arith.constant true
      %broadcast_in_dim3A_591 = vector.broadcast %broadcast_in_dim3A_590 : i1 to vector<16xi1>
      %masked_cumsum3A = tpu.scan <sum>, %convert_element_type3A_589 masked %broadcast_in_dim3A_591 : vector<16xi32>, vector<16xi1> -> vector<16xi32>
      %add3A_592 = vector.broadcast %scan3A_575 : i32 to vector<16xi32>
      %add3A_593 = arith.addi %add3A_592, %masked_cumsum3A : vector<16xi32>
      %sub3A_594 = arith.constant 1 : i32
      %sub3A_595 = vector.broadcast %sub3A_594 : i32 to vector<16xi32>
      %sub3A_596 = arith.subi %add3A_593, %sub3A_595 : vector<16xi32>
      tpu.vector_store_idx %arg11[%sub3A_596], %get3A_577 masked %and3A_588 : memref<20160xi32, #tpu.memory_space<vmem>>[vector<16xi32>], vector<16xi32>, vector<16xi1>
      tpu.vector_store_idx %arg12[%sub3A_596], %sub3A_582 masked %and3A_588 : memref<20160xi32, #tpu.memory_space<vmem>>[vector<16xi32>], vector<16xi32>, vector<16xi1>
      %reduce_sum3A_597 = arith.constant true
      %reduce_sum3A_598 = vector.broadcast %reduce_sum3A_597 : i1 to vector<16xi1>
      %reduce_sum3A_599 = tpu.scan <sum>, %convert_element_type3A_589 masked %reduce_sum3A_598 : vector<16xi32>, vector<16xi1> -> vector<16xi32>
      %reduce_sum3A_600 = vector.extract %reduce_sum3A_599[15] : i32 from vector<16xi32>
      %add3A_601 = arith.addi %scan3A_575, %reduce_sum3A_600 : i32
      scf.yield %add3A_601 : i32
    }
    %scan3A_100 = arith.constant 125 : i32
    %dma_wait3A_101 = arith.constant 2 : i32
    %dma_wait3A_102 = arith.constant 0 : i32
    %dma_wait3A_103 = arith.constant 0 : i32
    %dma_wait3A_104 = tpu.memref_slice %arg2[%arg1, %dma_wait3A_101, %dma_wait3A_102, %dma_wait3A_103] : memref<16x10x125x16xi32, #tpu.memory_space<hbm>> -> memref<1x1x125x16xi32, #tpu.memory_space<hbm>>
    %dma_wait3A_105 = tpu.memref_squeeze %dma_wait3A_104 : memref<1x1x125x16xi32, #tpu.memory_space<hbm>> -> memref<125x16xi32, #tpu.memory_space<hbm>>
    %dma_wait3A_106 = arith.constant 0 : i32
    %dma_wait3A_107 = arith.constant 0 : i32
    %dma_wait3A_108 = tpu.memref_slice %arg2[%arg1, %dma_wait3A_101, %dma_wait3A_106, %dma_wait3A_107] : memref<16x10x125x16xi32, #tpu.memory_space<hbm>> -> memref<1x1x125x16xi32, #tpu.memory_space<hbm>>
    %dma_wait3A_109 = tpu.memref_squeeze %dma_wait3A_108 : memref<1x1x125x16xi32, #tpu.memory_space<hbm>> -> memref<125x16xi32, #tpu.memory_space<hbm>>
    tpu.wait_dma2 semaphore(%arg14 : memref<!tpu.dma_semaphore, #tpu.memory_space<semaphore_mem>>) src(%dma_wait3A_109 : memref<125x16xi32, #tpu.memory_space<hbm>>) dst(%arg7 : memref<125x16xi32, #tpu.memory_space<vmem>>)
    %dma_wait3A_110 = arith.constant 2 : i32
    %dma_wait3A_111 = arith.constant 0 : i32
    %dma_wait3A_112 = arith.constant 0 : i32
    %dma_wait3A_113 = tpu.memref_slice %arg3[%arg1, %dma_wait3A_110, %dma_wait3A_111, %dma_wait3A_112] : memref<16x10x125x16xi32, #tpu.memory_space<hbm>> -> memref<1x1x125x16xi32, #tpu.memory_space<hbm>>
    %dma_wait3A_114 = tpu.memref_squeeze %dma_wait3A_113 : memref<1x1x125x16xi32, #tpu.memory_space<hbm>> -> memref<125x16xi32, #tpu.memory_space<hbm>>
    %dma_wait3A_115 = arith.constant 0 : i32
    %dma_wait3A_116 = arith.constant 0 : i32
    %dma_wait3A_117 = tpu.memref_slice %arg3[%arg1, %dma_wait3A_110, %dma_wait3A_115, %dma_wait3A_116] : memref<16x10x125x16xi32, #tpu.memory_space<hbm>> -> memref<1x1x125x16xi32, #tpu.memory_space<hbm>>
    %dma_wait3A_118 = tpu.memref_squeeze %dma_wait3A_117 : memref<1x1x125x16xi32, #tpu.memory_space<hbm>> -> memref<125x16xi32, #tpu.memory_space<hbm>>
    tpu.wait_dma2 semaphore(%arg15 : memref<!tpu.dma_semaphore, #tpu.memory_space<semaphore_mem>>) src(%dma_wait3A_118 : memref<125x16xi32, #tpu.memory_space<hbm>>) dst(%arg9 : memref<125x16xi32, #tpu.memory_space<vmem>>)
    %dma_start3A_119 = arith.constant 3 : i32
    %dma_start3A_120 = arith.constant 0 : i32
    %dma_start3A_121 = arith.constant 0 : i32
    %dma_start3A_122 = tpu.memref_slice %arg2[%arg1, %dma_start3A_119, %dma_start3A_120, %dma_start3A_121] : memref<16x10x125x16xi32, #tpu.memory_space<hbm>> -> memref<1x1x125x16xi32, #tpu.memory_space<hbm>>
    %dma_start3A_123 = tpu.memref_squeeze %dma_start3A_122 : memref<1x1x125x16xi32, #tpu.memory_space<hbm>> -> memref<125x16xi32, #tpu.memory_space<hbm>>
    %dma_start3A_124 = arith.constant 0 : i32
    %dma_start3A_125 = arith.constant 0 : i32
    %dma_start3A_126 = tpu.memref_slice %arg2[%arg1, %dma_start3A_119, %dma_start3A_124, %dma_start3A_125] : memref<16x10x125x16xi32, #tpu.memory_space<hbm>> -> memref<1x1x125x16xi32, #tpu.memory_space<hbm>>
    %dma_start3A_127 = tpu.memref_squeeze %dma_start3A_126 : memref<1x1x125x16xi32, #tpu.memory_space<hbm>> -> memref<125x16xi32, #tpu.memory_space<hbm>>
    tpu.enqueue_dma source(%dma_start3A_127 : memref<125x16xi32, #tpu.memory_space<hbm>>) target(%arg8 : memref<125x16xi32, #tpu.memory_space<vmem>>) target_semaphore(%arg14 : memref<!tpu.dma_semaphore, #tpu.memory_space<semaphore_mem>>)
    %dma_start3A_128 = arith.constant 3 : i32
    %dma_start3A_129 = arith.constant 0 : i32
    %dma_start3A_130 = arith.constant 0 : i32
    %dma_start3A_131 = tpu.memref_slice %arg3[%arg1, %dma_start3A_128, %dma_start3A_129, %dma_start3A_130] : memref<16x10x125x16xi32, #tpu.memory_space<hbm>> -> memref<1x1x125x16xi32, #tpu.memory_space<hbm>>
    %dma_start3A_132 = tpu.memref_squeeze %dma_start3A_131 : memref<1x1x125x16xi32, #tpu.memory_space<hbm>> -> memref<125x16xi32, #tpu.memory_space<hbm>>
    %dma_start3A_133 = arith.constant 0 : i32
    %dma_start3A_134 = arith.constant 0 : i32
    %dma_start3A_135 = tpu.memref_slice %arg3[%arg1, %dma_start3A_128, %dma_start3A_133, %dma_start3A_134] : memref<16x10x125x16xi32, #tpu.memory_space<hbm>> -> memref<1x1x125x16xi32, #tpu.memory_space<hbm>>
    %dma_start3A_136 = tpu.memref_squeeze %dma_start3A_135 : memref<1x1x125x16xi32, #tpu.memory_space<hbm>> -> memref<125x16xi32, #tpu.memory_space<hbm>>
    tpu.enqueue_dma source(%dma_start3A_136 : memref<125x16xi32, #tpu.memory_space<hbm>>) target(%arg10 : memref<125x16xi32, #tpu.memory_space<vmem>>) target_semaphore(%arg15 : memref<!tpu.dma_semaphore, #tpu.memory_space<semaphore_mem>>)
    %scan3A_137 = arith.constant 0 : i32
    %scan3A_138 = arith.constant 125 : i32
    %scan3A_139 = arith.addi %scan3A_137, %scan3A_138 : i32
    %scan3A_140 = arith.constant 1 : i32
    %scan3A_141 = scf.for %scan3A_574 = %scan3A_137 to %scan3A_139 step %scan3A_140 iter_args(%scan3A_575 = %scan3A_99) -> (i32)  : i32 {
      %get3A = arith.index_cast %scan3A_574 : i32 to index
      %get3A_576 = arith.constant 0 : index
      %get3A_577 = tpu.vector_load %arg7[%get3A, %get3A_576] {strides = array<i32>} : memref<125x16xi32, #tpu.memory_space<vmem>>, vector<16xi32>,
      %get3A_578 = arith.index_cast %scan3A_574 : i32 to index
      %get3A_579 = arith.constant 0 : index
      %get3A_580 = tpu.vector_load %arg9[%get3A_578, %get3A_579] {strides = array<i32>} : memref<125x16xi32, #tpu.memory_space<vmem>>, vector<16xi32>,
      %sub3A_581 = vector.broadcast %mul3A_0 : i32 to vector<16xi32>
      %sub3A_582 = arith.subi %get3A_580, %sub3A_581 : vector<16xi32>
      %ge3A = arith.constant 0 : i32
      %ge3A_583 = vector.broadcast %ge3A : i32 to vector<16xi32>
      %ge3A_584 = arith.cmpi sge, %sub3A_582, %ge3A_583 : vector<16xi32>
      %lt3A_585 = arith.constant 5120 : i32
      %lt3A_586 = vector.broadcast %lt3A_585 : i32 to vector<16xi32>
      %lt3A_587 = arith.cmpi slt, %sub3A_582, %lt3A_586 : vector<16xi32>
      %and3A_588 = arith.andi %ge3A_584, %lt3A_587 : vector<16xi1>
      %convert_element_type3A_589 = arith.extui %and3A_588 : vector<16xi1> to vector<16xi32>
      %broadcast_in_dim3A_590 = arith.constant true
      %broadcast_in_dim3A_591 = vector.broadcast %broadcast_in_dim3A_590 : i1 to vector<16xi1>
      %masked_cumsum3A = tpu.scan <sum>, %convert_element_type3A_589 masked %broadcast_in_dim3A_591 : vector<16xi32>, vector<16xi1> -> vector<16xi32>
      %add3A_592 = vector.broadcast %scan3A_575 : i32 to vector<16xi32>
      %add3A_593 = arith.addi %add3A_592, %masked_cumsum3A : vector<16xi32>
      %sub3A_594 = arith.constant 1 : i32
      %sub3A_595 = vector.broadcast %sub3A_594 : i32 to vector<16xi32>
      %sub3A_596 = arith.subi %add3A_593, %sub3A_595 : vector<16xi32>
      tpu.vector_store_idx %arg11[%sub3A_596], %get3A_577 masked %and3A_588 : memref<20160xi32, #tpu.memory_space<vmem>>[vector<16xi32>], vector<16xi32>, vector<16xi1>
      tpu.vector_store_idx %arg12[%sub3A_596], %sub3A_582 masked %and3A_588 : memref<20160xi32, #tpu.memory_space<vmem>>[vector<16xi32>], vector<16xi32>, vector<16xi1>
      %reduce_sum3A_597 = arith.constant true
      %reduce_sum3A_598 = vector.broadcast %reduce_sum3A_597 : i1 to vector<16xi1>
      %reduce_sum3A_599 = tpu.scan <sum>, %convert_element_type3A_589 masked %reduce_sum3A_598 : vector<16xi32>, vector<16xi1> -> vector<16xi32>
      %reduce_sum3A_600 = vector.extract %reduce_sum3A_599[15] : i32 from vector<16xi32>
      %add3A_601 = arith.addi %scan3A_575, %reduce_sum3A_600 : i32
      scf.yield %add3A_601 : i32
    }
    %scan3A_142 = arith.constant 125 : i32
    %dma_wait3A_143 = arith.constant 3 : i32
    %dma_wait3A_144 = arith.constant 0 : i32
    %dma_wait3A_145 = arith.constant 0 : i32
    %dma_wait3A_146 = tpu.memref_slice %arg2[%arg1, %dma_wait3A_143, %dma_wait3A_144, %dma_wait3A_145] : memref<16x10x125x16xi32, #tpu.memory_space<hbm>> -> memref<1x1x125x16xi32, #tpu.memory_space<hbm>>
    %dma_wait3A_147 = tpu.memref_squeeze %dma_wait3A_146 : memref<1x1x125x16xi32, #tpu.memory_space<hbm>> -> memref<125x16xi32, #tpu.memory_space<hbm>>
    %dma_wait3A_148 = arith.constant 0 : i32
    %dma_wait3A_149 = arith.constant 0 : i32
    %dma_wait3A_150 = tpu.memref_slice %arg2[%arg1, %dma_wait3A_143, %dma_wait3A_148, %dma_wait3A_149] : memref<16x10x125x16xi32, #tpu.memory_space<hbm>> -> memref<1x1x125x16xi32, #tpu.memory_space<hbm>>
    %dma_wait3A_151 = tpu.memref_squeeze %dma_wait3A_150 : memref<1x1x125x16xi32, #tpu.memory_space<hbm>> -> memref<125x16xi32, #tpu.memory_space<hbm>>
    tpu.wait_dma2 semaphore(%arg14 : memref<!tpu.dma_semaphore, #tpu.memory_space<semaphore_mem>>) src(%dma_wait3A_151 : memref<125x16xi32, #tpu.memory_space<hbm>>) dst(%arg8 : memref<125x16xi32, #tpu.memory_space<vmem>>)
    %dma_wait3A_152 = arith.constant 3 : i32
    %dma_wait3A_153 = arith.constant 0 : i32
    %dma_wait3A_154 = arith.constant 0 : i32
    %dma_wait3A_155 = tpu.memref_slice %arg3[%arg1, %dma_wait3A_152, %dma_wait3A_153, %dma_wait3A_154] : memref<16x10x125x16xi32, #tpu.memory_space<hbm>> -> memref<1x1x125x16xi32, #tpu.memory_space<hbm>>
    %dma_wait3A_156 = tpu.memref_squeeze %dma_wait3A_155 : memref<1x1x125x16xi32, #tpu.memory_space<hbm>> -> memref<125x16xi32, #tpu.memory_space<hbm>>
    %dma_wait3A_157 = arith.constant 0 : i32
    %dma_wait3A_158 = arith.constant 0 : i32
    %dma_wait3A_159 = tpu.memref_slice %arg3[%arg1, %dma_wait3A_152, %dma_wait3A_157, %dma_wait3A_158] : memref<16x10x125x16xi32, #tpu.memory_space<hbm>> -> memref<1x1x125x16xi32, #tpu.memory_space<hbm>>
    %dma_wait3A_160 = tpu.memref_squeeze %dma_wait3A_159 : memref<1x1x125x16xi32, #tpu.memory_space<hbm>> -> memref<125x16xi32, #tpu.memory_space<hbm>>
    tpu.wait_dma2 semaphore(%arg15 : memref<!tpu.dma_semaphore, #tpu.memory_space<semaphore_mem>>) src(%dma_wait3A_160 : memref<125x16xi32, #tpu.memory_space<hbm>>) dst(%arg10 : memref<125x16xi32, #tpu.memory_space<vmem>>)
    %dma_start3A_161 = arith.constant 4 : i32
    %dma_start3A_162 = arith.constant 0 : i32
    %dma_start3A_163 = arith.constant 0 : i32
    %dma_start3A_164 = tpu.memref_slice %arg2[%arg1, %dma_start3A_161, %dma_start3A_162, %dma_start3A_163] : memref<16x10x125x16xi32, #tpu.memory_space<hbm>> -> memref<1x1x125x16xi32, #tpu.memory_space<hbm>>
    %dma_start3A_165 = tpu.memref_squeeze %dma_start3A_164 : memref<1x1x125x16xi32, #tpu.memory_space<hbm>> -> memref<125x16xi32, #tpu.memory_space<hbm>>
    %dma_start3A_166 = arith.constant 0 : i32
    %dma_start3A_167 = arith.constant 0 : i32
    %dma_start3A_168 = tpu.memref_slice %arg2[%arg1, %dma_start3A_161, %dma_start3A_166, %dma_start3A_167] : memref<16x10x125x16xi32, #tpu.memory_space<hbm>> -> memref<1x1x125x16xi32, #tpu.memory_space<hbm>>
    %dma_start3A_169 = tpu.memref_squeeze %dma_start3A_168 : memref<1x1x125x16xi32, #tpu.memory_space<hbm>> -> memref<125x16xi32, #tpu.memory_space<hbm>>
    tpu.enqueue_dma source(%dma_start3A_169 : memref<125x16xi32, #tpu.memory_space<hbm>>) target(%arg7 : memref<125x16xi32, #tpu.memory_space<vmem>>) target_semaphore(%arg14 : memref<!tpu.dma_semaphore, #tpu.memory_space<semaphore_mem>>)
    %dma_start3A_170 = arith.constant 4 : i32
    %dma_start3A_171 = arith.constant 0 : i32
    %dma_start3A_172 = arith.constant 0 : i32
    %dma_start3A_173 = tpu.memref_slice %arg3[%arg1, %dma_start3A_170, %dma_start3A_171, %dma_start3A_172] : memref<16x10x125x16xi32, #tpu.memory_space<hbm>> -> memref<1x1x125x16xi32, #tpu.memory_space<hbm>>
    %dma_start3A_174 = tpu.memref_squeeze %dma_start3A_173 : memref<1x1x125x16xi32, #tpu.memory_space<hbm>> -> memref<125x16xi32, #tpu.memory_space<hbm>>
    %dma_start3A_175 = arith.constant 0 : i32
    %dma_start3A_176 = arith.constant 0 : i32
    %dma_start3A_177 = tpu.memref_slice %arg3[%arg1, %dma_start3A_170, %dma_start3A_175, %dma_start3A_176] : memref<16x10x125x16xi32, #tpu.memory_space<hbm>> -> memref<1x1x125x16xi32, #tpu.memory_space<hbm>>
    %dma_start3A_178 = tpu.memref_squeeze %dma_start3A_177 : memref<1x1x125x16xi32, #tpu.memory_space<hbm>> -> memref<125x16xi32, #tpu.memory_space<hbm>>
    tpu.enqueue_dma source(%dma_start3A_178 : memref<125x16xi32, #tpu.memory_space<hbm>>) target(%arg9 : memref<125x16xi32, #tpu.memory_space<vmem>>) target_semaphore(%arg15 : memref<!tpu.dma_semaphore, #tpu.memory_space<semaphore_mem>>)
    %scan3A_179 = arith.constant 0 : i32
    %scan3A_180 = arith.constant 125 : i32
    %scan3A_181 = arith.addi %scan3A_179, %scan3A_180 : i32
    %scan3A_182 = arith.constant 1 : i32
    %scan3A_183 = scf.for %scan3A_574 = %scan3A_179 to %scan3A_181 step %scan3A_182 iter_args(%scan3A_575 = %scan3A_141) -> (i32)  : i32 {
      %get3A = arith.index_cast %scan3A_574 : i32 to index
      %get3A_576 = arith.constant 0 : index
      %get3A_577 = tpu.vector_load %arg8[%get3A, %get3A_576] {strides = array<i32>} : memref<125x16xi32, #tpu.memory_space<vmem>>, vector<16xi32>,
      %get3A_578 = arith.index_cast %scan3A_574 : i32 to index
      %get3A_579 = arith.constant 0 : index
      %get3A_580 = tpu.vector_load %arg10[%get3A_578, %get3A_579] {strides = array<i32>} : memref<125x16xi32, #tpu.memory_space<vmem>>, vector<16xi32>,
      %sub3A_581 = vector.broadcast %mul3A_0 : i32 to vector<16xi32>
      %sub3A_582 = arith.subi %get3A_580, %sub3A_581 : vector<16xi32>
      %ge3A = arith.constant 0 : i32
      %ge3A_583 = vector.broadcast %ge3A : i32 to vector<16xi32>
      %ge3A_584 = arith.cmpi sge, %sub3A_582, %ge3A_583 : vector<16xi32>
      %lt3A_585 = arith.constant 5120 : i32
      %lt3A_586 = vector.broadcast %lt3A_585 : i32 to vector<16xi32>
      %lt3A_587 = arith.cmpi slt, %sub3A_582, %lt3A_586 : vector<16xi32>
      %and3A_588 = arith.andi %ge3A_584, %lt3A_587 : vector<16xi1>
      %convert_element_type3A_589 = arith.extui %and3A_588 : vector<16xi1> to vector<16xi32>
      %broadcast_in_dim3A_590 = arith.constant true
      %broadcast_in_dim3A_591 = vector.broadcast %broadcast_in_dim3A_590 : i1 to vector<16xi1>
      %masked_cumsum3A = tpu.scan <sum>, %convert_element_type3A_589 masked %broadcast_in_dim3A_591 : vector<16xi32>, vector<16xi1> -> vector<16xi32>
      %add3A_592 = vector.broadcast %scan3A_575 : i32 to vector<16xi32>
      %add3A_593 = arith.addi %add3A_592, %masked_cumsum3A : vector<16xi32>
      %sub3A_594 = arith.constant 1 : i32
      %sub3A_595 = vector.broadcast %sub3A_594 : i32 to vector<16xi32>
      %sub3A_596 = arith.subi %add3A_593, %sub3A_595 : vector<16xi32>
      tpu.vector_store_idx %arg11[%sub3A_596], %get3A_577 masked %and3A_588 : memref<20160xi32, #tpu.memory_space<vmem>>[vector<16xi32>], vector<16xi32>, vector<16xi1>
      tpu.vector_store_idx %arg12[%sub3A_596], %sub3A_582 masked %and3A_588 : memref<20160xi32, #tpu.memory_space<vmem>>[vector<16xi32>], vector<16xi32>, vector<16xi1>
      %reduce_sum3A_597 = arith.constant true
      %reduce_sum3A_598 = vector.broadcast %reduce_sum3A_597 : i1 to vector<16xi1>
      %reduce_sum3A_599 = tpu.scan <sum>, %convert_element_type3A_589 masked %reduce_sum3A_598 : vector<16xi32>, vector<16xi1> -> vector<16xi32>
      %reduce_sum3A_600 = vector.extract %reduce_sum3A_599[15] : i32 from vector<16xi32>
      %add3A_601 = arith.addi %scan3A_575, %reduce_sum3A_600 : i32
      scf.yield %add3A_601 : i32
    }
    %scan3A_184 = arith.constant 125 : i32
    %dma_wait3A_185 = arith.constant 4 : i32
    %dma_wait3A_186 = arith.constant 0 : i32
    %dma_wait3A_187 = arith.constant 0 : i32
    %dma_wait3A_188 = tpu.memref_slice %arg2[%arg1, %dma_wait3A_185, %dma_wait3A_186, %dma_wait3A_187] : memref<16x10x125x16xi32, #tpu.memory_space<hbm>> -> memref<1x1x125x16xi32, #tpu.memory_space<hbm>>
    %dma_wait3A_189 = tpu.memref_squeeze %dma_wait3A_188 : memref<1x1x125x16xi32, #tpu.memory_space<hbm>> -> memref<125x16xi32, #tpu.memory_space<hbm>>
    %dma_wait3A_190 = arith.constant 0 : i32
    %dma_wait3A_191 = arith.constant 0 : i32
    %dma_wait3A_192 = tpu.memref_slice %arg2[%arg1, %dma_wait3A_185, %dma_wait3A_190, %dma_wait3A_191] : memref<16x10x125x16xi32, #tpu.memory_space<hbm>> -> memref<1x1x125x16xi32, #tpu.memory_space<hbm>>
    %dma_wait3A_193 = tpu.memref_squeeze %dma_wait3A_192 : memref<1x1x125x16xi32, #tpu.memory_space<hbm>> -> memref<125x16xi32, #tpu.memory_space<hbm>>
    tpu.wait_dma2 semaphore(%arg14 : memref<!tpu.dma_semaphore, #tpu.memory_space<semaphore_mem>>) src(%dma_wait3A_193 : memref<125x16xi32, #tpu.memory_space<hbm>>) dst(%arg7 : memref<125x16xi32, #tpu.memory_space<vmem>>)
    %dma_wait3A_194 = arith.constant 4 : i32
    %dma_wait3A_195 = arith.constant 0 : i32
    %dma_wait3A_196 = arith.constant 0 : i32
    %dma_wait3A_197 = tpu.memref_slice %arg3[%arg1, %dma_wait3A_194, %dma_wait3A_195, %dma_wait3A_196] : memref<16x10x125x16xi32, #tpu.memory_space<hbm>> -> memref<1x1x125x16xi32, #tpu.memory_space<hbm>>
    %dma_wait3A_198 = tpu.memref_squeeze %dma_wait3A_197 : memref<1x1x125x16xi32, #tpu.memory_space<hbm>> -> memref<125x16xi32, #tpu.memory_space<hbm>>
    %dma_wait3A_199 = arith.constant 0 : i32
    %dma_wait3A_200 = arith.constant 0 : i32
    %dma_wait3A_201 = tpu.memref_slice %arg3[%arg1, %dma_wait3A_194, %dma_wait3A_199, %dma_wait3A_200] : memref<16x10x125x16xi32, #tpu.memory_space<hbm>> -> memref<1x1x125x16xi32, #tpu.memory_space<hbm>>
    %dma_wait3A_202 = tpu.memref_squeeze %dma_wait3A_201 : memref<1x1x125x16xi32, #tpu.memory_space<hbm>> -> memref<125x16xi32, #tpu.memory_space<hbm>>
    tpu.wait_dma2 semaphore(%arg15 : memref<!tpu.dma_semaphore, #tpu.memory_space<semaphore_mem>>) src(%dma_wait3A_202 : memref<125x16xi32, #tpu.memory_space<hbm>>) dst(%arg9 : memref<125x16xi32, #tpu.memory_space<vmem>>)
    %dma_start3A_203 = arith.constant 5 : i32
    %dma_start3A_204 = arith.constant 0 : i32
    %dma_start3A_205 = arith.constant 0 : i32
    %dma_start3A_206 = tpu.memref_slice %arg2[%arg1, %dma_start3A_203, %dma_start3A_204, %dma_start3A_205] : memref<16x10x125x16xi32, #tpu.memory_space<hbm>> -> memref<1x1x125x16xi32, #tpu.memory_space<hbm>>
    %dma_start3A_207 = tpu.memref_squeeze %dma_start3A_206 : memref<1x1x125x16xi32, #tpu.memory_space<hbm>> -> memref<125x16xi32, #tpu.memory_space<hbm>>
    %dma_start3A_208 = arith.constant 0 : i32
    %dma_start3A_209 = arith.constant 0 : i32
    %dma_start3A_210 = tpu.memref_slice %arg2[%arg1, %dma_start3A_203, %dma_start3A_208, %dma_start3A_209] : memref<16x10x125x16xi32, #tpu.memory_space<hbm>> -> memref<1x1x125x16xi32, #tpu.memory_space<hbm>>
    %dma_start3A_211 = tpu.memref_squeeze %dma_start3A_210 : memref<1x1x125x16xi32, #tpu.memory_space<hbm>> -> memref<125x16xi32, #tpu.memory_space<hbm>>
    tpu.enqueue_dma source(%dma_start3A_211 : memref<125x16xi32, #tpu.memory_space<hbm>>) target(%arg8 : memref<125x16xi32, #tpu.memory_space<vmem>>) target_semaphore(%arg14 : memref<!tpu.dma_semaphore, #tpu.memory_space<semaphore_mem>>)
    %dma_start3A_212 = arith.constant 5 : i32
    %dma_start3A_213 = arith.constant 0 : i32
    %dma_start3A_214 = arith.constant 0 : i32
    %dma_start3A_215 = tpu.memref_slice %arg3[%arg1, %dma_start3A_212, %dma_start3A_213, %dma_start3A_214] : memref<16x10x125x16xi32, #tpu.memory_space<hbm>> -> memref<1x1x125x16xi32, #tpu.memory_space<hbm>>
    %dma_start3A_216 = tpu.memref_squeeze %dma_start3A_215 : memref<1x1x125x16xi32, #tpu.memory_space<hbm>> -> memref<125x16xi32, #tpu.memory_space<hbm>>
    %dma_start3A_217 = arith.constant 0 : i32
    %dma_start3A_218 = arith.constant 0 : i32
    %dma_start3A_219 = tpu.memref_slice %arg3[%arg1, %dma_start3A_212, %dma_start3A_217, %dma_start3A_218] : memref<16x10x125x16xi32, #tpu.memory_space<hbm>> -> memref<1x1x125x16xi32, #tpu.memory_space<hbm>>
    %dma_start3A_220 = tpu.memref_squeeze %dma_start3A_219 : memref<1x1x125x16xi32, #tpu.memory_space<hbm>> -> memref<125x16xi32, #tpu.memory_space<hbm>>
    tpu.enqueue_dma source(%dma_start3A_220 : memref<125x16xi32, #tpu.memory_space<hbm>>) target(%arg10 : memref<125x16xi32, #tpu.memory_space<vmem>>) target_semaphore(%arg15 : memref<!tpu.dma_semaphore, #tpu.memory_space<semaphore_mem>>)
    %scan3A_221 = arith.constant 0 : i32
    %scan3A_222 = arith.constant 125 : i32
    %scan3A_223 = arith.addi %scan3A_221, %scan3A_222 : i32
    %scan3A_224 = arith.constant 1 : i32
    %scan3A_225 = scf.for %scan3A_574 = %scan3A_221 to %scan3A_223 step %scan3A_224 iter_args(%scan3A_575 = %scan3A_183) -> (i32)  : i32 {
      %get3A = arith.index_cast %scan3A_574 : i32 to index
      %get3A_576 = arith.constant 0 : index
      %get3A_577 = tpu.vector_load %arg7[%get3A, %get3A_576] {strides = array<i32>} : memref<125x16xi32, #tpu.memory_space<vmem>>, vector<16xi32>,
      %get3A_578 = arith.index_cast %scan3A_574 : i32 to index
      %get3A_579 = arith.constant 0 : index
      %get3A_580 = tpu.vector_load %arg9[%get3A_578, %get3A_579] {strides = array<i32>} : memref<125x16xi32, #tpu.memory_space<vmem>>, vector<16xi32>,
      %sub3A_581 = vector.broadcast %mul3A_0 : i32 to vector<16xi32>
      %sub3A_582 = arith.subi %get3A_580, %sub3A_581 : vector<16xi32>
      %ge3A = arith.constant 0 : i32
      %ge3A_583 = vector.broadcast %ge3A : i32 to vector<16xi32>
      %ge3A_584 = arith.cmpi sge, %sub3A_582, %ge3A_583 : vector<16xi32>
      %lt3A_585 = arith.constant 5120 : i32
      %lt3A_586 = vector.broadcast %lt3A_585 : i32 to vector<16xi32>
      %lt3A_587 = arith.cmpi slt, %sub3A_582, %lt3A_586 : vector<16xi32>
      %and3A_588 = arith.andi %ge3A_584, %lt3A_587 : vector<16xi1>
      %convert_element_type3A_589 = arith.extui %and3A_588 : vector<16xi1> to vector<16xi32>
      %broadcast_in_dim3A_590 = arith.constant true
      %broadcast_in_dim3A_591 = vector.broadcast %broadcast_in_dim3A_590 : i1 to vector<16xi1>
      %masked_cumsum3A = tpu.scan <sum>, %convert_element_type3A_589 masked %broadcast_in_dim3A_591 : vector<16xi32>, vector<16xi1> -> vector<16xi32>
      %add3A_592 = vector.broadcast %scan3A_575 : i32 to vector<16xi32>
      %add3A_593 = arith.addi %add3A_592, %masked_cumsum3A : vector<16xi32>
      %sub3A_594 = arith.constant 1 : i32
      %sub3A_595 = vector.broadcast %sub3A_594 : i32 to vector<16xi32>
      %sub3A_596 = arith.subi %add3A_593, %sub3A_595 : vector<16xi32>
      tpu.vector_store_idx %arg11[%sub3A_596], %get3A_577 masked %and3A_588 : memref<20160xi32, #tpu.memory_space<vmem>>[vector<16xi32>], vector<16xi32>, vector<16xi1>
      tpu.vector_store_idx %arg12[%sub3A_596], %sub3A_582 masked %and3A_588 : memref<20160xi32, #tpu.memory_space<vmem>>[vector<16xi32>], vector<16xi32>, vector<16xi1>
      %reduce_sum3A_597 = arith.constant true
      %reduce_sum3A_598 = vector.broadcast %reduce_sum3A_597 : i1 to vector<16xi1>
      %reduce_sum3A_599 = tpu.scan <sum>, %convert_element_type3A_589 masked %reduce_sum3A_598 : vector<16xi32>, vector<16xi1> -> vector<16xi32>
      %reduce_sum3A_600 = vector.extract %reduce_sum3A_599[15] : i32 from vector<16xi32>
      %add3A_601 = arith.addi %scan3A_575, %reduce_sum3A_600 : i32
      scf.yield %add3A_601 : i32
    }
    %scan3A_226 = arith.constant 125 : i32
    %dma_wait3A_227 = arith.constant 5 : i32
    %dma_wait3A_228 = arith.constant 0 : i32
    %dma_wait3A_229 = arith.constant 0 : i32
    %dma_wait3A_230 = tpu.memref_slice %arg2[%arg1, %dma_wait3A_227, %dma_wait3A_228, %dma_wait3A_229] : memref<16x10x125x16xi32, #tpu.memory_space<hbm>> -> memref<1x1x125x16xi32, #tpu.memory_space<hbm>>
    %dma_wait3A_231 = tpu.memref_squeeze %dma_wait3A_230 : memref<1x1x125x16xi32, #tpu.memory_space<hbm>> -> memref<125x16xi32, #tpu.memory_space<hbm>>
    %dma_wait3A_232 = arith.constant 0 : i32
    %dma_wait3A_233 = arith.constant 0 : i32
    %dma_wait3A_234 = tpu.memref_slice %arg2[%arg1, %dma_wait3A_227, %dma_wait3A_232, %dma_wait3A_233] : memref<16x10x125x16xi32, #tpu.memory_space<hbm>> -> memref<1x1x125x16xi32, #tpu.memory_space<hbm>>
    %dma_wait3A_235 = tpu.memref_squeeze %dma_wait3A_234 : memref<1x1x125x16xi32, #tpu.memory_space<hbm>> -> memref<125x16xi32, #tpu.memory_space<hbm>>
    tpu.wait_dma2 semaphore(%arg14 : memref<!tpu.dma_semaphore, #tpu.memory_space<semaphore_mem>>) src(%dma_wait3A_235 : memref<125x16xi32, #tpu.memory_space<hbm>>) dst(%arg8 : memref<125x16xi32, #tpu.memory_space<vmem>>)
    %dma_wait3A_236 = arith.constant 5 : i32
    %dma_wait3A_237 = arith.constant 0 : i32
    %dma_wait3A_238 = arith.constant 0 : i32
    %dma_wait3A_239 = tpu.memref_slice %arg3[%arg1, %dma_wait3A_236, %dma_wait3A_237, %dma_wait3A_238] : memref<16x10x125x16xi32, #tpu.memory_space<hbm>> -> memref<1x1x125x16xi32, #tpu.memory_space<hbm>>
    %dma_wait3A_240 = tpu.memref_squeeze %dma_wait3A_239 : memref<1x1x125x16xi32, #tpu.memory_space<hbm>> -> memref<125x16xi32, #tpu.memory_space<hbm>>
    %dma_wait3A_241 = arith.constant 0 : i32
    %dma_wait3A_242 = arith.constant 0 : i32
    %dma_wait3A_243 = tpu.memref_slice %arg3[%arg1, %dma_wait3A_236, %dma_wait3A_241, %dma_wait3A_242] : memref<16x10x125x16xi32, #tpu.memory_space<hbm>> -> memref<1x1x125x16xi32, #tpu.memory_space<hbm>>
    %dma_wait3A_244 = tpu.memref_squeeze %dma_wait3A_243 : memref<1x1x125x16xi32, #tpu.memory_space<hbm>> -> memref<125x16xi32, #tpu.memory_space<hbm>>
    tpu.wait_dma2 semaphore(%arg15 : memref<!tpu.dma_semaphore, #tpu.memory_space<semaphore_mem>>) src(%dma_wait3A_244 : memref<125x16xi32, #tpu.memory_space<hbm>>) dst(%arg10 : memref<125x16xi32, #tpu.memory_space<vmem>>)
    %dma_start3A_245 = arith.constant 6 : i32
    %dma_start3A_246 = arith.constant 0 : i32
    %dma_start3A_247 = arith.constant 0 : i32
    %dma_start3A_248 = tpu.memref_slice %arg2[%arg1, %dma_start3A_245, %dma_start3A_246, %dma_start3A_247] : memref<16x10x125x16xi32, #tpu.memory_space<hbm>> -> memref<1x1x125x16xi32, #tpu.memory_space<hbm>>
    %dma_start3A_249 = tpu.memref_squeeze %dma_start3A_248 : memref<1x1x125x16xi32, #tpu.memory_space<hbm>> -> memref<125x16xi32, #tpu.memory_space<hbm>>
    %dma_start3A_250 = arith.constant 0 : i32
    %dma_start3A_251 = arith.constant 0 : i32
    %dma_start3A_252 = tpu.memref_slice %arg2[%arg1, %dma_start3A_245, %dma_start3A_250, %dma_start3A_251] : memref<16x10x125x16xi32, #tpu.memory_space<hbm>> -> memref<1x1x125x16xi32, #tpu.memory_space<hbm>>
    %dma_start3A_253 = tpu.memref_squeeze %dma_start3A_252 : memref<1x1x125x16xi32, #tpu.memory_space<hbm>> -> memref<125x16xi32, #tpu.memory_space<hbm>>
    tpu.enqueue_dma source(%dma_start3A_253 : memref<125x16xi32, #tpu.memory_space<hbm>>) target(%arg7 : memref<125x16xi32, #tpu.memory_space<vmem>>) target_semaphore(%arg14 : memref<!tpu.dma_semaphore, #tpu.memory_space<semaphore_mem>>)
    %dma_start3A_254 = arith.constant 6 : i32
    %dma_start3A_255 = arith.constant 0 : i32
    %dma_start3A_256 = arith.constant 0 : i32
    %dma_start3A_257 = tpu.memref_slice %arg3[%arg1, %dma_start3A_254, %dma_start3A_255, %dma_start3A_256] : memref<16x10x125x16xi32, #tpu.memory_space<hbm>> -> memref<1x1x125x16xi32, #tpu.memory_space<hbm>>
    %dma_start3A_258 = tpu.memref_squeeze %dma_start3A_257 : memref<1x1x125x16xi32, #tpu.memory_space<hbm>> -> memref<125x16xi32, #tpu.memory_space<hbm>>
    %dma_start3A_259 = arith.constant 0 : i32
    %dma_start3A_260 = arith.constant 0 : i32
    %dma_start3A_261 = tpu.memref_slice %arg3[%arg1, %dma_start3A_254, %dma_start3A_259, %dma_start3A_260] : memref<16x10x125x16xi32, #tpu.memory_space<hbm>> -> memref<1x1x125x16xi32, #tpu.memory_space<hbm>>
    %dma_start3A_262 = tpu.memref_squeeze %dma_start3A_261 : memref<1x1x125x16xi32, #tpu.memory_space<hbm>> -> memref<125x16xi32, #tpu.memory_space<hbm>>
    tpu.enqueue_dma source(%dma_start3A_262 : memref<125x16xi32, #tpu.memory_space<hbm>>) target(%arg9 : memref<125x16xi32, #tpu.memory_space<vmem>>) target_semaphore(%arg15 : memref<!tpu.dma_semaphore, #tpu.memory_space<semaphore_mem>>)
    %scan3A_263 = arith.constant 0 : i32
    %scan3A_264 = arith.constant 125 : i32
    %scan3A_265 = arith.addi %scan3A_263, %scan3A_264 : i32
    %scan3A_266 = arith.constant 1 : i32
    %scan3A_267 = scf.for %scan3A_574 = %scan3A_263 to %scan3A_265 step %scan3A_266 iter_args(%scan3A_575 = %scan3A_225) -> (i32)  : i32 {
      %get3A = arith.index_cast %scan3A_574 : i32 to index
      %get3A_576 = arith.constant 0 : index
      %get3A_577 = tpu.vector_load %arg8[%get3A, %get3A_576] {strides = array<i32>} : memref<125x16xi32, #tpu.memory_space<vmem>>, vector<16xi32>,
      %get3A_578 = arith.index_cast %scan3A_574 : i32 to index
      %get3A_579 = arith.constant 0 : index
      %get3A_580 = tpu.vector_load %arg10[%get3A_578, %get3A_579] {strides = array<i32>} : memref<125x16xi32, #tpu.memory_space<vmem>>, vector<16xi32>,
      %sub3A_581 = vector.broadcast %mul3A_0 : i32 to vector<16xi32>
      %sub3A_582 = arith.subi %get3A_580, %sub3A_581 : vector<16xi32>
      %ge3A = arith.constant 0 : i32
      %ge3A_583 = vector.broadcast %ge3A : i32 to vector<16xi32>
      %ge3A_584 = arith.cmpi sge, %sub3A_582, %ge3A_583 : vector<16xi32>
      %lt3A_585 = arith.constant 5120 : i32
      %lt3A_586 = vector.broadcast %lt3A_585 : i32 to vector<16xi32>
      %lt3A_587 = arith.cmpi slt, %sub3A_582, %lt3A_586 : vector<16xi32>
      %and3A_588 = arith.andi %ge3A_584, %lt3A_587 : vector<16xi1>
      %convert_element_type3A_589 = arith.extui %and3A_588 : vector<16xi1> to vector<16xi32>
      %broadcast_in_dim3A_590 = arith.constant true
      %broadcast_in_dim3A_591 = vector.broadcast %broadcast_in_dim3A_590 : i1 to vector<16xi1>
      %masked_cumsum3A = tpu.scan <sum>, %convert_element_type3A_589 masked %broadcast_in_dim3A_591 : vector<16xi32>, vector<16xi1> -> vector<16xi32>
      %add3A_592 = vector.broadcast %scan3A_575 : i32 to vector<16xi32>
      %add3A_593 = arith.addi %add3A_592, %masked_cumsum3A : vector<16xi32>
      %sub3A_594 = arith.constant 1 : i32
      %sub3A_595 = vector.broadcast %sub3A_594 : i32 to vector<16xi32>
      %sub3A_596 = arith.subi %add3A_593, %sub3A_595 : vector<16xi32>
      tpu.vector_store_idx %arg11[%sub3A_596], %get3A_577 masked %and3A_588 : memref<20160xi32, #tpu.memory_space<vmem>>[vector<16xi32>], vector<16xi32>, vector<16xi1>
      tpu.vector_store_idx %arg12[%sub3A_596], %sub3A_582 masked %and3A_588 : memref<20160xi32, #tpu.memory_space<vmem>>[vector<16xi32>], vector<16xi32>, vector<16xi1>
      %reduce_sum3A_597 = arith.constant true
      %reduce_sum3A_598 = vector.broadcast %reduce_sum3A_597 : i1 to vector<16xi1>
      %reduce_sum3A_599 = tpu.scan <sum>, %convert_element_type3A_589 masked %reduce_sum3A_598 : vector<16xi32>, vector<16xi1> -> vector<16xi32>
      %reduce_sum3A_600 = vector.extract %reduce_sum3A_599[15] : i32 from vector<16xi32>
      %add3A_601 = arith.addi %scan3A_575, %reduce_sum3A_600 : i32
      scf.yield %add3A_601 : i32
    }
    %scan3A_268 = arith.constant 125 : i32
    %dma_wait3A_269 = arith.constant 6 : i32
    %dma_wait3A_270 = arith.constant 0 : i32
    %dma_wait3A_271 = arith.constant 0 : i32
    %dma_wait3A_272 = tpu.memref_slice %arg2[%arg1, %dma_wait3A_269, %dma_wait3A_270, %dma_wait3A_271] : memref<16x10x125x16xi32, #tpu.memory_space<hbm>> -> memref<1x1x125x16xi32, #tpu.memory_space<hbm>>
    %dma_wait3A_273 = tpu.memref_squeeze %dma_wait3A_272 : memref<1x1x125x16xi32, #tpu.memory_space<hbm>> -> memref<125x16xi32, #tpu.memory_space<hbm>>
    %dma_wait3A_274 = arith.constant 0 : i32
    %dma_wait3A_275 = arith.constant 0 : i32
    %dma_wait3A_276 = tpu.memref_slice %arg2[%arg1, %dma_wait3A_269, %dma_wait3A_274, %dma_wait3A_275] : memref<16x10x125x16xi32, #tpu.memory_space<hbm>> -> memref<1x1x125x16xi32, #tpu.memory_space<hbm>>
    %dma_wait3A_277 = tpu.memref_squeeze %dma_wait3A_276 : memref<1x1x125x16xi32, #tpu.memory_space<hbm>> -> memref<125x16xi32, #tpu.memory_space<hbm>>
    tpu.wait_dma2 semaphore(%arg14 : memref<!tpu.dma_semaphore, #tpu.memory_space<semaphore_mem>>) src(%dma_wait3A_277 : memref<125x16xi32, #tpu.memory_space<hbm>>) dst(%arg7 : memref<125x16xi32, #tpu.memory_space<vmem>>)
    %dma_wait3A_278 = arith.constant 6 : i32
    %dma_wait3A_279 = arith.constant 0 : i32
    %dma_wait3A_280 = arith.constant 0 : i32
    %dma_wait3A_281 = tpu.memref_slice %arg3[%arg1, %dma_wait3A_278, %dma_wait3A_279, %dma_wait3A_280] : memref<16x10x125x16xi32, #tpu.memory_space<hbm>> -> memref<1x1x125x16xi32, #tpu.memory_space<hbm>>
    %dma_wait3A_282 = tpu.memref_squeeze %dma_wait3A_281 : memref<1x1x125x16xi32, #tpu.memory_space<hbm>> -> memref<125x16xi32, #tpu.memory_space<hbm>>
    %dma_wait3A_283 = arith.constant 0 : i32
    %dma_wait3A_284 = arith.constant 0 : i32
    %dma_wait3A_285 = tpu.memref_slice %arg3[%arg1, %dma_wait3A_278, %dma_wait3A_283, %dma_wait3A_284] : memref<16x10x125x16xi32, #tpu.memory_space<hbm>> -> memref<1x1x125x16xi32, #tpu.memory_space<hbm>>
    %dma_wait3A_286 = tpu.memref_squeeze %dma_wait3A_285 : memref<1x1x125x16xi32, #tpu.memory_space<hbm>> -> memref<125x16xi32, #tpu.memory_space<hbm>>
    tpu.wait_dma2 semaphore(%arg15 : memref<!tpu.dma_semaphore, #tpu.memory_space<semaphore_mem>>) src(%dma_wait3A_286 : memref<125x16xi32, #tpu.memory_space<hbm>>) dst(%arg9 : memref<125x16xi32, #tpu.memory_space<vmem>>)
    %dma_start3A_287 = arith.constant 7 : i32
    %dma_start3A_288 = arith.constant 0 : i32
    %dma_start3A_289 = arith.constant 0 : i32
    %dma_start3A_290 = tpu.memref_slice %arg2[%arg1, %dma_start3A_287, %dma_start3A_288, %dma_start3A_289] : memref<16x10x125x16xi32, #tpu.memory_space<hbm>> -> memref<1x1x125x16xi32, #tpu.memory_space<hbm>>
    %dma_start3A_291 = tpu.memref_squeeze %dma_start3A_290 : memref<1x1x125x16xi32, #tpu.memory_space<hbm>> -> memref<125x16xi32, #tpu.memory_space<hbm>>
    %dma_start3A_292 = arith.constant 0 : i32
    %dma_start3A_293 = arith.constant 0 : i32
    %dma_start3A_294 = tpu.memref_slice %arg2[%arg1, %dma_start3A_287, %dma_start3A_292, %dma_start3A_293] : memref<16x10x125x16xi32, #tpu.memory_space<hbm>> -> memref<1x1x125x16xi32, #tpu.memory_space<hbm>>
    %dma_start3A_295 = tpu.memref_squeeze %dma_start3A_294 : memref<1x1x125x16xi32, #tpu.memory_space<hbm>> -> memref<125x16xi32, #tpu.memory_space<hbm>>
    tpu.enqueue_dma source(%dma_start3A_295 : memref<125x16xi32, #tpu.memory_space<hbm>>) target(%arg8 : memref<125x16xi32, #tpu.memory_space<vmem>>) target_semaphore(%arg14 : memref<!tpu.dma_semaphore, #tpu.memory_space<semaphore_mem>>)
    %dma_start3A_296 = arith.constant 7 : i32
    %dma_start3A_297 = arith.constant 0 : i32
    %dma_start3A_298 = arith.constant 0 : i32
    %dma_start3A_299 = tpu.memref_slice %arg3[%arg1, %dma_start3A_296, %dma_start3A_297, %dma_start3A_298] : memref<16x10x125x16xi32, #tpu.memory_space<hbm>> -> memref<1x1x125x16xi32, #tpu.memory_space<hbm>>
    %dma_start3A_300 = tpu.memref_squeeze %dma_start3A_299 : memref<1x1x125x16xi32, #tpu.memory_space<hbm>> -> memref<125x16xi32, #tpu.memory_space<hbm>>
    %dma_start3A_301 = arith.constant 0 : i32
    %dma_start3A_302 = arith.constant 0 : i32
    %dma_start3A_303 = tpu.memref_slice %arg3[%arg1, %dma_start3A_296, %dma_start3A_301, %dma_start3A_302] : memref<16x10x125x16xi32, #tpu.memory_space<hbm>> -> memref<1x1x125x16xi32, #tpu.memory_space<hbm>>
    %dma_start3A_304 = tpu.memref_squeeze %dma_start3A_303 : memref<1x1x125x16xi32, #tpu.memory_space<hbm>> -> memref<125x16xi32, #tpu.memory_space<hbm>>
    tpu.enqueue_dma source(%dma_start3A_304 : memref<125x16xi32, #tpu.memory_space<hbm>>) target(%arg10 : memref<125x16xi32, #tpu.memory_space<vmem>>) target_semaphore(%arg15 : memref<!tpu.dma_semaphore, #tpu.memory_space<semaphore_mem>>)
    %scan3A_305 = arith.constant 0 : i32
    %scan3A_306 = arith.constant 125 : i32
    %scan3A_307 = arith.addi %scan3A_305, %scan3A_306 : i32
    %scan3A_308 = arith.constant 1 : i32
    %scan3A_309 = scf.for %scan3A_574 = %scan3A_305 to %scan3A_307 step %scan3A_308 iter_args(%scan3A_575 = %scan3A_267) -> (i32)  : i32 {
      %get3A = arith.index_cast %scan3A_574 : i32 to index
      %get3A_576 = arith.constant 0 : index
      %get3A_577 = tpu.vector_load %arg7[%get3A, %get3A_576] {strides = array<i32>} : memref<125x16xi32, #tpu.memory_space<vmem>>, vector<16xi32>,
      %get3A_578 = arith.index_cast %scan3A_574 : i32 to index
      %get3A_579 = arith.constant 0 : index
      %get3A_580 = tpu.vector_load %arg9[%get3A_578, %get3A_579] {strides = array<i32>} : memref<125x16xi32, #tpu.memory_space<vmem>>, vector<16xi32>,
      %sub3A_581 = vector.broadcast %mul3A_0 : i32 to vector<16xi32>
      %sub3A_582 = arith.subi %get3A_580, %sub3A_581 : vector<16xi32>
      %ge3A = arith.constant 0 : i32
      %ge3A_583 = vector.broadcast %ge3A : i32 to vector<16xi32>
      %ge3A_584 = arith.cmpi sge, %sub3A_582, %ge3A_583 : vector<16xi32>
      %lt3A_585 = arith.constant 5120 : i32
      %lt3A_586 = vector.broadcast %lt3A_585 : i32 to vector<16xi32>
      %lt3A_587 = arith.cmpi slt, %sub3A_582, %lt3A_586 : vector<16xi32>
      %and3A_588 = arith.andi %ge3A_584, %lt3A_587 : vector<16xi1>
      %convert_element_type3A_589 = arith.extui %and3A_588 : vector<16xi1> to vector<16xi32>
      %broadcast_in_dim3A_590 = arith.constant true
      %broadcast_in_dim3A_591 = vector.broadcast %broadcast_in_dim3A_590 : i1 to vector<16xi1>
      %masked_cumsum3A = tpu.scan <sum>, %convert_element_type3A_589 masked %broadcast_in_dim3A_591 : vector<16xi32>, vector<16xi1> -> vector<16xi32>
      %add3A_592 = vector.broadcast %scan3A_575 : i32 to vector<16xi32>
      %add3A_593 = arith.addi %add3A_592, %masked_cumsum3A : vector<16xi32>
      %sub3A_594 = arith.constant 1 : i32
      %sub3A_595 = vector.broadcast %sub3A_594 : i32 to vector<16xi32>
      %sub3A_596 = arith.subi %add3A_593, %sub3A_595 : vector<16xi32>
      tpu.vector_store_idx %arg11[%sub3A_596], %get3A_577 masked %and3A_588 : memref<20160xi32, #tpu.memory_space<vmem>>[vector<16xi32>], vector<16xi32>, vector<16xi1>
      tpu.vector_store_idx %arg12[%sub3A_596], %sub3A_582 masked %and3A_588 : memref<20160xi32, #tpu.memory_space<vmem>>[vector<16xi32>], vector<16xi32>, vector<16xi1>
      %reduce_sum3A_597 = arith.constant true
      %reduce_sum3A_598 = vector.broadcast %reduce_sum3A_597 : i1 to vector<16xi1>
      %reduce_sum3A_599 = tpu.scan <sum>, %convert_element_type3A_589 masked %reduce_sum3A_598 : vector<16xi32>, vector<16xi1> -> vector<16xi32>
      %reduce_sum3A_600 = vector.extract %reduce_sum3A_599[15] : i32 from vector<16xi32>
      %add3A_601 = arith.addi %scan3A_575, %reduce_sum3A_600 : i32
      scf.yield %add3A_601 : i32
    }
    %scan3A_310 = arith.constant 125 : i32
    %dma_wait3A_311 = arith.constant 7 : i32
    %dma_wait3A_312 = arith.constant 0 : i32
    %dma_wait3A_313 = arith.constant 0 : i32
    %dma_wait3A_314 = tpu.memref_slice %arg2[%arg1, %dma_wait3A_311, %dma_wait3A_312, %dma_wait3A_313] : memref<16x10x125x16xi32, #tpu.memory_space<hbm>> -> memref<1x1x125x16xi32, #tpu.memory_space<hbm>>
    %dma_wait3A_315 = tpu.memref_squeeze %dma_wait3A_314 : memref<1x1x125x16xi32, #tpu.memory_space<hbm>> -> memref<125x16xi32, #tpu.memory_space<hbm>>
    %dma_wait3A_316 = arith.constant 0 : i32
    %dma_wait3A_317 = arith.constant 0 : i32
    %dma_wait3A_318 = tpu.memref_slice %arg2[%arg1, %dma_wait3A_311, %dma_wait3A_316, %dma_wait3A_317] : memref<16x10x125x16xi32, #tpu.memory_space<hbm>> -> memref<1x1x125x16xi32, #tpu.memory_space<hbm>>
    %dma_wait3A_319 = tpu.memref_squeeze %dma_wait3A_318 : memref<1x1x125x16xi32, #tpu.memory_space<hbm>> -> memref<125x16xi32, #tpu.memory_space<hbm>>
    tpu.wait_dma2 semaphore(%arg14 : memref<!tpu.dma_semaphore, #tpu.memory_space<semaphore_mem>>) src(%dma_wait3A_319 : memref<125x16xi32, #tpu.memory_space<hbm>>) dst(%arg8 : memref<125x16xi32, #tpu.memory_space<vmem>>)
    %dma_wait3A_320 = arith.constant 7 : i32
    %dma_wait3A_321 = arith.constant 0 : i32
    %dma_wait3A_322 = arith.constant 0 : i32
    %dma_wait3A_323 = tpu.memref_slice %arg3[%arg1, %dma_wait3A_320, %dma_wait3A_321, %dma_wait3A_322] : memref<16x10x125x16xi32, #tpu.memory_space<hbm>> -> memref<1x1x125x16xi32, #tpu.memory_space<hbm>>
    %dma_wait3A_324 = tpu.memref_squeeze %dma_wait3A_323 : memref<1x1x125x16xi32, #tpu.memory_space<hbm>> -> memref<125x16xi32, #tpu.memory_space<hbm>>
    %dma_wait3A_325 = arith.constant 0 : i32
    %dma_wait3A_326 = arith.constant 0 : i32
    %dma_wait3A_327 = tpu.memref_slice %arg3[%arg1, %dma_wait3A_320, %dma_wait3A_325, %dma_wait3A_326] : memref<16x10x125x16xi32, #tpu.memory_space<hbm>> -> memref<1x1x125x16xi32, #tpu.memory_space<hbm>>
    %dma_wait3A_328 = tpu.memref_squeeze %dma_wait3A_327 : memref<1x1x125x16xi32, #tpu.memory_space<hbm>> -> memref<125x16xi32, #tpu.memory_space<hbm>>
    tpu.wait_dma2 semaphore(%arg15 : memref<!tpu.dma_semaphore, #tpu.memory_space<semaphore_mem>>) src(%dma_wait3A_328 : memref<125x16xi32, #tpu.memory_space<hbm>>) dst(%arg10 : memref<125x16xi32, #tpu.memory_space<vmem>>)
    %dma_start3A_329 = arith.constant 8 : i32
    %dma_start3A_330 = arith.constant 0 : i32
    %dma_start3A_331 = arith.constant 0 : i32
    %dma_start3A_332 = tpu.memref_slice %arg2[%arg1, %dma_start3A_329, %dma_start3A_330, %dma_start3A_331] : memref<16x10x125x16xi32, #tpu.memory_space<hbm>> -> memref<1x1x125x16xi32, #tpu.memory_space<hbm>>
    %dma_start3A_333 = tpu.memref_squeeze %dma_start3A_332 : memref<1x1x125x16xi32, #tpu.memory_space<hbm>> -> memref<125x16xi32, #tpu.memory_space<hbm>>
    %dma_start3A_334 = arith.constant 0 : i32
    %dma_start3A_335 = arith.constant 0 : i32
    %dma_start3A_336 = tpu.memref_slice %arg2[%arg1, %dma_start3A_329, %dma_start3A_334, %dma_start3A_335] : memref<16x10x125x16xi32, #tpu.memory_space<hbm>> -> memref<1x1x125x16xi32, #tpu.memory_space<hbm>>
    %dma_start3A_337 = tpu.memref_squeeze %dma_start3A_336 : memref<1x1x125x16xi32, #tpu.memory_space<hbm>> -> memref<125x16xi32, #tpu.memory_space<hbm>>
    tpu.enqueue_dma source(%dma_start3A_337 : memref<125x16xi32, #tpu.memory_space<hbm>>) target(%arg7 : memref<125x16xi32, #tpu.memory_space<vmem>>) target_semaphore(%arg14 : memref<!tpu.dma_semaphore, #tpu.memory_space<semaphore_mem>>)
    %dma_start3A_338 = arith.constant 8 : i32
    %dma_start3A_339 = arith.constant 0 : i32
    %dma_start3A_340 = arith.constant 0 : i32
    %dma_start3A_341 = tpu.memref_slice %arg3[%arg1, %dma_start3A_338, %dma_start3A_339, %dma_start3A_340] : memref<16x10x125x16xi32, #tpu.memory_space<hbm>> -> memref<1x1x125x16xi32, #tpu.memory_space<hbm>>
    %dma_start3A_342 = tpu.memref_squeeze %dma_start3A_341 : memref<1x1x125x16xi32, #tpu.memory_space<hbm>> -> memref<125x16xi32, #tpu.memory_space<hbm>>
    %dma_start3A_343 = arith.constant 0 : i32
    %dma_start3A_344 = arith.constant 0 : i32
    %dma_start3A_345 = tpu.memref_slice %arg3[%arg1, %dma_start3A_338, %dma_start3A_343, %dma_start3A_344] : memref<16x10x125x16xi32, #tpu.memory_space<hbm>> -> memref<1x1x125x16xi32, #tpu.memory_space<hbm>>
    %dma_start3A_346 = tpu.memref_squeeze %dma_start3A_345 : memref<1x1x125x16xi32, #tpu.memory_space<hbm>> -> memref<125x16xi32, #tpu.memory_space<hbm>>
    tpu.enqueue_dma source(%dma_start3A_346 : memref<125x16xi32, #tpu.memory_space<hbm>>) target(%arg9 : memref<125x16xi32, #tpu.memory_space<vmem>>) target_semaphore(%arg15 : memref<!tpu.dma_semaphore, #tpu.memory_space<semaphore_mem>>)
    %scan3A_347 = arith.constant 0 : i32
    %scan3A_348 = arith.constant 125 : i32
    %scan3A_349 = arith.addi %scan3A_347, %scan3A_348 : i32
    %scan3A_350 = arith.constant 1 : i32
    %scan3A_351 = scf.for %scan3A_574 = %scan3A_347 to %scan3A_349 step %scan3A_350 iter_args(%scan3A_575 = %scan3A_309) -> (i32)  : i32 {
      %get3A = arith.index_cast %scan3A_574 : i32 to index
      %get3A_576 = arith.constant 0 : index
      %get3A_577 = tpu.vector_load %arg8[%get3A, %get3A_576] {strides = array<i32>} : memref<125x16xi32, #tpu.memory_space<vmem>>, vector<16xi32>,
      %get3A_578 = arith.index_cast %scan3A_574 : i32 to index
      %get3A_579 = arith.constant 0 : index
      %get3A_580 = tpu.vector_load %arg10[%get3A_578, %get3A_579] {strides = array<i32>} : memref<125x16xi32, #tpu.memory_space<vmem>>, vector<16xi32>,
      %sub3A_581 = vector.broadcast %mul3A_0 : i32 to vector<16xi32>
      %sub3A_582 = arith.subi %get3A_580, %sub3A_581 : vector<16xi32>
      %ge3A = arith.constant 0 : i32
      %ge3A_583 = vector.broadcast %ge3A : i32 to vector<16xi32>
      %ge3A_584 = arith.cmpi sge, %sub3A_582, %ge3A_583 : vector<16xi32>
      %lt3A_585 = arith.constant 5120 : i32
      %lt3A_586 = vector.broadcast %lt3A_585 : i32 to vector<16xi32>
      %lt3A_587 = arith.cmpi slt, %sub3A_582, %lt3A_586 : vector<16xi32>
      %and3A_588 = arith.andi %ge3A_584, %lt3A_587 : vector<16xi1>
      %convert_element_type3A_589 = arith.extui %and3A_588 : vector<16xi1> to vector<16xi32>
      %broadcast_in_dim3A_590 = arith.constant true
      %broadcast_in_dim3A_591 = vector.broadcast %broadcast_in_dim3A_590 : i1 to vector<16xi1>
      %masked_cumsum3A = tpu.scan <sum>, %convert_element_type3A_589 masked %broadcast_in_dim3A_591 : vector<16xi32>, vector<16xi1> -> vector<16xi32>
      %add3A_592 = vector.broadcast %scan3A_575 : i32 to vector<16xi32>
      %add3A_593 = arith.addi %add3A_592, %masked_cumsum3A : vector<16xi32>
      %sub3A_594 = arith.constant 1 : i32
      %sub3A_595 = vector.broadcast %sub3A_594 : i32 to vector<16xi32>
      %sub3A_596 = arith.subi %add3A_593, %sub3A_595 : vector<16xi32>
      tpu.vector_store_idx %arg11[%sub3A_596], %get3A_577 masked %and3A_588 : memref<20160xi32, #tpu.memory_space<vmem>>[vector<16xi32>], vector<16xi32>, vector<16xi1>
      tpu.vector_store_idx %arg12[%sub3A_596], %sub3A_582 masked %and3A_588 : memref<20160xi32, #tpu.memory_space<vmem>>[vector<16xi32>], vector<16xi32>, vector<16xi1>
      %reduce_sum3A_597 = arith.constant true
      %reduce_sum3A_598 = vector.broadcast %reduce_sum3A_597 : i1 to vector<16xi1>
      %reduce_sum3A_599 = tpu.scan <sum>, %convert_element_type3A_589 masked %reduce_sum3A_598 : vector<16xi32>, vector<16xi1> -> vector<16xi32>
      %reduce_sum3A_600 = vector.extract %reduce_sum3A_599[15] : i32 from vector<16xi32>
      %add3A_601 = arith.addi %scan3A_575, %reduce_sum3A_600 : i32
      scf.yield %add3A_601 : i32
    }
    %scan3A_352 = arith.constant 125 : i32
    %dma_wait3A_353 = arith.constant 8 : i32
    %dma_wait3A_354 = arith.constant 0 : i32
    %dma_wait3A_355 = arith.constant 0 : i32
    %dma_wait3A_356 = tpu.memref_slice %arg2[%arg1, %dma_wait3A_353, %dma_wait3A_354, %dma_wait3A_355] : memref<16x10x125x16xi32, #tpu.memory_space<hbm>> -> memref<1x1x125x16xi32, #tpu.memory_space<hbm>>
    %dma_wait3A_357 = tpu.memref_squeeze %dma_wait3A_356 : memref<1x1x125x16xi32, #tpu.memory_space<hbm>> -> memref<125x16xi32, #tpu.memory_space<hbm>>
    %dma_wait3A_358 = arith.constant 0 : i32
    %dma_wait3A_359 = arith.constant 0 : i32
    %dma_wait3A_360 = tpu.memref_slice %arg2[%arg1, %dma_wait3A_353, %dma_wait3A_358, %dma_wait3A_359] : memref<16x10x125x16xi32, #tpu.memory_space<hbm>> -> memref<1x1x125x16xi32, #tpu.memory_space<hbm>>
    %dma_wait3A_361 = tpu.memref_squeeze %dma_wait3A_360 : memref<1x1x125x16xi32, #tpu.memory_space<hbm>> -> memref<125x16xi32, #tpu.memory_space<hbm>>
    tpu.wait_dma2 semaphore(%arg14 : memref<!tpu.dma_semaphore, #tpu.memory_space<semaphore_mem>>) src(%dma_wait3A_361 : memref<125x16xi32, #tpu.memory_space<hbm>>) dst(%arg7 : memref<125x16xi32, #tpu.memory_space<vmem>>)
    %dma_wait3A_362 = arith.constant 8 : i32
    %dma_wait3A_363 = arith.constant 0 : i32
    %dma_wait3A_364 = arith.constant 0 : i32
    %dma_wait3A_365 = tpu.memref_slice %arg3[%arg1, %dma_wait3A_362, %dma_wait3A_363, %dma_wait3A_364] : memref<16x10x125x16xi32, #tpu.memory_space<hbm>> -> memref<1x1x125x16xi32, #tpu.memory_space<hbm>>
    %dma_wait3A_366 = tpu.memref_squeeze %dma_wait3A_365 : memref<1x1x125x16xi32, #tpu.memory_space<hbm>> -> memref<125x16xi32, #tpu.memory_space<hbm>>
    %dma_wait3A_367 = arith.constant 0 : i32
    %dma_wait3A_368 = arith.constant 0 : i32
    %dma_wait3A_369 = tpu.memref_slice %arg3[%arg1, %dma_wait3A_362, %dma_wait3A_367, %dma_wait3A_368] : memref<16x10x125x16xi32, #tpu.memory_space<hbm>> -> memref<1x1x125x16xi32, #tpu.memory_space<hbm>>
    %dma_wait3A_370 = tpu.memref_squeeze %dma_wait3A_369 : memref<1x1x125x16xi32, #tpu.memory_space<hbm>> -> memref<125x16xi32, #tpu.memory_space<hbm>>
    tpu.wait_dma2 semaphore(%arg15 : memref<!tpu.dma_semaphore, #tpu.memory_space<semaphore_mem>>) src(%dma_wait3A_370 : memref<125x16xi32, #tpu.memory_space<hbm>>) dst(%arg9 : memref<125x16xi32, #tpu.memory_space<vmem>>)
    %dma_start3A_371 = arith.constant 9 : i32
    %dma_start3A_372 = arith.constant 0 : i32
    %dma_start3A_373 = arith.constant 0 : i32
    %dma_start3A_374 = tpu.memref_slice %arg2[%arg1, %dma_start3A_371, %dma_start3A_372, %dma_start3A_373] : memref<16x10x125x16xi32, #tpu.memory_space<hbm>> -> memref<1x1x125x16xi32, #tpu.memory_space<hbm>>
    %dma_start3A_375 = tpu.memref_squeeze %dma_start3A_374 : memref<1x1x125x16xi32, #tpu.memory_space<hbm>> -> memref<125x16xi32, #tpu.memory_space<hbm>>
    %dma_start3A_376 = arith.constant 0 : i32
    %dma_start3A_377 = arith.constant 0 : i32
    %dma_start3A_378 = tpu.memref_slice %arg2[%arg1, %dma_start3A_371, %dma_start3A_376, %dma_start3A_377] : memref<16x10x125x16xi32, #tpu.memory_space<hbm>> -> memref<1x1x125x16xi32, #tpu.memory_space<hbm>>
    %dma_start3A_379 = tpu.memref_squeeze %dma_start3A_378 : memref<1x1x125x16xi32, #tpu.memory_space<hbm>> -> memref<125x16xi32, #tpu.memory_space<hbm>>
    tpu.enqueue_dma source(%dma_start3A_379 : memref<125x16xi32, #tpu.memory_space<hbm>>) target(%arg8 : memref<125x16xi32, #tpu.memory_space<vmem>>) target_semaphore(%arg14 : memref<!tpu.dma_semaphore, #tpu.memory_space<semaphore_mem>>)
    %dma_start3A_380 = arith.constant 9 : i32
    %dma_start3A_381 = arith.constant 0 : i32
    %dma_start3A_382 = arith.constant 0 : i32
    %dma_start3A_383 = tpu.memref_slice %arg3[%arg1, %dma_start3A_380, %dma_start3A_381, %dma_start3A_382] : memref<16x10x125x16xi32, #tpu.memory_space<hbm>> -> memref<1x1x125x16xi32, #tpu.memory_space<hbm>>
    %dma_start3A_384 = tpu.memref_squeeze %dma_start3A_383 : memref<1x1x125x16xi32, #tpu.memory_space<hbm>> -> memref<125x16xi32, #tpu.memory_space<hbm>>
    %dma_start3A_385 = arith.constant 0 : i32
    %dma_start3A_386 = arith.constant 0 : i32
    %dma_start3A_387 = tpu.memref_slice %arg3[%arg1, %dma_start3A_380, %dma_start3A_385, %dma_start3A_386] : memref<16x10x125x16xi32, #tpu.memory_space<hbm>> -> memref<1x1x125x16xi32, #tpu.memory_space<hbm>>
    %dma_start3A_388 = tpu.memref_squeeze %dma_start3A_387 : memref<1x1x125x16xi32, #tpu.memory_space<hbm>> -> memref<125x16xi32, #tpu.memory_space<hbm>>
    tpu.enqueue_dma source(%dma_start3A_388 : memref<125x16xi32, #tpu.memory_space<hbm>>) target(%arg10 : memref<125x16xi32, #tpu.memory_space<vmem>>) target_semaphore(%arg15 : memref<!tpu.dma_semaphore, #tpu.memory_space<semaphore_mem>>)
    %scan3A_389 = arith.constant 0 : i32
    %scan3A_390 = arith.constant 125 : i32
    %scan3A_391 = arith.addi %scan3A_389, %scan3A_390 : i32
    %scan3A_392 = arith.constant 1 : i32
    %scan3A_393 = scf.for %scan3A_574 = %scan3A_389 to %scan3A_391 step %scan3A_392 iter_args(%scan3A_575 = %scan3A_351) -> (i32)  : i32 {
      %get3A = arith.index_cast %scan3A_574 : i32 to index
      %get3A_576 = arith.constant 0 : index
      %get3A_577 = tpu.vector_load %arg7[%get3A, %get3A_576] {strides = array<i32>} : memref<125x16xi32, #tpu.memory_space<vmem>>, vector<16xi32>,
      %get3A_578 = arith.index_cast %scan3A_574 : i32 to index
      %get3A_579 = arith.constant 0 : index
      %get3A_580 = tpu.vector_load %arg9[%get3A_578, %get3A_579] {strides = array<i32>} : memref<125x16xi32, #tpu.memory_space<vmem>>, vector<16xi32>,
      %sub3A_581 = vector.broadcast %mul3A_0 : i32 to vector<16xi32>
      %sub3A_582 = arith.subi %get3A_580, %sub3A_581 : vector<16xi32>
      %ge3A = arith.constant 0 : i32
      %ge3A_583 = vector.broadcast %ge3A : i32 to vector<16xi32>
      %ge3A_584 = arith.cmpi sge, %sub3A_582, %ge3A_583 : vector<16xi32>
      %lt3A_585 = arith.constant 5120 : i32
      %lt3A_586 = vector.broadcast %lt3A_585 : i32 to vector<16xi32>
      %lt3A_587 = arith.cmpi slt, %sub3A_582, %lt3A_586 : vector<16xi32>
      %and3A_588 = arith.andi %ge3A_584, %lt3A_587 : vector<16xi1>
      %convert_element_type3A_589 = arith.extui %and3A_588 : vector<16xi1> to vector<16xi32>
      %broadcast_in_dim3A_590 = arith.constant true
      %broadcast_in_dim3A_591 = vector.broadcast %broadcast_in_dim3A_590 : i1 to vector<16xi1>
      %masked_cumsum3A = tpu.scan <sum>, %convert_element_type3A_589 masked %broadcast_in_dim3A_591 : vector<16xi32>, vector<16xi1> -> vector<16xi32>
      %add3A_592 = vector.broadcast %scan3A_575 : i32 to vector<16xi32>
      %add3A_593 = arith.addi %add3A_592, %masked_cumsum3A : vector<16xi32>
      %sub3A_594 = arith.constant 1 : i32
      %sub3A_595 = vector.broadcast %sub3A_594 : i32 to vector<16xi32>
      %sub3A_596 = arith.subi %add3A_593, %sub3A_595 : vector<16xi32>
      tpu.vector_store_idx %arg11[%sub3A_596], %get3A_577 masked %and3A_588 : memref<20160xi32, #tpu.memory_space<vmem>>[vector<16xi32>], vector<16xi32>, vector<16xi1>
      tpu.vector_store_idx %arg12[%sub3A_596], %sub3A_582 masked %and3A_588 : memref<20160xi32, #tpu.memory_space<vmem>>[vector<16xi32>], vector<16xi32>, vector<16xi1>
      %reduce_sum3A_597 = arith.constant true
      %reduce_sum3A_598 = vector.broadcast %reduce_sum3A_597 : i1 to vector<16xi1>
      %reduce_sum3A_599 = tpu.scan <sum>, %convert_element_type3A_589 masked %reduce_sum3A_598 : vector<16xi32>, vector<16xi1> -> vector<16xi32>
      %reduce_sum3A_600 = vector.extract %reduce_sum3A_599[15] : i32 from vector<16xi32>
      %add3A_601 = arith.addi %scan3A_575, %reduce_sum3A_600 : i32
      scf.yield %add3A_601 : i32
    }
    %scan3A_394 = arith.constant 125 : i32
    %dma_wait3A_395 = arith.constant 9 : i32
    %dma_wait3A_396 = arith.constant 0 : i32
    %dma_wait3A_397 = arith.constant 0 : i32
    %dma_wait3A_398 = tpu.memref_slice %arg2[%arg1, %dma_wait3A_395, %dma_wait3A_396, %dma_wait3A_397] : memref<16x10x125x16xi32, #tpu.memory_space<hbm>> -> memref<1x1x125x16xi32, #tpu.memory_space<hbm>>
    %dma_wait3A_399 = tpu.memref_squeeze %dma_wait3A_398 : memref<1x1x125x16xi32, #tpu.memory_space<hbm>> -> memref<125x16xi32, #tpu.memory_space<hbm>>
    %dma_wait3A_400 = arith.constant 0 : i32
    %dma_wait3A_401 = arith.constant 0 : i32
    %dma_wait3A_402 = tpu.memref_slice %arg2[%arg1, %dma_wait3A_395, %dma_wait3A_400, %dma_wait3A_401] : memref<16x10x125x16xi32, #tpu.memory_space<hbm>> -> memref<1x1x125x16xi32, #tpu.memory_space<hbm>>
    %dma_wait3A_403 = tpu.memref_squeeze %dma_wait3A_402 : memref<1x1x125x16xi32, #tpu.memory_space<hbm>> -> memref<125x16xi32, #tpu.memory_space<hbm>>
    tpu.wait_dma2 semaphore(%arg14 : memref<!tpu.dma_semaphore, #tpu.memory_space<semaphore_mem>>) src(%dma_wait3A_403 : memref<125x16xi32, #tpu.memory_space<hbm>>) dst(%arg8 : memref<125x16xi32, #tpu.memory_space<vmem>>)
    %dma_wait3A_404 = arith.constant 9 : i32
    %dma_wait3A_405 = arith.constant 0 : i32
    %dma_wait3A_406 = arith.constant 0 : i32
    %dma_wait3A_407 = tpu.memref_slice %arg3[%arg1, %dma_wait3A_404, %dma_wait3A_405, %dma_wait3A_406] : memref<16x10x125x16xi32, #tpu.memory_space<hbm>> -> memref<1x1x125x16xi32, #tpu.memory_space<hbm>>
    %dma_wait3A_408 = tpu.memref_squeeze %dma_wait3A_407 : memref<1x1x125x16xi32, #tpu.memory_space<hbm>> -> memref<125x16xi32, #tpu.memory_space<hbm>>
    %dma_wait3A_409 = arith.constant 0 : i32
    %dma_wait3A_410 = arith.constant 0 : i32
    %dma_wait3A_411 = tpu.memref_slice %arg3[%arg1, %dma_wait3A_404, %dma_wait3A_409, %dma_wait3A_410] : memref<16x10x125x16xi32, #tpu.memory_space<hbm>> -> memref<1x1x125x16xi32, #tpu.memory_space<hbm>>
    %dma_wait3A_412 = tpu.memref_squeeze %dma_wait3A_411 : memref<1x1x125x16xi32, #tpu.memory_space<hbm>> -> memref<125x16xi32, #tpu.memory_space<hbm>>
    tpu.wait_dma2 semaphore(%arg15 : memref<!tpu.dma_semaphore, #tpu.memory_space<semaphore_mem>>) src(%dma_wait3A_412 : memref<125x16xi32, #tpu.memory_space<hbm>>) dst(%arg10 : memref<125x16xi32, #tpu.memory_space<vmem>>)
    %scan3A_413 = arith.constant 0 : i32
    %scan3A_414 = arith.constant 125 : i32
    %scan3A_415 = arith.addi %scan3A_413, %scan3A_414 : i32
    %scan3A_416 = arith.constant 1 : i32
    %scan3A_417 = scf.for %scan3A_574 = %scan3A_413 to %scan3A_415 step %scan3A_416 iter_args(%scan3A_575 = %scan3A_393) -> (i32)  : i32 {
      %get3A = arith.index_cast %scan3A_574 : i32 to index
      %get3A_576 = arith.constant 0 : index
      %get3A_577 = tpu.vector_load %arg8[%get3A, %get3A_576] {strides = array<i32>} : memref<125x16xi32, #tpu.memory_space<vmem>>, vector<16xi32>,
      %get3A_578 = arith.index_cast %scan3A_574 : i32 to index
      %get3A_579 = arith.constant 0 : index
      %get3A_580 = tpu.vector_load %arg10[%get3A_578, %get3A_579] {strides = array<i32>} : memref<125x16xi32, #tpu.memory_space<vmem>>, vector<16xi32>,
      %sub3A_581 = vector.broadcast %mul3A_0 : i32 to vector<16xi32>
      %sub3A_582 = arith.subi %get3A_580, %sub3A_581 : vector<16xi32>
      %ge3A = arith.constant 0 : i32
      %ge3A_583 = vector.broadcast %ge3A : i32 to vector<16xi32>
      %ge3A_584 = arith.cmpi sge, %sub3A_582, %ge3A_583 : vector<16xi32>
      %lt3A_585 = arith.constant 5120 : i32
      %lt3A_586 = vector.broadcast %lt3A_585 : i32 to vector<16xi32>
      %lt3A_587 = arith.cmpi slt, %sub3A_582, %lt3A_586 : vector<16xi32>
      %and3A_588 = arith.andi %ge3A_584, %lt3A_587 : vector<16xi1>
      %convert_element_type3A_589 = arith.extui %and3A_588 : vector<16xi1> to vector<16xi32>
      %broadcast_in_dim3A_590 = arith.constant true
      %broadcast_in_dim3A_591 = vector.broadcast %broadcast_in_dim3A_590 : i1 to vector<16xi1>
      %masked_cumsum3A = tpu.scan <sum>, %convert_element_type3A_589 masked %broadcast_in_dim3A_591 : vector<16xi32>, vector<16xi1> -> vector<16xi32>
      %add3A_592 = vector.broadcast %scan3A_575 : i32 to vector<16xi32>
      %add3A_593 = arith.addi %add3A_592, %masked_cumsum3A : vector<16xi32>
      %sub3A_594 = arith.constant 1 : i32
      %sub3A_595 = vector.broadcast %sub3A_594 : i32 to vector<16xi32>
      %sub3A_596 = arith.subi %add3A_593, %sub3A_595 : vector<16xi32>
      tpu.vector_store_idx %arg11[%sub3A_596], %get3A_577 masked %and3A_588 : memref<20160xi32, #tpu.memory_space<vmem>>[vector<16xi32>], vector<16xi32>, vector<16xi1>
      tpu.vector_store_idx %arg12[%sub3A_596], %sub3A_582 masked %and3A_588 : memref<20160xi32, #tpu.memory_space<vmem>>[vector<16xi32>], vector<16xi32>, vector<16xi1>
      %reduce_sum3A_597 = arith.constant true
      %reduce_sum3A_598 = vector.broadcast %reduce_sum3A_597 : i1 to vector<16xi1>
      %reduce_sum3A_599 = tpu.scan <sum>, %convert_element_type3A_589 masked %reduce_sum3A_598 : vector<16xi32>, vector<16xi1> -> vector<16xi32>
      %reduce_sum3A_600 = vector.extract %reduce_sum3A_599[15] : i32 from vector<16xi32>
      %add3A_601 = arith.addi %scan3A_575, %reduce_sum3A_600 : i32
      scf.yield %add3A_601 : i32
    }
    %scan3A_418 = arith.constant 125 : i32
    %add3A = arith.constant 160 : i32
    %add3A_419 = arith.addi %scan3A_417, %add3A : i32
    %sub3A = arith.constant 1 : i32
    %sub3A_420 = arith.subi %add3A_419, %sub3A : i32
    %jit3A = arith.constant 160 : i32
    %div3A = arith.divsi %sub3A_420, %jit3A : i32
    %sign3A = arith.constant 0 : i32
    %sign3A_421 = arith.cmpi sgt, %sub3A_420, %sign3A : i32
    %sign3A_422 = arith.extui %sign3A_421 : i1 to i32
    %sign3A_423 = arith.constant 0 : i32
    %sign3A_424 = arith.cmpi slt, %sub3A_420, %sign3A_423 : i32
    %sign3A_425 = arith.extui %sign3A_424 : i1 to i32
    %sign3A_426 = arith.subi %sign3A_422, %sign3A_425 : i32
    %sign3A_427 = arith.constant 0 : i32
    %sign3A_428 = arith.cmpi sgt, %jit3A, %sign3A_427 : i32
    %sign3A_429 = arith.extui %sign3A_428 : i1 to i32
    %sign3A_430 = arith.constant 0 : i32
    %sign3A_431 = arith.cmpi slt, %jit3A, %sign3A_430 : i32
    %sign3A_432 = arith.extui %sign3A_431 : i1 to i32
    %sign3A_433 = arith.subi %sign3A_429, %sign3A_432 : i32
    %ne3A = arith.cmpi ne, %sign3A_426, %sign3A_433 : i32
    %rem3A = arith.remsi %sub3A_420, %jit3A : i32
    %ne3A_434 = arith.constant 0 : i32
    %ne3A_435 = arith.cmpi ne, %rem3A, %ne3A_434 : i32
    %and3A = arith.andi %ne3A, %ne3A_435 : i1
    %sub3A_436 = arith.constant 1 : i32
    %sub3A_437 = arith.subi %div3A, %sub3A_436 : i32
    %select_n3A = arith.select %and3A, %sub3A_437, %div3A : i32
    %mul3A_438 = arith.constant 160 : i32
    %mul3A_439 = arith.muli %select_n3A, %mul3A_438 : i32
    %mul3A_440 = arith.constant 8 : i32
    %mul3A_441 = vector.broadcast %mul3A_440 : i32 to vector<16xi32>
    %mul3A_442 = arith.muli %iota3A, %mul3A_441 : vector<16xi32>
    %jit3A_443 = arith.constant 8 : i32
    %eq3A = arith.constant 0 : i32
    %eq3A_444 = arith.cmpi eq, %jit3A_443, %eq3A : i32
    %jit3A_445 = arith.constant 1 : i32
    %select_n3A_446 = arith.select %eq3A_444, %jit3A_445, %jit3A_443 : i32
    %rem3A_447 = arith.remsi %arg1, %select_n3A_446 : i32
    %ne3A_448 = arith.constant 0 : i32
    %ne3A_449 = arith.cmpi ne, %rem3A_447, %ne3A_448 : i32
    %lt3A = arith.constant 0 : i32
    %lt3A_450 = arith.cmpi slt, %rem3A_447, %lt3A : i32
    %lt3A_451 = arith.constant 0 : i32
    %lt3A_452 = arith.cmpi slt, %select_n3A_446, %lt3A_451 : i32
    %ne3A_453 = arith.xori %lt3A_450, %lt3A_452 : i1
    %and3A_454 = arith.andi %ne3A_453, %ne3A_449 : i1
    %add3A_455 = arith.addi %rem3A_447, %select_n3A_446 : i32
    %select_n3A_456 = arith.select %and3A_454, %add3A_455, %rem3A_447 : i32
    %add3A_457 = vector.broadcast %select_n3A_456 : i32 to vector<16xi32>
    %add3A_458 = arith.addi %mul3A_442, %add3A_457 : vector<16xi32>
    %add3A_459 = arith.constant 5120 : i32
    %add3A_460 = vector.broadcast %add3A_459 : i32 to vector<16xi32>
    %add3A_461 = arith.addi %add3A_460, %add3A_458 : vector<16xi32>
    %sub3A_462 = arith.subi %mul3A_439, %scan3A_417 : i32
    %lt3A_463 = vector.broadcast %sub3A_462 : i32 to vector<16xi32>
    %lt3A_464 = arith.cmpi slt, %iota3A, %lt3A_463 : vector<16xi32>
    %add3A_465 = vector.broadcast %scan3A_417 : i32 to vector<16xi32>
    %add3A_466 = arith.addi %add3A_465, %iota3A : vector<16xi32>
    tpu.vector_store_idx %arg11[%add3A_466], %iota3A masked %lt3A_464 : memref<20160xi32, #tpu.memory_space<vmem>>[vector<16xi32>], vector<16xi32>, vector<16xi1>
    tpu.vector_store_idx %arg12[%add3A_466], %add3A_461 masked %lt3A_464 : memref<20160xi32, #tpu.memory_space<vmem>>[vector<16xi32>], vector<16xi32>, vector<16xi1>
    %convert_element_type3A = arith.extui %lt3A_464 : vector<16xi1> to vector<16xi32>
    %reduce_sum3A = arith.constant true
    %reduce_sum3A_467 = vector.broadcast %reduce_sum3A : i1 to vector<16xi1>
    %reduce_sum3A_468 = tpu.scan <sum>, %convert_element_type3A masked %reduce_sum3A_467 : vector<16xi32>, vector<16xi1> -> vector<16xi32>
    %reduce_sum3A_469 = vector.extract %reduce_sum3A_468[15] : i32 from vector<16xi32>
    %add3A_470 = arith.addi %scan3A_417, %reduce_sum3A_469 : i32
    %sub3A_471 = arith.subi %mul3A_439, %add3A_470 : i32
    %lt3A_472 = vector.broadcast %sub3A_471 : i32 to vector<16xi32>
    %lt3A_473 = arith.cmpi slt, %iota3A, %lt3A_472 : vector<16xi32>
    %add3A_474 = vector.broadcast %add3A_470 : i32 to vector<16xi32>
    %add3A_475 = arith.addi %add3A_474, %iota3A : vector<16xi32>
    tpu.vector_store_idx %arg11[%add3A_475], %iota3A masked %lt3A_473 : memref<20160xi32, #tpu.memory_space<vmem>>[vector<16xi32>], vector<16xi32>, vector<16xi1>
    tpu.vector_store_idx %arg12[%add3A_475], %add3A_461 masked %lt3A_473 : memref<20160xi32, #tpu.memory_space<vmem>>[vector<16xi32>], vector<16xi32>, vector<16xi1>
    %convert_element_type3A_476 = arith.extui %lt3A_473 : vector<16xi1> to vector<16xi32>
    %reduce_sum3A_477 = arith.constant true
    %reduce_sum3A_478 = vector.broadcast %reduce_sum3A_477 : i1 to vector<16xi1>
    %reduce_sum3A_479 = tpu.scan <sum>, %convert_element_type3A_476 masked %reduce_sum3A_478 : vector<16xi32>, vector<16xi1> -> vector<16xi32>
    %reduce_sum3A_480 = vector.extract %reduce_sum3A_479[15] : i32 from vector<16xi32>
    %add3A_481 = arith.addi %add3A_470, %reduce_sum3A_480 : i32
    %sub3A_482 = arith.subi %mul3A_439, %add3A_481 : i32
    %lt3A_483 = vector.broadcast %sub3A_482 : i32 to vector<16xi32>
    %lt3A_484 = arith.cmpi slt, %iota3A, %lt3A_483 : vector<16xi32>
    %add3A_485 = vector.broadcast %add3A_481 : i32 to vector<16xi32>
    %add3A_486 = arith.addi %add3A_485, %iota3A : vector<16xi32>
    tpu.vector_store_idx %arg11[%add3A_486], %iota3A masked %lt3A_484 : memref<20160xi32, #tpu.memory_space<vmem>>[vector<16xi32>], vector<16xi32>, vector<16xi1>
    tpu.vector_store_idx %arg12[%add3A_486], %add3A_461 masked %lt3A_484 : memref<20160xi32, #tpu.memory_space<vmem>>[vector<16xi32>], vector<16xi32>, vector<16xi1>
    %convert_element_type3A_487 = arith.extui %lt3A_484 : vector<16xi1> to vector<16xi32>
    %reduce_sum3A_488 = arith.constant true
    %reduce_sum3A_489 = vector.broadcast %reduce_sum3A_488 : i1 to vector<16xi1>
    %reduce_sum3A_490 = tpu.scan <sum>, %convert_element_type3A_487 masked %reduce_sum3A_489 : vector<16xi32>, vector<16xi1> -> vector<16xi32>
    %reduce_sum3A_491 = vector.extract %reduce_sum3A_490[15] : i32 from vector<16xi32>
    %add3A_492 = arith.addi %add3A_481, %reduce_sum3A_491 : i32
    %sub3A_493 = arith.subi %mul3A_439, %add3A_492 : i32
    %lt3A_494 = vector.broadcast %sub3A_493 : i32 to vector<16xi32>
    %lt3A_495 = arith.cmpi slt, %iota3A, %lt3A_494 : vector<16xi32>
    %add3A_496 = vector.broadcast %add3A_492 : i32 to vector<16xi32>
    %add3A_497 = arith.addi %add3A_496, %iota3A : vector<16xi32>
    tpu.vector_store_idx %arg11[%add3A_497], %iota3A masked %lt3A_495 : memref<20160xi32, #tpu.memory_space<vmem>>[vector<16xi32>], vector<16xi32>, vector<16xi1>
    tpu.vector_store_idx %arg12[%add3A_497], %add3A_461 masked %lt3A_495 : memref<20160xi32, #tpu.memory_space<vmem>>[vector<16xi32>], vector<16xi32>, vector<16xi1>
    %convert_element_type3A_498 = arith.extui %lt3A_495 : vector<16xi1> to vector<16xi32>
    %reduce_sum3A_499 = arith.constant true
    %reduce_sum3A_500 = vector.broadcast %reduce_sum3A_499 : i1 to vector<16xi1>
    %reduce_sum3A_501 = tpu.scan <sum>, %convert_element_type3A_498 masked %reduce_sum3A_500 : vector<16xi32>, vector<16xi1> -> vector<16xi32>
    %reduce_sum3A_502 = vector.extract %reduce_sum3A_501[15] : i32 from vector<16xi32>
    %add3A_503 = arith.addi %add3A_492, %reduce_sum3A_502 : i32
    %sub3A_504 = arith.subi %mul3A_439, %add3A_503 : i32
    %lt3A_505 = vector.broadcast %sub3A_504 : i32 to vector<16xi32>
    %lt3A_506 = arith.cmpi slt, %iota3A, %lt3A_505 : vector<16xi32>
    %add3A_507 = vector.broadcast %add3A_503 : i32 to vector<16xi32>
    %add3A_508 = arith.addi %add3A_507, %iota3A : vector<16xi32>
    tpu.vector_store_idx %arg11[%add3A_508], %iota3A masked %lt3A_506 : memref<20160xi32, #tpu.memory_space<vmem>>[vector<16xi32>], vector<16xi32>, vector<16xi1>
    tpu.vector_store_idx %arg12[%add3A_508], %add3A_461 masked %lt3A_506 : memref<20160xi32, #tpu.memory_space<vmem>>[vector<16xi32>], vector<16xi32>, vector<16xi1>
    %convert_element_type3A_509 = arith.extui %lt3A_506 : vector<16xi1> to vector<16xi32>
    %reduce_sum3A_510 = arith.constant true
    %reduce_sum3A_511 = vector.broadcast %reduce_sum3A_510 : i1 to vector<16xi1>
    %reduce_sum3A_512 = tpu.scan <sum>, %convert_element_type3A_509 masked %reduce_sum3A_511 : vector<16xi32>, vector<16xi1> -> vector<16xi32>
    %reduce_sum3A_513 = vector.extract %reduce_sum3A_512[15] : i32 from vector<16xi32>
    %add3A_514 = arith.addi %add3A_503, %reduce_sum3A_513 : i32
    %sub3A_515 = arith.subi %mul3A_439, %add3A_514 : i32
    %lt3A_516 = vector.broadcast %sub3A_515 : i32 to vector<16xi32>
    %lt3A_517 = arith.cmpi slt, %iota3A, %lt3A_516 : vector<16xi32>
    %add3A_518 = vector.broadcast %add3A_514 : i32 to vector<16xi32>
    %add3A_519 = arith.addi %add3A_518, %iota3A : vector<16xi32>
    tpu.vector_store_idx %arg11[%add3A_519], %iota3A masked %lt3A_517 : memref<20160xi32, #tpu.memory_space<vmem>>[vector<16xi32>], vector<16xi32>, vector<16xi1>
    tpu.vector_store_idx %arg12[%add3A_519], %add3A_461 masked %lt3A_517 : memref<20160xi32, #tpu.memory_space<vmem>>[vector<16xi32>], vector<16xi32>, vector<16xi1>
    %convert_element_type3A_520 = arith.extui %lt3A_517 : vector<16xi1> to vector<16xi32>
    %reduce_sum3A_521 = arith.constant true
    %reduce_sum3A_522 = vector.broadcast %reduce_sum3A_521 : i1 to vector<16xi1>
    %reduce_sum3A_523 = tpu.scan <sum>, %convert_element_type3A_520 masked %reduce_sum3A_522 : vector<16xi32>, vector<16xi1> -> vector<16xi32>
    %reduce_sum3A_524 = vector.extract %reduce_sum3A_523[15] : i32 from vector<16xi32>
    %add3A_525 = arith.addi %add3A_514, %reduce_sum3A_524 : i32
    %sub3A_526 = arith.subi %mul3A_439, %add3A_525 : i32
    %lt3A_527 = vector.broadcast %sub3A_526 : i32 to vector<16xi32>
    %lt3A_528 = arith.cmpi slt, %iota3A, %lt3A_527 : vector<16xi32>
    %add3A_529 = vector.broadcast %add3A_525 : i32 to vector<16xi32>
    %add3A_530 = arith.addi %add3A_529, %iota3A : vector<16xi32>
    tpu.vector_store_idx %arg11[%add3A_530], %iota3A masked %lt3A_528 : memref<20160xi32, #tpu.memory_space<vmem>>[vector<16xi32>], vector<16xi32>, vector<16xi1>
    tpu.vector_store_idx %arg12[%add3A_530], %add3A_461 masked %lt3A_528 : memref<20160xi32, #tpu.memory_space<vmem>>[vector<16xi32>], vector<16xi32>, vector<16xi1>
    %convert_element_type3A_531 = arith.extui %lt3A_528 : vector<16xi1> to vector<16xi32>
    %reduce_sum3A_532 = arith.constant true
    %reduce_sum3A_533 = vector.broadcast %reduce_sum3A_532 : i1 to vector<16xi1>
    %reduce_sum3A_534 = tpu.scan <sum>, %convert_element_type3A_531 masked %reduce_sum3A_533 : vector<16xi32>, vector<16xi1> -> vector<16xi32>
    %reduce_sum3A_535 = vector.extract %reduce_sum3A_534[15] : i32 from vector<16xi32>
    %add3A_536 = arith.addi %add3A_525, %reduce_sum3A_535 : i32
    %sub3A_537 = arith.subi %mul3A_439, %add3A_536 : i32
    %lt3A_538 = vector.broadcast %sub3A_537 : i32 to vector<16xi32>
    %lt3A_539 = arith.cmpi slt, %iota3A, %lt3A_538 : vector<16xi32>
    %add3A_540 = vector.broadcast %add3A_536 : i32 to vector<16xi32>
    %add3A_541 = arith.addi %add3A_540, %iota3A : vector<16xi32>
    tpu.vector_store_idx %arg11[%add3A_541], %iota3A masked %lt3A_539 : memref<20160xi32, #tpu.memory_space<vmem>>[vector<16xi32>], vector<16xi32>, vector<16xi1>
    tpu.vector_store_idx %arg12[%add3A_541], %add3A_461 masked %lt3A_539 : memref<20160xi32, #tpu.memory_space<vmem>>[vector<16xi32>], vector<16xi32>, vector<16xi1>
    %convert_element_type3A_542 = arith.extui %lt3A_539 : vector<16xi1> to vector<16xi32>
    %reduce_sum3A_543 = arith.constant true
    %reduce_sum3A_544 = vector.broadcast %reduce_sum3A_543 : i1 to vector<16xi1>
    %reduce_sum3A_545 = tpu.scan <sum>, %convert_element_type3A_542 masked %reduce_sum3A_544 : vector<16xi32>, vector<16xi1> -> vector<16xi32>
    %reduce_sum3A_546 = vector.extract %reduce_sum3A_545[15] : i32 from vector<16xi32>
    %add3A_547 = arith.addi %add3A_536, %reduce_sum3A_546 : i32
    %sub3A_548 = arith.subi %mul3A_439, %add3A_547 : i32
    %lt3A_549 = vector.broadcast %sub3A_548 : i32 to vector<16xi32>
    %lt3A_550 = arith.cmpi slt, %iota3A, %lt3A_549 : vector<16xi32>
    %add3A_551 = vector.broadcast %add3A_547 : i32 to vector<16xi32>
    %add3A_552 = arith.addi %add3A_551, %iota3A : vector<16xi32>
    tpu.vector_store_idx %arg11[%add3A_552], %iota3A masked %lt3A_550 : memref<20160xi32, #tpu.memory_space<vmem>>[vector<16xi32>], vector<16xi32>, vector<16xi1>
    tpu.vector_store_idx %arg12[%add3A_552], %add3A_461 masked %lt3A_550 : memref<20160xi32, #tpu.memory_space<vmem>>[vector<16xi32>], vector<16xi32>, vector<16xi1>
    %convert_element_type3A_553 = arith.extui %lt3A_550 : vector<16xi1> to vector<16xi32>
    %reduce_sum3A_554 = arith.constant true
    %reduce_sum3A_555 = vector.broadcast %reduce_sum3A_554 : i1 to vector<16xi1>
    %reduce_sum3A_556 = tpu.scan <sum>, %convert_element_type3A_553 masked %reduce_sum3A_555 : vector<16xi32>, vector<16xi1> -> vector<16xi32>
    %reduce_sum3A_557 = vector.extract %reduce_sum3A_556[15] : i32 from vector<16xi32>
    %add3A_558 = arith.addi %add3A_547, %reduce_sum3A_557 : i32
    %sub3A_559 = arith.subi %mul3A_439, %add3A_558 : i32
    %lt3A_560 = vector.broadcast %sub3A_559 : i32 to vector<16xi32>
    %lt3A_561 = arith.cmpi slt, %iota3A, %lt3A_560 : vector<16xi32>
    %add3A_562 = vector.broadcast %add3A_558 : i32 to vector<16xi32>
    %add3A_563 = arith.addi %add3A_562, %iota3A : vector<16xi32>
    tpu.vector_store_idx %arg11[%add3A_563], %iota3A masked %lt3A_561 : memref<20160xi32, #tpu.memory_space<vmem>>[vector<16xi32>], vector<16xi32>, vector<16xi1>
    tpu.vector_store_idx %arg12[%add3A_563], %add3A_461 masked %lt3A_561 : memref<20160xi32, #tpu.memory_space<vmem>>[vector<16xi32>], vector<16xi32>, vector<16xi1>
    %convert_element_type3A_564 = arith.extui %lt3A_561 : vector<16xi1> to vector<16xi32>
    %reduce_sum3A_565 = arith.constant true
    %reduce_sum3A_566 = vector.broadcast %reduce_sum3A_565 : i1 to vector<16xi1>
    %reduce_sum3A_567 = tpu.scan <sum>, %convert_element_type3A_564 masked %reduce_sum3A_566 : vector<16xi32>, vector<16xi1> -> vector<16xi32>
    %reduce_sum3A_568 = vector.extract %reduce_sum3A_567[15] : i32 from vector<16xi32>
    %add3A_569 = arith.addi %add3A_558, %reduce_sum3A_568 : i32
    %broadcast_in_dim3A = arith.constant 0 : i32
    %broadcast_in_dim3A_570 = vector.broadcast %broadcast_in_dim3A : i32 to vector<16xi32>
    %add3A_571 = vector.broadcast %mul3A_439 : i32 to vector<16xi32>
    %add3A_572 = arith.addi %broadcast_in_dim3A_570, %add3A_571 : vector<16xi32>
    %swap3A = arith.constant 0 : index
    %swap3A_573 = tpu.vector_load %arg13[%swap3A] {strides = array<i32>} : memref<16xi32, #tpu.memory_space<vmem>>, vector<16xi32>,
    tpu.vector_store %arg13[%swap3A], %add3A_572 {strides = array<i32>} : memref<16xi32, #tpu.memory_space<vmem>>, vector<16xi32>,
    "tpu.region"() ({
      %run_scoped3A = tpu.sem_alloc : memref<!tpu.dma_semaphore, #tpu.memory_space<semaphore_mem>>
      %dma_start3A_574 = arith.constant 0 : i32
      %dma_start3A_575 = tpu.memref_slice %arg4[%arg0, %arg1, %dma_start3A_574] : memref<2x16x20160xi32, #tpu.memory_space<hbm>> -> memref<1x1x20160xi32, #tpu.memory_space<hbm>>
      %dma_start3A_576 = tpu.memref_squeeze %dma_start3A_575 : memref<1x1x20160xi32, #tpu.memory_space<hbm>> -> memref<20160xi32, #tpu.memory_space<hbm>>
      %dma_start3A_577 = arith.constant 0 : i32
      %dma_start3A_578 = tpu.memref_slice %arg4[%arg0, %arg1, %dma_start3A_577] : memref<2x16x20160xi32, #tpu.memory_space<hbm>> -> memref<1x1x20160xi32, #tpu.memory_space<hbm>>
      %dma_start3A_579 = tpu.memref_squeeze %dma_start3A_578 : memref<1x1x20160xi32, #tpu.memory_space<hbm>> -> memref<20160xi32, #tpu.memory_space<hbm>>
      tpu.enqueue_dma source(%arg11 : memref<20160xi32, #tpu.memory_space<vmem>>) target(%dma_start3A_579 : memref<20160xi32, #tpu.memory_space<hbm>>) target_semaphore(%run_scoped3A : memref<!tpu.dma_semaphore, #tpu.memory_space<semaphore_mem>>)
      %dma_wait3A_580 = arith.constant 0 : i32
      %dma_wait3A_581 = tpu.memref_slice %arg4[%arg0, %arg1, %dma_wait3A_580] : memref<2x16x20160xi32, #tpu.memory_space<hbm>> -> memref<1x1x20160xi32, #tpu.memory_space<hbm>>
      %dma_wait3A_582 = tpu.memref_squeeze %dma_wait3A_581 : memref<1x1x20160xi32, #tpu.memory_space<hbm>> -> memref<20160xi32, #tpu.memory_space<hbm>>
      %dma_wait3A_583 = arith.constant 0 : i32
      %dma_wait3A_584 = tpu.memref_slice %arg4[%arg0, %arg1, %dma_wait3A_583] : memref<2x16x20160xi32, #tpu.memory_space<hbm>> -> memref<1x1x20160xi32, #tpu.memory_space<hbm>>
      %dma_wait3A_585 = tpu.memref_squeeze %dma_wait3A_584 : memref<1x1x20160xi32, #tpu.memory_space<hbm>> -> memref<20160xi32, #tpu.memory_space<hbm>>
      tpu.wait_dma2 semaphore(%run_scoped3A : memref<!tpu.dma_semaphore, #tpu.memory_space<semaphore_mem>>) src(%arg11 : memref<20160xi32, #tpu.memory_space<vmem>>) dst(%dma_wait3A_585 : memref<20160xi32, #tpu.memory_space<hbm>>)
      tpu.yield
    }) : () -> ()
    "tpu.region"() ({
      %run_scoped3A = tpu.sem_alloc : memref<!tpu.dma_semaphore, #tpu.memory_space<semaphore_mem>>
      %dma_start3A_574 = arith.constant 0 : i32
      %dma_start3A_575 = tpu.memref_slice %arg5[%arg0, %arg1, %dma_start3A_574] : memref<2x16x20160xi32, #tpu.memory_space<hbm>> -> memref<1x1x20160xi32, #tpu.memory_space<hbm>>
      %dma_start3A_576 = tpu.memref_squeeze %dma_start3A_575 : memref<1x1x20160xi32, #tpu.memory_space<hbm>> -> memref<20160xi32, #tpu.memory_space<hbm>>
      %dma_start3A_577 = arith.constant 0 : i32
      %dma_start3A_578 = tpu.memref_slice %arg5[%arg0, %arg1, %dma_start3A_577] : memref<2x16x20160xi32, #tpu.memory_space<hbm>> -> memref<1x1x20160xi32, #tpu.memory_space<hbm>>
      %dma_start3A_579 = tpu.memref_squeeze %dma_start3A_578 : memref<1x1x20160xi32, #tpu.memory_space<hbm>> -> memref<20160xi32, #tpu.memory_space<hbm>>
      tpu.enqueue_dma source(%arg12 : memref<20160xi32, #tpu.memory_space<vmem>>) target(%dma_start3A_579 : memref<20160xi32, #tpu.memory_space<hbm>>) target_semaphore(%run_scoped3A : memref<!tpu.dma_semaphore, #tpu.memory_space<semaphore_mem>>)
      %dma_wait3A_580 = arith.constant 0 : i32
      %dma_wait3A_581 = tpu.memref_slice %arg5[%arg0, %arg1, %dma_wait3A_580] : memref<2x16x20160xi32, #tpu.memory_space<hbm>> -> memref<1x1x20160xi32, #tpu.memory_space<hbm>>
      %dma_wait3A_582 = tpu.memref_squeeze %dma_wait3A_581 : memref<1x1x20160xi32, #tpu.memory_space<hbm>> -> memref<20160xi32, #tpu.memory_space<hbm>>
      %dma_wait3A_583 = arith.constant 0 : i32
      %dma_wait3A_584 = tpu.memref_slice %arg5[%arg0, %arg1, %dma_wait3A_583] : memref<2x16x20160xi32, #tpu.memory_space<hbm>> -> memref<1x1x20160xi32, #tpu.memory_space<hbm>>
      %dma_wait3A_585 = tpu.memref_squeeze %dma_wait3A_584 : memref<1x1x20160xi32, #tpu.memory_space<hbm>> -> memref<20160xi32, #tpu.memory_space<hbm>>
      tpu.wait_dma2 semaphore(%run_scoped3A : memref<!tpu.dma_semaphore, #tpu.memory_space<semaphore_mem>>) src(%arg12 : memref<20160xi32, #tpu.memory_space<vmem>>) dst(%dma_wait3A_585 : memref<20160xi32, #tpu.memory_space<hbm>>)
      tpu.yield
    }) : () -> ()
    "tpu.region"() ({
      %run_scoped3A = tpu.sem_alloc : memref<!tpu.dma_semaphore, #tpu.memory_space<semaphore_mem>>
      %dma_start3A_574 = arith.constant 0 : i32
      %dma_start3A_575 = tpu.memref_slice %arg6[%arg0, %arg1, %dma_start3A_574] : memref<2x16x16xi32, #tpu.memory_space<hbm>> -> memref<1x1x16xi32, #tpu.memory_space<hbm>>
      %dma_start3A_576 = tpu.memref_squeeze %dma_start3A_575 : memref<1x1x16xi32, #tpu.memory_space<hbm>> -> memref<16xi32, #tpu.memory_space<hbm>>
      %dma_start3A_577 = arith.constant 0 : i32
      %dma_start3A_578 = tpu.memref_slice %arg6[%arg0, %arg1, %dma_start3A_577] : memref<2x16x16xi32, #tpu.memory_space<hbm>> -> memref<1x1x16xi32, #tpu.memory_space<hbm>>
      %dma_start3A_579 = tpu.memref_squeeze %dma_start3A_578 : memref<1x1x16xi32, #tpu.memory_space<hbm>> -> memref<16xi32, #tpu.memory_space<hbm>>
      tpu.enqueue_dma source(%arg13 : memref<16xi32, #tpu.memory_space<vmem>>) target(%dma_start3A_579 : memref<16xi32, #tpu.memory_space<hbm>>) target_semaphore(%run_scoped3A : memref<!tpu.dma_semaphore, #tpu.memory_space<semaphore_mem>>)
      %dma_wait3A_580 = arith.constant 0 : i32
      %dma_wait3A_581 = tpu.memref_slice %arg6[%arg0, %arg1, %dma_wait3A_580] : memref<2x16x16xi32, #tpu.memory_space<hbm>> -> memref<1x1x16xi32, #tpu.memory_space<hbm>>
      %dma_wait3A_582 = tpu.memref_squeeze %dma_wait3A_581 : memref<1x1x16xi32, #tpu.memory_space<hbm>> -> memref<16xi32, #tpu.memory_space<hbm>>
      %dma_wait3A_583 = arith.constant 0 : i32
      %dma_wait3A_584 = tpu.memref_slice %arg6[%arg0, %arg1, %dma_wait3A_583] : memref<2x16x16xi32, #tpu.memory_space<hbm>> -> memref<1x1x16xi32, #tpu.memory_space<hbm>>
      %dma_wait3A_585 = tpu.memref_squeeze %dma_wait3A_584 : memref<1x1x16xi32, #tpu.memory_space<hbm>> -> memref<16xi32, #tpu.memory_space<hbm>>
      tpu.wait_dma2 semaphore(%run_scoped3A : memref<!tpu.dma_semaphore, #tpu.memory_space<semaphore_mem>>) src(%arg13 : memref<16xi32, #tpu.memory_space<vmem>>) dst(%dma_wait3A_585 : memref<16xi32, #tpu.memory_space<hbm>>)
      tpu.yield
    }) : () -> ()
    return
  }
}

module attributes {stable_mosaic.version = 14 : i64} {
  func.func @body(%arg0: i32, %arg1: memref<1280x128xf32, #tpu.memory_space<vmem>>, %arg2: memref<128x128xf32, #tpu.memory_space<vmem>>, %arg3: memref<1280x128xf32, #tpu.memory_space<vmem>>) attributes {dimension_semantics = [#tpu.dimension_semantics<arbitrary>], iteration_bounds = array<i64: 8>, scalar_prefetch = 0 : i64, scratch_operands = 0 : i64, tpu.core_type = #tpu.core_type<tc>, window_params = [{transform_indices = @transform_0, window_bounds = array<i64: 1280, 128>}, {pipeline_mode = #tpu.pipeline_mode<synchronous>, transform_indices = @transform_1, window_bounds = array<i64: 128, 128>}, {transform_indices = @transform_2, window_bounds = array<i64: 1280, 128>}]} {
    %get3A = arith.constant 0 : index
    %get3A_0 = arith.constant 0 : index
    %get3A_1 = vector.load %arg1[%get3A, %get3A_0] : memref<1280x128xf32, #tpu.memory_space<vmem>>, vector<1280x128xf32>
    %get3A_2 = arith.constant 0 : index
    %get3A_3 = arith.constant 0 : index
    %get3A_4 = vector.load %arg2[%get3A_2, %get3A_3] : memref<128x128xf32, #tpu.memory_space<vmem>>, vector<128x128xf32>
    %dot_general3A = arith.constant dense<0.000000e+00> : vector<1280x128xf32>
    %dot_general3A_5 = tpu.matmul %get3A_1, %get3A_4, %dot_general3A {dimension_numbers = #tpu.dot_dimension_numbers<[1], [0], [0], [1], [0, 0, 1, 1], [], []>, transpose_lhs_hint = false} : vector<1280x128xf32>, vector<128x128xf32>, vector<1280x128xf32> -> vector<1280x128xf32>
    %swap3A = arith.constant 0 : index
    %swap3A_6 = arith.constant 0 : index
    %swap3A_7 = vector.load %arg3[%swap3A, %swap3A_6] : memref<1280x128xf32, #tpu.memory_space<vmem>>, vector<1280x128xf32>
    tpu.vector_store %arg3[%swap3A, %swap3A_6], %dot_general3A_5 {strides = array<i32>} : memref<1280x128xf32, #tpu.memory_space<vmem>>, vector<1280x128xf32>,
    return
  }
  func.func @transform_0(%arg0: i32) -> (i32, i32) {
    %c0_i32 = arith.constant 0 : i32
    %c0_i32_0 = arith.constant 0 : i32
    return %arg0, %c0_i32 : i32, i32
  }
  func.func @transform_1(%arg0: i32) -> (i32, i32) {
    %c0_i32 = arith.constant 0 : i32
    %c0_i32_0 = arith.constant 0 : i32
    %c0_i32_1 = arith.constant 0 : i32
    return %c0_i32, %c0_i32_0 : i32, i32
  }
  func.func @transform_2(%arg0: i32) -> (i32, i32) {
    %c0_i32 = arith.constant 0 : i32
    %c0_i32_0 = arith.constant 0 : i32
    return %arg0, %c0_i32 : i32, i32
  }
}

module attributes {stable_mosaic.version = 14 : i64} {
  func.func @body(%arg0: i32, %arg1: memref<2x1280x1xf32, #tpu.memory_space<vmem>>, %arg2: memref<1280x128xf32, #tpu.memory_space<vmem>>, %arg3: memref<1280x128xf32, #tpu.memory_space<vmem>>, %arg4: memref<1280x1xf32, #tpu.memory_space<vmem>>) attributes {dimension_semantics = [#tpu.dimension_semantics<arbitrary>], iteration_bounds = array<i64: 8>, scalar_prefetch = 0 : i64, scratch_operands = 0 : i64, tpu.core_type = #tpu.core_type<tc>, window_params = [{transform_indices = @transform_0, window_bounds = array<i64: 2, 1280, 1>}, {transform_indices = @transform_1, window_bounds = array<i64: 1280, 128>}, {transform_indices = @transform_2, window_bounds = array<i64: 1280, 128>}, {transform_indices = @transform_3, window_bounds = array<i64: 1280, 1>}]} {
    %get3A = arith.constant 0 : index
    %get3A_0 = arith.constant 0 : index
    %get3A_1 = arith.constant 0 : index
    %get3A_2 = vector.load %arg1[%get3A, %get3A_0, %get3A_1] : memref<2x1280x1xf32, #tpu.memory_space<vmem>>, vector<1x1280x1xf32>
    %get3A_3 = vector.shape_cast %get3A_2 : vector<1x1280x1xf32> to vector<1280x1xf32>
    %get3A_4 = arith.constant 1 : index
    %get3A_5 = arith.constant 0 : index
    %get3A_6 = arith.constant 0 : index
    %get3A_7 = vector.load %arg1[%get3A_4, %get3A_5, %get3A_6] : memref<2x1280x1xf32, #tpu.memory_space<vmem>>, vector<1x1280x1xf32>
    %get3A_8 = vector.shape_cast %get3A_7 : vector<1x1280x1xf32> to vector<1280x1xf32>
    %add3A = arith.addf %get3A_3, %get3A_8 : vector<1280x1xf32>
    %add3A_9 = arith.constant 1.000000e+00 : f32
    %add3A_10 = vector.broadcast %add3A_9 : f32 to vector<1280x1xf32>
    %add3A_11 = arith.addf %add3A, %add3A_10 : vector<1280x1xf32>
    %rsqrt3A = math.rsqrt %add3A_11 : vector<1280x1xf32>
    %swap3A = arith.constant 0 : index
    %swap3A_12 = arith.constant 0 : index
    %swap3A_13 = vector.load %arg4[%swap3A, %swap3A_12] : memref<1280x1xf32, #tpu.memory_space<vmem>>, vector<1280x1xf32>
    tpu.vector_store %arg4[%swap3A, %swap3A_12], %rsqrt3A {strides = array<i32>} : memref<1280x1xf32, #tpu.memory_space<vmem>>, vector<1280x1xf32>,
    %get3A_14 = arith.constant 0 : index
    %get3A_15 = arith.constant 0 : index
    %get3A_16 = vector.load %arg2[%get3A_14, %get3A_15] : memref<1280x128xf32, #tpu.memory_space<vmem>>, vector<1280x128xf32>
    %mul3A = vector.broadcast %rsqrt3A : vector<1280x1xf32> to vector<1280x128xf32>
    %mul3A_17 = arith.mulf %get3A_16, %mul3A : vector<1280x128xf32>
    %swap3A_18 = arith.constant 0 : index
    %swap3A_19 = arith.constant 0 : index
    %swap3A_20 = vector.load %arg3[%swap3A_18, %swap3A_19] : memref<1280x128xf32, #tpu.memory_space<vmem>>, vector<1280x128xf32>
    tpu.vector_store %arg3[%swap3A_18, %swap3A_19], %mul3A_17 {strides = array<i32>} : memref<1280x128xf32, #tpu.memory_space<vmem>>, vector<1280x128xf32>,
    return
  }
  func.func @transform_0(%arg0: i32) -> (i32, i32, i32) {
    %c0_i32 = arith.constant 0 : i32
    %c0_i32_0 = arith.constant 0 : i32
    %c0_i32_1 = arith.constant 0 : i32
    return %c0_i32, %arg0, %c0_i32_0 : i32, i32, i32
  }
  func.func @transform_1(%arg0: i32) -> (i32, i32) {
    %c0_i32 = arith.constant 0 : i32
    %c0_i32_0 = arith.constant 0 : i32
    return %arg0, %c0_i32 : i32, i32
  }
  func.func @transform_2(%arg0: i32) -> (i32, i32) {
    %c0_i32 = arith.constant 0 : i32
    %c0_i32_0 = arith.constant 0 : i32
    return %arg0, %c0_i32 : i32, i32
  }
  func.func @transform_3(%arg0: i32) -> (i32, i32) {
    %c0_i32 = arith.constant 0 : i32
    %c0_i32_0 = arith.constant 0 : i32
    return %arg0, %c0_i32 : i32, i32
  }
}

module attributes {stable_mosaic.version = 14 : i64} {
  func.func @body(%arg0: i32, %arg1: memref<1280x128xf32, #tpu.memory_space<vmem>>, %arg2: memref<1280x128xf32, #tpu.memory_space<vmem>>, %arg3: memref<1280x1xf32, #tpu.memory_space<vmem>>, %arg4: memref<1x128xf32, #tpu.memory_space<vmem>>, %arg5: memref<1x1280xi32, #tpu.memory_space<vmem>>, %arg6: memref<1280x128xf32, #tpu.memory_space<vmem>>, %arg7: memref<3x64x128xf32, #tpu.memory_space<vmem>>) attributes {dimension_semantics = [#tpu.dimension_semantics<arbitrary>], iteration_bounds = array<i64: 8>, scalar_prefetch = 0 : i64, scratch_operands = 0 : i64, tpu.core_type = #tpu.core_type<tc>, window_params = [{transform_indices = @transform_0, window_bounds = array<i64: 1280, 128>}, {transform_indices = @transform_1, window_bounds = array<i64: 1280, 128>}, {transform_indices = @transform_2, window_bounds = array<i64: 1280, 1>}, {pipeline_mode = #tpu.pipeline_mode<synchronous>, transform_indices = @transform_3, window_bounds = array<i64: 1, 128>}, {transform_indices = @transform_4, window_bounds = array<i64: 1, 1280>}, {transform_indices = @transform_5, window_bounds = array<i64: 1280, 128>}, {pipeline_mode = #tpu.pipeline_mode<synchronous>, transform_indices = @transform_6, window_bounds = array<i64: 3, 64, 128>}]} {
    %get3A = arith.constant 0 : index
    %get3A_0 = arith.constant 0 : index
    %get3A_1 = vector.load %arg3[%get3A, %get3A_0] : memref<1280x1xf32, #tpu.memory_space<vmem>>, vector<1280x1xf32>
    %get3A_2 = arith.constant 0 : index
    %get3A_3 = arith.constant 0 : index
    %get3A_4 = vector.load %arg1[%get3A_2, %get3A_3] : memref<1280x128xf32, #tpu.memory_space<vmem>>, vector<1280x128xf32>
    %get3A_5 = arith.constant 0 : index
    %get3A_6 = arith.constant 0 : index
    %get3A_7 = vector.load %arg2[%get3A_5, %get3A_6] : memref<1280x128xf32, #tpu.memory_space<vmem>>, vector<1280x128xf32>
    %add3A = arith.addf %get3A_4, %get3A_7 : vector<1280x128xf32>
    %mul3A = vector.broadcast %get3A_1 : vector<1280x1xf32> to vector<1280x128xf32>
    %mul3A_8 = arith.mulf %mul3A, %add3A : vector<1280x128xf32>
    %get3A_9 = arith.constant 0 : index
    %get3A_10 = arith.constant 0 : index
    %get3A_11 = vector.load %arg4[%get3A_9, %get3A_10] : memref<1x128xf32, #tpu.memory_space<vmem>>, vector<1x128xf32>
    %add3A_12 = vector.broadcast %get3A_11 : vector<1x128xf32> to vector<1280x128xf32>
    %add3A_13 = arith.addf %mul3A_8, %add3A_12 : vector<1280x128xf32>
    %swap3A = arith.constant 0 : index
    %swap3A_14 = arith.constant 0 : index
    %swap3A_15 = vector.load %arg6[%swap3A, %swap3A_14] : memref<1280x128xf32, #tpu.memory_space<vmem>>, vector<1280x128xf32>
    tpu.vector_store %arg6[%swap3A, %swap3A_14], %add3A_13 {strides = array<i32>} : memref<1280x128xf32, #tpu.memory_space<vmem>>, vector<1280x128xf32>,
    %iota3A = tpu.iota {dimensions = array<i32: 0>} : vector<64x1xi32>
    %get3A_16 = arith.constant 0 : index
    %get3A_17 = arith.constant 0 : index
    %get3A_18 = vector.load %arg5[%get3A_16, %get3A_17] : memref<1x1280xi32, #tpu.memory_space<vmem>>, vector<1x1280xi32>
    %eq3A = vector.broadcast %get3A_18 : vector<1x1280xi32> to vector<64x1280xi32>
    %eq3A_19 = vector.broadcast %iota3A : vector<64x1xi32> to vector<64x1280xi32>
    %eq3A_20 = arith.cmpi eq, %eq3A, %eq3A_19 : vector<64x1280xi32>
    %convert_element_type3A = arith.extui %eq3A_20 : vector<64x1280xi1> to vector<64x1280xi32>
    %convert_element_type3A_21 = arith.sitofp %convert_element_type3A : vector<64x1280xi32> to vector<64x1280xf32>
    %dot_general3A = arith.constant dense<0.000000e+00> : vector<64x128xf32>
    %dot_general3A_22 = tpu.matmul %convert_element_type3A_21, %add3A_13, %dot_general3A {dimension_numbers = #tpu.dot_dimension_numbers<[1], [0], [0], [1], [0, 0, 1, 1], [], []>, transpose_lhs_hint = false} : vector<64x1280xf32>, vector<1280x128xf32>, vector<64x128xf32> -> vector<64x128xf32>
    %mul3A_23 = arith.mulf %add3A_13, %add3A_13 : vector<1280x128xf32>
    %dot_general3A_24 = arith.constant dense<0.000000e+00> : vector<64x128xf32>
    %dot_general3A_25 = tpu.matmul %convert_element_type3A_21, %mul3A_23, %dot_general3A_24 {dimension_numbers = #tpu.dot_dimension_numbers<[1], [0], [0], [1], [0, 0, 1, 1], [], []>, transpose_lhs_hint = false} : vector<64x1280xf32>, vector<1280x128xf32>, vector<64x128xf32> -> vector<64x128xf32>
    %reduce_sum3A = arith.constant dense<0.000000e+00> : vector<64xf32>
    %reduce_sum3A_26 = vector.multi_reduction <add>, %convert_element_type3A_21, %reduce_sum3A [1] : vector<64x1280xf32> to vector<64xf32>
    %broadcast_in_dim3A = vector.shape_cast %reduce_sum3A_26 : vector<64xf32> to vector<64x1xf32>
    %broadcast_in_dim3A_27 = vector.shape_cast %broadcast_in_dim3A : vector<64x1xf32> to vector<64x1xf32>
    %broadcast_in_dim3A_28 = vector.broadcast %broadcast_in_dim3A_27 : vector<64x1xf32> to vector<64x128xf32>
    %stack3A = vector.shape_cast %dot_general3A_22 : vector<64x128xf32> to vector<1x64x128xf32>
    %stack3A_29 = vector.shape_cast %dot_general3A_25 : vector<64x128xf32> to vector<1x64x128xf32>
    %stack3A_30 = vector.shape_cast %broadcast_in_dim3A_28 : vector<64x128xf32> to vector<1x64x128xf32>
    %stack3A_31 = tpu.concatenate %stack3A, %stack3A_29, %stack3A_30 in 0 : vector<1x64x128xf32>, vector<1x64x128xf32>, vector<1x64x128xf32> -> vector<3x64x128xf32>
    %eq3A_32 = arith.constant 0 : i32
    %eq3A_33 = arith.cmpi eq, %arg0, %eq3A_32 : i32
    %convert_element_type3A_34 = arith.extui %eq3A_33 : i1 to i32
    %cond3A = arith.constant 0 : i32
    %cond3A_35 = arith.cmpi ne, %convert_element_type3A_34, %cond3A : i32
    scf.if %cond3A_35 {
      %broadcast_in_dim3A_45 = arith.constant 0.000000e+00 : f32
      %broadcast_in_dim3A_46 = vector.broadcast %broadcast_in_dim3A_45 : f32 to vector<3x64x128xf32>
      %swap3A_47 = arith.constant 0 : index
      %swap3A_48 = arith.constant 0 : index
      %swap3A_49 = arith.constant 0 : index
      %swap3A_50 = vector.load %arg7[%swap3A_47, %swap3A_48, %swap3A_49] : memref<3x64x128xf32, #tpu.memory_space<vmem>>, vector<3x64x128xf32>
      tpu.vector_store %arg7[%swap3A_47, %swap3A_48, %swap3A_49], %broadcast_in_dim3A_46 {strides = array<i32>} : memref<3x64x128xf32, #tpu.memory_space<vmem>>, vector<3x64x128xf32>,
    } else {
    }
    %get3A_36 = arith.constant 0 : index
    %get3A_37 = arith.constant 0 : index
    %get3A_38 = arith.constant 0 : index
    %get3A_39 = vector.load %arg7[%get3A_36, %get3A_37, %get3A_38] : memref<3x64x128xf32, #tpu.memory_space<vmem>>, vector<3x64x128xf32>
    %add3A_40 = arith.addf %get3A_39, %stack3A_31 : vector<3x64x128xf32>
    %swap3A_41 = arith.constant 0 : index
    %swap3A_42 = arith.constant 0 : index
    %swap3A_43 = arith.constant 0 : index
    %swap3A_44 = vector.load %arg7[%swap3A_41, %swap3A_42, %swap3A_43] : memref<3x64x128xf32, #tpu.memory_space<vmem>>, vector<3x64x128xf32>
    tpu.vector_store %arg7[%swap3A_41, %swap3A_42, %swap3A_43], %add3A_40 {strides = array<i32>} : memref<3x64x128xf32, #tpu.memory_space<vmem>>, vector<3x64x128xf32>,
    return
  }
  func.func @transform_0(%arg0: i32) -> (i32, i32) {
    %c0_i32 = arith.constant 0 : i32
    %c0_i32_0 = arith.constant 0 : i32
    return %arg0, %c0_i32 : i32, i32
  }
  func.func @transform_1(%arg0: i32) -> (i32, i32) {
    %c0_i32 = arith.constant 0 : i32
    %c0_i32_0 = arith.constant 0 : i32
    return %arg0, %c0_i32 : i32, i32
  }
  func.func @transform_2(%arg0: i32) -> (i32, i32) {
    %c0_i32 = arith.constant 0 : i32
    %c0_i32_0 = arith.constant 0 : i32
    return %arg0, %c0_i32 : i32, i32
  }
  func.func @transform_3(%arg0: i32) -> (i32, i32) {
    %c0_i32 = arith.constant 0 : i32
    %c0_i32_0 = arith.constant 0 : i32
    %c0_i32_1 = arith.constant 0 : i32
    return %c0_i32, %c0_i32_0 : i32, i32
  }
  func.func @transform_4(%arg0: i32) -> (i32, i32) {
    %c0_i32 = arith.constant 0 : i32
    %c0_i32_0 = arith.constant 0 : i32
    return %c0_i32, %arg0 : i32, i32
  }
  func.func @transform_5(%arg0: i32) -> (i32, i32) {
    %c0_i32 = arith.constant 0 : i32
    %c0_i32_0 = arith.constant 0 : i32
    return %arg0, %c0_i32 : i32, i32
  }
  func.func @transform_6(%arg0: i32) -> (i32, i32, i32) {
    %c0_i32 = arith.constant 0 : i32
    %c0_i32_0 = arith.constant 0 : i32
    %c0_i32_1 = arith.constant 0 : i32
    %c0_i32_2 = arith.constant 0 : i32
    return %c0_i32, %c0_i32_0, %c0_i32_1 : i32, i32, i32
  }
}

module attributes {stable_mosaic.version = 14 : i64} {
  func.func @body(%arg0: i32, %arg1: memref<1280x128xf32, #tpu.memory_space<vmem>>, %arg2: memref<1280x1xi32, #tpu.memory_space<vmem>>, %arg3: memref<3x64x128xf32, #tpu.memory_space<vmem>>, %arg4: memref<1x128xf32, #tpu.memory_space<vmem>>, %arg5: memref<1x128xf32, #tpu.memory_space<vmem>>, %arg6: memref<100x128xf32, #tpu.memory_space<vmem>>, %arg7: memref<100x128xf32, #tpu.memory_space<vmem>>, %arg8: memref<1280x128xf32, #tpu.memory_space<vmem>>, %arg9: memref<1280x128xf32, #tpu.memory_space<vmem>>, %arg10: memref<100x128xf32, #tpu.memory_space<vmem>>) attributes {dimension_semantics = [#tpu.dimension_semantics<arbitrary>], iteration_bounds = array<i64: 8>, scalar_prefetch = 0 : i64, scratch_operands = 2 : i64, tpu.core_type = #tpu.core_type<tc>, window_params = [{transform_indices = @transform_0, window_bounds = array<i64: 1280, 128>}, {transform_indices = @transform_1, window_bounds = array<i64: 1280, 1>}, {pipeline_mode = #tpu.pipeline_mode<synchronous>, transform_indices = @transform_2, window_bounds = array<i64: 3, 64, 128>}, {pipeline_mode = #tpu.pipeline_mode<synchronous>, transform_indices = @transform_3, window_bounds = array<i64: 1, 128>}, {pipeline_mode = #tpu.pipeline_mode<synchronous>, transform_indices = @transform_4, window_bounds = array<i64: 1, 128>}, {pipeline_mode = #tpu.pipeline_mode<synchronous>, transform_indices = @transform_5, window_bounds = array<i64: 100, 128>}, {pipeline_mode = #tpu.pipeline_mode<synchronous>, transform_indices = @transform_6, window_bounds = array<i64: 100, 128>}, {transform_indices = @transform_7, window_bounds = array<i64: 1280, 128>}]} {
    %get3A = arith.constant 0 : index
    %get3A_0 = arith.constant 0 : index
    %get3A_1 = arith.constant 0 : index
    %get3A_2 = vector.load %arg3[%get3A, %get3A_0, %get3A_1] : memref<3x64x128xf32, #tpu.memory_space<vmem>>, vector<1x64x128xf32>
    %get3A_3 = vector.shape_cast %get3A_2 : vector<1x64x128xf32> to vector<64x128xf32>
    %reduce_sum3A = arith.constant dense<0.000000e+00> : vector<64xf32>
    %reduce_sum3A_4 = vector.multi_reduction <add>, %get3A_3, %reduce_sum3A [1] : vector<64x128xf32> to vector<64xf32>
    %broadcast_in_dim3A = vector.shape_cast %reduce_sum3A_4 : vector<64xf32> to vector<64x1xf32>
    %get3A_5 = arith.constant 1 : index
    %get3A_6 = arith.constant 0 : index
    %get3A_7 = arith.constant 0 : index
    %get3A_8 = vector.load %arg3[%get3A_5, %get3A_6, %get3A_7] : memref<3x64x128xf32, #tpu.memory_space<vmem>>, vector<1x64x128xf32>
    %get3A_9 = vector.shape_cast %get3A_8 : vector<1x64x128xf32> to vector<64x128xf32>
    %reduce_sum3A_10 = arith.constant dense<0.000000e+00> : vector<64xf32>
    %reduce_sum3A_11 = vector.multi_reduction <add>, %get3A_9, %reduce_sum3A_10 [1] : vector<64x128xf32> to vector<64xf32>
    %broadcast_in_dim3A_12 = vector.shape_cast %reduce_sum3A_11 : vector<64xf32> to vector<64x1xf32>
    %get3A_13 = arith.constant 2 : index
    %get3A_14 = arith.constant 0 : index
    %get3A_15 = arith.constant 0 : index
    %get3A_16 = vector.load %arg3[%get3A_13, %get3A_14, %get3A_15] : memref<3x64x128xf32, #tpu.memory_space<vmem>>, vector<1x64x1xf32>
    %get3A_17 = vector.shape_cast %get3A_16 : vector<1x64x1xf32> to vector<64x1xf32>
    %mul3A = arith.constant 1.280000e+02 : f32
    %mul3A_18 = vector.broadcast %mul3A : f32 to vector<64x1xf32>
    %mul3A_19 = arith.mulf %get3A_17, %mul3A_18 : vector<64x1xf32>
    %max3A = arith.constant 1.000000e+00 : f32
    %max3A_20 = vector.broadcast %max3A : f32 to vector<64x1xf32>
    %max3A_21 = arith.maximumf %mul3A_19, %max3A_20 : vector<64x1xf32>
    %div3A = arith.divf %broadcast_in_dim3A, %max3A_21 : vector<64x1xf32>
    %div3A_22 = arith.divf %broadcast_in_dim3A_12, %max3A_21 : vector<64x1xf32>
    %mul3A_23 = arith.mulf %div3A, %div3A : vector<64x1xf32>
    %sub3A = arith.subf %div3A_22, %mul3A_23 : vector<64x1xf32>
    %add3A = arith.constant 9.99999974E-6 : f32
    %add3A_24 = vector.broadcast %add3A : f32 to vector<64x1xf32>
    %add3A_25 = arith.addf %sub3A, %add3A_24 : vector<64x1xf32>
    %rsqrt3A = math.rsqrt %add3A_25 : vector<64x1xf32>
    %iota3A = tpu.iota {dimensions = array<i32: 1>} : vector<1x64xi32>
    %get3A_26 = arith.constant 0 : index
    %get3A_27 = arith.constant 0 : index
    %get3A_28 = vector.load %arg2[%get3A_26, %get3A_27] : memref<1280x1xi32, #tpu.memory_space<vmem>>, vector<1280x1xi32>
    %eq3A = vector.broadcast %get3A_28 : vector<1280x1xi32> to vector<1280x64xi32>
    %eq3A_29 = vector.broadcast %iota3A : vector<1x64xi32> to vector<1280x64xi32>
    %eq3A_30 = arith.cmpi eq, %eq3A, %eq3A_29 : vector<1280x64xi32>
    %convert_element_type3A = arith.extui %eq3A_30 : vector<1280x64xi1> to vector<1280x64xi32>
    %convert_element_type3A_31 = arith.sitofp %convert_element_type3A : vector<1280x64xi32> to vector<1280x64xf32>
    %dot_general3A = arith.constant dense<0.000000e+00> : vector<1280x1xf32>
    %dot_general3A_32 = tpu.matmul %convert_element_type3A_31, %div3A, %dot_general3A {dimension_numbers = #tpu.dot_dimension_numbers<[1], [0], [0], [1], [0, 0, 1, 1], [], []>, transpose_lhs_hint = false} : vector<1280x64xf32>, vector<64x1xf32>, vector<1280x1xf32> -> vector<1280x1xf32>
    %dot_general3A_33 = arith.constant dense<0.000000e+00> : vector<1280x1xf32>
    %dot_general3A_34 = tpu.matmul %convert_element_type3A_31, %rsqrt3A, %dot_general3A_33 {dimension_numbers = #tpu.dot_dimension_numbers<[1], [0], [0], [1], [0, 0, 1, 1], [], []>, transpose_lhs_hint = false} : vector<1280x64xf32>, vector<64x1xf32>, vector<1280x1xf32> -> vector<1280x1xf32>
    %get3A_35 = arith.constant 0 : index
    %get3A_36 = arith.constant 0 : index
    %get3A_37 = vector.load %arg1[%get3A_35, %get3A_36] : memref<1280x128xf32, #tpu.memory_space<vmem>>, vector<1280x128xf32>
    %sub3A_38 = vector.broadcast %dot_general3A_32 : vector<1280x1xf32> to vector<1280x128xf32>
    %sub3A_39 = arith.subf %get3A_37, %sub3A_38 : vector<1280x128xf32>
    %mul3A_40 = vector.broadcast %dot_general3A_34 : vector<1280x1xf32> to vector<1280x128xf32>
    %mul3A_41 = arith.mulf %sub3A_39, %mul3A_40 : vector<1280x128xf32>
    %get3A_42 = arith.constant 0 : index
    %get3A_43 = arith.constant 0 : index
    %get3A_44 = vector.load %arg4[%get3A_42, %get3A_43] : memref<1x128xf32, #tpu.memory_space<vmem>>, vector<1x128xf32>
    %mul3A_45 = vector.broadcast %get3A_44 : vector<1x128xf32> to vector<1280x128xf32>
    %mul3A_46 = arith.mulf %mul3A_41, %mul3A_45 : vector<1280x128xf32>
    %get3A_47 = arith.constant 0 : index
    %get3A_48 = arith.constant 0 : index
    %get3A_49 = vector.load %arg5[%get3A_47, %get3A_48] : memref<1x128xf32, #tpu.memory_space<vmem>>, vector<1x128xf32>
    %add3A_50 = vector.broadcast %get3A_49 : vector<1x128xf32> to vector<1280x128xf32>
    %add3A_51 = arith.addf %mul3A_46, %add3A_50 : vector<1280x128xf32>
    %swap3A = arith.constant 0 : index
    %swap3A_52 = arith.constant 0 : index
    %swap3A_53 = vector.load %arg9[%swap3A, %swap3A_52] : memref<1280x128xf32, #tpu.memory_space<vmem>>, vector<1280x128xf32>
    tpu.vector_store %arg9[%swap3A, %swap3A_52], %add3A_51 {strides = array<i32>} : memref<1280x128xf32, #tpu.memory_space<vmem>>, vector<1280x128xf32>,
    %get3A_54 = arith.constant 0 : index
    %get3A_55 = arith.constant 0 : index
    %get3A_56 = vector.load %arg7[%get3A_54, %get3A_55] : memref<100x128xf32, #tpu.memory_space<vmem>>, vector<100x128xf32>
    %mul3A_57 = arith.mulf %get3A_56, %get3A_56 : vector<100x128xf32>
    %add3A_58 = arith.constant 9.99999974E-5 : f32
    %add3A_59 = vector.broadcast %add3A_58 : f32 to vector<100x128xf32>
    %add3A_60 = arith.addf %mul3A_57, %add3A_59 : vector<100x128xf32>
    %div3A_61 = arith.constant -1.000000e+00 : f32
    %div3A_62 = vector.broadcast %div3A_61 : f32 to vector<100x128xf32>
    %div3A_63 = arith.divf %div3A_62, %add3A_60 : vector<100x128xf32>
    %swap3A_64 = arith.constant 0 : index
    %swap3A_65 = arith.constant 0 : index
    %swap3A_66 = vector.load %arg10[%swap3A_64, %swap3A_65] : memref<100x128xf32, #tpu.memory_space<vmem>>, vector<100x128xf32>
    tpu.vector_store %arg10[%swap3A_64, %swap3A_65], %div3A_63 {strides = array<i32>} : memref<100x128xf32, #tpu.memory_space<vmem>>, vector<100x128xf32>,
    %scan3A = arith.constant 0 : i32
    %scan3A_67 = arith.constant 10 : i32
    %scan3A_68 = arith.addi %scan3A, %scan3A_67 : i32
    %scan3A_69 = arith.constant 1 : i32
    scf.for %scan3A_71 = %scan3A to %scan3A_68 step %scan3A_69  : i32 {
      %mul3A_72 = arith.constant 128 : i32
      %mul3A_73 = arith.muli %scan3A_71, %mul3A_72 : i32
      %get3A_74 = arith.index_cast %mul3A_73 : i32 to index
      %get3A_75 = arith.constant 0 : index
      %get3A_76 = vector.load %arg9[%get3A_74, %get3A_75] : memref<1280x128xf32, #tpu.memory_space<vmem>>, vector<128x128xf32>
      %broadcast_in_dim3A_77 = arith.constant 0.000000e+00 : f32
      %broadcast_in_dim3A_78 = vector.broadcast %broadcast_in_dim3A_77 : f32 to vector<128x128xf32>
      %scan3A_79 = arith.constant 0 : i32
      %scan3A_80 = arith.constant 10 : i32
      %scan3A_81 = arith.addi %scan3A_79, %scan3A_80 : i32
      %scan3A_82 = arith.constant 1 : i32
      %scan3A_83 = scf.for %scan3A_99 = %scan3A_79 to %scan3A_81 step %scan3A_82 iter_args(%scan3A_100 = %broadcast_in_dim3A_78) -> (vector<128x128xf32>)  : i32 {
        %mul3A_101 = arith.constant 10 : i32
        %mul3A_102 = arith.muli %scan3A_99, %mul3A_101 : i32
        %add3A_103 = arith.constant 0 : i32
        %add3A_104 = arith.addi %mul3A_102, %add3A_103 : i32
        %get3A_105 = arith.index_cast %add3A_104 : i32 to index
        %get3A_106 = arith.constant 0 : index
        %get3A_107 = vector.load %arg6[%get3A_105, %get3A_106] : memref<100x128xf32, #tpu.memory_space<vmem>>, vector<1x128xf32>
        %mul3A_108 = arith.constant 10 : i32
        %mul3A_109 = arith.muli %scan3A_99, %mul3A_108 : i32
        %add3A_110 = arith.constant 0 : i32
        %add3A_111 = arith.addi %mul3A_109, %add3A_110 : i32
        %get3A_112 = arith.index_cast %add3A_111 : i32 to index
        %get3A_113 = arith.constant 0 : index
        %get3A_114 = vector.load %arg10[%get3A_112, %get3A_113] : memref<100x128xf32, #tpu.memory_space<vmem>>, vector<1x128xf32>
        %sub3A_115 = vector.broadcast %get3A_107 : vector<1x128xf32> to vector<128x128xf32>
        %sub3A_116 = arith.subf %get3A_76, %sub3A_115 : vector<128x128xf32>
        %mul3A_117 = arith.mulf %sub3A_116, %sub3A_116 : vector<128x128xf32>
        %mul3A_118 = vector.broadcast %get3A_114 : vector<1x128xf32> to vector<128x128xf32>
        %mul3A_119 = arith.mulf %mul3A_117, %mul3A_118 : vector<128x128xf32>
        %exp3A = math.exp %mul3A_119 : vector<128x128xf32>
        %add3A_120 = arith.addf %scan3A_100, %exp3A : vector<128x128xf32>
        %mul3A_121 = arith.constant 10 : i32
        %mul3A_122 = arith.muli %scan3A_99, %mul3A_121 : i32
        %add3A_123 = arith.constant 1 : i32
        %add3A_124 = arith.addi %mul3A_122, %add3A_123 : i32
        %get3A_125 = arith.index_cast %add3A_124 : i32 to index
        %get3A_126 = arith.constant 0 : index
        %get3A_127 = vector.load %arg6[%get3A_125, %get3A_126] : memref<100x128xf32, #tpu.memory_space<vmem>>, vector<1x128xf32>
        %mul3A_128 = arith.constant 10 : i32
        %mul3A_129 = arith.muli %scan3A_99, %mul3A_128 : i32
        %add3A_130 = arith.constant 1 : i32
        %add3A_131 = arith.addi %mul3A_129, %add3A_130 : i32
        %get3A_132 = arith.index_cast %add3A_131 : i32 to index
        %get3A_133 = arith.constant 0 : index
        %get3A_134 = vector.load %arg10[%get3A_132, %get3A_133] : memref<100x128xf32, #tpu.memory_space<vmem>>, vector<1x128xf32>
        %sub3A_135 = vector.broadcast %get3A_127 : vector<1x128xf32> to vector<128x128xf32>
        %sub3A_136 = arith.subf %get3A_76, %sub3A_135 : vector<128x128xf32>
        %mul3A_137 = arith.mulf %sub3A_136, %sub3A_136 : vector<128x128xf32>
        %mul3A_138 = vector.broadcast %get3A_134 : vector<1x128xf32> to vector<128x128xf32>
        %mul3A_139 = arith.mulf %mul3A_137, %mul3A_138 : vector<128x128xf32>
        %exp3A_140 = math.exp %mul3A_139 : vector<128x128xf32>
        %add3A_141 = arith.addf %add3A_120, %exp3A_140 : vector<128x128xf32>
        %mul3A_142 = arith.constant 10 : i32
        %mul3A_143 = arith.muli %scan3A_99, %mul3A_142 : i32
        %add3A_144 = arith.constant 2 : i32
        %add3A_145 = arith.addi %mul3A_143, %add3A_144 : i32
        %get3A_146 = arith.index_cast %add3A_145 : i32 to index
        %get3A_147 = arith.constant 0 : index
        %get3A_148 = vector.load %arg6[%get3A_146, %get3A_147] : memref<100x128xf32, #tpu.memory_space<vmem>>, vector<1x128xf32>
        %mul3A_149 = arith.constant 10 : i32
        %mul3A_150 = arith.muli %scan3A_99, %mul3A_149 : i32
        %add3A_151 = arith.constant 2 : i32
        %add3A_152 = arith.addi %mul3A_150, %add3A_151 : i32
        %get3A_153 = arith.index_cast %add3A_152 : i32 to index
        %get3A_154 = arith.constant 0 : index
        %get3A_155 = vector.load %arg10[%get3A_153, %get3A_154] : memref<100x128xf32, #tpu.memory_space<vmem>>, vector<1x128xf32>
        %sub3A_156 = vector.broadcast %get3A_148 : vector<1x128xf32> to vector<128x128xf32>
        %sub3A_157 = arith.subf %get3A_76, %sub3A_156 : vector<128x128xf32>
        %mul3A_158 = arith.mulf %sub3A_157, %sub3A_157 : vector<128x128xf32>
        %mul3A_159 = vector.broadcast %get3A_155 : vector<1x128xf32> to vector<128x128xf32>
        %mul3A_160 = arith.mulf %mul3A_158, %mul3A_159 : vector<128x128xf32>
        %exp3A_161 = math.exp %mul3A_160 : vector<128x128xf32>
        %add3A_162 = arith.addf %add3A_141, %exp3A_161 : vector<128x128xf32>
        %mul3A_163 = arith.constant 10 : i32
        %mul3A_164 = arith.muli %scan3A_99, %mul3A_163 : i32
        %add3A_165 = arith.constant 3 : i32
        %add3A_166 = arith.addi %mul3A_164, %add3A_165 : i32
        %get3A_167 = arith.index_cast %add3A_166 : i32 to index
        %get3A_168 = arith.constant 0 : index
        %get3A_169 = vector.load %arg6[%get3A_167, %get3A_168] : memref<100x128xf32, #tpu.memory_space<vmem>>, vector<1x128xf32>
        %mul3A_170 = arith.constant 10 : i32
        %mul3A_171 = arith.muli %scan3A_99, %mul3A_170 : i32
        %add3A_172 = arith.constant 3 : i32
        %add3A_173 = arith.addi %mul3A_171, %add3A_172 : i32
        %get3A_174 = arith.index_cast %add3A_173 : i32 to index
        %get3A_175 = arith.constant 0 : index
        %get3A_176 = vector.load %arg10[%get3A_174, %get3A_175] : memref<100x128xf32, #tpu.memory_space<vmem>>, vector<1x128xf32>
        %sub3A_177 = vector.broadcast %get3A_169 : vector<1x128xf32> to vector<128x128xf32>
        %sub3A_178 = arith.subf %get3A_76, %sub3A_177 : vector<128x128xf32>
        %mul3A_179 = arith.mulf %sub3A_178, %sub3A_178 : vector<128x128xf32>
        %mul3A_180 = vector.broadcast %get3A_176 : vector<1x128xf32> to vector<128x128xf32>
        %mul3A_181 = arith.mulf %mul3A_179, %mul3A_180 : vector<128x128xf32>
        %exp3A_182 = math.exp %mul3A_181 : vector<128x128xf32>
        %add3A_183 = arith.addf %add3A_162, %exp3A_182 : vector<128x128xf32>
        %mul3A_184 = arith.constant 10 : i32
        %mul3A_185 = arith.muli %scan3A_99, %mul3A_184 : i32
        %add3A_186 = arith.constant 4 : i32
        %add3A_187 = arith.addi %mul3A_185, %add3A_186 : i32
        %get3A_188 = arith.index_cast %add3A_187 : i32 to index
        %get3A_189 = arith.constant 0 : index
        %get3A_190 = vector.load %arg6[%get3A_188, %get3A_189] : memref<100x128xf32, #tpu.memory_space<vmem>>, vector<1x128xf32>
        %mul3A_191 = arith.constant 10 : i32
        %mul3A_192 = arith.muli %scan3A_99, %mul3A_191 : i32
        %add3A_193 = arith.constant 4 : i32
        %add3A_194 = arith.addi %mul3A_192, %add3A_193 : i32
        %get3A_195 = arith.index_cast %add3A_194 : i32 to index
        %get3A_196 = arith.constant 0 : index
        %get3A_197 = vector.load %arg10[%get3A_195, %get3A_196] : memref<100x128xf32, #tpu.memory_space<vmem>>, vector<1x128xf32>
        %sub3A_198 = vector.broadcast %get3A_190 : vector<1x128xf32> to vector<128x128xf32>
        %sub3A_199 = arith.subf %get3A_76, %sub3A_198 : vector<128x128xf32>
        %mul3A_200 = arith.mulf %sub3A_199, %sub3A_199 : vector<128x128xf32>
        %mul3A_201 = vector.broadcast %get3A_197 : vector<1x128xf32> to vector<128x128xf32>
        %mul3A_202 = arith.mulf %mul3A_200, %mul3A_201 : vector<128x128xf32>
        %exp3A_203 = math.exp %mul3A_202 : vector<128x128xf32>
        %add3A_204 = arith.addf %add3A_183, %exp3A_203 : vector<128x128xf32>
        %mul3A_205 = arith.constant 10 : i32
        %mul3A_206 = arith.muli %scan3A_99, %mul3A_205 : i32
        %add3A_207 = arith.constant 5 : i32
        %add3A_208 = arith.addi %mul3A_206, %add3A_207 : i32
        %get3A_209 = arith.index_cast %add3A_208 : i32 to index
        %get3A_210 = arith.constant 0 : index
        %get3A_211 = vector.load %arg6[%get3A_209, %get3A_210] : memref<100x128xf32, #tpu.memory_space<vmem>>, vector<1x128xf32>
        %mul3A_212 = arith.constant 10 : i32
        %mul3A_213 = arith.muli %scan3A_99, %mul3A_212 : i32
        %add3A_214 = arith.constant 5 : i32
        %add3A_215 = arith.addi %mul3A_213, %add3A_214 : i32
        %get3A_216 = arith.index_cast %add3A_215 : i32 to index
        %get3A_217 = arith.constant 0 : index
        %get3A_218 = vector.load %arg10[%get3A_216, %get3A_217] : memref<100x128xf32, #tpu.memory_space<vmem>>, vector<1x128xf32>
        %sub3A_219 = vector.broadcast %get3A_211 : vector<1x128xf32> to vector<128x128xf32>
        %sub3A_220 = arith.subf %get3A_76, %sub3A_219 : vector<128x128xf32>
        %mul3A_221 = arith.mulf %sub3A_220, %sub3A_220 : vector<128x128xf32>
        %mul3A_222 = vector.broadcast %get3A_218 : vector<1x128xf32> to vector<128x128xf32>
        %mul3A_223 = arith.mulf %mul3A_221, %mul3A_222 : vector<128x128xf32>
        %exp3A_224 = math.exp %mul3A_223 : vector<128x128xf32>
        %add3A_225 = arith.addf %add3A_204, %exp3A_224 : vector<128x128xf32>
        %mul3A_226 = arith.constant 10 : i32
        %mul3A_227 = arith.muli %scan3A_99, %mul3A_226 : i32
        %add3A_228 = arith.constant 6 : i32
        %add3A_229 = arith.addi %mul3A_227, %add3A_228 : i32
        %get3A_230 = arith.index_cast %add3A_229 : i32 to index
        %get3A_231 = arith.constant 0 : index
        %get3A_232 = vector.load %arg6[%get3A_230, %get3A_231] : memref<100x128xf32, #tpu.memory_space<vmem>>, vector<1x128xf32>
        %mul3A_233 = arith.constant 10 : i32
        %mul3A_234 = arith.muli %scan3A_99, %mul3A_233 : i32
        %add3A_235 = arith.constant 6 : i32
        %add3A_236 = arith.addi %mul3A_234, %add3A_235 : i32
        %get3A_237 = arith.index_cast %add3A_236 : i32 to index
        %get3A_238 = arith.constant 0 : index
        %get3A_239 = vector.load %arg10[%get3A_237, %get3A_238] : memref<100x128xf32, #tpu.memory_space<vmem>>, vector<1x128xf32>
        %sub3A_240 = vector.broadcast %get3A_232 : vector<1x128xf32> to vector<128x128xf32>
        %sub3A_241 = arith.subf %get3A_76, %sub3A_240 : vector<128x128xf32>
        %mul3A_242 = arith.mulf %sub3A_241, %sub3A_241 : vector<128x128xf32>
        %mul3A_243 = vector.broadcast %get3A_239 : vector<1x128xf32> to vector<128x128xf32>
        %mul3A_244 = arith.mulf %mul3A_242, %mul3A_243 : vector<128x128xf32>
        %exp3A_245 = math.exp %mul3A_244 : vector<128x128xf32>
        %add3A_246 = arith.addf %add3A_225, %exp3A_245 : vector<128x128xf32>
        %mul3A_247 = arith.constant 10 : i32
        %mul3A_248 = arith.muli %scan3A_99, %mul3A_247 : i32
        %add3A_249 = arith.constant 7 : i32
        %add3A_250 = arith.addi %mul3A_248, %add3A_249 : i32
        %get3A_251 = arith.index_cast %add3A_250 : i32 to index
        %get3A_252 = arith.constant 0 : index
        %get3A_253 = vector.load %arg6[%get3A_251, %get3A_252] : memref<100x128xf32, #tpu.memory_space<vmem>>, vector<1x128xf32>
        %mul3A_254 = arith.constant 10 : i32
        %mul3A_255 = arith.muli %scan3A_99, %mul3A_254 : i32
        %add3A_256 = arith.constant 7 : i32
        %add3A_257 = arith.addi %mul3A_255, %add3A_256 : i32
        %get3A_258 = arith.index_cast %add3A_257 : i32 to index
        %get3A_259 = arith.constant 0 : index
        %get3A_260 = vector.load %arg10[%get3A_258, %get3A_259] : memref<100x128xf32, #tpu.memory_space<vmem>>, vector<1x128xf32>
        %sub3A_261 = vector.broadcast %get3A_253 : vector<1x128xf32> to vector<128x128xf32>
        %sub3A_262 = arith.subf %get3A_76, %sub3A_261 : vector<128x128xf32>
        %mul3A_263 = arith.mulf %sub3A_262, %sub3A_262 : vector<128x128xf32>
        %mul3A_264 = vector.broadcast %get3A_260 : vector<1x128xf32> to vector<128x128xf32>
        %mul3A_265 = arith.mulf %mul3A_263, %mul3A_264 : vector<128x128xf32>
        %exp3A_266 = math.exp %mul3A_265 : vector<128x128xf32>
        %add3A_267 = arith.addf %add3A_246, %exp3A_266 : vector<128x128xf32>
        %mul3A_268 = arith.constant 10 : i32
        %mul3A_269 = arith.muli %scan3A_99, %mul3A_268 : i32
        %add3A_270 = arith.constant 8 : i32
        %add3A_271 = arith.addi %mul3A_269, %add3A_270 : i32
        %get3A_272 = arith.index_cast %add3A_271 : i32 to index
        %get3A_273 = arith.constant 0 : index
        %get3A_274 = vector.load %arg6[%get3A_272, %get3A_273] : memref<100x128xf32, #tpu.memory_space<vmem>>, vector<1x128xf32>
        %mul3A_275 = arith.constant 10 : i32
        %mul3A_276 = arith.muli %scan3A_99, %mul3A_275 : i32
        %add3A_277 = arith.constant 8 : i32
        %add3A_278 = arith.addi %mul3A_276, %add3A_277 : i32
        %get3A_279 = arith.index_cast %add3A_278 : i32 to index
        %get3A_280 = arith.constant 0 : index
        %get3A_281 = vector.load %arg10[%get3A_279, %get3A_280] : memref<100x128xf32, #tpu.memory_space<vmem>>, vector<1x128xf32>
        %sub3A_282 = vector.broadcast %get3A_274 : vector<1x128xf32> to vector<128x128xf32>
        %sub3A_283 = arith.subf %get3A_76, %sub3A_282 : vector<128x128xf32>
        %mul3A_284 = arith.mulf %sub3A_283, %sub3A_283 : vector<128x128xf32>
        %mul3A_285 = vector.broadcast %get3A_281 : vector<1x128xf32> to vector<128x128xf32>
        %mul3A_286 = arith.mulf %mul3A_284, %mul3A_285 : vector<128x128xf32>
        %exp3A_287 = math.exp %mul3A_286 : vector<128x128xf32>
        %add3A_288 = arith.addf %add3A_267, %exp3A_287 : vector<128x128xf32>
        %mul3A_289 = arith.constant 10 : i32
        %mul3A_290 = arith.muli %scan3A_99, %mul3A_289 : i32
        %add3A_291 = arith.constant 9 : i32
        %add3A_292 = arith.addi %mul3A_290, %add3A_291 : i32
        %get3A_293 = arith.index_cast %add3A_292 : i32 to index
        %get3A_294 = arith.constant 0 : index
        %get3A_295 = vector.load %arg6[%get3A_293, %get3A_294] : memref<100x128xf32, #tpu.memory_space<vmem>>, vector<1x128xf32>
        %mul3A_296 = arith.constant 10 : i32
        %mul3A_297 = arith.muli %scan3A_99, %mul3A_296 : i32
        %add3A_298 = arith.constant 9 : i32
        %add3A_299 = arith.addi %mul3A_297, %add3A_298 : i32
        %get3A_300 = arith.index_cast %add3A_299 : i32 to index
        %get3A_301 = arith.constant 0 : index
        %get3A_302 = vector.load %arg10[%get3A_300, %get3A_301] : memref<100x128xf32, #tpu.memory_space<vmem>>, vector<1x128xf32>
        %sub3A_303 = vector.broadcast %get3A_295 : vector<1x128xf32> to vector<128x128xf32>
        %sub3A_304 = arith.subf %get3A_76, %sub3A_303 : vector<128x128xf32>
        %mul3A_305 = arith.mulf %sub3A_304, %sub3A_304 : vector<128x128xf32>
        %mul3A_306 = vector.broadcast %get3A_302 : vector<1x128xf32> to vector<128x128xf32>
        %mul3A_307 = arith.mulf %mul3A_305, %mul3A_306 : vector<128x128xf32>
        %exp3A_308 = math.exp %mul3A_307 : vector<128x128xf32>
        %add3A_309 = arith.addf %add3A_288, %exp3A_308 : vector<128x128xf32>
        scf.yield %add3A_309 : vector<128x128xf32>
      }
      %scan3A_84 = arith.constant 10 : i32
      %mul3A_85 = arith.constant 5.000000e-02 : f32
      %mul3A_86 = vector.broadcast %mul3A_85 : f32 to vector<128x128xf32>
      %mul3A_87 = arith.mulf %scan3A_83, %mul3A_86 : vector<128x128xf32>
      %mul3A_88 = arith.constant 128 : i32
      %mul3A_89 = arith.muli %scan3A_71, %mul3A_88 : i32
      %get3A_90 = arith.index_cast %mul3A_89 : i32 to index
      %get3A_91 = arith.constant 0 : index
      %get3A_92 = vector.load %arg1[%get3A_90, %get3A_91] : memref<1280x128xf32, #tpu.memory_space<vmem>>, vector<128x128xf32>
      %mul3A_93 = arith.mulf %mul3A_87, %get3A_92 : vector<128x128xf32>
      %mul3A_94 = arith.constant 128 : i32
      %mul3A_95 = arith.muli %scan3A_71, %mul3A_94 : i32
      %swap3A_96 = arith.index_cast %mul3A_95 : i32 to index
      %swap3A_97 = arith.constant 0 : index
      %swap3A_98 = vector.load %arg8[%swap3A_96, %swap3A_97] : memref<1280x128xf32, #tpu.memory_space<vmem>>, vector<128x128xf32>
      tpu.vector_store %arg8[%swap3A_96, %swap3A_97], %mul3A_93 {strides = array<i32>} : memref<1280x128xf32, #tpu.memory_space<vmem>>, vector<128x128xf32>,
    }
    %scan3A_70 = arith.constant 10 : i32
    return
  }
  func.func @transform_0(%arg0: i32) -> (i32, i32) {
    %c0_i32 = arith.constant 0 : i32
    %c0_i32_0 = arith.constant 0 : i32
    return %arg0, %c0_i32 : i32, i32
  }
  func.func @transform_1(%arg0: i32) -> (i32, i32) {
    %c0_i32 = arith.constant 0 : i32
    %c0_i32_0 = arith.constant 0 : i32
    return %arg0, %c0_i32 : i32, i32
  }
  func.func @transform_2(%arg0: i32) -> (i32, i32, i32) {
    %c0_i32 = arith.constant 0 : i32
    %c0_i32_0 = arith.constant 0 : i32
    %c0_i32_1 = arith.constant 0 : i32
    %c0_i32_2 = arith.constant 0 : i32
    return %c0_i32, %c0_i32_0, %c0_i32_1 : i32, i32, i32
  }
  func.func @transform_3(%arg0: i32) -> (i32, i32) {
    %c0_i32 = arith.constant 0 : i32
    %c0_i32_0 = arith.constant 0 : i32
    %c0_i32_1 = arith.constant 0 : i32
    return %c0_i32, %c0_i32_0 : i32, i32
  }
  func.func @transform_4(%arg0: i32) -> (i32, i32) {
    %c0_i32 = arith.constant 0 : i32
    %c0_i32_0 = arith.constant 0 : i32
    %c0_i32_1 = arith.constant 0 : i32
    return %c0_i32, %c0_i32_0 : i32, i32
  }
  func.func @transform_5(%arg0: i32) -> (i32, i32) {
    %c0_i32 = arith.constant 0 : i32
    %c0_i32_0 = arith.constant 0 : i32
    %c0_i32_1 = arith.constant 0 : i32
    return %c0_i32, %c0_i32_0 : i32, i32
  }
  func.func @transform_6(%arg0: i32) -> (i32, i32) {
    %c0_i32 = arith.constant 0 : i32
    %c0_i32_0 = arith.constant 0 : i32
    %c0_i32_1 = arith.constant 0 : i32
    return %c0_i32, %c0_i32_0 : i32, i32
  }
  func.func @transform_7(%arg0: i32) -> (i32, i32) {
    %c0_i32 = arith.constant 0 : i32
    %c0_i32_0 = arith.constant 0 : i32
    return %arg0, %c0_i32 : i32, i32
  }
}

</mosaic_0001>

<sc_bundles>
// kernel: kernel.12.cloned.1.call-start
scs
__scs_entry_jumppad:
0x0: {  	(pc) =	sbr.rel $0x88, $3  }
0x1: {  	(tag) =	ssettag $0x0;
	lr =	simm.s32 $0x1  }
0x2: {  	[smem:$0x3F98] =	sst lr;
	_ =	strace $0xD0000000  }
0x3: {  	_ = 	snop  }
0x4: {  	_ = 	snop  }
0x5: {  	_ = 	snop  }
0x6: {  	_ = 	snop  }
0x7: {  	_ = 	snop  }
__scs_overlays_trampoline_lowered:
0x8: {  	[smem:$0x3FA7] =	sst s0  }
0x9: {  	[smem:$0x3FA8] =	sst s1  }
0xa: {  	[smem:$0x3FA9] =	sst s2  }
0xb: {  	[smem:$0x3FAA] =	sst s3  }
0xc: {  	[smem:$0x3FAB] =	sst s4  }
0xd: {  	[smem:$0x3FAC] =	sst s5  }
0xe: {  	[smem:$0x3FAD] =	sst s6  }
0xf: {  	[smem:$0x3FAE] =	sst s7  }
0x10: {  	[smem:$0x3FAF] =	sst s8  }
0x11: {  	[smem:$0x3FB0] =	sst s9;
	s0 =	simm.s32 @!p0 $0x0  }
0x12: {  	s1 =	sld [smem:$0x3F96];
	s0 =	simm.s32 @p0 $0x1  }
0x13: {  	[smem:$0x3FB1] =	sst s0;
	s0 =	simm.s32 @!p1 $0x0  }
0x14: {  	s2 =	sld [smem:$0x3F95];
	s0 =	simm.s32 @p1 $0x1  }
0x15: {  	[smem:$0x3FB2] =	sst s0;
	s0 =	simm.s32 @!p2 $0x0  }
0x16: {  	s3 =	sld [smem:$0x3FDB];
	s0 =	simm.s32 @p2 $0x1  }
0x17: {  	s4 =	simm.s32 $0x1BF5;
	[smem:$0x3FB4] =	sst s0  }
0x18: {  	s0 =	sld [smem:$0x3F97];
	_ =	swait.ge [sflag:s4], $0x0  }
0x19: {  	s7 =	sld [smem:$0x3F98]  }
0x1a: {  	s8 =	sadd.s32 $0xFFFFE003, lr  }
0x1b: {  	s9 =	sadd.s32 $0xFFFFFEF7, lr;
	s5 =	simm.s32 $0xFFFFFFFF;
	p2 =	slt.u32 s8, $0xFFFFF086  }
0x1c: {  	p1 =	slt.u32 s9, $0xF7A;
	s5 =	simm.s32 @!p2 $0x0  }
0x1d: {  	s5 =	simm.s32 @p1 $0x1;
	p0 =	seq.s32 s7, s2  }
0x1e: {  	s7 =	smul.u32 @!p0 $0xF7A, s2;
	p2 =	seq.s32 @!p0 s5, $0x0  }
0x1f: {  	s9 =	smul.u32 $0xF7A, s1;
	s8 =	simm.s32 @!p0 $0x1BF5;
	p2 =	por !p2, p0  }
0x20: {  	[sflag:s8] =	ssyncset.s32 @!p0 $0xFFFFF086;
	s6 =	sadd.s32 @!p0 s3, s7;
	s7 =	simm.s32 @!p0 $0x108  }
0x21: {  	s3 =	sadd.s32 s3, s9;
	s6 =	sadd.s32 @!p0 $0x88, s6;
	s7 =	simm.s32 @p2 $0x1082  }
0x22: {  	[simem:s7], [sflag:s8] =	dma.local @!p0 [hbm:s6], $0xF7A  }
0x23: {  	s9 =	sor.u32 $0xD0000000, s2;
	s6 =	simm.s32 $0x108;
	_ =	swait.ge @!p0 [sflag:s8], $0x0  }
0x24: {  	s3 =	sadd.s32 $0x88, s3;
	s6 =	simm.s32 @!p1 $0x1082;
	[sflag:s4] =	ssyncset.s32 $0xFFFFF086  }
0x25: {  	[simem:s6], [sflag:s4] =	dma.local [hbm:s3], $0xF7A  }
0x26: {  	[smem:$0x3F98] =	sst s1;
	(tag) =	ssettag s2;
	_ =	strace s9  }
0x27: {  	s1 =	sld [smem:$0x3FA8]  }
0x28: {  	s2 =	sld [smem:$0x3FA9]  }
0x29: {  	s4 =	sld [smem:$0x3FAB]  }
0x2a: {  	p0 =	seq.s32 s5, $0x0;
	s5 =	sld [smem:$0x3FAC]  }
0x2b: {  	s6 =	sld [smem:$0x3FAD]  }
0x2c: {  	s7 =	sld [smem:$0x3FAE]  }
0x2d: {  	s3 =	simm.s32 $0x108;
	s8 =	sld [smem:$0x3FAF]  }
0x2e: {  	s3 =	simm.s32 @!p0 $0x1082;
	s9 =	sld [smem:$0x3FB0]  }
0x2f: {  	lr =	sadd.s32 s0, s3;
	s0 =	sld [smem:$0x3FA7]  }
0x30: {  	s3 =	sld [smem:$0x3FAA]  }
0x31: {  	[smem:$0x3FB3] =	sst s10  }
0x32: {  	s10 =	sld [smem:$0x3FB1];
	_ =	sdelay $0x3  }
0x33: {  	p0 =	seq.s32 s10, $0x1;
	s10 =	sld [smem:$0x3FB3];
	_ =	sdelay $0x3  }
0x34: {  	[smem:$0x3FB3] =	sst s10  }
0x35: {  	s10 =	sld [smem:$0x3FB2];
	_ =	sdelay $0x3  }
0x36: {  	p1 =	seq.s32 s10, $0x1;
	s10 =	sld [smem:$0x3FB3];
	_ =	sdelay $0x3  }
0x37: {  	[smem:$0x3FB3] =	sst s10  }
0x38: {  	s10 =	sld [smem:$0x3FB4]  }
0x39: {  	_ = 	snop;
	(pc) =	sbr.ind lr, $3  }
0x3a: {  	_ = 	snop  }
0x3b: {  	_ = 	snop  }
0x3c: {  	p2 =	seq.s32 s10, $0x1;
	s10 =	sld [smem:$0x3FB3]  }
0x3d: {  	_ =	shalt  }
0x3e: {  	_ =	shalt  }
0x3f: {  	_ =	shalt  }
0x40: {  	_ =	shalt  }
0x41: {  	_ =	shalt  }
0x42: {  	_ =	shalt  }
0x43: {  	_ =	shalt  }
0x44: {  	_ =	shalt  }
0x45: {  	_ =	shalt  }
0x46: {  	_ =	shalt  }
0x47: {  	_ =	shalt  }
0x48: {  	_ =	shalt  }
0x49: {  	_ =	shalt  }
0x4a: {  	_ =	shalt  }
0x4b: {  	_ =	shalt  }
0x4c: {  	_ =	shalt  }
0x4d: {  	_ =	shalt  }
0x4e: {  	_ =	shalt  }
0x4f: {  	_ =	shalt  }
0x50: {  	_ =	shalt  }
0x51: {  	_ =	shalt  }
0x52: {  	_ =	shalt  }
0x53: {  	_ =	shalt  }
0x54: {  	_ =	shalt  }
0x55: {  	_ =	shalt  }
0x56: {  	_ =	shalt  }
0x57: {  	_ =	shalt  }
0x58: {  	_ =	shalt  }
0x59: {  	_ =	shalt  }
0x5a: {  	_ =	shalt  }
0x5b: {  	_ =	shalt  }
0x5c: {  	_ =	shalt  }
0x5d: {  	_ =	shalt  }
0x5e: {  	_ =	shalt  }
0x5f: {  	_ =	shalt  }
0x60: {  	_ =	shalt  }
0x61: {  	_ =	shalt  }
0x62: {  	_ =	shalt  }
0x63: {  	_ =	shalt  }
0x64: {  	_ =	shalt  }
0x65: {  	_ =	shalt  }
0x66: {  	_ =	shalt  }
0x67: {  	_ =	shalt  }
0x68: {  	_ =	shalt  }
0x69: {  	_ =	shalt  }
0x6a: {  	_ =	shalt  }
0x6b: {  	_ =	shalt  }
0x6c: {  	_ =	shalt  }
0x6d: {  	_ =	shalt  }
0x6e: {  	_ =	shalt  }
0x6f: {  	_ =	shalt  }
0x70: {  	_ =	shalt  }
0x71: {  	_ =	shalt  }
0x72: {  	_ =	shalt  }
0x73: {  	_ =	shalt  }
0x74: {  	_ =	shalt  }
0x75: {  	_ =	shalt  }
0x76: {  	_ =	shalt  }
0x77: {  	_ =	shalt  }
0x78: {  	_ =	shalt  }
0x79: {  	_ =	shalt  }
0x7a: {  	_ =	shalt  }
0x7b: {  	_ =	shalt  }
0x7c: {  	_ =	shalt  }
0x7d: {  	_ =	shalt  }
0x7e: {  	_ =	shalt  }
0x7f: {  	_ =	shalt  }
0x80: {  	_ =	shalt  }
0x81: {  	_ =	shalt  }
0x82: {  	_ =	shalt  }
0x83: {  	_ =	shalt  }
0x84: {  	_ =	shalt  }
0x85: {  	_ =	shalt  }
0x86: {  	_ =	shalt  }
0x87: {  	_ =	shalt  }
.Lfunc_end0:
.L_simem_size_0:
called_computation.1_lowered:
.L_overlay_start_0:
0x88: {  	s2 =	sld [smem:$0x3FD9]  }
0x89: {  	s3 =	sld [smem:$0x3FFE];
	_ =	sdelay $0x1  }
0x8a: {  	s1 =	srdreg.scid  }
0x8b: {  	s0 =	sand.u32 $0x1, s1  }
0x8c: {  	s17 =	sshll.u32 s0, $0xA;
	s2 =	sadd.s32 s3, s2  }
0x8d: {  	s2 =	sadd.s32 s2, s17  }
0x8e: {  	[smem:$0x3FBF] =	sst s2  }
0x8f: {  	_ = 	snop  }
0x90: {  	s18 =	sld [smem:$0x3FD0];
	(tm) =	ssettm $0x1  }
0x91: {  	s19 =	sld [smem:$0x3FFB];
	_ =	sdelay $0x3  }
0x92: {  	_ =	strace s19  }
0x93: {  	s2 =	sld [smem:$0x3FFC];
	_ =	sdelay $0x3  }
0x94: {  	_ =	strace s2  }
0x95: {  	s2 =	sld [smem:$0x3FFD];
	_ =	sdelay $0x3  }
0x96: {  	_ =	strace s2  }
0x97: {  	_ =	strace $0x8FFFFFFF  }
0x98: {  	s20 =	sld [smem:$0x3FDB];
	_ =	sdelay $0x1  }
0x99: {  	s4 =	simm.s32 $_scs_section_size  }
0x9a: {  	s5 =	simm.s32 $_size__tile_overlayer_lowered;
	s6 =	simm.s32 $_tile_overlayer_lowered  }
0x9b: {  	s7 =	simm.s32 $0x1BFF;
	s21 =	sshll.u32 s6, $0x1;
	s4 =	sadd.s32 s4, s20  }
0x9c: {  	s22 =	simm.s32 $0x0;
	s5 =	sshll.u32 s5, $0x1;
	s6 =	sadd.s32 s21, s4  }
0x9d: {  	[timem:s22], [sflag:s7] =	dma.local [hbm:s6], s5  }
0x9e: {  	_ =	swait.ge [sflag:s7], s5  }
0x9f: {  	s5 =	ssub.s32 $0x0, s5;
	[sflag:s7] =	ssyncset.done $0x0  }
0xa0: {  	[sflag:s7] =	ssyncadd.s32 s5;
	_ =	sdelay $0x1  }
0xa1: {  	s23 =	simm.s32 $0x1B8B  }
0xa2: {  	_ =	swait.ge [sflag:s23], $0x1  }
0xa3: {  	[sflag:s23] =	ssyncset.done $0x0  }
0xa4: {  	[sflag:s23] =	ssyncadd.s32 $0xFFFFFFFF  }
0xa5: {  	s5 =	sld [smem:$0x0]  }
0xa6: {  	s6 =	sand.u32 $0xFFFFFFFE, s1  }
0xa7: {  	p0 =	sne.s32 s1, s6  }
0xa8: {  	s6 =	sshll.u32 @p0 s6, $0xE  }
0xa9: {  	s6 =	sadd.s32 @p0 $0x11B8D, s6;
	s7 =	sshll.u32 @p0 s5, $0x11  }
0xaa: {  	s6 =	sor.u32 @p0 s7, s6  }
0xab: {  	[sflag:s6] =	ssyncadd.remote.s32 @p0 $0x1;
	_ =	sdelay $0x1  }
0xac: {  	s6 =	simm.s32 @p0 $0x1B8D  }
0xad: {  	_ =	swait.eq @p0 [sflag:s6], $0x1  }
0xae: {  	[sflag:s6] =	ssyncadd.s32 @p0 $0xFFFFFFFF  }
0xaf: {  	s7 =	sshll.u32 @!p0 s1, $0xE  }
0xb0: {  	s7 =	sor.u32 @!p0 $0x4000, s7;
	s6 =	simm.s32 @!p0 $0x1B8D  }
0xb1: {  	s5 =	sshll.u32 @!p0 s5, $0x11;
	s7 =	sadd.s32 @!p0 $0x11B8D, s7;
	_ =	swait.eq @!p0 [sflag:s6], $0x1  }
0xb2: {  	s5 =	sor.u32 @!p0 s5, s7;
	[sflag:s6] =	ssyncadd.s32 @!p0 $0xFFFFFFFF  }
0xb3: {  	s25 =	simm.s32 $0x1B8E;
	s24 =	sld [smem:$0x3FFE];
	[sflag:s5] =	ssyncadd.remote.s32 @!p0 $0x1  }
0xb4: {  	s26 =	simm.s32 $execute0_lowered;
	[smem:$0x3FD2] =	sst s25  }
0xb5: {  	s6 =	sshll.u32 s26, $0x1;
	_ =	strace $0x80000049;
	[dreg:$0x1] =	wrdreg $0xFFFFFFFF  }
0xb6: {  	s28 =	simm.s32 $_size_execute0_lowered;
	s4 =	sadd.s32 s4, s6;
	[dreg:$0x0] =	wrdreg $0x0  }
0xb7: {  	s6 =	sshll.u32 s28, $0x1;
	[dreg:$0x2] =	wrdreg s4  }
0xb8: {  	[dreg:$0x3] =	wrdreg s6  }
0xb9: {  	[dreg:$0x4] =	wrdreg $0xC0  }
0xba: {  	_ =	task [dreg:s22], $0x5FFFF  }
0xbb: {  	[dreg:$0x1] =	wrdreg $0xFFFFFFFF  }
0xbc: {  	[dreg:$0x0] =	wrdreg $0x60  }
0xbd: {  	[dreg:$0x2] =	wrdreg s24  }
0xbe: {  	[dreg:$0x3] =	wrdreg s18  }
0xbf: {  	[dreg:$0x4] =	wrdreg $0xA  }
0xc0: {  	_ =	task.clear_ibuf [dreg:s22], $0x5FFFF;
	_ =	strace $0x90000049  }
0xc1: {  	s29 =	simm.s32 $0xA;
	_ =	strace $0x8000004B  }
0xc2: {  	_ =	swait.ge [sflag:s29], $0x1  }
0xc3: {  	[sflag:s29] =	ssyncadd.s32 $0xFFFFFFFF  }
0xc4: {  	_ =	strace $0x9000004B  }
0xc5: {  	_ =	sfence  }
0xc6: {  	s30 =	sld [smem:$0x0];
	_ =	sdelay $0x2  }
0xc7: {  	s31 =	sshll.u32 s1, $0xD;
	s1 =	sshrl.u32 s1, $0x2  }
0xc8: {  	s4 =	sand.u32 $0x4000, s31;
	s1 =	sadd.s32 s1, s30  }
0xc9: {  	s0 =	sor.u32 s4, s0;
	s1 =	sshll.u32 s1, $0x11  }
0xca: {  	s0 =	sor.u32 s1, s0  }
0xcb: {  	s0 =	sadd.s32 $0x8F2B, s0  }
0xcc: {  	[sflag:s0] =	ssyncadd.remote.s32 $0x1  }
0xcd: {  	_ =	sfence.sel $0xFFFF  }
0xce: {  	[dreg:$0x0] =	wrdreg $0xFFFFFFFF;
	(pc) =	sbr.abs _section_cstart, $3  }
0xcf: {  	[dreg:$0x1] =	wrdreg $0xFFFFFFFF  }
0xd0: {  	_ =	task.clear_ibuf [dreg:s22], $0x2FFFF;
	_ =	strace $0x9FFFFFFF  }
0xd1: {  	(tm) =	ssettm $0x7FFFFFFF  }
tec
execute0_lowered:
.L_overlay_start_1:
0x0: {  	(tag) =	ssettag $0x1  }
0x1: {  	s0 =	srdreg.scid  }
0x2: {  	s10 =	stileid.u32;
	s3 =	rddreg [dreg:$0x0];
	s28 =	simm.s32 $0x8000  }
0x3: {  	s29 =	simm.s32 $0x1;
	s30 =	simm.s32 $0x2;
	s31 =	simm.s32 $0x4000  }
0x4: {  	s0 =	sand.u32 $0x1, s0;
	s1 =	sshrl.u32 s10, $0x3;
	s8 =	smul.u32 $0x28000, s10  }
0x5: {  	s5 =	sadd.s32 $0x63800, s3;
	s6 =	sshll.u32 s10, $0x7;
	s2 =	smul.u32 $0x4F000, s0  }
0x6: {  	s7 =	sadd.s32 $0x13800, s3;
	s4 =	smul.u32 $0x27800, s1;
	s6 =	sand.u32 $0x380, s6  }
0x7: {  	s9 =	sshll.u32 s0, $0xB;
	s1 =	sshll.u32 s1, $0xA;
	s11 =	ssub.s32 $0x2, s0  }
0x8: {  	s1 =	sor.u32 s9, s1;
	s12 =	sshrl.u32 s11, $0x1;
	s8 =	sshrl.u32 s8, $0x3  }
0x9: {  	s2 =	sadd.s32 s2, s4;
	s1 =	sor.u32 s6, s1;
	s13 =	sadd.s32 s5, s8  }
0xa: {  	s14 =	sor.u32 $0x800, s8;
	s9 =	sadd.s32 s7, s8;
	[dreg:$0x3] =	wrdreg s13  }
0xb: {  	s16 =	sadd.s32 $0x1000, s8;
	[dreg:$0x4] =	wrdreg s9;
	s15 =	sadd.s32 s5, s14  }
0xc: {  	s17 =	sadd.s32 s5, s16;
	s9 =	sadd.s32 s7, s16;
	s16 =	rddreg [dreg:$0x1]  }
0xd: {  	s2 =	sor.u32 s6, s2;
	s6 =	sadd.s32 s7, s14;
	[dreg:$0x5] =	wrdreg s15  }
0xe: {  	s4 =	ssub.s32 s11, s12;
	s18 =	sadd.s32 $0x1800, s8;
	[dreg:$0x6] =	wrdreg s6  }
0xf: {  	s20 =	sadd.s32 $0x2000, s8;
	s22 =	sadd.s32 $0x2800, s8;
	[dreg:$0x7] =	wrdreg s17  }
0x10: {  	s24 =	sadd.s32 $0x3000, s8;
	s19 =	sadd.s32 s5, s18;
	[dreg:$0x8] =	wrdreg s9  }
0x11: {  	s26 =	sadd.s32 $0x3800, s8;
	s21 =	sadd.s32 s5, s20;
	[dreg:$0x9] =	wrdreg s19  }
0x12: {  	s12 =	sadd.s32 $0x4000, s8;
	s23 =	sadd.s32 s5, s22;
	[dreg:$0xb] =	wrdreg s21  }
0x13: {  	s25 =	sadd.s32 s5, s24;
	s11 =	sadd.s32 s5, s26;
	[dreg:$0xd] =	wrdreg s23  }
0x14: {  	s13 =	sadd.s32 $0x4800, s8;
	s14 =	sadd.s32 s5, s12;
	[dreg:$0xf] =	wrdreg s25  }
0x15: {  	s1 =	sshrl.u32 s1, $0x3;
	s6 =	sadd.s32 s7, s18;
	[dreg:$0x11] =	wrdreg s11  }
0x16: {  	s9 =	sadd.s32 s7, s20;
	[dreg:$0x13] =	wrdreg s14;
	s15 =	sadd.s32 s7, s12  }
0x17: {  	s19 =	sadd.s32 s5, s13;
	s20 =	simm.s32 $0x0;
	s21 =	sadd.s32 s7, s13  }
0x18: {  	s2 =	sshrl.u32 s2, $0x3;
	s1 =	sadd.s32 s1, s3;
	[dreg:$0xa] =	wrdreg s6  }
0x19: {  	s17 =	smul.u32 $0x1400, s0;
	s18 =	sand.u32 $0x7, s10;
	[dreg:$0xc] =	wrdreg s9  }
0x1a: {  	s0 =	simm.s32 $0x10000;
	s5 =	simm.s32 $0x0;
	[dreg:$0x14] =	wrdreg s15  }
0x1b: {  	s6 =	sadd.s32 s7, s22;
	s9 =	sadd.s32 s7, s24;
	[smem:$0x7FF] =	sst s20  }
0x1c: {  	v0 =	vlaneseq.u32;
	s3 =	sadd.s32 s2, s3;
	s23 =	sadd.s32 s16, s2;
	s25 =	sadd.s32 $0xC7400, s1  }
0x1d: {  	v1 =	vmul.u32 $0x8, v0;
	s22 =	simm.s32 $0xC000;
	s1 =	simm.s32 $0x14F00;
	[dreg:$0xe] =	wrdreg s6  }
0x1e: {  	s2 =	simm.s32 $0x80;
	[dreg:$0x10] =	wrdreg s9;
	s6 =	sadd.s32 s7, s26  }
0x1f: {  	v2 =	vor.u32 $0x1400, v1;
	s24 =	sadd.s32 $0xB3800, s3;
	s26 =	smax.u32 s4, $0x1;
	[dreg:$0x12] =	wrdreg s6  }
0x20: {  	v3 =	vimm.s32 $0x0;
	v2 =	vor.u32 s18, v2;
	s3 =	simm.s32 $0x400;
	v1 =	vmov s17;
	s4 =	simm.s32 $0x3;
	_ =	strace $0x8000004A  }
.LBB2_1:
0x21: {  	s6 =	rddreg [dreg:$0x3]  }
0x22: {  	[tilespmem:s20], [sflag:$0x1] =	stream.linear.gather [hbm4b:s6+s20], $0x3E80, $0x38;
	[tilespmem:$0x19E80] =	vst v63  }
0x23: {  	s15 =	rddreg [dreg:$0x4]  }
0x24: {  	[tilespmem:s28], [sflag:$0x2] =	stream.linear.gather [hbm4b:s15+s20], $0x3E80, $0x38;
	[tilespmem:$0x19E80] =	vst v63  }
0x25: {  	_ =	swait.ge [sflag:s29], $0x3E80  }
0x26: {  	[sflag:s29] =	ssyncset.done $0x0  }
0x27: {  	[sflag:s29] =	ssyncadd.s32 $0xFFFFC180  }
0x28: {  	_ =	swait.ge [sflag:s30], $0x3E80  }
0x29: {  	[sflag:s30] =	ssyncset.done $0x0  }
0x2a: {  	s16 =	rddreg [dreg:$0x5];
	[sflag:s30] =	ssyncadd.s32 $0xFFFFC180  }
0x2b: {  	[tilespmem:s31], [sflag:$0x1] =	stream.linear.gather [hbm4b:s16+s20], $0x3E80, $0x38;
	[tilespmem:$0x19E80] =	vst v63  }
0x2c: {  	s18 =	simm.s32 $0x0;
	s17 =	rddreg [dreg:$0x6]  }
0x2d: {  	[tilespmem:s22], [sflag:$0x2] =	stream.linear.gather [hbm4b:s17+s20], $0x3E80, $0x38;
	[tilespmem:$0x19E80] =	vst v63  }
0x2e: {  	v4 =	vld [tilespmem:s18+$0x8000];
	_ =	sdelay $0x4  }
0x2f: {  	v4 =	vsub.s32 v4, v1  }
0x30: {  	vm0 =	vlt.u32 v4, $0x1400  }
0x31: {  	v5 =	vsel vm0, $0x1, v3  }
0x32: {  	(xrf0) =	vadd.scan.msk.s32 $0xffff, v5;
	_ =	sdelay $0x2  }
0x33: {  	v5 =	vmov s20  }
0x34: {  	v5 =	vadd.s32 $0xFFFFFFFF, v5  }
0x35: {  	v5 =	vbroadcast v5, $0x0  }
0x36: {  	v6, _, _ =	vpop (xrf0)  }
0x37: {  	v7 =	vld [tilespmem:s18+$0x0];
	v5 =	vadd.s32 v6, v5;
	(v2sf) =	vpush v6, $0xF;
	_ =	sdelay $0x4  }
0x38: {  	[tilespmem:v5+s0+$0x0] =	vst.idx.msk vm0, v7  }
0x39: {  	s7 =	simm.s32 $0x80;
	s8 =	simm.s32 $0x400;
	s6 =	simm.s32 $0x0;
	[tilespmem:v5+s1+$0x0] =	vst.idx.msk vm0, v4  }
.LBB2_2:
0x3a: {  	p0 =	sne.s32 s8, $0xF800;
	v4 =	vld [tilespmem:s7+$0x8000];
	_ =	sdelay $0x4  }
0x3b: {  	v4 =	vsub.s32 v4, v1  }
0x3c: {  	vm0 =	vlt.u32 v4, $0x1400  }
0x3d: {  	v5 =	vsel vm0, $0x1, v3  }
0x3e: {  	(xrf0) =	vadd.scan.msk.s32 $0xffff, v5;
	s9 =	spop (v2sf)  }
0x3f: {  	s6 =	sadd.s32 s6, s9  }
0x40: {  	v5 =	vmov s6  }
0x41: {  	v5 =	vadd.s32 $0xFFFFFFFF, v5  }
0x42: {  	v5 =	vbroadcast v5, $0x0;
	_ =	sdelay $0x1  }
0x43: {  	v6, _, _ =	vpop (xrf0)  }
0x44: {  	v7 =	vld [tilespmem:s7+$0x0];
	v5 =	vadd.s32 v6, v5;
	(v2sf) =	vpush v6, $0xF;
	_ =	sdelay $0x1  }
.Ltmp0:
0x45: {  	(pc) =	sbr.rel @p0 .LBB2_2-.Ltmp0, $3  }
0x46: {  	_ =	sdelay $0x1  }
0x47: {  	[tilespmem:v5+s0+$0x0] =	vst.idx.msk vm0, v7  }
0x48: {  	s7 =	sshra.s32 s8, $0x2;
	s8 =	sadd.s32 $0x200, s8;
	[tilespmem:v5+s1+$0x0] =	vst.idx.msk vm0, v4  }
0x49: {  	v4 =	vld [tilespmem:s7+$0x8000];
	_ =	sdelay $0x4  }
0x4a: {  	v4 =	vsub.s32 v4, v1  }
0x4b: {  	vm0 =	vlt.u32 v4, $0x1400  }
0x4c: {  	v5 =	vsel vm0, $0x1, v3  }
0x4d: {  	(xrf0) =	vadd.scan.msk.s32 $0xffff, v5;
	_ =	sdelay $0x5  }
0x4e: {  	v5, _, _ =	vpop (xrf0)  }
0x4f: {  	(v2sf) =	vpush v5, $0xF;
	_ =	sdelay $0x2  }
0x50: {  	s8 =	spop (v2sf)  }
0x51: {  	s6 =	sadd.s32 s6, s8  }
0x52: {  	v6 =	vmov s6  }
0x53: {  	v6 =	vadd.s32 $0xFFFFFFFF, v6  }
0x54: {  	v6 =	vbroadcast v6, $0x0;
	_ =	sdelay $0x1  }
0x55: {  	v7 =	vld [tilespmem:s7+$0x0];
	v5 =	vadd.s32 v5, v6;
	_ =	sdelay $0x4  }
0x56: {  	[tilespmem:v5+s0+$0x0] =	vst.idx.msk vm0, v7  }
0x57: {  	[tilespmem:v5+s1+$0x0] =	vst.idx.msk vm0, v4;
	s15 =	spop (v2sf)  }
0x58: {  	_ =	swait.ge [sflag:s29], $0x3E80  }
0x59: {  	[sflag:s29] =	ssyncset.done $0x0  }
0x5a: {  	[sflag:s29] =	ssyncadd.s32 $0xFFFFC180  }
0x5b: {  	_ =	swait.ge [sflag:s30], $0x3E80  }
0x5c: {  	[sflag:s30] =	ssyncset.done $0x0  }
0x5d: {  	s16 =	simm.s32 $0x0;
	s9 =	rddreg [dreg:$0x7];
	[sflag:s30] =	ssyncadd.s32 $0xFFFFC180  }
0x5e: {  	[tilespmem:s16], [sflag:$0x1] =	stream.linear.gather [hbm4b:s9+s16], $0x3E80, $0x38;
	[tilespmem:$0x19E80] =	vst v63  }
0x5f: {  	s18 =	simm.s32 $0x0;
	s17 =	rddreg [dreg:$0x8]  }
0x60: {  	[tilespmem:s28], [sflag:$0x2] =	stream.linear.gather [hbm4b:s17+s16], $0x3E80, $0x38;
	[tilespmem:$0x19E80] =	vst v63  }
0x61: {  	v4 =	vld [tilespmem:s18+$0xC000];
	_ =	sdelay $0x4  }
0x62: {  	v4 =	vsub.s32 v4, v1  }
0x63: {  	vm15 =	vlt.u32 v4, $0x1400  }
0x64: {  	v5 =	vsel vm15, $0x1, v3  }
0x65: {  	(xrf0) =	vadd.scan.msk.s32 $0xffff, v5;
	_ =	sdelay $0x1  }
0x66: {  	s6 =	sadd.s32 s6, s15  }
0x67: {  	v5 =	vmov s6  }
0x68: {  	v5 =	vadd.s32 $0xFFFFFFFF, v5  }
0x69: {  	v5 =	vbroadcast v5, $0x0  }
0x6a: {  	v62, _, _ =	vpop (xrf0)  }
0x6b: {  	v63 =	vld [tilespmem:s18+$0x4000];
	v5 =	vadd.s32 v62, v5;
	(v2sf) =	vpush v62, $0xF;
	_ =	sdelay $0x4  }
0x6c: {  	[tilespmem:v5+s0+$0x0] =	vst.idx.msk vm15, v63  }
0x6d: {  	s7 =	simm.s32 $0x80;
	s8 =	simm.s32 $0x400;
	[tilespmem:v5+s1+$0x0] =	vst.idx.msk vm15, v4  }
.LBB2_4:
0x6e: {  	p0 =	sne.s32 s8, $0xF800;
	v4 =	vld [tilespmem:s7+$0xC000];
	_ =	sdelay $0x4  }
0x6f: {  	v4 =	vsub.s32 v4, v1  }
0x70: {  	vm0 =	vlt.u32 v4, $0x1400  }
0x71: {  	v5 =	vsel vm0, $0x1, v3  }
0x72: {  	(xrf0) =	vadd.scan.msk.s32 $0xffff, v5;
	s9 =	spop (v2sf)  }
0x73: {  	s6 =	sadd.s32 s6, s9  }
0x74: {  	v5 =	vmov s6  }
0x75: {  	v5 =	vadd.s32 $0xFFFFFFFF, v5  }
0x76: {  	v5 =	vbroadcast v5, $0x0;
	_ =	sdelay $0x1  }
0x77: {  	v6, _, _ =	vpop (xrf0)  }
0x78: {  	v7 =	vld [tilespmem:s7+$0x4000];
	v5 =	vadd.s32 v6, v5;
	(v2sf) =	vpush v6, $0xF;
	_ =	sdelay $0x1  }
.Ltmp1:
0x79: {  	(pc) =	sbr.rel @p0 .LBB2_4-.Ltmp1, $3  }
0x7a: {  	_ =	sdelay $0x1  }
0x7b: {  	[tilespmem:v5+s0+$0x0] =	vst.idx.msk vm0, v7  }
0x7c: {  	s7 =	sshra.s32 s8, $0x2;
	s8 =	sadd.s32 $0x200, s8;
	[tilespmem:v5+s1+$0x0] =	vst.idx.msk vm0, v4  }
0x7d: {  	v4 =	vld [tilespmem:s7+$0xC000];
	_ =	sdelay $0x4  }
0x7e: {  	v4 =	vsub.s32 v4, v1  }
0x7f: {  	vm0 =	vlt.u32 v4, $0x1400  }
0x80: {  	v5 =	vsel vm0, $0x1, v3  }
0x81: {  	(xrf0) =	vadd.scan.msk.s32 $0xffff, v5;
	_ =	sdelay $0x5  }
0x82: {  	v5, _, _ =	vpop (xrf0)  }
0x83: {  	(v2sf) =	vpush v5, $0xF;
	_ =	sdelay $0x2  }
0x84: {  	s8 =	spop (v2sf)  }
0x85: {  	s6 =	sadd.s32 s6, s8  }
0x86: {  	v6 =	vmov s6  }
0x87: {  	v6 =	vadd.s32 $0xFFFFFFFF, v6  }
0x88: {  	v6 =	vbroadcast v6, $0x0;
	_ =	sdelay $0x1  }
0x89: {  	v7 =	vld [tilespmem:s7+$0x4000];
	v5 =	vadd.s32 v5, v6;
	_ =	sdelay $0x4  }
0x8a: {  	[tilespmem:v5+s0+$0x0] =	vst.idx.msk vm0, v7  }
0x8b: {  	[tilespmem:v5+s1+$0x0] =	vst.idx.msk vm0, v4;
	s15 =	spop (v2sf)  }
0x8c: {  	_ =	swait.ge [sflag:s29], $0x3E80  }
0x8d: {  	[sflag:s29] =	ssyncset.done $0x0  }
0x8e: {  	[sflag:s29] =	ssyncadd.s32 $0xFFFFC180  }
0x8f: {  	_ =	swait.ge [sflag:s30], $0x3E80  }
0x90: {  	[sflag:s30] =	ssyncset.done $0x0  }
0x91: {  	s16 =	simm.s32 $0x0;
	s9 =	rddreg [dreg:$0x9];
	[sflag:s30] =	ssyncadd.s32 $0xFFFFC180  }
0x92: {  	[tilespmem:s31], [sflag:$0x1] =	stream.linear.gather [hbm4b:s9+s16], $0x3E80, $0x38;
	[tilespmem:$0x19E80] =	vst v63  }
0x93: {  	s18 =	simm.s32 $0x0;
	s17 =	rddreg [dreg:$0xa]  }
0x94: {  	[tilespmem:s22], [sflag:$0x2] =	stream.linear.gather [hbm4b:s17+s16], $0x3E80, $0x38;
	[tilespmem:$0x19E80] =	vst v63  }
0x95: {  	v4 =	vld [tilespmem:s18+$0x8000];
	_ =	sdelay $0x4  }
0x96: {  	v4 =	vsub.s32 v4, v1  }
0x97: {  	vm15 =	vlt.u32 v4, $0x1400  }
0x98: {  	v5 =	vsel vm15, $0x1, v3  }
0x99: {  	(xrf0) =	vadd.scan.msk.s32 $0xffff, v5;
	_ =	sdelay $0x1  }
0x9a: {  	s6 =	sadd.s32 s6, s15  }
0x9b: {  	v5 =	vmov s6  }
0x9c: {  	v5 =	vadd.s32 $0xFFFFFFFF, v5  }
0x9d: {  	v5 =	vbroadcast v5, $0x0  }
0x9e: {  	v62, _, _ =	vpop (xrf0)  }
0x9f: {  	v63 =	vld [tilespmem:s18+$0x0];
	v5 =	vadd.s32 v62, v5;
	(v2sf) =	vpush v62, $0xF;
	_ =	sdelay $0x4  }
0xa0: {  	[tilespmem:v5+s0+$0x0] =	vst.idx.msk vm15, v63  }
0xa1: {  	s7 =	simm.s32 $0x80;
	s8 =	simm.s32 $0x400;
	[tilespmem:v5+s1+$0x0] =	vst.idx.msk vm15, v4  }
.LBB2_6:
0xa2: {  	p0 =	sne.s32 s8, $0xF800;
	v4 =	vld [tilespmem:s7+$0x8000];
	_ =	sdelay $0x4  }
0xa3: {  	v4 =	vsub.s32 v4, v1  }
0xa4: {  	vm0 =	vlt.u32 v4, $0x1400  }
0xa5: {  	v5 =	vsel vm0, $0x1, v3  }
0xa6: {  	(xrf0) =	vadd.scan.msk.s32 $0xffff, v5;
	s9 =	spop (v2sf)  }
0xa7: {  	s6 =	sadd.s32 s6, s9  }
0xa8: {  	v5 =	vmov s6  }
0xa9: {  	v5 =	vadd.s32 $0xFFFFFFFF, v5  }
0xaa: {  	v5 =	vbroadcast v5, $0x0;
	_ =	sdelay $0x1  }
0xab: {  	v6, _, _ =	vpop (xrf0)  }
0xac: {  	v7 =	vld [tilespmem:s7+$0x0];
	v5 =	vadd.s32 v6, v5;
	(v2sf) =	vpush v6, $0xF;
	_ =	sdelay $0x1  }
.Ltmp2:
0xad: {  	(pc) =	sbr.rel @p0 .LBB2_6-.Ltmp2, $3  }
0xae: {  	_ =	sdelay $0x1  }
0xaf: {  	[tilespmem:v5+s0+$0x0] =	vst.idx.msk vm0, v7  }
0xb0: {  	s7 =	sshra.s32 s8, $0x2;
	s8 =	sadd.s32 $0x200, s8;
	[tilespmem:v5+s1+$0x0] =	vst.idx.msk vm0, v4  }
0xb1: {  	v4 =	vld [tilespmem:s7+$0x8000];
	_ =	sdelay $0x4  }
0xb2: {  	v4 =	vsub.s32 v4, v1  }
0xb3: {  	vm0 =	vlt.u32 v4, $0x1400  }
0xb4: {  	v5 =	vsel vm0, $0x1, v3  }
0xb5: {  	(xrf0) =	vadd.scan.msk.s32 $0xffff, v5;
	_ =	sdelay $0x5  }
0xb6: {  	v5, _, _ =	vpop (xrf0)  }
0xb7: {  	(v2sf) =	vpush v5, $0xF;
	_ =	sdelay $0x2  }
0xb8: {  	s8 =	spop (v2sf)  }
0xb9: {  	s6 =	sadd.s32 s6, s8  }
0xba: {  	v6 =	vmov s6  }
0xbb: {  	v6 =	vadd.s32 $0xFFFFFFFF, v6  }
0xbc: {  	v6 =	vbroadcast v6, $0x0;
	_ =	sdelay $0x1  }
0xbd: {  	v7 =	vld [tilespmem:s7+$0x0];
	v5 =	vadd.s32 v5, v6;
	_ =	sdelay $0x4  }
0xbe: {  	[tilespmem:v5+s0+$0x0] =	vst.idx.msk vm0, v7  }
0xbf: {  	[tilespmem:v5+s1+$0x0] =	vst.idx.msk vm0, v4;
	s15 =	spop (v2sf)  }
0xc0: {  	_ =	swait.ge [sflag:s29], $0x3E80  }
0xc1: {  	[sflag:s29] =	ssyncset.done $0x0  }
0xc2: {  	[sflag:s29] =	ssyncadd.s32 $0xFFFFC180  }
0xc3: {  	_ =	swait.ge [sflag:s30], $0x3E80  }
0xc4: {  	[sflag:s30] =	ssyncset.done $0x0  }
0xc5: {  	s16 =	simm.s32 $0x0;
	s9 =	rddreg [dreg:$0xb];
	[sflag:s30] =	ssyncadd.s32 $0xFFFFC180  }
0xc6: {  	[tilespmem:s16], [sflag:$0x1] =	stream.linear.gather [hbm4b:s9+s16], $0x3E80, $0x38;
	[tilespmem:$0x19E80] =	vst v63  }
0xc7: {  	s18 =	simm.s32 $0x0;
	s17 =	rddreg [dreg:$0xc]  }
0xc8: {  	[tilespmem:s28], [sflag:$0x2] =	stream.linear.gather [hbm4b:s17+s16], $0x3E80, $0x38;
	[tilespmem:$0x19E80] =	vst v63  }
0xc9: {  	v4 =	vld [tilespmem:s18+$0xC000];
	_ =	sdelay $0x4  }
0xca: {  	v4 =	vsub.s32 v4, v1  }
0xcb: {  	vm15 =	vlt.u32 v4, $0x1400  }
0xcc: {  	v5 =	vsel vm15, $0x1, v3  }
0xcd: {  	(xrf0) =	vadd.scan.msk.s32 $0xffff, v5;
	_ =	sdelay $0x1  }
0xce: {  	s6 =	sadd.s32 s6, s15  }
0xcf: {  	v5 =	vmov s6  }
0xd0: {  	v5 =	vadd.s32 $0xFFFFFFFF, v5  }
0xd1: {  	v5 =	vbroadcast v5, $0x0  }
0xd2: {  	v62, _, _ =	vpop (xrf0)  }
0xd3: {  	v63 =	vld [tilespmem:s18+$0x4000];
	v5 =	vadd.s32 v62, v5;
	(v2sf) =	vpush v62, $0xF;
	_ =	sdelay $0x4  }
0xd4: {  	[tilespmem:v5+s0+$0x0] =	vst.idx.msk vm15, v63  }
0xd5: {  	s7 =	simm.s32 $0x80;
	s8 =	simm.s32 $0x400;
	[tilespmem:v5+s1+$0x0] =	vst.idx.msk vm15, v4  }
.LBB2_8:
0xd6: {  	p0 =	sne.s32 s8, $0xF800;
	v4 =	vld [tilespmem:s7+$0xC000];
	_ =	sdelay $0x4  }
0xd7: {  	v4 =	vsub.s32 v4, v1  }
0xd8: {  	vm0 =	vlt.u32 v4, $0x1400  }
0xd9: {  	v5 =	vsel vm0, $0x1, v3  }
0xda: {  	(xrf0) =	vadd.scan.msk.s32 $0xffff, v5;
	s9 =	spop (v2sf)  }
0xdb: {  	s6 =	sadd.s32 s6, s9  }
0xdc: {  	v5 =	vmov s6  }
0xdd: {  	v5 =	vadd.s32 $0xFFFFFFFF, v5  }
0xde: {  	v5 =	vbroadcast v5, $0x0;
	_ =	sdelay $0x1  }
0xdf: {  	v6, _, _ =	vpop (xrf0)  }
0xe0: {  	v7 =	vld [tilespmem:s7+$0x4000];
	v5 =	vadd.s32 v6, v5;
	(v2sf) =	vpush v6, $0xF;
	_ =	sdelay $0x1  }
.Ltmp3:
0xe1: {  	(pc) =	sbr.rel @p0 .LBB2_8-.Ltmp3, $3  }
0xe2: {  	_ =	sdelay $0x1  }
0xe3: {  	[tilespmem:v5+s0+$0x0] =	vst.idx.msk vm0, v7  }
0xe4: {  	s7 =	sshra.s32 s8, $0x2;
	s8 =	sadd.s32 $0x200, s8;
	[tilespmem:v5+s1+$0x0] =	vst.idx.msk vm0, v4  }
0xe5: {  	v4 =	vld [tilespmem:s7+$0xC000];
	_ =	sdelay $0x4  }
0xe6: {  	v4 =	vsub.s32 v4, v1  }
0xe7: {  	vm0 =	vlt.u32 v4, $0x1400  }
0xe8: {  	v5 =	vsel vm0, $0x1, v3  }
0xe9: {  	(xrf0) =	vadd.scan.msk.s32 $0xffff, v5;
	_ =	sdelay $0x5  }
0xea: {  	v5, _, _ =	vpop (xrf0)  }
0xeb: {  	(v2sf) =	vpush v5, $0xF;
	_ =	sdelay $0x2  }
0xec: {  	s8 =	spop (v2sf)  }
0xed: {  	s6 =	sadd.s32 s6, s8  }
0xee: {  	v6 =	vmov s6  }
0xef: {  	v6 =	vadd.s32 $0xFFFFFFFF, v6  }
0xf0: {  	v6 =	vbroadcast v6, $0x0;
	_ =	sdelay $0x1  }
0xf1: {  	v7 =	vld [tilespmem:s7+$0x4000];
	v5 =	vadd.s32 v5, v6;
	_ =	sdelay $0x4  }
0xf2: {  	[tilespmem:v5+s0+$0x0] =	vst.idx.msk vm0, v7  }
0xf3: {  	[tilespmem:v5+s1+$0x0] =	vst.idx.msk vm0, v4;
	s15 =	spop (v2sf)  }
0xf4: {  	_ =	swait.ge [sflag:s29], $0x3E80  }
0xf5: {  	[sflag:s29] =	ssyncset.done $0x0  }
0xf6: {  	[sflag:s29] =	ssyncadd.s32 $0xFFFFC180  }
0xf7: {  	_ =	swait.ge [sflag:s30], $0x3E80  }
0xf8: {  	[sflag:s30] =	ssyncset.done $0x0  }
0xf9: {  	s16 =	simm.s32 $0x0;
	s9 =	rddreg [dreg:$0xd];
	[sflag:s30] =	ssyncadd.s32 $0xFFFFC180  }
0xfa: {  	[tilespmem:s31], [sflag:$0x1] =	stream.linear.gather [hbm4b:s9+s16], $0x3E80, $0x38;
	[tilespmem:$0x19E80] =	vst v63  }
0xfb: {  	s18 =	simm.s32 $0x0;
	s17 =	rddreg [dreg:$0xe]  }
0xfc: {  	[tilespmem:s22], [sflag:$0x2] =	stream.linear.gather [hbm4b:s17+s16], $0x3E80, $0x38;
	[tilespmem:$0x19E80] =	vst v63  }
0xfd: {  	v4 =	vld [tilespmem:s18+$0x8000];
	_ =	sdelay $0x4  }
0xfe: {  	v4 =	vsub.s32 v4, v1  }
0xff: {  	vm15 =	vlt.u32 v4, $0x1400  }
0x100: {  	v5 =	vsel vm15, $0x1, v3  }
0x101: {  	(xrf0) =	vadd.scan.msk.s32 $0xffff, v5;
	_ =	sdelay $0x1  }
0x102: {  	s6 =	sadd.s32 s6, s15  }
0x103: {  	v5 =	vmov s6  }
0x104: {  	v5 =	vadd.s32 $0xFFFFFFFF, v5  }
0x105: {  	v5 =	vbroadcast v5, $0x0  }
0x106: {  	v62, _, _ =	vpop (xrf0)  }
0x107: {  	v63 =	vld [tilespmem:s18+$0x0];
	v5 =	vadd.s32 v62, v5;
	(v2sf) =	vpush v62, $0xF;
	_ =	sdelay $0x4  }
0x108: {  	[tilespmem:v5+s0+$0x0] =	vst.idx.msk vm15, v63  }
0x109: {  	s7 =	simm.s32 $0x80;
	s8 =	simm.s32 $0x400;
	[tilespmem:v5+s1+$0x0] =	vst.idx.msk vm15, v4  }
.LBB2_10:
0x10a: {  	p0 =	sne.s32 s8, $0xF800;
	v4 =	vld [tilespmem:s7+$0x8000];
	_ =	sdelay $0x4  }
0x10b: {  	v4 =	vsub.s32 v4, v1  }
0x10c: {  	vm0 =	vlt.u32 v4, $0x1400  }
0x10d: {  	v5 =	vsel vm0, $0x1, v3  }
0x10e: {  	(xrf0) =	vadd.scan.msk.s32 $0xffff, v5;
	s9 =	spop (v2sf)  }
0x10f: {  	s6 =	sadd.s32 s6, s9  }
0x110: {  	v5 =	vmov s6  }
0x111: {  	v5 =	vadd.s32 $0xFFFFFFFF, v5  }
0x112: {  	v5 =	vbroadcast v5, $0x0;
	_ =	sdelay $0x1  }
0x113: {  	v6, _, _ =	vpop (xrf0)  }
0x114: {  	v7 =	vld [tilespmem:s7+$0x0];
	v5 =	vadd.s32 v6, v5;
	(v2sf) =	vpush v6, $0xF;
	_ =	sdelay $0x1  }
.Ltmp4:
0x115: {  	(pc) =	sbr.rel @p0 .LBB2_10-.Ltmp4, $3  }
0x116: {  	_ =	sdelay $0x1  }
0x117: {  	[tilespmem:v5+s0+$0x0] =	vst.idx.msk vm0, v7  }
0x118: {  	s7 =	sshra.s32 s8, $0x2;
	s8 =	sadd.s32 $0x200, s8;
	[tilespmem:v5+s1+$0x0] =	vst.idx.msk vm0, v4  }
0x119: {  	v4 =	vld [tilespmem:s7+$0x8000];
	_ =	sdelay $0x4  }
0x11a: {  	v4 =	vsub.s32 v4, v1  }
0x11b: {  	vm0 =	vlt.u32 v4, $0x1400  }
0x11c: {  	v5 =	vsel vm0, $0x1, v3  }
0x11d: {  	(xrf0) =	vadd.scan.msk.s32 $0xffff, v5;
	_ =	sdelay $0x5  }
0x11e: {  	v5, _, _ =	vpop (xrf0)  }
0x11f: {  	(v2sf) =	vpush v5, $0xF;
	_ =	sdelay $0x2  }
0x120: {  	s8 =	spop (v2sf)  }
0x121: {  	s6 =	sadd.s32 s6, s8  }
0x122: {  	v6 =	vmov s6  }
0x123: {  	v6 =	vadd.s32 $0xFFFFFFFF, v6  }
0x124: {  	v6 =	vbroadcast v6, $0x0;
	_ =	sdelay $0x1  }
0x125: {  	v7 =	vld [tilespmem:s7+$0x0];
	v5 =	vadd.s32 v5, v6;
	_ =	sdelay $0x4  }
0x126: {  	[tilespmem:v5+s0+$0x0] =	vst.idx.msk vm0, v7  }
0x127: {  	[tilespmem:v5+s1+$0x0] =	vst.idx.msk vm0, v4;
	s15 =	spop (v2sf)  }
0x128: {  	_ =	swait.ge [sflag:s29], $0x3E80  }
0x129: {  	[sflag:s29] =	ssyncset.done $0x0  }
0x12a: {  	[sflag:s29] =	ssyncadd.s32 $0xFFFFC180  }
0x12b: {  	_ =	swait.ge [sflag:s30], $0x3E80  }
0x12c: {  	[sflag:s30] =	ssyncset.done $0x0  }
0x12d: {  	s16 =	simm.s32 $0x0;
	s9 =	rddreg [dreg:$0xf];
	[sflag:s30] =	ssyncadd.s32 $0xFFFFC180  }
0x12e: {  	[tilespmem:s16], [sflag:$0x1] =	stream.linear.gather [hbm4b:s9+s16], $0x3E80, $0x38;
	[tilespmem:$0x19E80] =	vst v63  }
0x12f: {  	s18 =	simm.s32 $0x0;
	s17 =	rddreg [dreg:$0x10]  }
0x130: {  	[tilespmem:s28], [sflag:$0x2] =	stream.linear.gather [hbm4b:s17+s16], $0x3E80, $0x38;
	[tilespmem:$0x19E80] =	vst v63  }
0x131: {  	v4 =	vld [tilespmem:s18+$0xC000];
	_ =	sdelay $0x4  }
0x132: {  	v4 =	vsub.s32 v4, v1  }
0x133: {  	vm15 =	vlt.u32 v4, $0x1400  }
0x134: {  	v5 =	vsel vm15, $0x1, v3  }
0x135: {  	(xrf0) =	vadd.scan.msk.s32 $0xffff, v5;
	_ =	sdelay $0x1  }
0x136: {  	s6 =	sadd.s32 s6, s15  }
0x137: {  	v5 =	vmov s6  }
0x138: {  	v5 =	vadd.s32 $0xFFFFFFFF, v5  }
0x139: {  	v5 =	vbroadcast v5, $0x0  }
0x13a: {  	v62, _, _ =	vpop (xrf0)  }
0x13b: {  	v63 =	vld [tilespmem:s18+$0x4000];
	v5 =	vadd.s32 v62, v5;
	(v2sf) =	vpush v62, $0xF;
	_ =	sdelay $0x4  }
0x13c: {  	[tilespmem:v5+s0+$0x0] =	vst.idx.msk vm15, v63  }
0x13d: {  	s7 =	simm.s32 $0x80;
	s8 =	simm.s32 $0x400;
	[tilespmem:v5+s1+$0x0] =	vst.idx.msk vm15, v4  }
.LBB2_12:
0x13e: {  	p0 =	sne.s32 s8, $0xF800;
	v4 =	vld [tilespmem:s7+$0xC000];
	_ =	sdelay $0x4  }
0x13f: {  	v4 =	vsub.s32 v4, v1  }
0x140: {  	vm0 =	vlt.u32 v4, $0x1400  }
0x141: {  	v5 =	vsel vm0, $0x1, v3  }
0x142: {  	(xrf0) =	vadd.scan.msk.s32 $0xffff, v5;
	s9 =	spop (v2sf)  }
0x143: {  	s6 =	sadd.s32 s6, s9  }
0x144: {  	v5 =	vmov s6  }
0x145: {  	v5 =	vadd.s32 $0xFFFFFFFF, v5  }
0x146: {  	v5 =	vbroadcast v5, $0x0;
	_ =	sdelay $0x1  }
0x147: {  	v6, _, _ =	vpop (xrf0)  }
0x148: {  	v7 =	vld [tilespmem:s7+$0x4000];
	v5 =	vadd.s32 v6, v5;
	(v2sf) =	vpush v6, $0xF;
	_ =	sdelay $0x1  }
.Ltmp5:
0x149: {  	(pc) =	sbr.rel @p0 .LBB2_12-.Ltmp5, $3  }
0x14a: {  	_ =	sdelay $0x1  }
0x14b: {  	[tilespmem:v5+s0+$0x0] =	vst.idx.msk vm0, v7  }
0x14c: {  	s7 =	sshra.s32 s8, $0x2;
	s8 =	sadd.s32 $0x200, s8;
	[tilespmem:v5+s1+$0x0] =	vst.idx.msk vm0, v4  }
0x14d: {  	v4 =	vld [tilespmem:s7+$0xC000];
	_ =	sdelay $0x4  }
0x14e: {  	v4 =	vsub.s32 v4, v1  }
0x14f: {  	vm0 =	vlt.u32 v4, $0x1400  }
0x150: {  	v5 =	vsel vm0, $0x1, v3  }
0x151: {  	(xrf0) =	vadd.scan.msk.s32 $0xffff, v5;
	_ =	sdelay $0x5  }
0x152: {  	v5, _, _ =	vpop (xrf0)  }
0x153: {  	(v2sf) =	vpush v5, $0xF;
	_ =	sdelay $0x2  }
0x154: {  	s8 =	spop (v2sf)  }
0x155: {  	s6 =	sadd.s32 s6, s8  }
0x156: {  	v6 =	vmov s6  }
0x157: {  	v6 =	vadd.s32 $0xFFFFFFFF, v6  }
0x158: {  	v6 =	vbroadcast v6, $0x0;
	_ =	sdelay $0x1  }
0x159: {  	v7 =	vld [tilespmem:s7+$0x4000];
	v5 =	vadd.s32 v5, v6;
	_ =	sdelay $0x4  }
0x15a: {  	[tilespmem:v5+s0+$0x0] =	vst.idx.msk vm0, v7  }
0x15b: {  	[tilespmem:v5+s1+$0x0] =	vst.idx.msk vm0, v4;
	s15 =	spop (v2sf)  }
0x15c: {  	_ =	swait.ge [sflag:s29], $0x3E80  }
0x15d: {  	[sflag:s29] =	ssyncset.done $0x0  }
0x15e: {  	[sflag:s29] =	ssyncadd.s32 $0xFFFFC180  }
0x15f: {  	_ =	swait.ge [sflag:s30], $0x3E80  }
0x160: {  	[sflag:s30] =	ssyncset.done $0x0  }
0x161: {  	s16 =	simm.s32 $0x0;
	s9 =	rddreg [dreg:$0x11];
	[sflag:s30] =	ssyncadd.s32 $0xFFFFC180  }
0x162: {  	[tilespmem:s31], [sflag:$0x1] =	stream.linear.gather [hbm4b:s9+s16], $0x3E80, $0x38;
	[tilespmem:$0x19E80] =	vst v63  }
0x163: {  	s18 =	simm.s32 $0x0;
	s17 =	rddreg [dreg:$0x12]  }
0x164: {  	[tilespmem:s22], [sflag:$0x2] =	stream.linear.gather [hbm4b:s17+s16], $0x3E80, $0x38;
	[tilespmem:$0x19E80] =	vst v63  }
0x165: {  	v4 =	vld [tilespmem:s18+$0x8000];
	_ =	sdelay $0x4  }
0x166: {  	v4 =	vsub.s32 v4, v1  }
0x167: {  	vm15 =	vlt.u32 v4, $0x1400  }
0x168: {  	v5 =	vsel vm15, $0x1, v3  }
0x169: {  	(xrf0) =	vadd.scan.msk.s32 $0xffff, v5;
	_ =	sdelay $0x1  }
0x16a: {  	s6 =	sadd.s32 s6, s15  }
0x16b: {  	v5 =	vmov s6  }
0x16c: {  	v5 =	vadd.s32 $0xFFFFFFFF, v5  }
0x16d: {  	v5 =	vbroadcast v5, $0x0  }
0x16e: {  	v62, _, _ =	vpop (xrf0)  }
0x16f: {  	v63 =	vld [tilespmem:s18+$0x0];
	v5 =	vadd.s32 v62, v5;
	(v2sf) =	vpush v62, $0xF;
	_ =	sdelay $0x4  }
0x170: {  	[tilespmem:v5+s0+$0x0] =	vst.idx.msk vm15, v63  }
0x171: {  	s7 =	simm.s32 $0x80;
	s8 =	simm.s32 $0x400;
	[tilespmem:v5+s1+$0x0] =	vst.idx.msk vm15, v4  }
.LBB2_14:
0x172: {  	p0 =	sne.s32 s8, $0xF800;
	v4 =	vld [tilespmem:s7+$0x8000];
	_ =	sdelay $0x4  }
0x173: {  	v4 =	vsub.s32 v4, v1  }
0x174: {  	vm0 =	vlt.u32 v4, $0x1400  }
0x175: {  	v5 =	vsel vm0, $0x1, v3  }
0x176: {  	(xrf0) =	vadd.scan.msk.s32 $0xffff, v5;
	s9 =	spop (v2sf)  }
0x177: {  	s6 =	sadd.s32 s6, s9  }
0x178: {  	v5 =	vmov s6  }
0x179: {  	v5 =	vadd.s32 $0xFFFFFFFF, v5  }
0x17a: {  	v5 =	vbroadcast v5, $0x0;
	_ =	sdelay $0x1  }
0x17b: {  	v6, _, _ =	vpop (xrf0)  }
0x17c: {  	v7 =	vld [tilespmem:s7+$0x0];
	v5 =	vadd.s32 v6, v5;
	(v2sf) =	vpush v6, $0xF;
	_ =	sdelay $0x1  }
.Ltmp6:
0x17d: {  	(pc) =	sbr.rel @p0 .LBB2_14-.Ltmp6, $3  }
0x17e: {  	_ =	sdelay $0x1  }
0x17f: {  	[tilespmem:v5+s0+$0x0] =	vst.idx.msk vm0, v7  }
0x180: {  	s7 =	sshra.s32 s8, $0x2;
	s8 =	sadd.s32 $0x200, s8;
	[tilespmem:v5+s1+$0x0] =	vst.idx.msk vm0, v4  }
0x181: {  	v4 =	vld [tilespmem:s7+$0x8000];
	_ =	sdelay $0x4  }
0x182: {  	v4 =	vsub.s32 v4, v1  }
0x183: {  	vm0 =	vlt.u32 v4, $0x1400  }
0x184: {  	v5 =	vsel vm0, $0x1, v3  }
0x185: {  	(xrf0) =	vadd.scan.msk.s32 $0xffff, v5;
	_ =	sdelay $0x5  }
0x186: {  	v5, _, _ =	vpop (xrf0)  }
0x187: {  	(v2sf) =	vpush v5, $0xF;
	_ =	sdelay $0x2  }
0x188: {  	s8 =	spop (v2sf)  }
0x189: {  	s6 =	sadd.s32 s6, s8  }
0x18a: {  	v6 =	vmov s6  }
0x18b: {  	v6 =	vadd.s32 $0xFFFFFFFF, v6  }
0x18c: {  	v6 =	vbroadcast v6, $0x0;
	_ =	sdelay $0x1  }
0x18d: {  	v7 =	vld [tilespmem:s7+$0x0];
	v5 =	vadd.s32 v5, v6;
	_ =	sdelay $0x4  }
0x18e: {  	[tilespmem:v5+s0+$0x0] =	vst.idx.msk vm0, v7  }
0x18f: {  	[tilespmem:v5+s1+$0x0] =	vst.idx.msk vm0, v4;
	s15 =	spop (v2sf)  }
0x190: {  	_ =	swait.ge [sflag:s29], $0x3E80  }
0x191: {  	[sflag:s29] =	ssyncset.done $0x0  }
0x192: {  	[sflag:s29] =	ssyncadd.s32 $0xFFFFC180  }
0x193: {  	_ =	swait.ge [sflag:s30], $0x3E80  }
0x194: {  	[sflag:s30] =	ssyncset.done $0x0  }
0x195: {  	s16 =	simm.s32 $0x0;
	s9 =	rddreg [dreg:$0x13];
	[sflag:s30] =	ssyncadd.s32 $0xFFFFC180  }
0x196: {  	[tilespmem:s16], [sflag:$0x1] =	stream.linear.gather [hbm4b:s9+s16], $0x3E80, $0x38;
	[tilespmem:$0x19E80] =	vst v63  }
0x197: {  	s18 =	simm.s32 $0x0;
	s17 =	rddreg [dreg:$0x14]  }
0x198: {  	[tilespmem:s28], [sflag:$0x2] =	stream.linear.gather [hbm4b:s17+s16], $0x3E80, $0x38;
	[tilespmem:$0x19E80] =	vst v63  }
0x199: {  	v4 =	vld [tilespmem:s18+$0xC000];
	_ =	sdelay $0x4  }
0x19a: {  	v4 =	vsub.s32 v4, v1  }
0x19b: {  	vm15 =	vlt.u32 v4, $0x1400  }
0x19c: {  	v5 =	vsel vm15, $0x1, v3  }
0x19d: {  	(xrf0) =	vadd.scan.msk.s32 $0xffff, v5;
	_ =	sdelay $0x1  }
0x19e: {  	s6 =	sadd.s32 s6, s15  }
0x19f: {  	v5 =	vmov s6  }
0x1a0: {  	v5 =	vadd.s32 $0xFFFFFFFF, v5  }
0x1a1: {  	v5 =	vbroadcast v5, $0x0  }
0x1a2: {  	v62, _, _ =	vpop (xrf0)  }
0x1a3: {  	v63 =	vld [tilespmem:s18+$0x4000];
	v5 =	vadd.s32 v62, v5;
	(v2sf) =	vpush v62, $0xF;
	_ =	sdelay $0x4  }
0x1a4: {  	[tilespmem:v5+s0+$0x0] =	vst.idx.msk vm15, v63  }
0x1a5: {  	s7 =	simm.s32 $0x80;
	s8 =	simm.s32 $0x400;
	[tilespmem:v5+s1+$0x0] =	vst.idx.msk vm15, v4  }
.LBB2_16:
0x1a6: {  	p0 =	sne.s32 s8, $0xF800;
	v4 =	vld [tilespmem:s7+$0xC000];
	_ =	sdelay $0x4  }
0x1a7: {  	v4 =	vsub.s32 v4, v1  }
0x1a8: {  	vm0 =	vlt.u32 v4, $0x1400  }
0x1a9: {  	v5 =	vsel vm0, $0x1, v3  }
0x1aa: {  	(xrf0) =	vadd.scan.msk.s32 $0xffff, v5;
	s9 =	spop (v2sf)  }
0x1ab: {  	s6 =	sadd.s32 s6, s9  }
0x1ac: {  	v5 =	vmov s6  }
0x1ad: {  	v5 =	vadd.s32 $0xFFFFFFFF, v5  }
0x1ae: {  	v5 =	vbroadcast v5, $0x0;
	_ =	sdelay $0x1  }
0x1af: {  	v6, _, _ =	vpop (xrf0)  }
0x1b0: {  	v7 =	vld [tilespmem:s7+$0x4000];
	v5 =	vadd.s32 v6, v5;
	(v2sf) =	vpush v6, $0xF;
	_ =	sdelay $0x1  }
.Ltmp7:
0x1b1: {  	(pc) =	sbr.rel @p0 .LBB2_16-.Ltmp7, $3  }
0x1b2: {  	_ =	sdelay $0x1  }
0x1b3: {  	[tilespmem:v5+s0+$0x0] =	vst.idx.msk vm0, v7  }
0x1b4: {  	s7 =	sshra.s32 s8, $0x2;
	s8 =	sadd.s32 $0x200, s8;
	[tilespmem:v5+s1+$0x0] =	vst.idx.msk vm0, v4  }
0x1b5: {  	v4 =	vld [tilespmem:s7+$0xC000];
	_ =	sdelay $0x4  }
0x1b6: {  	v4 =	vsub.s32 v4, v1  }
0x1b7: {  	vm0 =	vlt.u32 v4, $0x1400  }
0x1b8: {  	v5 =	vsel vm0, $0x1, v3  }
0x1b9: {  	(xrf0) =	vadd.scan.msk.s32 $0xffff, v5;
	_ =	sdelay $0x5  }
0x1ba: {  	v5, _, _ =	vpop (xrf0)  }
0x1bb: {  	(v2sf) =	vpush v5, $0xF;
	_ =	sdelay $0x2  }
0x1bc: {  	s8 =	spop (v2sf)  }
0x1bd: {  	s6 =	sadd.s32 s6, s8  }
0x1be: {  	v6 =	vmov s6  }
0x1bf: {  	v6 =	vadd.s32 $0xFFFFFFFF, v6  }
0x1c0: {  	v6 =	vbroadcast v6, $0x0;
	_ =	sdelay $0x1  }
0x1c1: {  	v7 =	vld [tilespmem:s7+$0x4000];
	v5 =	vadd.s32 v5, v6;
	_ =	sdelay $0x4  }
0x1c2: {  	[tilespmem:v5+s0+$0x0] =	vst.idx.msk vm0, v7  }
0x1c3: {  	[tilespmem:v5+s1+$0x0] =	vst.idx.msk vm0, v4;
	s16 =	spop (v2sf)  }
0x1c4: {  	_ =	swait.ge [sflag:s29], $0x3E80  }
0x1c5: {  	[sflag:s29] =	ssyncset.done $0x0  }
0x1c6: {  	[sflag:s29] =	ssyncadd.s32 $0xFFFFC180  }
0x1c7: {  	_ =	swait.ge [sflag:s30], $0x3E80  }
0x1c8: {  	[sflag:s30] =	ssyncset.done $0x0  }
0x1c9: {  	s17 =	simm.s32 $0x0;
	[sflag:s30] =	ssyncadd.s32 $0xFFFFC180  }
0x1ca: {  	[tilespmem:s31], [sflag:$0x1] =	stream.linear.gather [hbm4b:s19+s17], $0x3E80, $0x38;
	[tilespmem:$0x19E80] =	vst v63  }
0x1cb: {  	s18 =	simm.s32 $0x0  }
0x1cc: {  	[tilespmem:s22], [sflag:$0x2] =	stream.linear.gather [hbm4b:s21+s17], $0x3E80, $0x38;
	[tilespmem:$0x19E80] =	vst v63  }
0x1cd: {  	v4 =	vld [tilespmem:s18+$0x8000];
	_ =	sdelay $0x4  }
0x1ce: {  	v4 =	vsub.s32 v4, v1  }
0x1cf: {  	vm15 =	vlt.u32 v4, $0x1400  }
0x1d0: {  	v5 =	vsel vm15, $0x1, v3  }
0x1d1: {  	(xrf0) =	vadd.scan.msk.s32 $0xffff, v5;
	_ =	sdelay $0x1  }
0x1d2: {  	s6 =	sadd.s32 s6, s16  }
0x1d3: {  	v5 =	vmov s6  }
0x1d4: {  	v5 =	vadd.s32 $0xFFFFFFFF, v5  }
0x1d5: {  	v5 =	vbroadcast v5, $0x0  }
0x1d6: {  	v62, _, _ =	vpop (xrf0)  }
0x1d7: {  	v63 =	vld [tilespmem:s18+$0x0];
	v5 =	vadd.s32 v62, v5;
	(v2sf) =	vpush v62, $0xF;
	_ =	sdelay $0x4  }
0x1d8: {  	[tilespmem:v5+s0+$0x0] =	vst.idx.msk vm15, v63  }
0x1d9: {  	s7 =	simm.s32 $0x80;
	s8 =	simm.s32 $0x400;
	[tilespmem:v5+s1+$0x0] =	vst.idx.msk vm15, v4  }
.LBB2_18:
0x1da: {  	p0 =	sne.s32 s8, $0xF800;
	v4 =	vld [tilespmem:s7+$0x8000];
	_ =	sdelay $0x4  }
0x1db: {  	v4 =	vsub.s32 v4, v1  }
0x1dc: {  	vm0 =	vlt.u32 v4, $0x1400  }
0x1dd: {  	v5 =	vsel vm0, $0x1, v3  }
0x1de: {  	(xrf0) =	vadd.scan.msk.s32 $0xffff, v5;
	s9 =	spop (v2sf)  }
0x1df: {  	s6 =	sadd.s32 s6, s9  }
0x1e0: {  	v5 =	vmov s6  }
0x1e1: {  	v5 =	vadd.s32 $0xFFFFFFFF, v5  }
0x1e2: {  	v5 =	vbroadcast v5, $0x0;
	_ =	sdelay $0x1  }
0x1e3: {  	v6, _, _ =	vpop (xrf0)  }
0x1e4: {  	v7 =	vld [tilespmem:s7+$0x0];
	v5 =	vadd.s32 v6, v5;
	(v2sf) =	vpush v6, $0xF;
	_ =	sdelay $0x1  }
.Ltmp8:
0x1e5: {  	(pc) =	sbr.rel @p0 .LBB2_18-.Ltmp8, $3  }
0x1e6: {  	_ =	sdelay $0x1  }
0x1e7: {  	[tilespmem:v5+s0+$0x0] =	vst.idx.msk vm0, v7  }
0x1e8: {  	s7 =	sshra.s32 s8, $0x2;
	s8 =	sadd.s32 $0x200, s8;
	[tilespmem:v5+s1+$0x0] =	vst.idx.msk vm0, v4  }
0x1e9: {  	v4 =	vld [tilespmem:s7+$0x8000];
	_ =	sdelay $0x4  }
0x1ea: {  	v4 =	vsub.s32 v4, v1  }
0x1eb: {  	vm0 =	vlt.u32 v4, $0x1400  }
0x1ec: {  	v5 =	vsel vm0, $0x1, v3  }
0x1ed: {  	(xrf0) =	vadd.scan.msk.s32 $0xffff, v5;
	_ =	sdelay $0x5  }
0x1ee: {  	v5, _, _ =	vpop (xrf0)  }
0x1ef: {  	(v2sf) =	vpush v5, $0xF;
	_ =	sdelay $0x2  }
0x1f0: {  	s8 =	spop (v2sf)  }
0x1f1: {  	s6 =	sadd.s32 s6, s8  }
0x1f2: {  	v6 =	vmov s6  }
0x1f3: {  	v6 =	vadd.s32 $0xFFFFFFFF, v6  }
0x1f4: {  	v6 =	vbroadcast v6, $0x0;
	_ =	sdelay $0x1  }
0x1f5: {  	v7 =	vld [tilespmem:s7+$0x0];
	v5 =	vadd.s32 v5, v6;
	_ =	sdelay $0x4  }
0x1f6: {  	[tilespmem:v5+s0+$0x0] =	vst.idx.msk vm0, v7  }
0x1f7: {  	[tilespmem:v5+s1+$0x0] =	vst.idx.msk vm0, v4;
	s17 =	spop (v2sf)  }
0x1f8: {  	_ =	swait.ge [sflag:s29], $0x3E80  }
0x1f9: {  	[sflag:s29] =	ssyncset.done $0x0  }
0x1fa: {  	[sflag:s29] =	ssyncadd.s32 $0xFFFFC180  }
0x1fb: {  	_ =	swait.ge [sflag:s30], $0x3E80  }
0x1fc: {  	[sflag:s30] =	ssyncset.done $0x0  }
0x1fd: {  	s18 =	simm.s32 $0x0;
	[sflag:s30] =	ssyncadd.s32 $0xFFFFC180  }
0x1fe: {  	v4 =	vld [tilespmem:s18+$0xC000];
	_ =	sdelay $0x4  }
0x1ff: {  	v4 =	vsub.s32 v4, v1  }
0x200: {  	vm15 =	vlt.u32 v4, $0x1400  }
0x201: {  	v5 =	vsel vm15, $0x1, v3  }
0x202: {  	(xrf0) =	vadd.scan.msk.s32 $0xffff, v5;
	_ =	sdelay $0x1  }
0x203: {  	s7 =	sadd.s32 s6, s17  }
0x204: {  	v5 =	vmov s7  }
0x205: {  	v5 =	vadd.s32 $0xFFFFFFFF, v5  }
0x206: {  	v5 =	vbroadcast v5, $0x0  }
0x207: {  	v62, _, _ =	vpop (xrf0)  }
0x208: {  	v63 =	vld [tilespmem:s18+$0x4000];
	v5 =	vadd.s32 v62, v5;
	(v2sf) =	vpush v62, $0xF;
	_ =	sdelay $0x4  }
0x209: {  	[tilespmem:v5+s0+$0x0] =	vst.idx.msk vm15, v63  }
0x20a: {  	s8 =	simm.s32 $0x400;
	s6 =	simm.s32 $0x80;
	[tilespmem:v5+s1+$0x0] =	vst.idx.msk vm15, v4  }
.LBB2_20:
0x20b: {  	p0 =	sne.s32 s8, $0xF800;
	v4 =	vld [tilespmem:s6+$0xC000];
	_ =	sdelay $0x4  }
0x20c: {  	v4 =	vsub.s32 v4, v1  }
0x20d: {  	vm0 =	vlt.u32 v4, $0x1400  }
0x20e: {  	v5 =	vsel vm0, $0x1, v3  }
0x20f: {  	(xrf0) =	vadd.scan.msk.s32 $0xffff, v5;
	s9 =	spop (v2sf)  }
0x210: {  	s7 =	sadd.s32 s7, s9  }
0x211: {  	v5 =	vmov s7  }
0x212: {  	v5 =	vadd.s32 $0xFFFFFFFF, v5  }
0x213: {  	v5 =	vbroadcast v5, $0x0;
	_ =	sdelay $0x1  }
0x214: {  	v6, _, _ =	vpop (xrf0)  }
0x215: {  	v7 =	vld [tilespmem:s6+$0x4000];
	v5 =	vadd.s32 v6, v5;
	(v2sf) =	vpush v6, $0xF;
	_ =	sdelay $0x1  }
.Ltmp9:
0x216: {  	(pc) =	sbr.rel @p0 .LBB2_20-.Ltmp9, $3  }
0x217: {  	_ =	sdelay $0x1  }
0x218: {  	[tilespmem:v5+s0+$0x0] =	vst.idx.msk vm0, v7  }
0x219: {  	s6 =	sshra.s32 s8, $0x2;
	s8 =	sadd.s32 $0x200, s8;
	[tilespmem:v5+s1+$0x0] =	vst.idx.msk vm0, v4  }
0x21a: {  	v4 =	vld [tilespmem:s6+$0xC000];
	_ =	sdelay $0x4  }
0x21b: {  	v4 =	vsub.s32 v4, v1  }
0x21c: {  	vm0 =	vlt.u32 v4, $0x1400  }
0x21d: {  	v5 =	vsel vm0, $0x1, v3  }
0x21e: {  	(xrf0) =	vadd.scan.msk.s32 $0xffff, v5;
	_ =	sdelay $0x5  }
0x21f: {  	v5, _, _ =	vpop (xrf0)  }
0x220: {  	(v2sf) =	vpush v5, $0xF;
	_ =	sdelay $0xd  }
0x221: {  	s8 =	spop (v2sf)  }
0x222: {  	s9 =	sadd.s32 s7, s8;
	s13 =	spop (v2sf)  }
0x223: {  	s8 =	sadd.s32 s9, s13  }
0x224: {  	s7 =	sadd.s32 $0x9F, s8  }
0x225: {  	s10 =	smulhi.u32 $0x66666667, s7;
	s11 =	sshra.s32 s7, $0x1F  }
0x226: {  	s11 =	smul.u32 $0x66666667, s11;
	_ =	sdelay $0x1  }
0x227: {  	s10 =	sadd.s32 s11, s10  }
0x228: {  	s11 =	sshrl.u32 s10, $0x1F;
	s10 =	sshra.s32 s10, $0x6  }
0x229: {  	s10 =	sadd.s32 s11, s10  }
0x22a: {  	s11 =	smul.u32 $0xFFFFFF60, s10  }
0x22b: {  	s12 =	ssub.s32 $0xFFFFFF61, s8  }
0x22c: {  	p0 =	slt.s32 s7, $0x1;
	p1 =	sne.s32 s11, s12  }
0x22d: {  	p0 =	por !p0, !p1  }
0x22e: {  	s7 =	simm.s32 $0x1;
	p0 =	por !p0, !p0  }
0x22f: {  	s7 =	simm.s32 @!p0 $0x0  }
0x230: {  	s7 =	ssub.s32 s10, s7  }
0x231: {  	s7 =	smul.u32 $0xA0, s7;
	_ =	sdelay $0x1  }
0x232: {  	s14 =	ssub.s32 s7, s8  }
0x233: {  	v6 =	vmov s14  }
0x234: {  	vm1 =	vgt.s32 v6, v0  }
0x235: {  	v6 =	vsel vm1, $0x1, v3  }
0x236: {  	(xrf0) =	vadd.scan.msk.s32 $0xffff, v6;
	_ =	sdelay $0x5  }
0x237: {  	v6, _, _ =	vpop (xrf0)  }
0x238: {  	(v2sf) =	vpush v6, $0xF;
	_ =	sdelay $0xe  }
0x239: {  	s15 =	spop (v2sf)  }
0x23a: {  	s10 =	sadd.s32 s8, s15  }
0x23b: {  	s16 =	ssub.s32 s7, s10  }
0x23c: {  	v49 =	vmov s16  }
0x23d: {  	vm2 =	vgt.s32 v49, v0  }
0x23e: {  	v6 =	vsel vm2, $0x1, v3  }
0x23f: {  	(xrf0) =	vadd.scan.msk.s32 $0xffff, v6;
	_ =	sdelay $0x5  }
0x240: {  	v6, _, _ =	vpop (xrf0)  }
0x241: {  	(v2sf) =	vpush v6, $0xF;
	_ =	sdelay $0xe  }
0x242: {  	s17 =	spop (v2sf)  }
0x243: {  	s11 =	sadd.s32 s10, s17  }
0x244: {  	s18 =	ssub.s32 s7, s11  }
0x245: {  	v50 =	vmov s18  }
0x246: {  	vm3 =	vgt.s32 v50, v0  }
0x247: {  	v6 =	vsel vm3, $0x1, v3  }
0x248: {  	(xrf0) =	vadd.scan.msk.s32 $0xffff, v6;
	_ =	sdelay $0x5  }
0x249: {  	v6, _, _ =	vpop (xrf0)  }
0x24a: {  	(v2sf) =	vpush v6, $0xF;
	_ =	sdelay $0xe  }
0x24b: {  	s13 =	spop (v2sf)  }
0x24c: {  	s12 =	sadd.s32 s11, s13  }
0x24d: {  	s13 =	ssub.s32 s7, s12  }
0x24e: {  	v51 =	vmov s13  }
0x24f: {  	vm4 =	vgt.s32 v51, v0  }
0x250: {  	v6 =	vsel vm4, $0x1, v3  }
0x251: {  	(xrf0) =	vadd.scan.msk.s32 $0xffff, v6;
	_ =	sdelay $0x5  }
0x252: {  	v6, _, _ =	vpop (xrf0)  }
0x253: {  	(v2sf) =	vpush v6, $0xF;
	_ =	sdelay $0xe  }
0x254: {  	s14 =	spop (v2sf)  }
0x255: {  	s13 =	sadd.s32 s12, s14  }
0x256: {  	s14 =	ssub.s32 s7, s13  }
0x257: {  	v52 =	vmov s14  }
0x258: {  	vm5 =	vgt.s32 v52, v0  }
0x259: {  	v6 =	vsel vm5, $0x1, v3  }
0x25a: {  	(xrf0) =	vadd.scan.msk.s32 $0xffff, v6;
	_ =	sdelay $0x5  }
0x25b: {  	v6, _, _ =	vpop (xrf0)  }
0x25c: {  	(v2sf) =	vpush v6, $0xF;
	_ =	sdelay $0xe  }
0x25d: {  	s15 =	spop (v2sf)  }
0x25e: {  	s14 =	sadd.s32 s13, s15  }
0x25f: {  	s15 =	ssub.s32 s7, s14  }
0x260: {  	v53 =	vmov s15  }
0x261: {  	vm6 =	vgt.s32 v53, v0  }
0x262: {  	v6 =	vsel vm6, $0x1, v3  }
0x263: {  	(xrf0) =	vadd.scan.msk.s32 $0xffff, v6;
	_ =	sdelay $0x5  }
0x264: {  	v6, _, _ =	vpop (xrf0)  }
0x265: {  	(v2sf) =	vpush v6, $0xF;
	_ =	sdelay $0xe  }
0x266: {  	s16 =	spop (v2sf)  }
0x267: {  	s15 =	sadd.s32 s14, s16  }
0x268: {  	s16 =	ssub.s32 s7, s15  }
0x269: {  	v54 =	vmov s16  }
0x26a: {  	vm7 =	vgt.s32 v54, v0  }
0x26b: {  	v6 =	vsel vm7, $0x1, v3  }
0x26c: {  	(xrf0) =	vadd.scan.msk.s32 $0xffff, v6;
	_ =	sdelay $0x5  }
0x26d: {  	v6, _, _ =	vpop (xrf0)  }
0x26e: {  	(v2sf) =	vpush v6, $0xF;
	_ =	sdelay $0xe  }
0x26f: {  	s17 =	spop (v2sf)  }
0x270: {  	s16 =	sadd.s32 s15, s17  }
0x271: {  	s17 =	ssub.s32 s7, s16  }
0x272: {  	v55 =	vmov s17  }
0x273: {  	vm8 =	vgt.s32 v55, v0  }
0x274: {  	v6 =	vsel vm8, $0x1, v3  }
0x275: {  	(xrf0) =	vadd.scan.msk.s32 $0xffff, v6;
	_ =	sdelay $0x5  }
0x276: {  	v6, _, _ =	vpop (xrf0)  }
0x277: {  	(v2sf) =	vpush v6, $0xF;
	_ =	sdelay $0xe  }
0x278: {  	s18 =	spop (v2sf)  }
0x279: {  	s17 =	sadd.s32 s16, s18  }
0x27a: {  	s18 =	ssub.s32 s7, s17  }
0x27b: {  	v56 =	vmov s18  }
0x27c: {  	vm9 =	vgt.s32 v56, v0  }
0x27d: {  	v6 =	vsel vm9, $0x1, v3  }
0x27e: {  	(xrf0) =	vadd.scan.msk.s32 $0xffff, v6;
	_ =	sdelay $0x2  }
0x27f: {  	v57 =	vmov s9  }
0x280: {  	v6 =	vadd.s32 $0xFFFFFFFF, v57  }
0x281: {  	v6 =	vbroadcast v6, $0x0  }
0x282: {  	v7, _, _ =	vpop (xrf0)  }
0x283: {  	v8 =	vld [tilespmem:s6+$0x4000];
	v5 =	vadd.s32 v5, v6;
	(v2sf) =	vpush v7, $0xF;
	_ =	sdelay $0x1  }
0x284: {  	v58 =	vadd.s32 s8, v0;
	_ =	sdelay $0x1  }
0x285: {  	v59 =	vadd.s32 s10, v0  }
0x286: {  	[tilespmem:v5+s0+$0x0] =	vst.idx.msk vm0, v8  }
0x287: {  	v60 =	vadd.s32 s11, v0;
	[tilespmem:v5+s1+$0x0] =	vst.idx.msk vm0, v4  }
0x288: {  	[tilespmem:v58+s0+$0x0] =	vst.idx.msk vm1, v0  }
0x289: {  	v4 =	vadd.s32 s12, v0;
	[tilespmem:v58+s1+$0x0] =	vst.idx.msk vm1, v2  }
0x28a: {  	[tilespmem:v59+s0+$0x0] =	vst.idx.msk vm2, v0  }
0x28b: {  	v5 =	vadd.s32 s13, v0;
	[tilespmem:v59+s1+$0x0] =	vst.idx.msk vm2, v2  }
0x28c: {  	[tilespmem:v60+s0+$0x0] =	vst.idx.msk vm3, v0  }
0x28d: {  	v61 =	vadd.s32 s14, v0;
	[tilespmem:v60+s1+$0x0] =	vst.idx.msk vm3, v2  }
0x28e: {  	[tilespmem:v4+s0+$0x0] =	vst.idx.msk vm4, v0  }
0x28f: {  	[tilespmem:v4+s1+$0x0] =	vst.idx.msk vm4, v2;
	v4 =	vadd.s32 s15, v0  }
0x290: {  	[tilespmem:v5+s0+$0x0] =	vst.idx.msk vm5, v0;
	s15 =	spop (v2sf)  }
0x291: {  	[tilespmem:v5+s1+$0x0] =	vst.idx.msk vm5, v2;
	v5 =	vadd.s32 s16, v0;
	s6 =	sadd.s32 s17, s15  }
0x292: {  	[tilespmem:v61+s0+$0x0] =	vst.idx.msk vm6, v0;
	s16 =	ssub.s32 s7, s6  }
0x293: {  	v62 =	vadd.s32 s17, v0;
	[tilespmem:v61+s1+$0x0] =	vst.idx.msk vm6, v2;
	v63 =	vmov s16  }
0x294: {  	[tilespmem:v4+s0+$0x0] =	vst.idx.msk vm7, v0;
	vm15 =	vgt.s32 v63, v0  }
0x295: {  	[tilespmem:v4+s1+$0x0] =	vst.idx.msk vm7, v2;
	v4 =	vadd.s32 s6, v0  }
0x296: {  	[tilespmem:v5+s0+$0x0] =	vst.idx.msk vm8, v0  }
0x297: {  	[tilespmem:v5+s1+$0x0] =	vst.idx.msk vm8, v2  }
0x298: {  	[tilespmem:v62+s0+$0x0] =	vst.idx.msk vm9, v0  }
0x299: {  	[tilespmem:v62+s1+$0x0] =	vst.idx.msk vm9, v2  }
0x29a: {  	[tilespmem:v4+s0+$0x0] =	vst.idx.msk vm15, v0  }
0x29b: {  	[tilespmem:v4+s1+$0x0] =	vst.idx.msk vm15, v2;
	v4 =	vmov s7  }
0x29c: {  	[tilespmem:$0x19E00] =	vst v4  }
0x29d: {  	[hbm4b:s23+s2] =	stream.strided.scatter [tilespmem:s0], [sflag:$0x3], $0x4F00, s3, s2, $0x38;
	[tilespmem:$0x19E80] =	vst v63  }
0x29e: {  	_ =	swait.ge [sflag:s4], $0x4F00  }
0x29f: {  	[sflag:s4] =	ssyncset.done $0x0  }
0x2a0: {  	[sflag:s4] =	ssyncadd.s32 $0xFFFFB100  }
0x2a1: {  	[hbm4b:s24+s2] =	stream.strided.scatter [tilespmem:s1], [sflag:$0x3], $0x4F00, s3, s2, $0x38;
	[tilespmem:$0x19E80] =	vst v63  }
0x2a2: {  	s5 =	sadd.s32 $0x1, s5;
	_ =	swait.ge [sflag:s4], $0x4F00  }
0x2a3: {  	p0 =	sne.s32 s5, s26;
	[sflag:s4] =	ssyncset.done $0x0  }
.Ltmp10:
0x2a4: {  	s18 =	simm.s32 $0x19E00;
	[sflag:s4] =	ssyncadd.s32 $0xFFFFB100;
	(pc) =	sbr.rel @p0 .LBB2_1-.Ltmp10, $4  }
0x2a5: {  	[hbm4b:s25+s20] =	stream.linear.scatter [tilespmem:s18], [sflag:$0x3], $0x80, $0x38;
	[tilespmem:$0x19E80] =	vst v63  }
0x2a6: {  	_ =	swait.ge [sflag:s4], $0x80  }
0x2a7: {  	[sflag:s4] =	ssyncset.done $0x0  }
0x2a8: {  	[sflag:s4] =	ssyncadd.s32 $0xFFFFFF80  }
0x2a9: {  	_ =	sfence.sel $0x180000  }
0x2aa: {  	[bflag:$0x0] =	sbarrier.arrive $0xFFFF  }
0x2ab: {  	_ =	strace $0x9000004A  }
0x2ac: {  	s0 =	stileid.u32;
	[bflag:$0x2] =	sbarrier.arrive $0xFFFF  }
0x2ad: {  	p0 =	sne.s32 s0, $0x0;
	s0 =	rddreg [dreg:$0x2]  }
0x2ae: {  	s0 =	sadd.s32 @!p0 $0x100000, s0  }
0x2af: {  	[sflag:s0] =	ssyncadd.tile.s32 @!p0 $0x1;
	_ =	shalt  }
.Lfunc_end2:
_tile_overlayer_lowered:
.L_overlay_start_2:
0x2b0: {  	(tag) =	ssettag $0x2  }
0x2b1: {  	s0 =	rddreg [dreg:$0x0];
	s2 =	stileid.u32  }
0x2b2: {  	s1 =	rddreg [dreg:$0x1];
	p0 =	sne.s32 s2, $0x0  }
0x2b3: {  	s3 =	rddreg [dreg:$0x2];
	[bflag:$0x3] =	sbarrier.arrive $0xFFFF;
	s2 =	simm.s32 @!p0 $0x1C03  }
0x2b4: {  	[timem:s3], [sflag:s2] =	dma.local @!p0 [hbm:s0], s1  }
0x2b5: {  	s0 =	simm.s32 @!p0 $0x3  }
0x2b6: {  	_ =	swait.ge @!p0 [sflag:s0], s1  }
0x2b7: {  	s1 =	ssub.s32 @!p0 $0x0, s1;
	[sflag:s0] =	ssyncset.done @!p0 $0x0  }
0x2b8: {  	[sflag:s0] =	ssyncadd.s32 @!p0 s1  }
0x2b9: {  	[bflag:$0x3] =	sbarrier.arrive $0xFFFF  }
0x2ba: {  	_ =	shalt  }

// kernel: kernel.15.cloned.1.call-start
scs
__scs_entry_jumppad:
0x0: {  	(pc) =	sbr.rel $0x88, $3  }
0x1: {  	(tag) =	ssettag $0x0;
	lr =	simm.s32 $0x1  }
0x2: {  	[smem:$0x3F98] =	sst lr;
	_ =	strace $0xD0000000  }
0x3: {  	_ = 	snop  }
0x4: {  	_ = 	snop  }
0x5: {  	_ = 	snop  }
0x6: {  	_ = 	snop  }
0x7: {  	_ = 	snop  }
__scs_overlays_trampoline_lowered:
0x8: {  	[smem:$0x3FA7] =	sst s0  }
0x9: {  	[smem:$0x3FA8] =	sst s1  }
0xa: {  	[smem:$0x3FA9] =	sst s2  }
0xb: {  	[smem:$0x3FAA] =	sst s3  }
0xc: {  	[smem:$0x3FAB] =	sst s4  }
0xd: {  	[smem:$0x3FAC] =	sst s5  }
0xe: {  	[smem:$0x3FAD] =	sst s6  }
0xf: {  	[smem:$0x3FAE] =	sst s7  }
0x10: {  	[smem:$0x3FAF] =	sst s8  }
0x11: {  	[smem:$0x3FB0] =	sst s9;
	s0 =	simm.s32 @!p0 $0x0  }
0x12: {  	s1 =	sld [smem:$0x3F96];
	s0 =	simm.s32 @p0 $0x1  }
0x13: {  	[smem:$0x3FB1] =	sst s0;
	s0 =	simm.s32 @!p1 $0x0  }
0x14: {  	s2 =	sld [smem:$0x3F95];
	s0 =	simm.s32 @p1 $0x1  }
0x15: {  	[smem:$0x3FB2] =	sst s0;
	s0 =	simm.s32 @!p2 $0x0  }
0x16: {  	s3 =	sld [smem:$0x3FDB];
	s0 =	simm.s32 @p2 $0x1  }
0x17: {  	s4 =	simm.s32 $0x1BF5;
	[smem:$0x3FB4] =	sst s0  }
0x18: {  	s0 =	sld [smem:$0x3F97];
	_ =	swait.ge [sflag:s4], $0x0  }
0x19: {  	s7 =	sld [smem:$0x3F98]  }
0x1a: {  	s8 =	sadd.s32 $0xFFFFE003, lr  }
0x1b: {  	s9 =	sadd.s32 $0xFFFFFEF7, lr;
	s5 =	simm.s32 $0xFFFFFFFF;
	p2 =	slt.u32 s8, $0xFFFFF086  }
0x1c: {  	p1 =	slt.u32 s9, $0xF7A;
	s5 =	simm.s32 @!p2 $0x0  }
0x1d: {  	s5 =	simm.s32 @p1 $0x1;
	p0 =	seq.s32 s7, s2  }
0x1e: {  	s7 =	smul.u32 @!p0 $0xF7A, s2;
	p2 =	seq.s32 @!p0 s5, $0x0  }
0x1f: {  	s9 =	smul.u32 $0xF7A, s1;
	s8 =	simm.s32 @!p0 $0x1BF5;
	p2 =	por !p2, p0  }
0x20: {  	[sflag:s8] =	ssyncset.s32 @!p0 $0xFFFFF086;
	s6 =	sadd.s32 @!p0 s3, s7;
	s7 =	simm.s32 @!p0 $0x108  }
0x21: {  	s3 =	sadd.s32 s3, s9;
	s6 =	sadd.s32 @!p0 $0x88, s6;
	s7 =	simm.s32 @p2 $0x1082  }
0x22: {  	[simem:s7], [sflag:s8] =	dma.local @!p0 [hbm:s6], $0xF7A  }
0x23: {  	s9 =	sor.u32 $0xD0000000, s2;
	s6 =	simm.s32 $0x108;
	_ =	swait.ge @!p0 [sflag:s8], $0x0  }
0x24: {  	s3 =	sadd.s32 $0x88, s3;
	s6 =	simm.s32 @!p1 $0x1082;
	[sflag:s4] =	ssyncset.s32 $0xFFFFF086  }
0x25: {  	[simem:s6], [sflag:s4] =	dma.local [hbm:s3], $0xF7A  }
0x26: {  	[smem:$0x3F98] =	sst s1;
	(tag) =	ssettag s2;
	_ =	strace s9  }
0x27: {  	s1 =	sld [smem:$0x3FA8]  }
0x28: {  	s2 =	sld [smem:$0x3FA9]  }
0x29: {  	s4 =	sld [smem:$0x3FAB]  }
0x2a: {  	p0 =	seq.s32 s5, $0x0;
	s5 =	sld [smem:$0x3FAC]  }
0x2b: {  	s6 =	sld [smem:$0x3FAD]  }
0x2c: {  	s7 =	sld [smem:$0x3FAE]  }
0x2d: {  	s3 =	simm.s32 $0x108;
	s8 =	sld [smem:$0x3FAF]  }
0x2e: {  	s3 =	simm.s32 @!p0 $0x1082;
	s9 =	sld [smem:$0x3FB0]  }
0x2f: {  	lr =	sadd.s32 s0, s3;
	s0 =	sld [smem:$0x3FA7]  }
0x30: {  	s3 =	sld [smem:$0x3FAA]  }
0x31: {  	[smem:$0x3FB3] =	sst s10  }
0x32: {  	s10 =	sld [smem:$0x3FB1];
	_ =	sdelay $0x3  }
0x33: {  	p0 =	seq.s32 s10, $0x1;
	s10 =	sld [smem:$0x3FB3];
	_ =	sdelay $0x3  }
0x34: {  	[smem:$0x3FB3] =	sst s10  }
0x35: {  	s10 =	sld [smem:$0x3FB2];
	_ =	sdelay $0x3  }
0x36: {  	p1 =	seq.s32 s10, $0x1;
	s10 =	sld [smem:$0x3FB3];
	_ =	sdelay $0x3  }
0x37: {  	[smem:$0x3FB3] =	sst s10  }
0x38: {  	s10 =	sld [smem:$0x3FB4]  }
0x39: {  	_ = 	snop;
	(pc) =	sbr.ind lr, $3  }
0x3a: {  	_ = 	snop  }
0x3b: {  	_ = 	snop  }
0x3c: {  	p2 =	seq.s32 s10, $0x1;
	s10 =	sld [smem:$0x3FB3]  }
0x3d: {  	_ =	shalt  }
0x3e: {  	_ =	shalt  }
0x3f: {  	_ =	shalt  }
0x40: {  	_ =	shalt  }
0x41: {  	_ =	shalt  }
0x42: {  	_ =	shalt  }
0x43: {  	_ =	shalt  }
0x44: {  	_ =	shalt  }
0x45: {  	_ =	shalt  }
0x46: {  	_ =	shalt  }
0x47: {  	_ =	shalt  }
0x48: {  	_ =	shalt  }
0x49: {  	_ =	shalt  }
0x4a: {  	_ =	shalt  }
0x4b: {  	_ =	shalt  }
0x4c: {  	_ =	shalt  }
0x4d: {  	_ =	shalt  }
0x4e: {  	_ =	shalt  }
0x4f: {  	_ =	shalt  }
0x50: {  	_ =	shalt  }
0x51: {  	_ =	shalt  }
0x52: {  	_ =	shalt  }
0x53: {  	_ =	shalt  }
0x54: {  	_ =	shalt  }
0x55: {  	_ =	shalt  }
0x56: {  	_ =	shalt  }
0x57: {  	_ =	shalt  }
0x58: {  	_ =	shalt  }
0x59: {  	_ =	shalt  }
0x5a: {  	_ =	shalt  }
0x5b: {  	_ =	shalt  }
0x5c: {  	_ =	shalt  }
0x5d: {  	_ =	shalt  }
0x5e: {  	_ =	shalt  }
0x5f: {  	_ =	shalt  }
0x60: {  	_ =	shalt  }
0x61: {  	_ =	shalt  }
0x62: {  	_ =	shalt  }
0x63: {  	_ =	shalt  }
0x64: {  	_ =	shalt  }
0x65: {  	_ =	shalt  }
0x66: {  	_ =	shalt  }
0x67: {  	_ =	shalt  }
0x68: {  	_ =	shalt  }
0x69: {  	_ =	shalt  }
0x6a: {  	_ =	shalt  }
0x6b: {  	_ =	shalt  }
0x6c: {  	_ =	shalt  }
0x6d: {  	_ =	shalt  }
0x6e: {  	_ =	shalt  }
0x6f: {  	_ =	shalt  }
0x70: {  	_ =	shalt  }
0x71: {  	_ =	shalt  }
0x72: {  	_ =	shalt  }
0x73: {  	_ =	shalt  }
0x74: {  	_ =	shalt  }
0x75: {  	_ =	shalt  }
0x76: {  	_ =	shalt  }
0x77: {  	_ =	shalt  }
0x78: {  	_ =	shalt  }
0x79: {  	_ =	shalt  }
0x7a: {  	_ =	shalt  }
0x7b: {  	_ =	shalt  }
0x7c: {  	_ =	shalt  }
0x7d: {  	_ =	shalt  }
0x7e: {  	_ =	shalt  }
0x7f: {  	_ =	shalt  }
0x80: {  	_ =	shalt  }
0x81: {  	_ =	shalt  }
0x82: {  	_ =	shalt  }
0x83: {  	_ =	shalt  }
0x84: {  	_ =	shalt  }
0x85: {  	_ =	shalt  }
0x86: {  	_ =	shalt  }
0x87: {  	_ =	shalt  }
.Lfunc_end0:
.L_simem_size_0:
called_computation.2_lowered:
.L_overlay_start_0:
0x88: {  	s2 =	sld [smem:$0x3FD9]  }
0x89: {  	s3 =	sld [smem:$0x3FFE];
	_ =	sdelay $0x1  }
0x8a: {  	s1 =	srdreg.scid  }
0x8b: {  	s0 =	sand.u32 $0x1, s1  }
0x8c: {  	s17 =	sshll.u32 s0, $0xA;
	s2 =	sadd.s32 s3, s2  }
0x8d: {  	s2 =	sadd.s32 s2, s17  }
0x8e: {  	[smem:$0x3FBF] =	sst s2  }
0x8f: {  	_ = 	snop  }
0x90: {  	s2 =	sld [smem:$0x3FD0];
	(tm) =	ssettm $0x1  }
0x91: {  	s18 =	sld [smem:$0x3FFB];
	_ =	sdelay $0x3  }
0x92: {  	_ =	strace s18  }
0x93: {  	s3 =	sld [smem:$0x3FFC];
	_ =	sdelay $0x3  }
0x94: {  	_ =	strace s3  }
0x95: {  	s3 =	sld [smem:$0x3FFD];
	_ =	sdelay $0x3  }
0x96: {  	_ =	strace s3  }
0x97: {  	_ =	strace $0x8FFFFFFF  }
0x98: {  	s19 =	sld [smem:$0x3FDB];
	_ =	sdelay $0x1  }
0x99: {  	s4 =	simm.s32 $_scs_section_size  }
0x9a: {  	s5 =	simm.s32 $_size__tile_overlayer_lowered;
	s6 =	simm.s32 $_tile_overlayer_lowered  }
0x9b: {  	s22 =	simm.s32 $0x1BFF;
	s21 =	sshll.u32 s6, $0x1;
	s3 =	sadd.s32 s4, s19  }
0x9c: {  	s7 =	simm.s32 $0x0;
	s20 =	sshll.u32 s5, $0x1;
	s5 =	sadd.s32 s21, s3  }
0x9d: {  	[timem:s7], [sflag:s22] =	dma.local [hbm:s5], s20  }
0x9e: {  	_ =	swait.ge [sflag:s22], s20  }
0x9f: {  	s4 =	ssub.s32 $0x0, s20;
	[sflag:s22] =	ssyncset.done $0x0  }
0xa0: {  	[sflag:s22] =	ssyncadd.s32 s4;
	_ =	sdelay $0x1  }
0xa1: {  	s23 =	simm.s32 $0x1B8B  }
0xa2: {  	_ =	swait.ge [sflag:s23], $0x1  }
0xa3: {  	[sflag:s23] =	ssyncset.done $0x0  }
0xa4: {  	s25 =	simm.s32 $0x1B8E;
	s24 =	sld [smem:$0x3FFE];
	[sflag:s23] =	ssyncadd.s32 $0xFFFFFFFF  }
0xa5: {  	s26 =	simm.s32 $execute0_lowered;
	[smem:$0x3FD2] =	sst s25  }
0xa6: {  	s5 =	sshll.u32 s26, $0x1;
	_ =	strace $0x8000004C;
	[dreg:$0x1] =	wrdreg $0xFFFFFFFF  }
0xa7: {  	s28 =	simm.s32 $_size_execute0_lowered;
	s3 =	sadd.s32 s3, s5;
	[dreg:$0x0] =	wrdreg $0x0  }
0xa8: {  	s5 =	sshll.u32 s28, $0x1;
	[dreg:$0x2] =	wrdreg s3  }
0xa9: {  	[dreg:$0x3] =	wrdreg s5  }
0xaa: {  	[dreg:$0x4] =	wrdreg $0xC0  }
0xab: {  	_ =	task [dreg:s7], $0x5FFFF  }
0xac: {  	[dreg:$0x1] =	wrdreg $0xFFFFFFFF  }
0xad: {  	[dreg:$0x0] =	wrdreg $0x60  }
0xae: {  	[dreg:$0x2] =	wrdreg s2  }
0xaf: {  	[dreg:$0x3] =	wrdreg s24  }
0xb0: {  	[dreg:$0x4] =	wrdreg $0x140800  }
0xb1: {  	[dreg:$0x5] =	wrdreg $0x9  }
0xb2: {  	_ =	task.clear_ibuf [dreg:s7], $0x6FFFF;
	_ =	strace $0x9000004C  }
0xb3: {  	s29 =	simm.s32 $0x9;
	_ =	strace $0x8000004E  }
0xb4: {  	_ =	swait.ge [sflag:s29], $0x1  }
0xb5: {  	[sflag:s29] =	ssyncadd.s32 $0xFFFFFFFF  }
0xb6: {  	_ =	strace $0x9000004E  }
0xb7: {  	_ =	sfence  }
0xb8: {  	s30 =	sld [smem:$0x0];
	_ =	sdelay $0x2  }
0xb9: {  	s31 =	sshll.u32 s1, $0xD;
	s1 =	sshrl.u32 s1, $0x2  }
0xba: {  	s3 =	sand.u32 $0x4000, s31;
	s1 =	sadd.s32 s1, s30  }
0xbb: {  	s0 =	sor.u32 s3, s0;
	s1 =	sshll.u32 s1, $0x11  }
0xbc: {  	s0 =	sor.u32 s1, s0  }
0xbd: {  	s0 =	sadd.s32 $0x8F2B, s0  }
0xbe: {  	[sflag:s0] =	ssyncadd.remote.s32 $0x1  }
0xbf: {  	_ =	sfence.sel $0xFFFF  }
0xc0: {  	[dreg:$0x0] =	wrdreg $0xFFFFFFFF;
	(pc) =	sbr.abs _section_cstart, $3  }
0xc1: {  	[dreg:$0x1] =	wrdreg $0xFFFFFFFF  }
0xc2: {  	_ =	task.clear_ibuf [dreg:s7], $0x2FFFF;
	_ =	strace $0x9FFFFFFF  }
0xc3: {  	(tm) =	ssettm $0x7FFFFFFF  }
tec
execute0_lowered:
.L_overlay_start_1:
0x0: {  	(tag) =	ssettag $0x1  }
0x1: {  	s0 =	rddreg [dreg:$0x0]  }
0x2: {  	s1 =	rddreg [dreg:$0x1]  }
0x3: {  	s2 =	rddreg [dreg:$0x2]  }
0x4: {  	s4 =	srdreg.scid;
	s3 =	simm.s32 $0x0;
	s12 =	stileid.u32  }
0x5: {  	s28 =	simm.s32 $0x9E80;
	s29 =	simm.s32 $0x2;
	s17 =	smul.u32 $0x1400, s12  }
0x6: {  	s30 =	simm.s32 $0x9F00;
	s31 =	simm.s32 $0x3;
	s11 =	smul.u32 $0x29000, s12  }
0x7: {  	s5 =	sand.u32 $0x1, s4;
	[smem:$0x7FF] =	sst s3;
	s21 =	smul.u32 $0x28000, s12  }
0x8: {  	s15 =	sshrl.u32 s12, $0x3;
	s8 =	sshll.u32 s12, $0x7;
	s6 =	smul.u32 $0x4F000, s5  }
0x9: {  	_ =	strace $0x8000004D;
	s7 =	smul.u32 $0x27800, s15;
	s9 =	sshll.u32 s5, $0xB  }
0xa: {  	s4 =	sshll.u32 s15, $0xA;
	s8 =	sand.u32 $0x380, s8;
	s16 =	smul.u32 $0x14000, s5  }
0xb: {  	s5 =	ssub.s32 $0x2, s5;
	s15 =	simm.s32 $0xA080;
	s4 =	sor.u32 s9, s4  }
0xc: {  	s19 =	sshrl.u32 s5, $0x1;
	s20 =	sshrl.u32 s11, $0x2;
	s26 =	sshrl.u32 s21, $0x2  }
0xd: {  	s21 =	simm.s32 $0x1;
	s6 =	sadd.s32 s6, s7;
	s4 =	sor.u32 s8, s4  }
0xe: {  	s7 =	sadd.s32 s17, s16;
	s6 =	sor.u32 s8, s6;
	s4 =	sshrl.u32 s4, $0x3  }
0xf: {  	s16 =	simm.s32 $0x5;
	s6 =	sshrl.u32 s6, $0x3;
	s10 =	sadd.s32 s4, s1  }
0x10: {  	s4 =	sadd.s32 $0xC7600, s1;
	s18 =	sadd.s32 s6, s1;
	s1 =	sadd.s32 s7, s1  }
0x11: {  	s7 =	ssub.s32 s5, s19;
	s5 =	sadd.s32 s20, s2;
	s0 =	sadd.s32 s0, s6  }
0x12: {  	s12 =	sadd.s32 $0xC7400, s10;
	s19 =	simm.s32 $0x4;
	s20 =	simm.s32 $0xA000  }
0x13: {  	s22 =	sadd.s32 $0x2800, s5;
	s23 =	sadd.s32 $0x5000, s5;
	s24 =	sadd.s32 $0x7800, s5  }
0x14: {  	s25 =	sadd.s32 $0xA000, s5;
	[dreg:$0x8] =	wrdreg s0;
	s11 =	sadd.s32 $0xB3800, s18  }
.Ltmp0:
0x15: {  	s0 =	sadd.s32 s26, s2;
	[dreg:$0x4] =	wrdreg s22;
	(pc) =	sbr.rel .LBB2_1-.Ltmp0, $4  }
0x16: {  	s13 =	sadd.s32 $0x2E00, s1;
	s14 =	smax.u32 s7, $0x1;
	[dreg:$0x5] =	wrdreg s23  }
0x17: {  	s18 =	simm.s32 $0x400;
	s26 =	simm.s32 $0x11880;
	[dreg:$0x6] =	wrdreg s24  }
0x18: {  	[dreg:$0x7] =	wrdreg s25;
	s22 =	simm.s32 $0x50;
	s23 =	simm.s32 $0xC880  }
0x19: {  	v0 =	vimm.f32 $0.0e+00;
	s24 =	simm.s32 $0xF080;
	s25 =	sshrl.u32 s0, $0x3;
	s0 =	simm.s32 $0x9F80  }
.LBB2_6:
0x1a: {  	[sflag:s16] =	ssyncadd.s32 $0xFFFFD800  }
.LBB2_7:
0x1b: {  	s1 =	smul.u32 $0x140, s7;
	_ =	sdelay $0x1  }
0x1c: {  	s6 =	ssub.s32 s6, s1  }
0x1d: {  	p0 =	slt.s32 s6, $0xA0  }
0x1e: {  	s6 =	simm.s32 @!p0 $0x50;
	s7 =	simm.s32 @!p0 $0xA080  }
0x1f: {  	[tilespmem:s7], [sflag:$0x1] =	stream.indirect.gather @!p0 [hbm4b:s4+s6], $0x80, s1, s6, $0xb8;
	[tilespmem:$0x1E480] =	vst v63  }
0x20: {  	s8 =	sadd.s32 @!p0 $0x50, s1;
	s9 =	simm.s32 @!p0 $0xC880  }
0x21: {  	[tilespmem:s9], [sflag:$0x2] =	stream.indirect.gather @!p0 [hbm4b:s4+s6], $0x80, s8, s6, $0xb8;
	[tilespmem:$0x1E480] =	vst v63  }
0x22: {  	v1 =	vld @!p0 [tilespmem:s1+$0x4F00];
	_ =	sdelay $0x4  }
0x23: {  	[tilespmem:$0x9E80] =	vst @!p0 v1  }
0x24: {  	v1 =	vld @!p0 [tilespmem:s1+$0x4F50];
	_ =	sdelay $0x4  }
0x25: {  	[tilespmem:$0x9F00] =	vst @!p0 v1  }
0x26: {  	v1 =	vld @!p0 [tilespmem:s1+$0x4F10];
	_ =	sdelay $0x4  }
0x27: {  	[tilespmem:$0x9E90] =	vst @!p0 v1  }
0x28: {  	v1 =	vld @!p0 [tilespmem:s1+$0x4F60];
	_ =	sdelay $0x4  }
0x29: {  	[tilespmem:$0x9F10] =	vst @!p0 v1  }
0x2a: {  	v1 =	vld @!p0 [tilespmem:s1+$0x4F20];
	_ =	sdelay $0x4  }
0x2b: {  	[tilespmem:$0x9EA0] =	vst @!p0 v1  }
0x2c: {  	v1 =	vld @!p0 [tilespmem:s1+$0x4F70];
	_ =	sdelay $0x4  }
0x2d: {  	[tilespmem:$0x9F20] =	vst @!p0 v1  }
0x2e: {  	v1 =	vld @!p0 [tilespmem:s1+$0x4F30];
	_ =	sdelay $0x4  }
0x2f: {  	s8 =	sand.u32 @!p0 $0xFFFFFFC0, s1;
	[tilespmem:$0x9EB0] =	vst @!p0 v1  }
0x30: {  	v1 =	vld @!p0 [tilespmem:s8+$0x4F80];
	_ =	sdelay $0x4  }
0x31: {  	[tilespmem:$0x9F30] =	vst @!p0 v1  }
0x32: {  	v1 =	vld @!p0 [tilespmem:s1+$0x4F40];
	_ =	sdelay $0x4  }
0x33: {  	[tilespmem:$0x9EC0] =	vst @!p0 v1  }
0x34: {  	v1 =	vld @!p0 [tilespmem:s1+$0x4F90];
	_ =	sdelay $0x4  }
0x35: {  	s1 =	simm.s32 @!p0 $0x1;
	[tilespmem:$0x9F40] =	vst @!p0 v1  }
0x36: {  	_ =	swait.ge @!p0 [sflag:s1], $0x2800  }
0x37: {  	[sflag:s1] =	ssyncset.done @!p0 $0x0  }
0x38: {  	[sflag:s1] =	ssyncadd.s32 @!p0 $0xFFFFD800;
	s1 =	simm.s32 @!p0 $0x9E80  }
0x39: {  	[spmem:s2] =	stream.indirect.scatter.add.f32 @!p0 [tilespmem:s7], [sflag:$0x5], $0x80, s1, s6, $0xb8;
	[tilespmem:$0x1E480] =	vst v63  }
0x3a: {  	s1 =	simm.s32 @!p0 $0x5  }
0x3b: {  	_ =	swait.ge @!p0 [sflag:s1], $0x2800  }
0x3c: {  	[sflag:s1] =	ssyncset.done @!p0 $0x0  }
0x3d: {  	s7 =	simm.s32 @!p0 $0x2;
	[sflag:s1] =	ssyncadd.s32 @!p0 $0xFFFFD800  }
0x3e: {  	_ =	swait.ge @!p0 [sflag:s7], $0x2800  }
0x3f: {  	[sflag:s7] =	ssyncset.done @!p0 $0x0  }
0x40: {  	[sflag:s7] =	ssyncadd.s32 @!p0 $0xFFFFD800;
	s7 =	simm.s32 @!p0 $0x9F00  }
0x41: {  	[spmem:s2] =	stream.indirect.scatter.add.f32 @!p0 [tilespmem:s9], [sflag:$0x5], $0x80, s7, s6, $0xb8;
	[tilespmem:$0x1E480] =	vst v63  }
0x42: {  	_ =	swait.ge @!p0 [sflag:s1], $0x2800  }
0x43: {  	s17 =	stileid.u32;
	s3 =	sadd.s32 $0x1, s3;
	[sflag:s1] =	ssyncset.done @!p0 $0x0  }
0x44: {  	[sflag:s1] =	ssyncadd.s32 @!p0 $0xFFFFD800;
	s1 =	sshll.u32 s17, $0x6;
	p0 =	sne.s32 s3, s14  }
.Ltmp1:
0x45: {  	[bflag:$0x0] =	sbarrier.arrive $0xFFFF;
	s1 =	sor.u32 $0x1C05, s1;
	(pc) =	sbr.rel @!p0 .LBB2_8-.Ltmp1, $4  }
0x46: {  	[hbm:s13], [sflag:s1] =	dma.local [spmem:s25], $0x1400  }
0x47: {  	_ =	swait.ge [sflag:s16], $0x1400  }
0x48: {  	[sflag:s16] =	ssyncset.done $0x0  }
0x49: {  	[sflag:s16] =	ssyncadd.s32 $0xFFFFEC00  }
.LBB2_1:
0x4a: {  	s1 =	simm.s32 $0x70;
	s6 =	simm.s32 $0x3C0  }
.LBB2_2:
0x4b: {  	p0 =	sne.s32 s6, $0x9FC0;
	[tilespmem:s1+$0xA080] =	vst v0  }
0x4c: {  	[tilespmem:s1+$0xA010] =	vst v0  }
0x4d: {  	[tilespmem:s1+$0xA020] =	vst v0  }
.Ltmp2:
0x4e: {  	[tilespmem:s1+$0xA030] =	vst v0;
	(pc) =	sbr.rel @p0 .LBB2_2-.Ltmp2, $4  }
0x4f: {  	[tilespmem:s1+$0xA040] =	vst v0  }
0x50: {  	[tilespmem:s1+$0xA050] =	vst v0  }
0x51: {  	[tilespmem:s1+$0xA060] =	vst v0  }
0x52: {  	[tilespmem:s1+$0xA070] =	vst v0;
	s1 =	sshra.s32 s6, $0x2;
	s6 =	sadd.s32 $0x200, s6  }
0x53: {  	[tilespmem:s1+$0xA080] =	vst v0  }
0x54: {  	[tilespmem:s1+$0xA010] =	vst v0  }
0x55: {  	[tilespmem:s1+$0xA020] =	vst v0  }
0x56: {  	[tilespmem:s1+$0xA030] =	vst v0  }
0x57: {  	[tilespmem:s1+$0xA040] =	vst v0  }
0x58: {  	[tilespmem:s1+$0xA050] =	vst v0  }
0x59: {  	[tilespmem:s1+$0xA060] =	vst v0  }
0x5a: {  	[tilespmem:s1+$0xA070] =	vst v0  }
0x5b: {  	[spmem:s5] =	stream.linear.scatter [tilespmem:s15], [sflag:$0x5], $0x2800, $0x38;
	[tilespmem:$0x1E480] =	vst v63  }
0x5c: {  	_ =	swait.ge [sflag:s16], $0x2800  }
0x5d: {  	[sflag:s16] =	ssyncset.done $0x0  }
0x5e: {  	s17 =	rddreg [dreg:$0x4];
	[sflag:s16] =	ssyncadd.s32 $0xFFFFD800  }
0x5f: {  	[spmem:s17] =	stream.linear.scatter [tilespmem:s15], [sflag:$0x5], $0x2800, $0x38;
	[tilespmem:$0x1E480] =	vst v63  }
0x60: {  	_ =	swait.ge [sflag:s16], $0x2800  }
0x61: {  	[sflag:s16] =	ssyncset.done $0x0  }
0x62: {  	s6 =	rddreg [dreg:$0x5];
	[sflag:s16] =	ssyncadd.s32 $0xFFFFD800  }
0x63: {  	[spmem:s6] =	stream.linear.scatter [tilespmem:s15], [sflag:$0x5], $0x2800, $0x38;
	[tilespmem:$0x1E480] =	vst v63  }
0x64: {  	_ =	swait.ge [sflag:s16], $0x2800  }
0x65: {  	[sflag:s16] =	ssyncset.done $0x0  }
0x66: {  	s7 =	rddreg [dreg:$0x6];
	[sflag:s16] =	ssyncadd.s32 $0xFFFFD800  }
0x67: {  	[spmem:s7] =	stream.linear.scatter [tilespmem:s15], [sflag:$0x5], $0x2800, $0x38;
	[tilespmem:$0x1E480] =	vst v63  }
0x68: {  	_ =	swait.ge [sflag:s16], $0x2800  }
0x69: {  	[sflag:s16] =	ssyncset.done $0x0  }
0x6a: {  	s8 =	rddreg [dreg:$0x7];
	[sflag:s16] =	ssyncadd.s32 $0xFFFFD800  }
0x6b: {  	[spmem:s8] =	stream.linear.scatter [tilespmem:s15], [sflag:$0x5], $0x400, $0x38;
	[tilespmem:$0x1E480] =	vst v63  }
0x6c: {  	_ =	swait.ge [sflag:s16], $0x400  }
0x6d: {  	s1 =	simm.s32 $0x0;
	[sflag:s16] =	ssyncset.done $0x0  }
0x6e: {  	s7 =	simm.s32 $0x80;
	s6 =	rddreg [dreg:$0x8];
	[sflag:s16] =	ssyncadd.s32 $0xFFFFFC00  }
0x6f: {  	[tilespmem:s1], [sflag:$0x5] =	stream.strided.gather [hbm4b:s6+s7], $0x4F00, s18, s7, $0x38;
	[tilespmem:$0x1E480] =	vst v63  }
0x70: {  	_ =	swait.ge [sflag:s16], $0x4F00  }
0x71: {  	[sflag:s16] =	ssyncset.done $0x0  }
0x72: {  	s9 =	simm.s32 $0x4F00;
	[sflag:s16] =	ssyncadd.s32 $0xFFFFB100  }
0x73: {  	[tilespmem:s9], [sflag:$0x5] =	stream.strided.gather [hbm4b:s11+s7], $0x4F00, s18, s7, $0x38;
	[tilespmem:$0x1E480] =	vst v63  }
0x74: {  	_ =	swait.ge [sflag:s16], $0x4F00  }
0x75: {  	[sflag:s16] =	ssyncset.done $0x0  }
0x76: {  	s10 =	simm.s32 $0x9E00;
	[sflag:s16] =	ssyncadd.s32 $0xFFFFB100  }
0x77: {  	[tilespmem:s10], [sflag:$0x5] =	stream.linear.gather [hbm4b:s12+s1], $0x80, $0x38;
	[tilespmem:$0x1E480] =	vst v63  }
0x78: {  	_ =	swait.ge [sflag:s16], $0x80  }
0x79: {  	[sflag:s16] =	ssyncset.done $0x0  }
0x7a: {  	[sflag:s16] =	ssyncadd.s32 $0xFFFFFF80  }
0x7b: {  	[bflag:$0x0] =	sbarrier.arrive $0xFFFF  }
0x7c: {  	v1 =	vld [tilespmem:$0x9E00];
	_ =	sdelay $0x4  }
0x7d: {  	(v2sf) =	vpush v1, $0x0;
	_ =	sdelay $0xe  }
0x7e: {  	s6 =	spop (v2sf)  }
0x7f: {  	s17 =	smulhi.u32 $0x66666667, s6;
	s8 =	sshra.s32 s6, $0x1F  }
0x80: {  	s8 =	smul.u32 $0x66666667, s8;
	_ =	sdelay $0x1  }
0x81: {  	s7 =	sadd.s32 s8, s17  }
0x82: {  	s8 =	sshrl.u32 s7, $0x1F;
	s7 =	sshra.s32 s7, $0x7  }
0x83: {  	s7 =	sadd.s32 s8, s7  }
0x84: {  	s8 =	smul.u32 $0xFFFFFEC0, s7  }
0x85: {  	s9 =	ssub.s32 $0x0, s6  }
0x86: {  	p0 =	slt.s32 s6, $0x1;
	p1 =	sne.s32 s8, s9  }
0x87: {  	p0 =	por !p0, !p1  }
0x88: {  	s8 =	simm.s32 $0x1;
	p0 =	por !p0, !p0  }
0x89: {  	s8 =	simm.s32 @!p0 $0x0  }
0x8a: {  	s7 =	ssub.s32 s7, s8  }
0x8b: {  	p0 =	slt.s32 s7, $0x1  }
.Ltmp3:
0x8c: {  	_ = 	snop;
	(pc) =	sbr.rel @p0 .LBB2_7-.Ltmp3, $2  }
0x8d: {  	_ =	sdelay $0x2  }
0x8e: {  	s9 =	simm.s32 $0x4FA0  }
0x8f: {  	[tilespmem:s15], [sflag:$0x1] =	stream.indirect.gather [hbm4b:s4+s22], $0x80, s1, s22, $0xb8;
	[tilespmem:$0x1E480] =	vst v63  }
0x90: {  	s8 =	sadd.s32 $0x50, s1  }
0x91: {  	[tilespmem:s23], [sflag:$0x2] =	stream.indirect.gather [hbm4b:s4+s22], $0x80, s8, s22, $0xb8;
	[tilespmem:$0x1E480] =	vst v63  }
0x92: {  	s17 =	sadd.s32 $0xA0, s1  }
0x93: {  	[tilespmem:s24], [sflag:$0x3] =	stream.indirect.gather [hbm4b:s4+s22], $0x80, s17, s22, $0xb8;
	[tilespmem:$0x1E480] =	vst v63  }
0x94: {  	s10 =	sadd.s32 $0xF0, s1  }
0x95: {  	[tilespmem:s26], [sflag:$0x4] =	stream.indirect.gather [hbm4b:s4+s22], $0x80, s10, s22, $0xb8;
	[tilespmem:$0x1E480] =	vst v63  }
0x96: {  	v1 =	vld [tilespmem:s9+$0xFFFFFF60];
	_ =	sdelay $0x4  }
0x97: {  	[tilespmem:$0x9E80] =	vst v1  }
0x98: {  	v1 =	vld [tilespmem:s9+$0xFFFFFF70];
	_ =	sdelay $0x4  }
0x99: {  	[tilespmem:$0x9E90] =	vst v1  }
0x9a: {  	v1 =	vld [tilespmem:s9+$0xFFFFFF80];
	_ =	sdelay $0x4  }
0x9b: {  	[tilespmem:$0x9EA0] =	vst v1  }
0x9c: {  	v1 =	vld [tilespmem:s9+$0xFFFFFF90];
	_ =	sdelay $0x4  }
0x9d: {  	[tilespmem:$0x9EB0] =	vst v1  }
0x9e: {  	v1 =	vld [tilespmem:s9+$0xFFFFFFA0];
	_ =	sdelay $0x4  }
0x9f: {  	[tilespmem:$0x9EC0] =	vst v1  }
0xa0: {  	v1 =	vld [tilespmem:s9+$0xFFFFFFB0];
	_ =	sdelay $0x4  }
0xa1: {  	[tilespmem:$0x9F00] =	vst v1  }
0xa2: {  	v1 =	vld [tilespmem:s9+$0xFFFFFFC0];
	_ =	sdelay $0x4  }
0xa3: {  	[tilespmem:$0x9F10] =	vst v1  }
0xa4: {  	v1 =	vld [tilespmem:s9+$0xFFFFFFD0];
	_ =	sdelay $0x4  }
0xa5: {  	s17 =	sand.u32 $0xFFFFFFC0, s1;
	[tilespmem:$0x9F20] =	vst v1  }
0xa6: {  	v1 =	vld [tilespmem:s17+$0x4F80];
	_ =	sdelay $0x4  }
0xa7: {  	[tilespmem:$0x9F30] =	vst v1  }
0xa8: {  	v1 =	vld [tilespmem:s9+$0xFFFFFFF0];
	_ =	sdelay $0x4  }
0xa9: {  	[tilespmem:$0x9F40] =	vst v1  }
0xaa: {  	v1 =	vld [tilespmem:s9+$0x0];
	_ =	sdelay $0x4  }
0xab: {  	[tilespmem:$0x9F80] =	vst v1  }
0xac: {  	v1 =	vld [tilespmem:s9+$0x10];
	_ =	sdelay $0x4  }
0xad: {  	[tilespmem:$0x9F90] =	vst v1  }
0xae: {  	v1 =	vld [tilespmem:s9+$0x20];
	_ =	sdelay $0x4  }
0xaf: {  	[tilespmem:$0x9FA0] =	vst v1  }
0xb0: {  	v1 =	vld [tilespmem:s9+$0x30];
	_ =	sdelay $0x4  }
0xb1: {  	[tilespmem:$0x9FB0] =	vst v1  }
0xb2: {  	v1 =	vld [tilespmem:s9+$0x40];
	_ =	sdelay $0x4  }
0xb3: {  	[tilespmem:$0x9FC0] =	vst v1  }
0xb4: {  	v1 =	vld [tilespmem:s9+$0x50];
	_ =	sdelay $0x4  }
0xb5: {  	[tilespmem:$0xA000] =	vst v1  }
0xb6: {  	v1 =	vld [tilespmem:s17+$0x5000];
	_ =	sdelay $0x4  }
0xb7: {  	[tilespmem:$0xA010] =	vst v1  }
0xb8: {  	v1 =	vld [tilespmem:s9+$0x70];
	_ =	sdelay $0x4  }
0xb9: {  	[tilespmem:$0xA020] =	vst v1  }
0xba: {  	v1 =	vld [tilespmem:s9+$0x80];
	_ =	sdelay $0x4  }
0xbb: {  	[tilespmem:$0xA030] =	vst v1  }
0xbc: {  	v1 =	vld [tilespmem:s9+$0x90];
	_ =	sdelay $0x4  }
0xbd: {  	[tilespmem:$0xA040] =	vst v1  }
0xbe: {  	_ =	swait.ge [sflag:s21], $0x2800  }
0xbf: {  	[sflag:s21] =	ssyncset.done $0x0  }
0xc0: {  	[sflag:s21] =	ssyncadd.s32 $0xFFFFD800  }
0xc1: {  	[spmem:s2] =	stream.indirect.scatter.add.f32 [tilespmem:s15], [sflag:$0x5], $0x80, s28, s22, $0xb8;
	[tilespmem:$0x1E480] =	vst v63  }
0xc2: {  	_ =	swait.ge [sflag:s16], $0x2800  }
0xc3: {  	[sflag:s16] =	ssyncset.done $0x0  }
0xc4: {  	[sflag:s16] =	ssyncadd.s32 $0xFFFFD800  }
0xc5: {  	_ =	swait.ge [sflag:s29], $0x2800  }
0xc6: {  	[sflag:s29] =	ssyncset.done $0x0  }
0xc7: {  	[sflag:s29] =	ssyncadd.s32 $0xFFFFD800  }
0xc8: {  	[spmem:s2] =	stream.indirect.scatter.add.f32 [tilespmem:s23], [sflag:$0x5], $0x80, s30, s22, $0xb8;
	[tilespmem:$0x1E480] =	vst v63  }
0xc9: {  	_ =	swait.ge [sflag:s16], $0x2800  }
0xca: {  	[sflag:s16] =	ssyncset.done $0x0  }
0xcb: {  	[sflag:s16] =	ssyncadd.s32 $0xFFFFD800  }
0xcc: {  	_ =	swait.ge [sflag:s31], $0x2800  }
0xcd: {  	[sflag:s31] =	ssyncset.done $0x0  }
0xce: {  	[sflag:s31] =	ssyncadd.s32 $0xFFFFD800  }
0xcf: {  	[spmem:s2] =	stream.indirect.scatter.add.f32 [tilespmem:s24], [sflag:$0x5], $0x80, s0, s22, $0xb8;
	[tilespmem:$0x1E480] =	vst v63  }
0xd0: {  	_ =	swait.ge [sflag:s16], $0x2800  }
0xd1: {  	[sflag:s16] =	ssyncset.done $0x0  }
0xd2: {  	[sflag:s16] =	ssyncadd.s32 $0xFFFFD800  }
0xd3: {  	p0 =	sne.s32 s7, $0x1;
	_ =	swait.ge [sflag:s19], $0x2800  }
.Ltmp4:
0xd4: {  	[sflag:s19] =	ssyncset.done $0x0;
	(pc) =	sbr.rel @!p0 .LBB2_6-.Ltmp4, $4  }
0xd5: {  	[sflag:s19] =	ssyncadd.s32 $0xFFFFD800  }
0xd6: {  	[spmem:s2] =	stream.indirect.scatter.add.f32 [tilespmem:s26], [sflag:$0x5], $0x80, s20, s22, $0xb8;
	[tilespmem:$0x1E480] =	vst v63  }
0xd7: {  	s8 =	sadd.s32 $0xFFFFFFFF, s7;
	_ =	swait.ge [sflag:s16], $0x2800  }
0xd8: {  	s10 =	simm.s32 $0x0;
	s9 =	sadd.s32 $0x140, s9;
	[sflag:s16] =	ssyncset.done $0x0  }
.LBB2_5:
0xd9: {  	[sflag:s16] =	ssyncadd.s32 $0xFFFFD800;
	s1 =	sadd.s32 $0x140, s1;
	s10 =	sadd.s32 $0x140, s10  }
0xda: {  	[tilespmem:s15], [sflag:$0x1] =	stream.indirect.gather [hbm4b:s4+s22], $0x80, s10, s22, $0xb8;
	[tilespmem:$0x1E480] =	vst v63  }
0xdb: {  	p0 =	sne.s32 s8, $0x1;
	s8 =	sadd.s32 $0xFFFFFFFF, s8;
	s17 =	sadd.s32 $0x50, s10  }
0xdc: {  	[tilespmem:s23], [sflag:$0x2] =	stream.indirect.gather [hbm4b:s4+s22], $0x80, s17, s22, $0xb8;
	[tilespmem:$0x1E480] =	vst v63  }
0xdd: {  	s17 =	sadd.s32 $0xA0, s10  }
0xde: {  	[tilespmem:s24], [sflag:$0x3] =	stream.indirect.gather [hbm4b:s4+s22], $0x80, s17, s22, $0xb8;
	[tilespmem:$0x1E480] =	vst v63  }
0xdf: {  	s17 =	sadd.s32 $0xF0, s10  }
0xe0: {  	[tilespmem:s26], [sflag:$0x4] =	stream.indirect.gather [hbm4b:s4+s22], $0x80, s17, s22, $0xb8;
	[tilespmem:$0x1E480] =	vst v63  }
0xe1: {  	v1 =	vld [tilespmem:s9+$0xFFFFFF60];
	_ =	sdelay $0x4  }
0xe2: {  	[tilespmem:$0x9E80] =	vst v1  }
0xe3: {  	v1 =	vld [tilespmem:s9+$0xFFFFFF70];
	_ =	sdelay $0x4  }
0xe4: {  	[tilespmem:$0x9E90] =	vst v1  }
0xe5: {  	v1 =	vld [tilespmem:s9+$0xFFFFFF80];
	_ =	sdelay $0x4  }
0xe6: {  	[tilespmem:$0x9EA0] =	vst v1  }
0xe7: {  	v1 =	vld [tilespmem:s9+$0xFFFFFF90];
	_ =	sdelay $0x4  }
0xe8: {  	[tilespmem:$0x9EB0] =	vst v1  }
0xe9: {  	v1 =	vld [tilespmem:s9+$0xFFFFFFA0];
	_ =	sdelay $0x4  }
0xea: {  	[tilespmem:$0x9EC0] =	vst v1  }
0xeb: {  	v1 =	vld [tilespmem:s9+$0xFFFFFFB0];
	_ =	sdelay $0x4  }
0xec: {  	[tilespmem:$0x9F00] =	vst v1  }
0xed: {  	v1 =	vld [tilespmem:s9+$0xFFFFFFC0];
	_ =	sdelay $0x4  }
0xee: {  	[tilespmem:$0x9F10] =	vst v1  }
0xef: {  	v1 =	vld [tilespmem:s9+$0xFFFFFFD0];
	_ =	sdelay $0x4  }
0xf0: {  	s17 =	sand.u32 $0xFFFFFFC0, s1;
	[tilespmem:$0x9F20] =	vst v1  }
0xf1: {  	v1 =	vld [tilespmem:s17+$0x4F80];
	_ =	sdelay $0x4  }
0xf2: {  	[tilespmem:$0x9F30] =	vst v1  }
0xf3: {  	v1 =	vld [tilespmem:s9+$0xFFFFFFF0];
	_ =	sdelay $0x4  }
0xf4: {  	[tilespmem:$0x9F40] =	vst v1  }
0xf5: {  	v1 =	vld [tilespmem:s9+$0x0];
	_ =	sdelay $0x4  }
0xf6: {  	[tilespmem:$0x9F80] =	vst v1  }
0xf7: {  	v1 =	vld [tilespmem:s9+$0x10];
	_ =	sdelay $0x4  }
0xf8: {  	[tilespmem:$0x9F90] =	vst v1  }
0xf9: {  	v1 =	vld [tilespmem:s9+$0x20];
	_ =	sdelay $0x4  }
0xfa: {  	[tilespmem:$0x9FA0] =	vst v1  }
0xfb: {  	v1 =	vld [tilespmem:s9+$0x30];
	_ =	sdelay $0x4  }
0xfc: {  	[tilespmem:$0x9FB0] =	vst v1  }
0xfd: {  	v1 =	vld [tilespmem:s9+$0x40];
	_ =	sdelay $0x4  }
0xfe: {  	[tilespmem:$0x9FC0] =	vst v1  }
0xff: {  	v1 =	vld [tilespmem:s9+$0x50];
	_ =	sdelay $0x4  }
0x100: {  	[tilespmem:$0xA000] =	vst v1  }
0x101: {  	v1 =	vld [tilespmem:s17+$0x5000];
	_ =	sdelay $0x4  }
0x102: {  	[tilespmem:$0xA010] =	vst v1  }
0x103: {  	v1 =	vld [tilespmem:s9+$0x70];
	_ =	sdelay $0x4  }
0x104: {  	[tilespmem:$0xA020] =	vst v1  }
0x105: {  	v1 =	vld [tilespmem:s9+$0x80];
	_ =	sdelay $0x4  }
0x106: {  	[tilespmem:$0xA030] =	vst v1  }
0x107: {  	v1 =	vld [tilespmem:s9+$0x90];
	_ =	sdelay $0x4  }
0x108: {  	[tilespmem:$0xA040] =	vst v1  }
0x109: {  	_ =	swait.ge [sflag:s21], $0x2800  }
0x10a: {  	[sflag:s21] =	ssyncset.done $0x0  }
0x10b: {  	[sflag:s21] =	ssyncadd.s32 $0xFFFFD800  }
0x10c: {  	[spmem:s2] =	stream.indirect.scatter.add.f32 [tilespmem:s15], [sflag:$0x5], $0x80, s28, s22, $0xb8;
	[tilespmem:$0x1E480] =	vst v63  }
0x10d: {  	_ =	swait.ge [sflag:s16], $0x2800  }
0x10e: {  	[sflag:s16] =	ssyncset.done $0x0  }
0x10f: {  	[sflag:s16] =	ssyncadd.s32 $0xFFFFD800  }
0x110: {  	_ =	swait.ge [sflag:s29], $0x2800  }
0x111: {  	[sflag:s29] =	ssyncset.done $0x0  }
0x112: {  	[sflag:s29] =	ssyncadd.s32 $0xFFFFD800  }
0x113: {  	[spmem:s2] =	stream.indirect.scatter.add.f32 [tilespmem:s23], [sflag:$0x5], $0x80, s30, s22, $0xb8;
	[tilespmem:$0x1E480] =	vst v63  }
0x114: {  	_ =	swait.ge [sflag:s16], $0x2800  }
0x115: {  	[sflag:s16] =	ssyncset.done $0x0  }
0x116: {  	[sflag:s16] =	ssyncadd.s32 $0xFFFFD800  }
0x117: {  	_ =	swait.ge [sflag:s31], $0x2800  }
0x118: {  	[sflag:s31] =	ssyncset.done $0x0  }
0x119: {  	[sflag:s31] =	ssyncadd.s32 $0xFFFFD800  }
0x11a: {  	[spmem:s2] =	stream.indirect.scatter.add.f32 [tilespmem:s24], [sflag:$0x5], $0x80, s0, s22, $0xb8;
	[tilespmem:$0x1E480] =	vst v63  }
0x11b: {  	_ =	swait.ge [sflag:s16], $0x2800  }
0x11c: {  	[sflag:s16] =	ssyncset.done $0x0  }
0x11d: {  	[sflag:s16] =	ssyncadd.s32 $0xFFFFD800  }
0x11e: {  	_ =	swait.ge [sflag:s19], $0x2800  }
.Ltmp5:
0x11f: {  	[sflag:s19] =	ssyncset.done $0x0;
	(pc) =	sbr.rel @p0 .LBB2_5-.Ltmp5, $4  }
0x120: {  	[sflag:s19] =	ssyncadd.s32 $0xFFFFD800  }
0x121: {  	[spmem:s2] =	stream.indirect.scatter.add.f32 [tilespmem:s26], [sflag:$0x5], $0x80, s20, s22, $0xb8;
	[tilespmem:$0x1E480] =	vst v63  }
0x122: {  	_ =	swait.ge [sflag:s16], $0x2800  }
0x123: {  	s9 =	sadd.s32 $0x140, s9;
	[sflag:s16] =	ssyncset.done $0x0  }
.Ltmp6:
0x124: {  	_ = 	snop;
	(pc) =	sbr.rel .LBB2_6-.Ltmp6, $1  }
0x125: {  	_ =	sdelay $0x3  }
.LBB2_8:
0x126: {  	_ =	sfence.sel $0x180000  }
0x127: {  	[bflag:$0x0] =	sbarrier.arrive $0xFFFF  }
0x128: {  	_ =	strace $0x9000004D  }
0x129: {  	s0 =	stileid.u32;
	[bflag:$0x2] =	sbarrier.arrive $0xFFFF  }
0x12a: {  	p0 =	sne.s32 s0, $0x0;
	s0 =	rddreg [dreg:$0x3]  }
0x12b: {  	s0 =	sadd.s32 @!p0 $0x100000, s0  }
0x12c: {  	[sflag:s0] =	ssyncadd.tile.s32 @!p0 $0x1;
	_ =	shalt  }
.Lfunc_end2:
_tile_overlayer_lowered:
.L_overlay_start_2:
0x12d: {  	(tag) =	ssettag $0x2  }
0x12e: {  	s0 =	rddreg [dreg:$0x0];
	s2 =	stileid.u32  }
0x12f: {  	s1 =	rddreg [dreg:$0x1];
	p0 =	sne.s32 s2, $0x0  }
0x130: {  	s3 =	rddreg [dreg:$0x2];
	[bflag:$0x3] =	sbarrier.arrive $0xFFFF;
	s2 =	simm.s32 @!p0 $0x1C05  }
0x131: {  	[timem:s3], [sflag:s2] =	dma.local @!p0 [hbm:s0], s1  }
0x132: {  	s0 =	simm.s32 @!p0 $0x5  }
0x133: {  	_ =	swait.ge @!p0 [sflag:s0], s1  }
0x134: {  	s1 =	ssub.s32 @!p0 $0x0, s1;
	[sflag:s0] =	ssyncset.done @!p0 $0x0  }
0x135: {  	[sflag:s0] =	ssyncadd.s32 @!p0 s1  }
0x136: {  	[bflag:$0x3] =	sbarrier.arrive $0xFFFF  }
0x137: {  	_ =	shalt  }

// kernel: kernel.9.cloned.1.call-start
scs
__scs_entry_jumppad:
0x0: {  	(pc) =	sbr.rel $0x88, $3  }
0x1: {  	(tag) =	ssettag $0x0;
	lr =	simm.s32 $0x1  }
0x2: {  	[smem:$0x3F98] =	sst lr;
	_ =	strace $0xD0000000  }
0x3: {  	_ = 	snop  }
0x4: {  	_ = 	snop  }
0x5: {  	_ = 	snop  }
0x6: {  	_ = 	snop  }
0x7: {  	_ = 	snop  }
__scs_overlays_trampoline_lowered:
0x8: {  	[smem:$0x3FA7] =	sst s0  }
0x9: {  	[smem:$0x3FA8] =	sst s1  }
0xa: {  	[smem:$0x3FA9] =	sst s2  }
0xb: {  	[smem:$0x3FAA] =	sst s3  }
0xc: {  	[smem:$0x3FAB] =	sst s4  }
0xd: {  	[smem:$0x3FAC] =	sst s5  }
0xe: {  	[smem:$0x3FAD] =	sst s6  }
0xf: {  	[smem:$0x3FAE] =	sst s7  }
0x10: {  	[smem:$0x3FAF] =	sst s8  }
0x11: {  	[smem:$0x3FB0] =	sst s9;
	s0 =	simm.s32 @!p0 $0x0  }
0x12: {  	s1 =	sld [smem:$0x3F96];
	s0 =	simm.s32 @p0 $0x1  }
0x13: {  	[smem:$0x3FB1] =	sst s0;
	s0 =	simm.s32 @!p1 $0x0  }
0x14: {  	s2 =	sld [smem:$0x3F95];
	s0 =	simm.s32 @p1 $0x1  }
0x15: {  	[smem:$0x3FB2] =	sst s0;
	s0 =	simm.s32 @!p2 $0x0  }
0x16: {  	s3 =	sld [smem:$0x3FDB];
	s0 =	simm.s32 @p2 $0x1  }
0x17: {  	s4 =	simm.s32 $0x1BF5;
	[smem:$0x3FB4] =	sst s0  }
0x18: {  	s0 =	sld [smem:$0x3F97];
	_ =	swait.ge [sflag:s4], $0x0  }
0x19: {  	s7 =	sld [smem:$0x3F98]  }
0x1a: {  	s8 =	sadd.s32 $0xFFFFE003, lr  }
0x1b: {  	s9 =	sadd.s32 $0xFFFFFEF7, lr;
	s5 =	simm.s32 $0xFFFFFFFF;
	p2 =	slt.u32 s8, $0xFFFFF086  }
0x1c: {  	p1 =	slt.u32 s9, $0xF7A;
	s5 =	simm.s32 @!p2 $0x0  }
0x1d: {  	s5 =	simm.s32 @p1 $0x1;
	p0 =	seq.s32 s7, s2  }
0x1e: {  	s7 =	smul.u32 @!p0 $0xF7A, s2;
	p2 =	seq.s32 @!p0 s5, $0x0  }
0x1f: {  	s9 =	smul.u32 $0xF7A, s1;
	s8 =	simm.s32 @!p0 $0x1BF5;
	p2 =	por !p2, p0  }
0x20: {  	[sflag:s8] =	ssyncset.s32 @!p0 $0xFFFFF086;
	s6 =	sadd.s32 @!p0 s3, s7;
	s7 =	simm.s32 @!p0 $0x108  }
0x21: {  	s3 =	sadd.s32 s3, s9;
	s6 =	sadd.s32 @!p0 $0x88, s6;
	s7 =	simm.s32 @p2 $0x1082  }
0x22: {  	[simem:s7], [sflag:s8] =	dma.local @!p0 [hbm:s6], $0xF7A  }
0x23: {  	s9 =	sor.u32 $0xD0000000, s2;
	s6 =	simm.s32 $0x108;
	_ =	swait.ge @!p0 [sflag:s8], $0x0  }
0x24: {  	s3 =	sadd.s32 $0x88, s3;
	s6 =	simm.s32 @!p1 $0x1082;
	[sflag:s4] =	ssyncset.s32 $0xFFFFF086  }
0x25: {  	[simem:s6], [sflag:s4] =	dma.local [hbm:s3], $0xF7A  }
0x26: {  	[smem:$0x3F98] =	sst s1;
	(tag) =	ssettag s2;
	_ =	strace s9  }
0x27: {  	s1 =	sld [smem:$0x3FA8]  }
0x28: {  	s2 =	sld [smem:$0x3FA9]  }
0x29: {  	s4 =	sld [smem:$0x3FAB]  }
0x2a: {  	p0 =	seq.s32 s5, $0x0;
	s5 =	sld [smem:$0x3FAC]  }
0x2b: {  	s6 =	sld [smem:$0x3FAD]  }
0x2c: {  	s7 =	sld [smem:$0x3FAE]  }
0x2d: {  	s3 =	simm.s32 $0x108;
	s8 =	sld [smem:$0x3FAF]  }
0x2e: {  	s3 =	simm.s32 @!p0 $0x1082;
	s9 =	sld [smem:$0x3FB0]  }
0x2f: {  	lr =	sadd.s32 s0, s3;
	s0 =	sld [smem:$0x3FA7]  }
0x30: {  	s3 =	sld [smem:$0x3FAA]  }
0x31: {  	[smem:$0x3FB3] =	sst s10  }
0x32: {  	s10 =	sld [smem:$0x3FB1];
	_ =	sdelay $0x3  }
0x33: {  	p0 =	seq.s32 s10, $0x1;
	s10 =	sld [smem:$0x3FB3];
	_ =	sdelay $0x3  }
0x34: {  	[smem:$0x3FB3] =	sst s10  }
0x35: {  	s10 =	sld [smem:$0x3FB2];
	_ =	sdelay $0x3  }
0x36: {  	p1 =	seq.s32 s10, $0x1;
	s10 =	sld [smem:$0x3FB3];
	_ =	sdelay $0x3  }
0x37: {  	[smem:$0x3FB3] =	sst s10  }
0x38: {  	s10 =	sld [smem:$0x3FB4]  }
0x39: {  	_ = 	snop;
	(pc) =	sbr.ind lr, $3  }
0x3a: {  	_ = 	snop  }
0x3b: {  	_ = 	snop  }
0x3c: {  	p2 =	seq.s32 s10, $0x1;
	s10 =	sld [smem:$0x3FB3]  }
0x3d: {  	_ =	shalt  }
0x3e: {  	_ =	shalt  }
0x3f: {  	_ =	shalt  }
0x40: {  	_ =	shalt  }
0x41: {  	_ =	shalt  }
0x42: {  	_ =	shalt  }
0x43: {  	_ =	shalt  }
0x44: {  	_ =	shalt  }
0x45: {  	_ =	shalt  }
0x46: {  	_ =	shalt  }
0x47: {  	_ =	shalt  }
0x48: {  	_ =	shalt  }
0x49: {  	_ =	shalt  }
0x4a: {  	_ =	shalt  }
0x4b: {  	_ =	shalt  }
0x4c: {  	_ =	shalt  }
0x4d: {  	_ =	shalt  }
0x4e: {  	_ =	shalt  }
0x4f: {  	_ =	shalt  }
0x50: {  	_ =	shalt  }
0x51: {  	_ =	shalt  }
0x52: {  	_ =	shalt  }
0x53: {  	_ =	shalt  }
0x54: {  	_ =	shalt  }
0x55: {  	_ =	shalt  }
0x56: {  	_ =	shalt  }
0x57: {  	_ =	shalt  }
0x58: {  	_ =	shalt  }
0x59: {  	_ =	shalt  }
0x5a: {  	_ =	shalt  }
0x5b: {  	_ =	shalt  }
0x5c: {  	_ =	shalt  }
0x5d: {  	_ =	shalt  }
0x5e: {  	_ =	shalt  }
0x5f: {  	_ =	shalt  }
0x60: {  	_ =	shalt  }
0x61: {  	_ =	shalt  }
0x62: {  	_ =	shalt  }
0x63: {  	_ =	shalt  }
0x64: {  	_ =	shalt  }
0x65: {  	_ =	shalt  }
0x66: {  	_ =	shalt  }
0x67: {  	_ =	shalt  }
0x68: {  	_ =	shalt  }
0x69: {  	_ =	shalt  }
0x6a: {  	_ =	shalt  }
0x6b: {  	_ =	shalt  }
0x6c: {  	_ =	shalt  }
0x6d: {  	_ =	shalt  }
0x6e: {  	_ =	shalt  }
0x6f: {  	_ =	shalt  }
0x70: {  	_ =	shalt  }
0x71: {  	_ =	shalt  }
0x72: {  	_ =	shalt  }
0x73: {  	_ =	shalt  }
0x74: {  	_ =	shalt  }
0x75: {  	_ =	shalt  }
0x76: {  	_ =	shalt  }
0x77: {  	_ =	shalt  }
0x78: {  	_ =	shalt  }
0x79: {  	_ =	shalt  }
0x7a: {  	_ =	shalt  }
0x7b: {  	_ =	shalt  }
0x7c: {  	_ =	shalt  }
0x7d: {  	_ =	shalt  }
0x7e: {  	_ =	shalt  }
0x7f: {  	_ =	shalt  }
0x80: {  	_ =	shalt  }
0x81: {  	_ =	shalt  }
0x82: {  	_ =	shalt  }
0x83: {  	_ =	shalt  }
0x84: {  	_ =	shalt  }
0x85: {  	_ =	shalt  }
0x86: {  	_ =	shalt  }
0x87: {  	_ =	shalt  }
.Lfunc_end0:
.L_simem_size_0:
called_computation_lowered:
.L_overlay_start_0:
0x88: {  	s2 =	sld [smem:$0x3FD9]  }
0x89: {  	s3 =	sld [smem:$0x3FFE];
	_ =	sdelay $0x1  }
0x8a: {  	s1 =	srdreg.scid  }
0x8b: {  	s0 =	sand.u32 $0x1, s1  }
0x8c: {  	s16 =	sshll.u32 s0, $0xA;
	s2 =	sadd.s32 s3, s2  }
0x8d: {  	s2 =	sadd.s32 s2, s16  }
0x8e: {  	[smem:$0x3FBF] =	sst s2  }
0x8f: {  	_ = 	snop  }
0x90: {  	(tm) =	ssettm $0x1  }
0x91: {  	s17 =	sld [smem:$0x3FFB];
	_ =	sdelay $0x3  }
0x92: {  	_ =	strace s17  }
0x93: {  	s2 =	sld [smem:$0x3FFC];
	_ =	sdelay $0x3  }
0x94: {  	_ =	strace s2  }
0x95: {  	s2 =	sld [smem:$0x3FFD];
	_ =	sdelay $0x3  }
0x96: {  	_ =	strace s2  }
0x97: {  	_ =	strace $0x8FFFFFFF  }
0x98: {  	s18 =	sld [smem:$0x3FDB];
	_ =	sdelay $0x1  }
0x99: {  	s19 =	simm.s32 $_scs_section_size  }
0x9a: {  	s4 =	simm.s32 $_size__tile_overlayer_lowered;
	s5 =	simm.s32 $_tile_overlayer_lowered  }
0x9b: {  	s22 =	simm.s32 $0x1BFF;
	s21 =	sshll.u32 s5, $0x1;
	s2 =	sadd.s32 s19, s18  }
0x9c: {  	s6 =	simm.s32 $0x0;
	s20 =	sshll.u32 s4, $0x1;
	s4 =	sadd.s32 s21, s2  }
0x9d: {  	[timem:s6], [sflag:s22] =	dma.local [hbm:s4], s20  }
0x9e: {  	_ =	swait.ge [sflag:s22], s20  }
0x9f: {  	s3 =	ssub.s32 $0x0, s20;
	[sflag:s22] =	ssyncset.done $0x0  }
0xa0: {  	[sflag:s22] =	ssyncadd.s32 s3;
	_ =	sdelay $0x1  }
0xa1: {  	s23 =	simm.s32 $0x1B8B  }
0xa2: {  	_ =	swait.ge [sflag:s23], $0x1  }
0xa3: {  	[sflag:s23] =	ssyncset.done $0x0  }
0xa4: {  	s25 =	simm.s32 $0x1B8E;
	s24 =	sld [smem:$0x3FFE];
	[sflag:s23] =	ssyncadd.s32 $0xFFFFFFFF  }
0xa5: {  	s26 =	simm.s32 $execute0_lowered;
	[smem:$0x3FD2] =	sst s25  }
0xa6: {  	s4 =	sshll.u32 s26, $0x1;
	_ =	strace $0x80000046;
	[dreg:$0x1] =	wrdreg $0xFFFFFFFF  }
0xa7: {  	s28 =	simm.s32 $_size_execute0_lowered;
	s2 =	sadd.s32 s2, s4;
	[dreg:$0x0] =	wrdreg $0x0  }
0xa8: {  	s4 =	sshll.u32 s28, $0x1;
	[dreg:$0x2] =	wrdreg s2  }
0xa9: {  	[dreg:$0x3] =	wrdreg s4  }
0xaa: {  	[dreg:$0x4] =	wrdreg $0xC0  }
0xab: {  	_ =	task [dreg:s6], $0x5FFFF  }
0xac: {  	[dreg:$0x1] =	wrdreg $0xFFFFFFFF  }
0xad: {  	[dreg:$0x0] =	wrdreg $0x60  }
0xae: {  	[dreg:$0x2] =	wrdreg s24  }
0xaf: {  	[dreg:$0x3] =	wrdreg $0x43000  }
0xb0: {  	[dreg:$0x4] =	wrdreg $0x9  }
0xb1: {  	_ =	task.clear_ibuf [dreg:s6], $0x5FFFF;
	_ =	strace $0x90000046  }
0xb2: {  	s29 =	simm.s32 $0x9;
	_ =	strace $0x80000048  }
0xb3: {  	_ =	swait.ge [sflag:s29], $0x1  }
0xb4: {  	[sflag:s29] =	ssyncadd.s32 $0xFFFFFFFF  }
0xb5: {  	_ =	strace $0x90000048  }
0xb6: {  	_ =	sfence  }
0xb7: {  	s30 =	sld [smem:$0x0];
	_ =	sdelay $0x2  }
0xb8: {  	s31 =	sshll.u32 s1, $0xD;
	s1 =	sshrl.u32 s1, $0x2  }
0xb9: {  	s3 =	sand.u32 $0x4000, s31;
	s1 =	sadd.s32 s1, s30  }
0xba: {  	s0 =	sor.u32 s3, s0;
	s1 =	sshll.u32 s1, $0x11  }
0xbb: {  	s0 =	sor.u32 s1, s0  }
0xbc: {  	s0 =	sadd.s32 $0x8F2B, s0  }
0xbd: {  	[sflag:s0] =	ssyncadd.remote.s32 $0x1  }
0xbe: {  	_ =	sfence.sel $0xFFFF  }
0xbf: {  	[dreg:$0x0] =	wrdreg $0xFFFFFFFF;
	(pc) =	sbr.abs _section_cstart, $3  }
0xc0: {  	[dreg:$0x1] =	wrdreg $0xFFFFFFFF  }
0xc1: {  	_ =	task.clear_ibuf [dreg:s6], $0x2FFFF;
	_ =	strace $0x9FFFFFFF  }
0xc2: {  	(tm) =	ssettm $0x7FFFFFFF  }
0xc3: {  	_ =	shalt  }
tec
execute0_lowered:
.L_overlay_start_1:
0x0: {  	(tag) =	ssettag $0x1  }
0x1: {  	s4 =	rddreg [dreg:$0x0]  }
0x2: {  	s2 =	rddreg [dreg:$0x1]  }
0x3: {  	s0 =	rddreg [dreg:$0x2];
	s1 =	stileid.u32  }
0x4: {  	s5 =	srdreg.scid;
	s3 =	simm.s32 $0x0;
	s10 =	simm.s32 $0x50  }
0x5: {  	s11 =	simm.s32 $0x4000;
	s14 =	simm.s32 $0x20;
	s15 =	simm.s32 $0x10  }
0x6: {  	s16 =	simm.s32 $0x0;
	s5 =	sand.u32 $0x1, s5;
	s6 =	smul.u32 $0x500, s1  }
0x7: {  	[smem:$0x7FF] =	sst s3;
	s8 =	sshll.u32 s1, $0xB;
	s29 =	smul.u32 $0xA00, s1  }
0x8: {  	s12 =	sshll.u32 s1, $0x6;
	s7 =	sshll.u32 s5, $0x7;
	_ =	strace $0x80000047  }
0x9: {  	s28 =	sadd.s32 s8, s4;
	s30 =	ssub.s32 $0x2, s5;
	s5 =	sshll.u32 s5, $0xF  }
0xa: {  	s12 =	sor.u32 $0x1C01, s12;
	s6 =	sor.u32 s7, s6;
	s9 =	sshrl.u32 s30, $0x1  }
0xb: {  	s8 =	sshrl.u32 s29, $0x2;
	s5 =	sadd.s32 s5, s28;
	s6 =	sshrl.u32 s6, $0x3  }
0xc: {  	s31 =	ssub.s32 s30, s9;
	s5 =	sadd.s32 $0x2E00, s5;
	s9 =	simm.s32 $0x1  }
0xd: {  	s6 =	sadd.s32 s6, s4;
	s4 =	sadd.s32 s8, s2;
	s7 =	smax.u32 s31, $0x1  }
0xe: {  	v0 =	vimm.f32 $0.0e+00;
	v1 =	vimm.f32 $1.000000000e+00;
	s8 =	simm.s32 $0x4080;
	s6 =	sadd.s32 $0x12E00, s6;
	s13 =	sshrl.u32 s4, $0x3  }
.LBB2_1:
0xf: {  	[tilespmem:$0x4080] =	vst v0  }
0x10: {  	[tilespmem:$0x4090] =	vst v0  }
0x11: {  	[tilespmem:$0x40A0] =	vst v0  }
0x12: {  	[tilespmem:$0x40B0] =	vst v0  }
0x13: {  	[tilespmem:$0x40C0] =	vst v0  }
0x14: {  	[tilespmem:$0x40D0] =	vst v0  }
0x15: {  	[tilespmem:$0x40E0] =	vst v0  }
0x16: {  	[tilespmem:$0x40F0] =	vst v0  }
0x17: {  	[tilespmem:$0x4100] =	vst v0  }
0x18: {  	[tilespmem:$0x4110] =	vst v0  }
0x19: {  	[tilespmem:$0x4120] =	vst v0  }
0x1a: {  	[tilespmem:$0x4130] =	vst v0  }
0x1b: {  	[tilespmem:$0x4140] =	vst v0  }
0x1c: {  	[tilespmem:$0x4150] =	vst v0  }
0x1d: {  	[tilespmem:$0x4160] =	vst v0  }
0x1e: {  	[tilespmem:$0x4170] =	vst v0  }
0x1f: {  	[tilespmem:$0x4180] =	vst v0  }
0x20: {  	[tilespmem:$0x4190] =	vst v0  }
0x21: {  	[tilespmem:$0x41A0] =	vst v0  }
0x22: {  	[tilespmem:$0x41B0] =	vst v0  }
0x23: {  	[tilespmem:$0x41C0] =	vst v0  }
0x24: {  	[tilespmem:$0x41D0] =	vst v0  }
0x25: {  	[tilespmem:$0x41E0] =	vst v0  }
0x26: {  	[tilespmem:$0x41F0] =	vst v0  }
0x27: {  	[tilespmem:$0x4200] =	vst v0  }
0x28: {  	[tilespmem:$0x4210] =	vst v0  }
0x29: {  	[tilespmem:$0x4220] =	vst v0  }
0x2a: {  	[tilespmem:$0x4230] =	vst v0  }
0x2b: {  	[tilespmem:$0x4240] =	vst v0  }
0x2c: {  	[tilespmem:$0x4250] =	vst v0  }
0x2d: {  	[tilespmem:$0x4260] =	vst v0  }
0x2e: {  	[tilespmem:$0x4270] =	vst v0  }
0x2f: {  	[tilespmem:$0x4280] =	vst v0  }
0x30: {  	[tilespmem:$0x4290] =	vst v0  }
0x31: {  	[tilespmem:$0x42A0] =	vst v0  }
0x32: {  	[tilespmem:$0x42B0] =	vst v0  }
0x33: {  	[tilespmem:$0x42C0] =	vst v0  }
0x34: {  	[tilespmem:$0x42D0] =	vst v0  }
0x35: {  	[tilespmem:$0x42E0] =	vst v0  }
0x36: {  	[tilespmem:$0x42F0] =	vst v0  }
0x37: {  	[tilespmem:$0x4000] =	vst v1  }
0x38: {  	[tilespmem:$0x4010] =	vst v1  }
0x39: {  	[tilespmem:$0x4020] =	vst v1  }
0x3a: {  	[tilespmem:$0x4030] =	vst v1  }
0x3b: {  	[tilespmem:$0x4040] =	vst v1  }
0x3c: {  	[spmem:s4] =	stream.linear.scatter [tilespmem:s8], [sflag:$0x1], $0x280, $0x38;
	[tilespmem:$0x4580] =	vst v63  }
0x3d: {  	_ =	swait.ge [sflag:s9], $0x280  }
0x3e: {  	[sflag:s9] =	ssyncset.done $0x0  }
0x3f: {  	[sflag:s9] =	ssyncadd.s32 $0xFFFFFD80  }
0x40: {  	[tilespmem:s3], [sflag:$0x1] =	stream.linear.gather [hbm4b:s5+s3], $0x3E80, $0x38;
	[tilespmem:$0x4580] =	vst v63  }
0x41: {  	_ =	swait.ge [sflag:s9], $0x3E80  }
0x42: {  	[sflag:s9] =	ssyncset.done $0x0  }
0x43: {  	[sflag:s9] =	ssyncadd.s32 $0xFFFFC180  }
0x44: {  	s17 =	simm.s32 $0x0;
	[bflag:$0x0] =	sbarrier.arrive $0xFFFF  }
0x45: {  	[spmem:s2] =	stream.indirect.scatter.add.f32 [tilespmem:s11], [sflag:$0x1], $0x1, s17, s10, $0xb8;
	[tilespmem:$0x4580] =	vst v63  }
0x46: {  	_ =	swait.ge [sflag:s9], $0x50  }
0x47: {  	s17 =	simm.s32 $0x200;
	[sflag:s9] =	ssyncset.done $0x0  }
.LBB2_2:
0x48: {  	s18 =	sshra.s32 s17, $0x2;
	[sflag:s9] =	ssyncadd.s32 $0xFFFFFFB0;
	p0 =	sne.s32 s17, $0xF800  }
0x49: {  	[spmem:s2] =	stream.indirect.scatter.add.f32 [tilespmem:s11], [sflag:$0x1], $0x1, s18, s10, $0xb8;
	[tilespmem:$0x4580] =	vst v63  }
.Ltmp0:
0x4a: {  	_ = 	snop;
	(pc) =	sbr.rel @p0 .LBB2_2-.Ltmp0, $4  }
0x4b: {  	_ = 	snop  }
0x4c: {  	s17 =	sadd.s32 $0x200, s17  }
0x4d: {  	_ =	swait.ge [sflag:s9], $0x50  }
0x4e: {  	[sflag:s9] =	ssyncset.done $0x0  }
0x4f: {  	s16 =	sadd.s32 $0x1, s16  }
0x50: {  	[sflag:s9] =	ssyncadd.s32 $0xFFFFFFB0;
	p0 =	sne.s32 s16, s7  }
.Ltmp1:
0x51: {  	[bflag:$0x0] =	sbarrier.arrive $0xFFFF;
	(pc) =	sbr.rel @p0 .LBB2_1-.Ltmp1, $4  }
0x52: {  	[hbm:s6@s14], [sflag:s12] =	dma.strided [spmem:s13@s15], $0x50, s9, $0x10   }
0x53: {  	_ =	swait.ge [sflag:s9], $0x50  }
0x54: {  	[sflag:s9] =	ssyncset.done $0x0  }
0x55: {  	[sflag:s9] =	ssyncadd.s32 $0xFFFFFFB0  }
0x56: {  	_ =	sfence.sel $0x180000  }
0x57: {  	[bflag:$0x0] =	sbarrier.arrive $0xFFFF  }
0x58: {  	p0 =	sne.s32 s1, $0x0;
	_ =	strace $0x90000047  }
0x59: {  	s0 =	sadd.s32 @!p0 $0x100000, s0;
	[bflag:$0x2] =	sbarrier.arrive $0xFFFF  }
0x5a: {  	[sflag:s0] =	ssyncadd.tile.s32 @!p0 $0x1;
	_ =	shalt  }
.Lfunc_end2:
_tile_overlayer_lowered:
.L_overlay_start_2:
0x5b: {  	(tag) =	ssettag $0x2  }
0x5c: {  	s0 =	rddreg [dreg:$0x0];
	s2 =	stileid.u32  }
0x5d: {  	s1 =	rddreg [dreg:$0x1];
	p0 =	sne.s32 s2, $0x0  }
0x5e: {  	s3 =	rddreg [dreg:$0x2];
	[bflag:$0x3] =	sbarrier.arrive $0xFFFF;
	s2 =	simm.s32 @!p0 $0x1C01  }
0x5f: {  	[timem:s3], [sflag:s2] =	dma.local @!p0 [hbm:s0], s1  }
0x60: {  	s0 =	simm.s32 @!p0 $0x1  }
0x61: {  	_ =	swait.ge @!p0 [sflag:s0], s1  }
0x62: {  	s1 =	ssub.s32 @!p0 $0x0, s1;
	[sflag:s0] =	ssyncset.done @!p0 $0x0  }
0x63: {  	[sflag:s0] =	ssyncadd.s32 @!p0 s1  }
0x64: {  	[bflag:$0x3] =	sbarrier.arrive $0xFFFF  }
0x65: {  	_ =	shalt  }

</sc_bundles>
